<compile_context>
chip_gen: v7x
topology: tpu7x:2x2x1
jax: 0.10.2.dev20260603
libtpu: 0.0.44.dev20260713+nightly
codegen_flags: <defaults>
</compile_context>

<pallas_src>
import functools

import jax
import jax.numpy as jnp
import numpy as np
from jax import lax
from jax.experimental import pallas as pl
from jax.experimental.pallas import tpu as pltpu
from jax.experimental.pallas import tpu_sc as plsc

K = 20
N = 1024

_NT = (((1,), (1,)), ((), ()))
_BF = jnp.bfloat16
_F32 = jnp.float32


def _leaky(y):
    return jnp.maximum(y, 0.2 * y)


def _knn_steps(x, wx, b, pd_ref):
    n = x.shape[0]
    xb = x.astype(_BF)
    g = lax.dot_general(xb, xb, _NT, preferred_element_type=_F32)
    s = jnp.sum(x * x, axis=1)
    pd_ref[...] = (-s[:, None] + 2.0 * g) - s[None, :]
    t = lax.dot_general(xb, wx.astype(_BF), _NT, preferred_element_type=_F32)
    iota = lax.broadcasted_iota(jnp.int32, (n, n), 1)
    cols = []
    m = jnp.max(pd_ref[...], axis=1, keepdims=True)
    for k in range(K):
        pd = pd_ref[...]
        first = jnp.min(jnp.where(pd == m, iota, n), axis=1, keepdims=True)
        cols.append(first)
        if k < K - 1:
            pd2 = jnp.where(iota == first, -jnp.inf, pd)
            pd_ref[...] = pd2
            m = jnp.max(pd2, axis=1, keepdims=True)
    idx = jnp.concatenate(cols, axis=1) + b * n
    return idx, t


def _agg_compute(feat_ref, x, t, wd, scale, shift):
    wdb = wd.astype(_BF)
    acc = None
    for k in range(K):
        d = (feat_ref[0, :, k, :] - x).astype(_BF)
        hk = lax.dot_general(d, wdb, _NT, preferred_element_type=_F32)
        acc = hk if acc is None else jnp.maximum(acc, hk)
    return _leaky((acc + t) * scale[None, :] + shift[None, :])


def _knn1_body(x_ref, wx_ref, o_idx_ref, o_t_ref, pd_ref):
    idx, t = _knn_steps(x_ref[0], wx_ref[...], pl.program_id(0), pd_ref)
    o_idx_ref[0] = idx
    o_t_ref[0] = t


def _agg_knn_body(feat_ref, x_ref, t_ref, wd_ref, sc_ref, sh_ref, wxn_ref,
                  o_x_ref, o_idx_ref, o_t_ref, pd_ref):
    xn = _agg_compute(feat_ref, x_ref[0], t_ref[0], wd_ref[...],
                      sc_ref[...], sh_ref[...])
    o_x_ref[0] = xn
    idx, t2 = _knn_steps(xn, wxn_ref[...], pl.program_id(0), pd_ref)
    o_idx_ref[0] = idx
    o_t_ref[0] = t2


def _agg_body(feat_ref, x_ref, t_ref, wd_ref, sc_ref, sh_ref, o_ref):
    o_ref[0] = _agg_compute(feat_ref, x_ref[0], t_ref[0], wd_ref[...],
                            sc_ref[...], sh_ref[...])


def _knn1(x0, Wx):
    B, n, C = x0.shape
    O = Wx.shape[0]
    return pl.pallas_call(
        _knn1_body,
        grid=(B,),
        in_specs=[
            pl.BlockSpec((1, n, C), lambda b: (b, 0, 0)),
            pl.BlockSpec((O, C), lambda b: (0, 0)),
        ],
        out_specs=(
            pl.BlockSpec((1, n, K), lambda b: (b, 0, 0)),
            pl.BlockSpec((1, n, O), lambda b: (b, 0, 0)),
        ),
        out_shape=(
            jax.ShapeDtypeStruct((B, n, K), jnp.int32),
            jax.ShapeDtypeStruct((B, n, O), jnp.float32),
        ),
        scratch_shapes=[pltpu.VMEM((n, n), jnp.float32)],
    )(x0, Wx)


def _agg_knn(feat, x, t, Wd, scale, shift, Wxn):
    B, n, C = x.shape
    O = Wd.shape[0]
    On = Wxn.shape[0]
    return pl.pallas_call(
        _agg_knn_body,
        grid=(B,),
        in_specs=[
            pl.BlockSpec((1, n, K, C), lambda b: (b, 0, 0, 0)),
            pl.BlockSpec((1, n, C), lambda b: (b, 0, 0)),
            pl.BlockSpec((1, n, O), lambda b: (b, 0, 0)),
            pl.BlockSpec((O, C), lambda b: (0, 0)),
            pl.BlockSpec((O,), lambda b: (0,)),
            pl.BlockSpec((O,), lambda b: (0,)),
            pl.BlockSpec((On, O), lambda b: (0, 0)),
        ],
        out_specs=(
            pl.BlockSpec((1, n, O), lambda b: (b, 0, 0)),
            pl.BlockSpec((1, n, K), lambda b: (b, 0, 0)),
            pl.BlockSpec((1, n, On), lambda b: (b, 0, 0)),
        ),
        out_shape=(
            jax.ShapeDtypeStruct((B, n, O), jnp.float32),
            jax.ShapeDtypeStruct((B, n, K), jnp.int32),
            jax.ShapeDtypeStruct((B, n, On), jnp.float32),
        ),
        scratch_shapes=[pltpu.VMEM((n, n), jnp.float32)],
    )(feat, x, t, Wd, scale, shift, Wxn)


def _agg(feat, x, t, Wd, scale, shift):
    B, n, C = x.shape
    O = Wd.shape[0]
    return pl.pallas_call(
        _agg_body,
        grid=(B,),
        in_specs=[
            pl.BlockSpec((1, n, K, C), lambda b: (b, 0, 0, 0)),
            pl.BlockSpec((1, n, C), lambda b: (b, 0, 0)),
            pl.BlockSpec((1, n, O), lambda b: (b, 0, 0)),
            pl.BlockSpec((O, C), lambda b: (0, 0)),
            pl.BlockSpec((O,), lambda b: (0,)),
            pl.BlockSpec((O,), lambda b: (0,)),
        ],
        out_specs=pl.BlockSpec((1, n, O), lambda b: (b, 0, 0)),
        out_shape=jax.ShapeDtypeStruct((B, n, O), jnp.float32),
    )(feat, x, t, Wd, scale, shift)


def _sc_gather(x_flat, idx_flat):
    TOT = idx_flat.shape[0]
    C = x_flat.shape[1]
    info = plsc.get_sparse_core_info()
    nw = info.num_cores * info.num_subcores
    ch = 128
    per_w = TOT // nw
    n_ch = per_w // ch
    assert per_w * nw == TOT and n_ch * ch == per_w
    mesh = plsc.VectorSubcoreMesh(core_axis_name="c", subcore_axis_name="s")

    @functools.partial(
        pl.kernel, mesh=mesh,
        compiler_params=pltpu.CompilerParams(use_tc_tiling_on_sc=False),
        out_type=jax.ShapeDtypeStruct((TOT, C), jnp.float32),
        scratch_types=[
            pltpu.VMEM((ch,), jnp.int32),
            pltpu.VMEM((ch, C), jnp.float32),
            pltpu.SemaphoreType.DMA,
        ],
    )
    def gather(x_hbm, idx_hbm, out_hbm, idx_v, rows_v, sem):
        wid = lax.axis_index("s") * info.num_cores + lax.axis_index("c")
        base = wid * per_w

        def body(i, carry):
            off = base + i * ch
            pltpu.sync_copy(idx_hbm.at[pl.ds(off, ch)], idx_v)
            pltpu.async_copy(x_hbm.at[idx_v], rows_v, sem).wait()
            pltpu.sync_copy(rows_v, out_hbm.at[pl.ds(off, ch)])
            return carry

        lax.fori_loop(0, n_ch, body, 0)

    return gather(x_flat, idx_flat)


def _head_body(x1_ref, x2_ref, x3_ref, x4_ref, wa_ref, wb_ref, wc_ref, wd_ref,
               g5_ref, b5_ref, l1a_ref, l1b_ref, g6_ref, b6_ref,
               l2_ref, l2b_ref, g7_ref, b7_ref, l3_ref, l3b_ref, o_ref):
    n = x1_ref.shape[1]
    h = (lax.dot_general(x1_ref[0].astype(_BF), wa_ref[...].astype(_BF), _NT, preferred_element_type=_F32)
         + lax.dot_general(x2_ref[0].astype(_BF), wb_ref[...].astype(_BF), _NT, preferred_element_type=_F32)
         + lax.dot_general(x3_ref[0].astype(_BF), wc_ref[...].astype(_BF), _NT, preferred_element_type=_F32)
         + lax.dot_general(x4_ref[0].astype(_BF), wd_ref[...].astype(_BF), _NT, preferred_element_type=_F32))
    h = _leaky(h * g5_ref[...][None, :] + b5_ref[...][None, :])
    p1 = jnp.max(h, axis=0)[None, :]
    p2 = (jnp.sum(h, axis=0) / n)[None, :]
    z = (lax.dot_general(p1.astype(_BF), l1a_ref[...].astype(_BF), _NT, preferred_element_type=_F32)
         + lax.dot_general(p2.astype(_BF), l1b_ref[...].astype(_BF), _NT, preferred_element_type=_F32))
    z = _leaky(z * g6_ref[...][None, :] + b6_ref[...][None, :])
    z = lax.dot_general(z.astype(_BF), l2_ref[...].astype(_BF), _NT, preferred_element_type=_F32) + l2b_ref[...][None, :]
    z = _leaky(z * g7_ref[...][None, :] + b7_ref[...][None, :])
    z = lax.dot_general(z.astype(_BF), l3_ref[...].astype(_BF), _NT, preferred_element_type=_F32) + l3b_ref[...][None, :]
    o_ref[0] = z


def _head(x1, x2, x3, x4, W5, g5, b5, L1W, g6, b6, L2W, L2b, g7, b7, L3W, L3b):
    B, n, _ = x1.shape
    emb = W5.shape[0]
    c1, c2, c3, c4 = x1.shape[2], x2.shape[2], x3.shape[2], x4.shape[2]
    Wa = W5[:, :c1]
    Wb = W5[:, c1:c1 + c2]
    Wc = W5[:, c1 + c2:c1 + c2 + c3]
    Wd = W5[:, c1 + c2 + c3:]
    L1a = L1W[:, :emb]
    L1b = L1W[:, emb:]
    full = lambda shape: pl.BlockSpec(shape, lambda b: (0,) * len(shape))
    e = np.sqrt(1.0 + 1e-5)
    return pl.pallas_call(
        _head_body,
        grid=(B,),
        in_specs=[
            pl.BlockSpec((1, n, c1), lambda b: (b, 0, 0)),
            pl.BlockSpec((1, n, c2), lambda b: (b, 0, 0)),
            pl.BlockSpec((1, n, c3), lambda b: (b, 0, 0)),
            pl.BlockSpec((1, n, c4), lambda b: (b, 0, 0)),
            full(Wa.shape), full(Wb.shape), full(Wc.shape), full(Wd.shape),
            full(g5.shape), full(b5.shape),
            full(L1a.shape), full(L1b.shape), full(g6.shape), full(b6.shape),
            full(L2W.shape), full(L2b.shape), full(g7.shape), full(b7.shape),
            full(L3W.shape), full(L3b.shape),
        ],
        out_specs=pl.BlockSpec((1, 1, 40), lambda b: (b, 0, 0)),
        out_shape=jax.ShapeDtypeStruct((B, 1, 40), jnp.float32),
    )(x1, x2, x3, x4, Wa, Wb, Wc, Wd, g5 / e, b5,
      L1a, L1b, g6 / e, b6, L2W, L2b, g7 / e, b7, L3W, L3b)


def _half_chain(xh, Ws, gs, bs, Cs, e):
    Bh = xh.shape[0]
    idx, t = _knn1(xh, Ws[0][:, 16:])
    xs = []
    xc = xh
    for i in range(4):
        C = Cs[i]
        feat = _sc_gather(xc.reshape(Bh * N, C), idx.reshape(Bh * N * K))
        feat = feat.reshape(Bh, N, K, C)
        Wd = Ws[i][:, :C]
        scale = gs[i] / e
        xc = _agg(feat, xc, t, Wd, scale, bs[i])
        xs.append(xc)
        if i < 3:
            Cn = Cs[i + 1]
            idx, t = _knn1(xc, Ws[i + 1][:, Cn:])
    return xs


def kernel(x, normal, W1, g1, b1, W2, g2, b2, W3, g3, b3, W4, g4, b4, W5, g5, b5, L1W, g6, b6, L2W, L2b, g7, b7, L3W, L3b):
    del normal
    B = x.shape[0]
    e = np.sqrt(1.0 + 1e-5)
    x0 = jnp.concatenate(
        [x.astype(jnp.float32), jnp.zeros((B, N, 13), jnp.float32)], axis=2)
    W1p = jnp.concatenate(
        [W1[:, :3], jnp.zeros((64, 13), jnp.float32),
         W1[:, 3:], jnp.zeros((64, 13), jnp.float32)], axis=1)
    Ws = [W1p, W2, W3, W4]
    gs = [g1, g2, g3, g4]
    bs = [b1, b2, b3, b4]
    Cs = [16, 64, 64, 128]

    half = B // 2
    outs = []
    xs_a = _half_chain(x0[:half], Ws, gs, bs, Cs, e)
    xs_b = _half_chain(x0[half:], Ws, gs, bs, Cs, e)
    for xs in (xs_a, xs_b):
        o = _head(xs[0], xs[1], xs[2], xs[3], W5, g5, b5, L1W, g6, b6,
                  L2W, L2b, g7, b7, L3W, L3b)
        outs.append(o.reshape(half, 40))
    return jnp.concatenate(outs, axis=0)

# --- scband reference (transcript-rebuilt; emitter-appended) ---
"""Pipeline reference for scband-dgcnn-20710332301414 (READ-ONLY COPY).

The authoritative reference and input builder live on the scoring server;
editing this copy changes nothing except your own understanding.
"""

import jax, jax.numpy as jnp
import numpy as np

K = 20
EPS = 1e-5


def _knn_idx(x, k):
    # x: [B, C, N]; pd[b,i,j] = -||x_i - x_j||^2
    inner = -2.0 * jnp.einsum('bcn,bcm->bnm', x, x)
    xx = jnp.sum(x * x, axis=1, keepdims=True)
    pd = -xx - inner - jnp.transpose(xx, (0, 2, 1))
    _, idx = jax.lax.top_k(pd, k)
    return idx


def _graph_feature(x, k):
    # x: [B, C, N] -> [B, 2C, N, k]
    B, C, N = x.shape
    idx = _knn_idx(x, k)  # [B, N, k]
    xt = jnp.transpose(x, (0, 2, 1))  # [B, N, C]
    feat = jax.vmap(lambda pts, ind: pts[ind])(xt, idx)  # [B, N, k, C]
    xc = jnp.broadcast_to(xt[:, :, None, :], (B, N, k, C))
    out = jnp.concatenate([feat - xc, xc], axis=3)
    return jnp.transpose(out, (0, 3, 1, 2))


def _bn(x, gamma, beta):
    # eval-mode BatchNorm: running_mean=0, running_var=1
    shape = (1, gamma.shape[0]) + (1,) * (x.ndim - 2)
    return x * (gamma.reshape(shape) / np.sqrt(1.0 + EPS)) + beta.reshape(shape)


def _act(y):
    return jnp.where(y >= 0, y, 0.2 * y)


def setup_inputs(seed: int = 0):
    key = jax.random.key(seed)
    ks = jax.random.split(key, 16)
    B, N = 8, 1024
    emb = 1024
    d = {}
    d['x'] = jax.random.normal(ks[0], (B, N, 3), dtype=jnp.float32)
    d['normal'] = jax.random.normal(ks[1], (B, N, 3), dtype=jnp.float32)
    d['W1'] = jax.random.normal(ks[2], (64, 6), dtype=jnp.float32) * 0.1
    d['g1'] = jnp.ones((64,), jnp.float32); d['b1'] = jnp.zeros((64,), jnp.float32)
    d['W2'] = jax.random.normal(ks[3], (64, 128), dtype=jnp.float32) * 0.1
    d['g2'] = jnp.ones((64,), jnp.float32); d['b2'] = jnp.zeros((64,), jnp.float32)
    d['W3'] = jax.random.normal(ks[4], (128, 128), dtype=jnp.float32) * 0.1
    d['g3'] = jnp.ones((128,), jnp.float32); d['b3'] = jnp.zeros((128,), jnp.float32)
    d['W4'] = jax.random.normal(ks[5], (256, 256), dtype=jnp.float32) * 0.1
    d['g4'] = jnp.ones((256,), jnp.float32); d['b4'] = jnp.zeros((256,), jnp.float32)
    d['W5'] = jax.random.normal(ks[6], (emb, 512), dtype=jnp.float32) * 0.05
    d['g5'] = jnp.ones((emb,), jnp.float32); d['b5'] = jnp.zeros((emb,), jnp.float32)
    d['L1W'] = jax.random.normal(ks[7], (512, 2 * emb), dtype=jnp.float32) * 0.02
    d['g6'] = jnp.ones((512,), jnp.float32); d['b6'] = jnp.zeros((512,), jnp.float32)
    d['L2W'] = jax.random.normal(ks[8], (256, 512), dtype=jnp.float32) * 0.05
    d['L2b'] = jnp.zeros((256,), jnp.float32)
    d['g7'] = jnp.ones((256,), jnp.float32); d['b7'] = jnp.zeros((256,), jnp.float32)
    d['L3W'] = jax.random.normal(ks[9], (40, 256), dtype=jnp.float32) * 0.05
    d['L3b'] = jnp.zeros((40,), jnp.float32)
    return d


def reference(x, normal, W1, g1, b1, W2, g2, b2, W3, g3, b3, W4, g4, b4, W5, g5, b5, L1W, g6, b6, L2W, L2b, g7, b7, L3W, L3b):
    # sample_type='none' -> idx=None; use_upsample='none' -> x unchanged; normal unused
    xt = jnp.transpose(x, (0, 2, 1)).astype(jnp.float32)  # [B, 3, N]
    f = _graph_feature(xt, K)
    h = _act(_bn(jnp.einsum('bcnk,oc->bonk', f, W1), g1, b1))
    x1 = jnp.max(h, axis=-1)
    f = _graph_feature(x1, K)
    h = _act(_bn(jnp.einsum('bcnk,oc->bonk', f, W2), g2, b2))
    x2 = jnp.max(h, axis=-1)
    f = _graph_feature(x2, K)
    h = _act(_bn(jnp.einsum('bcnk,oc->bonk', f, W3), g3, b3))
    x3 = jnp.max(h, axis=-1)
    f = _graph_feature(x3, K)
    h = _act(_bn(jnp.einsum('bcnk,oc->bonk', f, W4), g4, b4))
    x4 = jnp.max(h, axis=-1)
    cat = jnp.concatenate([x1, x2, x3, x4], axis=1)  # [B, 512, N]
    h = _act(_bn(jnp.einsum('bcn,oc->bon', cat, W5), g5, b5))  # [B, emb, N]
    p1 = jnp.max(h, axis=-1)
    p2 = jnp.mean(h, axis=-1)
    z = jnp.concatenate([p1, p2], axis=1)  # [B, 2*emb]
    z = _act(_bn(z @ L1W.T, g6, b6))
    z = _act(_bn(z @ L2W.T + L2b, g7, b7))
    z = z @ L3W.T + L3b
    return z

if __name__ == "__main__":
    import jax
    _d = setup_inputs()
    print(jax.jit(kernel)(*tuple(_d.values())))

</pallas_src>

<mosaic_0001>
#map = affine_map<(d0, d1) -> (0, 0)>
#map1 = affine_map<(d0, d1) -> (0)>
module attributes {stable_mosaic.version = 14 : i64} {
  func.func @gather(%arg0: i32, %arg1: i32, %arg2: memref<4096x64xf32, #tpu.memory_space<hbm>>, %arg3: memref<81920xi32, #tpu.memory_space<hbm>>, %arg4: memref<81920x64xf32, #tpu.memory_space<hbm>>, %arg5: memref<128xi32, #tpu.memory_space<vmem>>, %arg6: memref<128x64xf32, #tpu.memory_space<vmem>>, %arg7: memref<!tpu.dma_semaphore, #tpu.memory_space<semaphore_mem>>) attributes {dimension_semantics = [#tpu.dimension_semantics<core_parallel>, #tpu.dimension_semantics<subcore_parallel>], iteration_bounds = array<i64: 2, 16>, scalar_prefetch = 0 : i64, scratch_operands = 3 : i64, tpu.core_type = #tpu.core_type<sc_vector_subcore>, window_params = [{transform_indices = #map}, {transform_indices = #map1}, {transform_indices = #map}]} {
    %mul3A = arith.constant 2 : i32
    %mul3A_0 = arith.muli %arg1, %mul3A : i32
    %add3A = arith.addi %mul3A_0, %arg0 : i32
    %mul3A_1 = arith.constant 2560 : i32
    %mul3A_2 = arith.muli %add3A, %mul3A_1 : i32
    %scan3A = arith.constant 0 : i32
    %scan3A_3 = arith.constant 0 : i32
    %scan3A_4 = arith.constant 20 : i32
    %scan3A_5 = arith.addi %scan3A_3, %scan3A_4 : i32
    %scan3A_6 = arith.constant 1 : i32
    scf.for %scan3A_8 = %scan3A_3 to %scan3A_5 step %scan3A_6  : i32 {
      %mul3A_9 = arith.constant 128 : i32
      %mul3A_10 = arith.muli %scan3A_8, %mul3A_9 : i32
      %add3A_11 = arith.addi %mul3A_2, %mul3A_10 : i32
      "tpu.region"() ({
        %run_scoped3A = tpu.sem_alloc : memref<!tpu.dma_semaphore, #tpu.memory_space<semaphore_mem>>
        %dma_start3A_16 = tpu.memref_slice %arg3[%add3A_11] : memref<81920xi32, #tpu.memory_space<hbm>> -> memref<128xi32, #tpu.memory_space<hbm>>
        %dma_start3A_17 = tpu.memref_slice %arg3[%add3A_11] : memref<81920xi32, #tpu.memory_space<hbm>> -> memref<128xi32, #tpu.memory_space<hbm>>
        tpu.enqueue_dma source(%dma_start3A_17 : memref<128xi32, #tpu.memory_space<hbm>>) target(%arg5 : memref<128xi32, #tpu.memory_space<vmem>>) target_semaphore(%run_scoped3A : memref<!tpu.dma_semaphore, #tpu.memory_space<semaphore_mem>>)
        %dma_wait3A_18 = tpu.memref_slice %arg3[%add3A_11] : memref<81920xi32, #tpu.memory_space<hbm>> -> memref<128xi32, #tpu.memory_space<hbm>>
        %dma_wait3A_19 = tpu.memref_slice %arg3[%add3A_11] : memref<81920xi32, #tpu.memory_space<hbm>> -> memref<128xi32, #tpu.memory_space<hbm>>
        tpu.wait_dma2 semaphore(%run_scoped3A : memref<!tpu.dma_semaphore, #tpu.memory_space<semaphore_mem>>) src(%dma_wait3A_19 : memref<128xi32, #tpu.memory_space<hbm>>) dst(%arg5 : memref<128xi32, #tpu.memory_space<vmem>>)
        tpu.yield
      }) : () -> ()
      %dma_start3A = arith.constant 0 : i32
      %dma_start3A_12 = arith.constant 0 : i32
      %dma_start3A_13 = tpu.memref_slice %arg2[%dma_start3A, %dma_start3A_12] : memref<4096x64xf32, #tpu.memory_space<hbm>> -> memref<4096x64xf32, #tpu.memory_space<hbm>>
      tpu.enqueue_indirect_dma source(%dma_start3A_13 : memref<4096x64xf32, #tpu.memory_space<hbm>>) target(%arg6 : memref<128x64xf32, #tpu.memory_space<vmem>>) offsets(%arg5 : memref<128xi32, #tpu.memory_space<vmem>>) semaphore(%arg7 : memref<!tpu.dma_semaphore, #tpu.memory_space<semaphore_mem>>)
      %dma_wait3A = arith.constant 0 : i32
      %dma_wait3A_14 = arith.constant 0 : i32
      %dma_wait3A_15 = tpu.memref_slice %arg2[%dma_wait3A, %dma_wait3A_14] : memref<4096x64xf32, #tpu.memory_space<hbm>> -> memref<4096x64xf32, #tpu.memory_space<hbm>>
      tpu.wait_indirect_dma semaphore(%arg7 : memref<!tpu.dma_semaphore, #tpu.memory_space<semaphore_mem>>) src(%dma_wait3A_15 : memref<4096x64xf32, #tpu.memory_space<hbm>>) dst(%arg6 : memref<128x64xf32, #tpu.memory_space<vmem>>)
      "tpu.region"() ({
        %run_scoped3A = tpu.sem_alloc : memref<!tpu.dma_semaphore, #tpu.memory_space<semaphore_mem>>
        %dma_start3A_16 = arith.constant 0 : i32
        %dma_start3A_17 = tpu.memref_slice %arg4[%add3A_11, %dma_start3A_16] : memref<81920x64xf32, #tpu.memory_space<hbm>> -> memref<128x64xf32, #tpu.memory_space<hbm>>
        %dma_start3A_18 = arith.constant 0 : i32
        %dma_start3A_19 = tpu.memref_slice %arg4[%add3A_11, %dma_start3A_18] : memref<81920x64xf32, #tpu.memory_space<hbm>> -> memref<128x64xf32, #tpu.memory_space<hbm>>
        tpu.enqueue_dma source(%arg6 : memref<128x64xf32, #tpu.memory_space<vmem>>) target(%dma_start3A_19 : memref<128x64xf32, #tpu.memory_space<hbm>>) target_semaphore(%run_scoped3A : memref<!tpu.dma_semaphore, #tpu.memory_space<semaphore_mem>>)
        %dma_wait3A_20 = arith.constant 0 : i32
        %dma_wait3A_21 = tpu.memref_slice %arg4[%add3A_11, %dma_wait3A_20] : memref<81920x64xf32, #tpu.memory_space<hbm>> -> memref<128x64xf32, #tpu.memory_space<hbm>>
        %dma_wait3A_22 = arith.constant 0 : i32
        %dma_wait3A_23 = tpu.memref_slice %arg4[%add3A_11, %dma_wait3A_22] : memref<81920x64xf32, #tpu.memory_space<hbm>> -> memref<128x64xf32, #tpu.memory_space<hbm>>
        tpu.wait_dma2 semaphore(%run_scoped3A : memref<!tpu.dma_semaphore, #tpu.memory_space<semaphore_mem>>) src(%arg6 : memref<128x64xf32, #tpu.memory_space<vmem>>) dst(%dma_wait3A_23 : memref<128x64xf32, #tpu.memory_space<hbm>>)
        tpu.yield
      }) : () -> ()
    }
    %scan3A_7 = arith.constant 20 : i32
    return
  }
}

#map = affine_map<(d0, d1) -> (0, 0)>
#map1 = affine_map<(d0, d1) -> (0)>
module attributes {stable_mosaic.version = 14 : i64} {
  func.func @gather(%arg0: i32, %arg1: i32, %arg2: memref<4096x16xf32, #tpu.memory_space<hbm>>, %arg3: memref<81920xi32, #tpu.memory_space<hbm>>, %arg4: memref<81920x16xf32, #tpu.memory_space<hbm>>, %arg5: memref<128xi32, #tpu.memory_space<vmem>>, %arg6: memref<128x16xf32, #tpu.memory_space<vmem>>, %arg7: memref<!tpu.dma_semaphore, #tpu.memory_space<semaphore_mem>>) attributes {dimension_semantics = [#tpu.dimension_semantics<core_parallel>, #tpu.dimension_semantics<subcore_parallel>], iteration_bounds = array<i64: 2, 16>, scalar_prefetch = 0 : i64, scratch_operands = 3 : i64, tpu.core_type = #tpu.core_type<sc_vector_subcore>, window_params = [{transform_indices = #map}, {transform_indices = #map1}, {transform_indices = #map}]} {
    %mul3A = arith.constant 2 : i32
    %mul3A_0 = arith.muli %arg1, %mul3A : i32
    %add3A = arith.addi %mul3A_0, %arg0 : i32
    %mul3A_1 = arith.constant 2560 : i32
    %mul3A_2 = arith.muli %add3A, %mul3A_1 : i32
    %scan3A = arith.constant 0 : i32
    %scan3A_3 = arith.constant 0 : i32
    %scan3A_4 = arith.constant 20 : i32
    %scan3A_5 = arith.addi %scan3A_3, %scan3A_4 : i32
    %scan3A_6 = arith.constant 1 : i32
    scf.for %scan3A_8 = %scan3A_3 to %scan3A_5 step %scan3A_6  : i32 {
      %mul3A_9 = arith.constant 128 : i32
      %mul3A_10 = arith.muli %scan3A_8, %mul3A_9 : i32
      %add3A_11 = arith.addi %mul3A_2, %mul3A_10 : i32
      "tpu.region"() ({
        %run_scoped3A = tpu.sem_alloc : memref<!tpu.dma_semaphore, #tpu.memory_space<semaphore_mem>>
        %dma_start3A_16 = tpu.memref_slice %arg3[%add3A_11] : memref<81920xi32, #tpu.memory_space<hbm>> -> memref<128xi32, #tpu.memory_space<hbm>>
        %dma_start3A_17 = tpu.memref_slice %arg3[%add3A_11] : memref<81920xi32, #tpu.memory_space<hbm>> -> memref<128xi32, #tpu.memory_space<hbm>>
        tpu.enqueue_dma source(%dma_start3A_17 : memref<128xi32, #tpu.memory_space<hbm>>) target(%arg5 : memref<128xi32, #tpu.memory_space<vmem>>) target_semaphore(%run_scoped3A : memref<!tpu.dma_semaphore, #tpu.memory_space<semaphore_mem>>)
        %dma_wait3A_18 = tpu.memref_slice %arg3[%add3A_11] : memref<81920xi32, #tpu.memory_space<hbm>> -> memref<128xi32, #tpu.memory_space<hbm>>
        %dma_wait3A_19 = tpu.memref_slice %arg3[%add3A_11] : memref<81920xi32, #tpu.memory_space<hbm>> -> memref<128xi32, #tpu.memory_space<hbm>>
        tpu.wait_dma2 semaphore(%run_scoped3A : memref<!tpu.dma_semaphore, #tpu.memory_space<semaphore_mem>>) src(%dma_wait3A_19 : memref<128xi32, #tpu.memory_space<hbm>>) dst(%arg5 : memref<128xi32, #tpu.memory_space<vmem>>)
        tpu.yield
      }) : () -> ()
      %dma_start3A = arith.constant 0 : i32
      %dma_start3A_12 = arith.constant 0 : i32
      %dma_start3A_13 = tpu.memref_slice %arg2[%dma_start3A, %dma_start3A_12] : memref<4096x16xf32, #tpu.memory_space<hbm>> -> memref<4096x16xf32, #tpu.memory_space<hbm>>
      tpu.enqueue_indirect_dma source(%dma_start3A_13 : memref<4096x16xf32, #tpu.memory_space<hbm>>) target(%arg6 : memref<128x16xf32, #tpu.memory_space<vmem>>) offsets(%arg5 : memref<128xi32, #tpu.memory_space<vmem>>) semaphore(%arg7 : memref<!tpu.dma_semaphore, #tpu.memory_space<semaphore_mem>>)
      %dma_wait3A = arith.constant 0 : i32
      %dma_wait3A_14 = arith.constant 0 : i32
      %dma_wait3A_15 = tpu.memref_slice %arg2[%dma_wait3A, %dma_wait3A_14] : memref<4096x16xf32, #tpu.memory_space<hbm>> -> memref<4096x16xf32, #tpu.memory_space<hbm>>
      tpu.wait_indirect_dma semaphore(%arg7 : memref<!tpu.dma_semaphore, #tpu.memory_space<semaphore_mem>>) src(%dma_wait3A_15 : memref<4096x16xf32, #tpu.memory_space<hbm>>) dst(%arg6 : memref<128x16xf32, #tpu.memory_space<vmem>>)
      "tpu.region"() ({
        %run_scoped3A = tpu.sem_alloc : memref<!tpu.dma_semaphore, #tpu.memory_space<semaphore_mem>>
        %dma_start3A_16 = arith.constant 0 : i32
        %dma_start3A_17 = tpu.memref_slice %arg4[%add3A_11, %dma_start3A_16] : memref<81920x16xf32, #tpu.memory_space<hbm>> -> memref<128x16xf32, #tpu.memory_space<hbm>>
        %dma_start3A_18 = arith.constant 0 : i32
        %dma_start3A_19 = tpu.memref_slice %arg4[%add3A_11, %dma_start3A_18] : memref<81920x16xf32, #tpu.memory_space<hbm>> -> memref<128x16xf32, #tpu.memory_space<hbm>>
        tpu.enqueue_dma source(%arg6 : memref<128x16xf32, #tpu.memory_space<vmem>>) target(%dma_start3A_19 : memref<128x16xf32, #tpu.memory_space<hbm>>) target_semaphore(%run_scoped3A : memref<!tpu.dma_semaphore, #tpu.memory_space<semaphore_mem>>)
        %dma_wait3A_20 = arith.constant 0 : i32
        %dma_wait3A_21 = tpu.memref_slice %arg4[%add3A_11, %dma_wait3A_20] : memref<81920x16xf32, #tpu.memory_space<hbm>> -> memref<128x16xf32, #tpu.memory_space<hbm>>
        %dma_wait3A_22 = arith.constant 0 : i32
        %dma_wait3A_23 = tpu.memref_slice %arg4[%add3A_11, %dma_wait3A_22] : memref<81920x16xf32, #tpu.memory_space<hbm>> -> memref<128x16xf32, #tpu.memory_space<hbm>>
        tpu.wait_dma2 semaphore(%run_scoped3A : memref<!tpu.dma_semaphore, #tpu.memory_space<semaphore_mem>>) src(%arg6 : memref<128x16xf32, #tpu.memory_space<vmem>>) dst(%dma_wait3A_23 : memref<128x16xf32, #tpu.memory_space<hbm>>)
        tpu.yield
      }) : () -> ()
    }
    %scan3A_7 = arith.constant 20 : i32
    return
  }
}

#map = affine_map<(d0, d1) -> (0, 0)>
#map1 = affine_map<(d0, d1) -> (0)>
module attributes {stable_mosaic.version = 14 : i64} {
  func.func @gather(%arg0: i32, %arg1: i32, %arg2: memref<4096x64xf32, #tpu.memory_space<hbm>>, %arg3: memref<81920xi32, #tpu.memory_space<hbm>>, %arg4: memref<81920x64xf32, #tpu.memory_space<hbm>>, %arg5: memref<128xi32, #tpu.memory_space<vmem>>, %arg6: memref<128x64xf32, #tpu.memory_space<vmem>>, %arg7: memref<!tpu.dma_semaphore, #tpu.memory_space<semaphore_mem>>) attributes {dimension_semantics = [#tpu.dimension_semantics<core_parallel>, #tpu.dimension_semantics<subcore_parallel>], iteration_bounds = array<i64: 2, 16>, scalar_prefetch = 0 : i64, scratch_operands = 3 : i64, tpu.core_type = #tpu.core_type<sc_vector_subcore>, window_params = [{transform_indices = #map}, {transform_indices = #map1}, {transform_indices = #map}]} {
    %mul3A = arith.constant 2 : i32
    %mul3A_0 = arith.muli %arg1, %mul3A : i32
    %add3A = arith.addi %mul3A_0, %arg0 : i32
    %mul3A_1 = arith.constant 2560 : i32
    %mul3A_2 = arith.muli %add3A, %mul3A_1 : i32
    %scan3A = arith.constant 0 : i32
    %scan3A_3 = arith.constant 0 : i32
    %scan3A_4 = arith.constant 20 : i32
    %scan3A_5 = arith.addi %scan3A_3, %scan3A_4 : i32
    %scan3A_6 = arith.constant 1 : i32
    scf.for %scan3A_8 = %scan3A_3 to %scan3A_5 step %scan3A_6  : i32 {
      %mul3A_9 = arith.constant 128 : i32
      %mul3A_10 = arith.muli %scan3A_8, %mul3A_9 : i32
      %add3A_11 = arith.addi %mul3A_2, %mul3A_10 : i32
      "tpu.region"() ({
        %run_scoped3A = tpu.sem_alloc : memref<!tpu.dma_semaphore, #tpu.memory_space<semaphore_mem>>
        %dma_start3A_16 = tpu.memref_slice %arg3[%add3A_11] : memref<81920xi32, #tpu.memory_space<hbm>> -> memref<128xi32, #tpu.memory_space<hbm>>
        %dma_start3A_17 = tpu.memref_slice %arg3[%add3A_11] : memref<81920xi32, #tpu.memory_space<hbm>> -> memref<128xi32, #tpu.memory_space<hbm>>
        tpu.enqueue_dma source(%dma_start3A_17 : memref<128xi32, #tpu.memory_space<hbm>>) target(%arg5 : memref<128xi32, #tpu.memory_space<vmem>>) target_semaphore(%run_scoped3A : memref<!tpu.dma_semaphore, #tpu.memory_space<semaphore_mem>>)
        %dma_wait3A_18 = tpu.memref_slice %arg3[%add3A_11] : memref<81920xi32, #tpu.memory_space<hbm>> -> memref<128xi32, #tpu.memory_space<hbm>>
        %dma_wait3A_19 = tpu.memref_slice %arg3[%add3A_11] : memref<81920xi32, #tpu.memory_space<hbm>> -> memref<128xi32, #tpu.memory_space<hbm>>
        tpu.wait_dma2 semaphore(%run_scoped3A : memref<!tpu.dma_semaphore, #tpu.memory_space<semaphore_mem>>) src(%dma_wait3A_19 : memref<128xi32, #tpu.memory_space<hbm>>) dst(%arg5 : memref<128xi32, #tpu.memory_space<vmem>>)
        tpu.yield
      }) : () -> ()
      %dma_start3A = arith.constant 0 : i32
      %dma_start3A_12 = arith.constant 0 : i32
      %dma_start3A_13 = tpu.memref_slice %arg2[%dma_start3A, %dma_start3A_12] : memref<4096x64xf32, #tpu.memory_space<hbm>> -> memref<4096x64xf32, #tpu.memory_space<hbm>>
      tpu.enqueue_indirect_dma source(%dma_start3A_13 : memref<4096x64xf32, #tpu.memory_space<hbm>>) target(%arg6 : memref<128x64xf32, #tpu.memory_space<vmem>>) offsets(%arg5 : memref<128xi32, #tpu.memory_space<vmem>>) semaphore(%arg7 : memref<!tpu.dma_semaphore, #tpu.memory_space<semaphore_mem>>)
      %dma_wait3A = arith.constant 0 : i32
      %dma_wait3A_14 = arith.constant 0 : i32
      %dma_wait3A_15 = tpu.memref_slice %arg2[%dma_wait3A, %dma_wait3A_14] : memref<4096x64xf32, #tpu.memory_space<hbm>> -> memref<4096x64xf32, #tpu.memory_space<hbm>>
      tpu.wait_indirect_dma semaphore(%arg7 : memref<!tpu.dma_semaphore, #tpu.memory_space<semaphore_mem>>) src(%dma_wait3A_15 : memref<4096x64xf32, #tpu.memory_space<hbm>>) dst(%arg6 : memref<128x64xf32, #tpu.memory_space<vmem>>)
      "tpu.region"() ({
        %run_scoped3A = tpu.sem_alloc : memref<!tpu.dma_semaphore, #tpu.memory_space<semaphore_mem>>
        %dma_start3A_16 = arith.constant 0 : i32
        %dma_start3A_17 = tpu.memref_slice %arg4[%add3A_11, %dma_start3A_16] : memref<81920x64xf32, #tpu.memory_space<hbm>> -> memref<128x64xf32, #tpu.memory_space<hbm>>
        %dma_start3A_18 = arith.constant 0 : i32
        %dma_start3A_19 = tpu.memref_slice %arg4[%add3A_11, %dma_start3A_18] : memref<81920x64xf32, #tpu.memory_space<hbm>> -> memref<128x64xf32, #tpu.memory_space<hbm>>
        tpu.enqueue_dma source(%arg6 : memref<128x64xf32, #tpu.memory_space<vmem>>) target(%dma_start3A_19 : memref<128x64xf32, #tpu.memory_space<hbm>>) target_semaphore(%run_scoped3A : memref<!tpu.dma_semaphore, #tpu.memory_space<semaphore_mem>>)
        %dma_wait3A_20 = arith.constant 0 : i32
        %dma_wait3A_21 = tpu.memref_slice %arg4[%add3A_11, %dma_wait3A_20] : memref<81920x64xf32, #tpu.memory_space<hbm>> -> memref<128x64xf32, #tpu.memory_space<hbm>>
        %dma_wait3A_22 = arith.constant 0 : i32
        %dma_wait3A_23 = tpu.memref_slice %arg4[%add3A_11, %dma_wait3A_22] : memref<81920x64xf32, #tpu.memory_space<hbm>> -> memref<128x64xf32, #tpu.memory_space<hbm>>
        tpu.wait_dma2 semaphore(%run_scoped3A : memref<!tpu.dma_semaphore, #tpu.memory_space<semaphore_mem>>) src(%arg6 : memref<128x64xf32, #tpu.memory_space<vmem>>) dst(%dma_wait3A_23 : memref<128x64xf32, #tpu.memory_space<hbm>>)
        tpu.yield
      }) : () -> ()
    }
    %scan3A_7 = arith.constant 20 : i32
    return
  }
}

#map = affine_map<(d0, d1) -> (0, 0)>
#map1 = affine_map<(d0, d1) -> (0)>
module attributes {stable_mosaic.version = 14 : i64} {
  func.func @gather(%arg0: i32, %arg1: i32, %arg2: memref<4096x16xf32, #tpu.memory_space<hbm>>, %arg3: memref<81920xi32, #tpu.memory_space<hbm>>, %arg4: memref<81920x16xf32, #tpu.memory_space<hbm>>, %arg5: memref<128xi32, #tpu.memory_space<vmem>>, %arg6: memref<128x16xf32, #tpu.memory_space<vmem>>, %arg7: memref<!tpu.dma_semaphore, #tpu.memory_space<semaphore_mem>>) attributes {dimension_semantics = [#tpu.dimension_semantics<core_parallel>, #tpu.dimension_semantics<subcore_parallel>], iteration_bounds = array<i64: 2, 16>, scalar_prefetch = 0 : i64, scratch_operands = 3 : i64, tpu.core_type = #tpu.core_type<sc_vector_subcore>, window_params = [{transform_indices = #map}, {transform_indices = #map1}, {transform_indices = #map}]} {
    %mul3A = arith.constant 2 : i32
    %mul3A_0 = arith.muli %arg1, %mul3A : i32
    %add3A = arith.addi %mul3A_0, %arg0 : i32
    %mul3A_1 = arith.constant 2560 : i32
    %mul3A_2 = arith.muli %add3A, %mul3A_1 : i32
    %scan3A = arith.constant 0 : i32
    %scan3A_3 = arith.constant 0 : i32
    %scan3A_4 = arith.constant 20 : i32
    %scan3A_5 = arith.addi %scan3A_3, %scan3A_4 : i32
    %scan3A_6 = arith.constant 1 : i32
    scf.for %scan3A_8 = %scan3A_3 to %scan3A_5 step %scan3A_6  : i32 {
      %mul3A_9 = arith.constant 128 : i32
      %mul3A_10 = arith.muli %scan3A_8, %mul3A_9 : i32
      %add3A_11 = arith.addi %mul3A_2, %mul3A_10 : i32
      "tpu.region"() ({
        %run_scoped3A = tpu.sem_alloc : memref<!tpu.dma_semaphore, #tpu.memory_space<semaphore_mem>>
        %dma_start3A_16 = tpu.memref_slice %arg3[%add3A_11] : memref<81920xi32, #tpu.memory_space<hbm>> -> memref<128xi32, #tpu.memory_space<hbm>>
        %dma_start3A_17 = tpu.memref_slice %arg3[%add3A_11] : memref<81920xi32, #tpu.memory_space<hbm>> -> memref<128xi32, #tpu.memory_space<hbm>>
        tpu.enqueue_dma source(%dma_start3A_17 : memref<128xi32, #tpu.memory_space<hbm>>) target(%arg5 : memref<128xi32, #tpu.memory_space<vmem>>) target_semaphore(%run_scoped3A : memref<!tpu.dma_semaphore, #tpu.memory_space<semaphore_mem>>)
        %dma_wait3A_18 = tpu.memref_slice %arg3[%add3A_11] : memref<81920xi32, #tpu.memory_space<hbm>> -> memref<128xi32, #tpu.memory_space<hbm>>
        %dma_wait3A_19 = tpu.memref_slice %arg3[%add3A_11] : memref<81920xi32, #tpu.memory_space<hbm>> -> memref<128xi32, #tpu.memory_space<hbm>>
        tpu.wait_dma2 semaphore(%run_scoped3A : memref<!tpu.dma_semaphore, #tpu.memory_space<semaphore_mem>>) src(%dma_wait3A_19 : memref<128xi32, #tpu.memory_space<hbm>>) dst(%arg5 : memref<128xi32, #tpu.memory_space<vmem>>)
        tpu.yield
      }) : () -> ()
      %dma_start3A = arith.constant 0 : i32
      %dma_start3A_12 = arith.constant 0 : i32
      %dma_start3A_13 = tpu.memref_slice %arg2[%dma_start3A, %dma_start3A_12] : memref<4096x16xf32, #tpu.memory_space<hbm>> -> memref<4096x16xf32, #tpu.memory_space<hbm>>
      tpu.enqueue_indirect_dma source(%dma_start3A_13 : memref<4096x16xf32, #tpu.memory_space<hbm>>) target(%arg6 : memref<128x16xf32, #tpu.memory_space<vmem>>) offsets(%arg5 : memref<128xi32, #tpu.memory_space<vmem>>) semaphore(%arg7 : memref<!tpu.dma_semaphore, #tpu.memory_space<semaphore_mem>>)
      %dma_wait3A = arith.constant 0 : i32
      %dma_wait3A_14 = arith.constant 0 : i32
      %dma_wait3A_15 = tpu.memref_slice %arg2[%dma_wait3A, %dma_wait3A_14] : memref<4096x16xf32, #tpu.memory_space<hbm>> -> memref<4096x16xf32, #tpu.memory_space<hbm>>
      tpu.wait_indirect_dma semaphore(%arg7 : memref<!tpu.dma_semaphore, #tpu.memory_space<semaphore_mem>>) src(%dma_wait3A_15 : memref<4096x16xf32, #tpu.memory_space<hbm>>) dst(%arg6 : memref<128x16xf32, #tpu.memory_space<vmem>>)
      "tpu.region"() ({
        %run_scoped3A = tpu.sem_alloc : memref<!tpu.dma_semaphore, #tpu.memory_space<semaphore_mem>>
        %dma_start3A_16 = arith.constant 0 : i32
        %dma_start3A_17 = tpu.memref_slice %arg4[%add3A_11, %dma_start3A_16] : memref<81920x16xf32, #tpu.memory_space<hbm>> -> memref<128x16xf32, #tpu.memory_space<hbm>>
        %dma_start3A_18 = arith.constant 0 : i32
        %dma_start3A_19 = tpu.memref_slice %arg4[%add3A_11, %dma_start3A_18] : memref<81920x16xf32, #tpu.memory_space<hbm>> -> memref<128x16xf32, #tpu.memory_space<hbm>>
        tpu.enqueue_dma source(%arg6 : memref<128x16xf32, #tpu.memory_space<vmem>>) target(%dma_start3A_19 : memref<128x16xf32, #tpu.memory_space<hbm>>) target_semaphore(%run_scoped3A : memref<!tpu.dma_semaphore, #tpu.memory_space<semaphore_mem>>)
        %dma_wait3A_20 = arith.constant 0 : i32
        %dma_wait3A_21 = tpu.memref_slice %arg4[%add3A_11, %dma_wait3A_20] : memref<81920x16xf32, #tpu.memory_space<hbm>> -> memref<128x16xf32, #tpu.memory_space<hbm>>
        %dma_wait3A_22 = arith.constant 0 : i32
        %dma_wait3A_23 = tpu.memref_slice %arg4[%add3A_11, %dma_wait3A_22] : memref<81920x16xf32, #tpu.memory_space<hbm>> -> memref<128x16xf32, #tpu.memory_space<hbm>>
        tpu.wait_dma2 semaphore(%run_scoped3A : memref<!tpu.dma_semaphore, #tpu.memory_space<semaphore_mem>>) src(%arg6 : memref<128x16xf32, #tpu.memory_space<vmem>>) dst(%dma_wait3A_23 : memref<128x16xf32, #tpu.memory_space<hbm>>)
        tpu.yield
      }) : () -> ()
    }
    %scan3A_7 = arith.constant 20 : i32
    return
  }
}

#map = affine_map<(d0, d1) -> (0, 0)>
#map1 = affine_map<(d0, d1) -> (0)>
module attributes {stable_mosaic.version = 14 : i64} {
  func.func @gather(%arg0: i32, %arg1: i32, %arg2: memref<4096x64xf32, #tpu.memory_space<hbm>>, %arg3: memref<81920xi32, #tpu.memory_space<hbm>>, %arg4: memref<81920x64xf32, #tpu.memory_space<hbm>>, %arg5: memref<128xi32, #tpu.memory_space<vmem>>, %arg6: memref<128x64xf32, #tpu.memory_space<vmem>>, %arg7: memref<!tpu.dma_semaphore, #tpu.memory_space<semaphore_mem>>) attributes {dimension_semantics = [#tpu.dimension_semantics<core_parallel>, #tpu.dimension_semantics<subcore_parallel>], iteration_bounds = array<i64: 2, 16>, scalar_prefetch = 0 : i64, scratch_operands = 3 : i64, tpu.core_type = #tpu.core_type<sc_vector_subcore>, window_params = [{transform_indices = #map}, {transform_indices = #map1}, {transform_indices = #map}]} {
    %mul3A = arith.constant 2 : i32
    %mul3A_0 = arith.muli %arg1, %mul3A : i32
    %add3A = arith.addi %mul3A_0, %arg0 : i32
    %mul3A_1 = arith.constant 2560 : i32
    %mul3A_2 = arith.muli %add3A, %mul3A_1 : i32
    %scan3A = arith.constant 0 : i32
    %scan3A_3 = arith.constant 0 : i32
    %scan3A_4 = arith.constant 20 : i32
    %scan3A_5 = arith.addi %scan3A_3, %scan3A_4 : i32
    %scan3A_6 = arith.constant 1 : i32
    scf.for %scan3A_8 = %scan3A_3 to %scan3A_5 step %scan3A_6  : i32 {
      %mul3A_9 = arith.constant 128 : i32
      %mul3A_10 = arith.muli %scan3A_8, %mul3A_9 : i32
      %add3A_11 = arith.addi %mul3A_2, %mul3A_10 : i32
      "tpu.region"() ({
        %run_scoped3A = tpu.sem_alloc : memref<!tpu.dma_semaphore, #tpu.memory_space<semaphore_mem>>
        %dma_start3A_16 = tpu.memref_slice %arg3[%add3A_11] : memref<81920xi32, #tpu.memory_space<hbm>> -> memref<128xi32, #tpu.memory_space<hbm>>
        %dma_start3A_17 = tpu.memref_slice %arg3[%add3A_11] : memref<81920xi32, #tpu.memory_space<hbm>> -> memref<128xi32, #tpu.memory_space<hbm>>
        tpu.enqueue_dma source(%dma_start3A_17 : memref<128xi32, #tpu.memory_space<hbm>>) target(%arg5 : memref<128xi32, #tpu.memory_space<vmem>>) target_semaphore(%run_scoped3A : memref<!tpu.dma_semaphore, #tpu.memory_space<semaphore_mem>>)
        %dma_wait3A_18 = tpu.memref_slice %arg3[%add3A_11] : memref<81920xi32, #tpu.memory_space<hbm>> -> memref<128xi32, #tpu.memory_space<hbm>>
        %dma_wait3A_19 = tpu.memref_slice %arg3[%add3A_11] : memref<81920xi32, #tpu.memory_space<hbm>> -> memref<128xi32, #tpu.memory_space<hbm>>
        tpu.wait_dma2 semaphore(%run_scoped3A : memref<!tpu.dma_semaphore, #tpu.memory_space<semaphore_mem>>) src(%dma_wait3A_19 : memref<128xi32, #tpu.memory_space<hbm>>) dst(%arg5 : memref<128xi32, #tpu.memory_space<vmem>>)
        tpu.yield
      }) : () -> ()
      %dma_start3A = arith.constant 0 : i32
      %dma_start3A_12 = arith.constant 0 : i32
      %dma_start3A_13 = tpu.memref_slice %arg2[%dma_start3A, %dma_start3A_12] : memref<4096x64xf32, #tpu.memory_space<hbm>> -> memref<4096x64xf32, #tpu.memory_space<hbm>>
      tpu.enqueue_indirect_dma source(%dma_start3A_13 : memref<4096x64xf32, #tpu.memory_space<hbm>>) target(%arg6 : memref<128x64xf32, #tpu.memory_space<vmem>>) offsets(%arg5 : memref<128xi32, #tpu.memory_space<vmem>>) semaphore(%arg7 : memref<!tpu.dma_semaphore, #tpu.memory_space<semaphore_mem>>)
      %dma_wait3A = arith.constant 0 : i32
      %dma_wait3A_14 = arith.constant 0 : i32
      %dma_wait3A_15 = tpu.memref_slice %arg2[%dma_wait3A, %dma_wait3A_14] : memref<4096x64xf32, #tpu.memory_space<hbm>> -> memref<4096x64xf32, #tpu.memory_space<hbm>>
      tpu.wait_indirect_dma semaphore(%arg7 : memref<!tpu.dma_semaphore, #tpu.memory_space<semaphore_mem>>) src(%dma_wait3A_15 : memref<4096x64xf32, #tpu.memory_space<hbm>>) dst(%arg6 : memref<128x64xf32, #tpu.memory_space<vmem>>)
      "tpu.region"() ({
        %run_scoped3A = tpu.sem_alloc : memref<!tpu.dma_semaphore, #tpu.memory_space<semaphore_mem>>
        %dma_start3A_16 = arith.constant 0 : i32
        %dma_start3A_17 = tpu.memref_slice %arg4[%add3A_11, %dma_start3A_16] : memref<81920x64xf32, #tpu.memory_space<hbm>> -> memref<128x64xf32, #tpu.memory_space<hbm>>
        %dma_start3A_18 = arith.constant 0 : i32
        %dma_start3A_19 = tpu.memref_slice %arg4[%add3A_11, %dma_start3A_18] : memref<81920x64xf32, #tpu.memory_space<hbm>> -> memref<128x64xf32, #tpu.memory_space<hbm>>
        tpu.enqueue_dma source(%arg6 : memref<128x64xf32, #tpu.memory_space<vmem>>) target(%dma_start3A_19 : memref<128x64xf32, #tpu.memory_space<hbm>>) target_semaphore(%run_scoped3A : memref<!tpu.dma_semaphore, #tpu.memory_space<semaphore_mem>>)
        %dma_wait3A_20 = arith.constant 0 : i32
        %dma_wait3A_21 = tpu.memref_slice %arg4[%add3A_11, %dma_wait3A_20] : memref<81920x64xf32, #tpu.memory_space<hbm>> -> memref<128x64xf32, #tpu.memory_space<hbm>>
        %dma_wait3A_22 = arith.constant 0 : i32
        %dma_wait3A_23 = tpu.memref_slice %arg4[%add3A_11, %dma_wait3A_22] : memref<81920x64xf32, #tpu.memory_space<hbm>> -> memref<128x64xf32, #tpu.memory_space<hbm>>
        tpu.wait_dma2 semaphore(%run_scoped3A : memref<!tpu.dma_semaphore, #tpu.memory_space<semaphore_mem>>) src(%arg6 : memref<128x64xf32, #tpu.memory_space<vmem>>) dst(%dma_wait3A_23 : memref<128x64xf32, #tpu.memory_space<hbm>>)
        tpu.yield
      }) : () -> ()
    }
    %scan3A_7 = arith.constant 20 : i32
    return
  }
}

#map = affine_map<(d0, d1) -> (0, 0)>
#map1 = affine_map<(d0, d1) -> (0)>
module attributes {stable_mosaic.version = 14 : i64} {
  func.func @gather(%arg0: i32, %arg1: i32, %arg2: memref<4096x64xf32, #tpu.memory_space<hbm>>, %arg3: memref<81920xi32, #tpu.memory_space<hbm>>, %arg4: memref<81920x64xf32, #tpu.memory_space<hbm>>, %arg5: memref<128xi32, #tpu.memory_space<vmem>>, %arg6: memref<128x64xf32, #tpu.memory_space<vmem>>, %arg7: memref<!tpu.dma_semaphore, #tpu.memory_space<semaphore_mem>>) attributes {dimension_semantics = [#tpu.dimension_semantics<core_parallel>, #tpu.dimension_semantics<subcore_parallel>], iteration_bounds = array<i64: 2, 16>, scalar_prefetch = 0 : i64, scratch_operands = 3 : i64, tpu.core_type = #tpu.core_type<sc_vector_subcore>, window_params = [{transform_indices = #map}, {transform_indices = #map1}, {transform_indices = #map}]} {
    %mul3A = arith.constant 2 : i32
    %mul3A_0 = arith.muli %arg1, %mul3A : i32
    %add3A = arith.addi %mul3A_0, %arg0 : i32
    %mul3A_1 = arith.constant 2560 : i32
    %mul3A_2 = arith.muli %add3A, %mul3A_1 : i32
    %scan3A = arith.constant 0 : i32
    %scan3A_3 = arith.constant 0 : i32
    %scan3A_4 = arith.constant 20 : i32
    %scan3A_5 = arith.addi %scan3A_3, %scan3A_4 : i32
    %scan3A_6 = arith.constant 1 : i32
    scf.for %scan3A_8 = %scan3A_3 to %scan3A_5 step %scan3A_6  : i32 {
      %mul3A_9 = arith.constant 128 : i32
      %mul3A_10 = arith.muli %scan3A_8, %mul3A_9 : i32
      %add3A_11 = arith.addi %mul3A_2, %mul3A_10 : i32
      "tpu.region"() ({
        %run_scoped3A = tpu.sem_alloc : memref<!tpu.dma_semaphore, #tpu.memory_space<semaphore_mem>>
        %dma_start3A_16 = tpu.memref_slice %arg3[%add3A_11] : memref<81920xi32, #tpu.memory_space<hbm>> -> memref<128xi32, #tpu.memory_space<hbm>>
        %dma_start3A_17 = tpu.memref_slice %arg3[%add3A_11] : memref<81920xi32, #tpu.memory_space<hbm>> -> memref<128xi32, #tpu.memory_space<hbm>>
        tpu.enqueue_dma source(%dma_start3A_17 : memref<128xi32, #tpu.memory_space<hbm>>) target(%arg5 : memref<128xi32, #tpu.memory_space<vmem>>) target_semaphore(%run_scoped3A : memref<!tpu.dma_semaphore, #tpu.memory_space<semaphore_mem>>)
        %dma_wait3A_18 = tpu.memref_slice %arg3[%add3A_11] : memref<81920xi32, #tpu.memory_space<hbm>> -> memref<128xi32, #tpu.memory_space<hbm>>
        %dma_wait3A_19 = tpu.memref_slice %arg3[%add3A_11] : memref<81920xi32, #tpu.memory_space<hbm>> -> memref<128xi32, #tpu.memory_space<hbm>>
        tpu.wait_dma2 semaphore(%run_scoped3A : memref<!tpu.dma_semaphore, #tpu.memory_space<semaphore_mem>>) src(%dma_wait3A_19 : memref<128xi32, #tpu.memory_space<hbm>>) dst(%arg5 : memref<128xi32, #tpu.memory_space<vmem>>)
        tpu.yield
      }) : () -> ()
      %dma_start3A = arith.constant 0 : i32
      %dma_start3A_12 = arith.constant 0 : i32
      %dma_start3A_13 = tpu.memref_slice %arg2[%dma_start3A, %dma_start3A_12] : memref<4096x64xf32, #tpu.memory_space<hbm>> -> memref<4096x64xf32, #tpu.memory_space<hbm>>
      tpu.enqueue_indirect_dma source(%dma_start3A_13 : memref<4096x64xf32, #tpu.memory_space<hbm>>) target(%arg6 : memref<128x64xf32, #tpu.memory_space<vmem>>) offsets(%arg5 : memref<128xi32, #tpu.memory_space<vmem>>) semaphore(%arg7 : memref<!tpu.dma_semaphore, #tpu.memory_space<semaphore_mem>>)
      %dma_wait3A = arith.constant 0 : i32
      %dma_wait3A_14 = arith.constant 0 : i32
      %dma_wait3A_15 = tpu.memref_slice %arg2[%dma_wait3A, %dma_wait3A_14] : memref<4096x64xf32, #tpu.memory_space<hbm>> -> memref<4096x64xf32, #tpu.memory_space<hbm>>
      tpu.wait_indirect_dma semaphore(%arg7 : memref<!tpu.dma_semaphore, #tpu.memory_space<semaphore_mem>>) src(%dma_wait3A_15 : memref<4096x64xf32, #tpu.memory_space<hbm>>) dst(%arg6 : memref<128x64xf32, #tpu.memory_space<vmem>>)
      "tpu.region"() ({
        %run_scoped3A = tpu.sem_alloc : memref<!tpu.dma_semaphore, #tpu.memory_space<semaphore_mem>>
        %dma_start3A_16 = arith.constant 0 : i32
        %dma_start3A_17 = tpu.memref_slice %arg4[%add3A_11, %dma_start3A_16] : memref<81920x64xf32, #tpu.memory_space<hbm>> -> memref<128x64xf32, #tpu.memory_space<hbm>>
        %dma_start3A_18 = arith.constant 0 : i32
        %dma_start3A_19 = tpu.memref_slice %arg4[%add3A_11, %dma_start3A_18] : memref<81920x64xf32, #tpu.memory_space<hbm>> -> memref<128x64xf32, #tpu.memory_space<hbm>>
        tpu.enqueue_dma source(%arg6 : memref<128x64xf32, #tpu.memory_space<vmem>>) target(%dma_start3A_19 : memref<128x64xf32, #tpu.memory_space<hbm>>) target_semaphore(%run_scoped3A : memref<!tpu.dma_semaphore, #tpu.memory_space<semaphore_mem>>)
        %dma_wait3A_20 = arith.constant 0 : i32
        %dma_wait3A_21 = tpu.memref_slice %arg4[%add3A_11, %dma_wait3A_20] : memref<81920x64xf32, #tpu.memory_space<hbm>> -> memref<128x64xf32, #tpu.memory_space<hbm>>
        %dma_wait3A_22 = arith.constant 0 : i32
        %dma_wait3A_23 = tpu.memref_slice %arg4[%add3A_11, %dma_wait3A_22] : memref<81920x64xf32, #tpu.memory_space<hbm>> -> memref<128x64xf32, #tpu.memory_space<hbm>>
        tpu.wait_dma2 semaphore(%run_scoped3A : memref<!tpu.dma_semaphore, #tpu.memory_space<semaphore_mem>>) src(%arg6 : memref<128x64xf32, #tpu.memory_space<vmem>>) dst(%dma_wait3A_23 : memref<128x64xf32, #tpu.memory_space<hbm>>)
        tpu.yield
      }) : () -> ()
    }
    %scan3A_7 = arith.constant 20 : i32
    return
  }
}

#map = affine_map<(d0, d1) -> (0, 0)>
#map1 = affine_map<(d0, d1) -> (0)>
module attributes {stable_mosaic.version = 14 : i64} {
  func.func @gather(%arg0: i32, %arg1: i32, %arg2: memref<4096x128xf32, #tpu.memory_space<hbm>>, %arg3: memref<81920xi32, #tpu.memory_space<hbm>>, %arg4: memref<81920x128xf32, #tpu.memory_space<hbm>>, %arg5: memref<128xi32, #tpu.memory_space<vmem>>, %arg6: memref<128x128xf32, #tpu.memory_space<vmem>>, %arg7: memref<!tpu.dma_semaphore, #tpu.memory_space<semaphore_mem>>) attributes {dimension_semantics = [#tpu.dimension_semantics<core_parallel>, #tpu.dimension_semantics<subcore_parallel>], iteration_bounds = array<i64: 2, 16>, scalar_prefetch = 0 : i64, scratch_operands = 3 : i64, tpu.core_type = #tpu.core_type<sc_vector_subcore>, window_params = [{transform_indices = #map}, {transform_indices = #map1}, {transform_indices = #map}]} {
    %mul3A = arith.constant 2 : i32
    %mul3A_0 = arith.muli %arg1, %mul3A : i32
    %add3A = arith.addi %mul3A_0, %arg0 : i32
    %mul3A_1 = arith.constant 2560 : i32
    %mul3A_2 = arith.muli %add3A, %mul3A_1 : i32
    %scan3A = arith.constant 0 : i32
    %scan3A_3 = arith.constant 0 : i32
    %scan3A_4 = arith.constant 20 : i32
    %scan3A_5 = arith.addi %scan3A_3, %scan3A_4 : i32
    %scan3A_6 = arith.constant 1 : i32
    scf.for %scan3A_8 = %scan3A_3 to %scan3A_5 step %scan3A_6  : i32 {
      %mul3A_9 = arith.constant 128 : i32
      %mul3A_10 = arith.muli %scan3A_8, %mul3A_9 : i32
      %add3A_11 = arith.addi %mul3A_2, %mul3A_10 : i32
      "tpu.region"() ({
        %run_scoped3A = tpu.sem_alloc : memref<!tpu.dma_semaphore, #tpu.memory_space<semaphore_mem>>
        %dma_start3A_16 = tpu.memref_slice %arg3[%add3A_11] : memref<81920xi32, #tpu.memory_space<hbm>> -> memref<128xi32, #tpu.memory_space<hbm>>
        %dma_start3A_17 = tpu.memref_slice %arg3[%add3A_11] : memref<81920xi32, #tpu.memory_space<hbm>> -> memref<128xi32, #tpu.memory_space<hbm>>
        tpu.enqueue_dma source(%dma_start3A_17 : memref<128xi32, #tpu.memory_space<hbm>>) target(%arg5 : memref<128xi32, #tpu.memory_space<vmem>>) target_semaphore(%run_scoped3A : memref<!tpu.dma_semaphore, #tpu.memory_space<semaphore_mem>>)
        %dma_wait3A_18 = tpu.memref_slice %arg3[%add3A_11] : memref<81920xi32, #tpu.memory_space<hbm>> -> memref<128xi32, #tpu.memory_space<hbm>>
        %dma_wait3A_19 = tpu.memref_slice %arg3[%add3A_11] : memref<81920xi32, #tpu.memory_space<hbm>> -> memref<128xi32, #tpu.memory_space<hbm>>
        tpu.wait_dma2 semaphore(%run_scoped3A : memref<!tpu.dma_semaphore, #tpu.memory_space<semaphore_mem>>) src(%dma_wait3A_19 : memref<128xi32, #tpu.memory_space<hbm>>) dst(%arg5 : memref<128xi32, #tpu.memory_space<vmem>>)
        tpu.yield
      }) : () -> ()
      %dma_start3A = arith.constant 0 : i32
      %dma_start3A_12 = arith.constant 0 : i32
      %dma_start3A_13 = tpu.memref_slice %arg2[%dma_start3A, %dma_start3A_12] : memref<4096x128xf32, #tpu.memory_space<hbm>> -> memref<4096x128xf32, #tpu.memory_space<hbm>>
      tpu.enqueue_indirect_dma source(%dma_start3A_13 : memref<4096x128xf32, #tpu.memory_space<hbm>>) target(%arg6 : memref<128x128xf32, #tpu.memory_space<vmem>>) offsets(%arg5 : memref<128xi32, #tpu.memory_space<vmem>>) semaphore(%arg7 : memref<!tpu.dma_semaphore, #tpu.memory_space<semaphore_mem>>)
      %dma_wait3A = arith.constant 0 : i32
      %dma_wait3A_14 = arith.constant 0 : i32
      %dma_wait3A_15 = tpu.memref_slice %arg2[%dma_wait3A, %dma_wait3A_14] : memref<4096x128xf32, #tpu.memory_space<hbm>> -> memref<4096x128xf32, #tpu.memory_space<hbm>>
      tpu.wait_indirect_dma semaphore(%arg7 : memref<!tpu.dma_semaphore, #tpu.memory_space<semaphore_mem>>) src(%dma_wait3A_15 : memref<4096x128xf32, #tpu.memory_space<hbm>>) dst(%arg6 : memref<128x128xf32, #tpu.memory_space<vmem>>)
      "tpu.region"() ({
        %run_scoped3A = tpu.sem_alloc : memref<!tpu.dma_semaphore, #tpu.memory_space<semaphore_mem>>
        %dma_start3A_16 = arith.constant 0 : i32
        %dma_start3A_17 = tpu.memref_slice %arg4[%add3A_11, %dma_start3A_16] : memref<81920x128xf32, #tpu.memory_space<hbm>> -> memref<128x128xf32, #tpu.memory_space<hbm>>
        %dma_start3A_18 = arith.constant 0 : i32
        %dma_start3A_19 = tpu.memref_slice %arg4[%add3A_11, %dma_start3A_18] : memref<81920x128xf32, #tpu.memory_space<hbm>> -> memref<128x128xf32, #tpu.memory_space<hbm>>
        tpu.enqueue_dma source(%arg6 : memref<128x128xf32, #tpu.memory_space<vmem>>) target(%dma_start3A_19 : memref<128x128xf32, #tpu.memory_space<hbm>>) target_semaphore(%run_scoped3A : memref<!tpu.dma_semaphore, #tpu.memory_space<semaphore_mem>>)
        %dma_wait3A_20 = arith.constant 0 : i32
        %dma_wait3A_21 = tpu.memref_slice %arg4[%add3A_11, %dma_wait3A_20] : memref<81920x128xf32, #tpu.memory_space<hbm>> -> memref<128x128xf32, #tpu.memory_space<hbm>>
        %dma_wait3A_22 = arith.constant 0 : i32
        %dma_wait3A_23 = tpu.memref_slice %arg4[%add3A_11, %dma_wait3A_22] : memref<81920x128xf32, #tpu.memory_space<hbm>> -> memref<128x128xf32, #tpu.memory_space<hbm>>
        tpu.wait_dma2 semaphore(%run_scoped3A : memref<!tpu.dma_semaphore, #tpu.memory_space<semaphore_mem>>) src(%arg6 : memref<128x128xf32, #tpu.memory_space<vmem>>) dst(%dma_wait3A_23 : memref<128x128xf32, #tpu.memory_space<hbm>>)
        tpu.yield
      }) : () -> ()
    }
    %scan3A_7 = arith.constant 20 : i32
    return
  }
}

#map = affine_map<(d0, d1) -> (0, 0)>
#map1 = affine_map<(d0, d1) -> (0)>
module attributes {stable_mosaic.version = 14 : i64} {
  func.func @gather(%arg0: i32, %arg1: i32, %arg2: memref<4096x128xf32, #tpu.memory_space<hbm>>, %arg3: memref<81920xi32, #tpu.memory_space<hbm>>, %arg4: memref<81920x128xf32, #tpu.memory_space<hbm>>, %arg5: memref<128xi32, #tpu.memory_space<vmem>>, %arg6: memref<128x128xf32, #tpu.memory_space<vmem>>, %arg7: memref<!tpu.dma_semaphore, #tpu.memory_space<semaphore_mem>>) attributes {dimension_semantics = [#tpu.dimension_semantics<core_parallel>, #tpu.dimension_semantics<subcore_parallel>], iteration_bounds = array<i64: 2, 16>, scalar_prefetch = 0 : i64, scratch_operands = 3 : i64, tpu.core_type = #tpu.core_type<sc_vector_subcore>, window_params = [{transform_indices = #map}, {transform_indices = #map1}, {transform_indices = #map}]} {
    %mul3A = arith.constant 2 : i32
    %mul3A_0 = arith.muli %arg1, %mul3A : i32
    %add3A = arith.addi %mul3A_0, %arg0 : i32
    %mul3A_1 = arith.constant 2560 : i32
    %mul3A_2 = arith.muli %add3A, %mul3A_1 : i32
    %scan3A = arith.constant 0 : i32
    %scan3A_3 = arith.constant 0 : i32
    %scan3A_4 = arith.constant 20 : i32
    %scan3A_5 = arith.addi %scan3A_3, %scan3A_4 : i32
    %scan3A_6 = arith.constant 1 : i32
    scf.for %scan3A_8 = %scan3A_3 to %scan3A_5 step %scan3A_6  : i32 {
      %mul3A_9 = arith.constant 128 : i32
      %mul3A_10 = arith.muli %scan3A_8, %mul3A_9 : i32
      %add3A_11 = arith.addi %mul3A_2, %mul3A_10 : i32
      "tpu.region"() ({
        %run_scoped3A = tpu.sem_alloc : memref<!tpu.dma_semaphore, #tpu.memory_space<semaphore_mem>>
        %dma_start3A_16 = tpu.memref_slice %arg3[%add3A_11] : memref<81920xi32, #tpu.memory_space<hbm>> -> memref<128xi32, #tpu.memory_space<hbm>>
        %dma_start3A_17 = tpu.memref_slice %arg3[%add3A_11] : memref<81920xi32, #tpu.memory_space<hbm>> -> memref<128xi32, #tpu.memory_space<hbm>>
        tpu.enqueue_dma source(%dma_start3A_17 : memref<128xi32, #tpu.memory_space<hbm>>) target(%arg5 : memref<128xi32, #tpu.memory_space<vmem>>) target_semaphore(%run_scoped3A : memref<!tpu.dma_semaphore, #tpu.memory_space<semaphore_mem>>)
        %dma_wait3A_18 = tpu.memref_slice %arg3[%add3A_11] : memref<81920xi32, #tpu.memory_space<hbm>> -> memref<128xi32, #tpu.memory_space<hbm>>
        %dma_wait3A_19 = tpu.memref_slice %arg3[%add3A_11] : memref<81920xi32, #tpu.memory_space<hbm>> -> memref<128xi32, #tpu.memory_space<hbm>>
        tpu.wait_dma2 semaphore(%run_scoped3A : memref<!tpu.dma_semaphore, #tpu.memory_space<semaphore_mem>>) src(%dma_wait3A_19 : memref<128xi32, #tpu.memory_space<hbm>>) dst(%arg5 : memref<128xi32, #tpu.memory_space<vmem>>)
        tpu.yield
      }) : () -> ()
      %dma_start3A = arith.constant 0 : i32
      %dma_start3A_12 = arith.constant 0 : i32
      %dma_start3A_13 = tpu.memref_slice %arg2[%dma_start3A, %dma_start3A_12] : memref<4096x128xf32, #tpu.memory_space<hbm>> -> memref<4096x128xf32, #tpu.memory_space<hbm>>
      tpu.enqueue_indirect_dma source(%dma_start3A_13 : memref<4096x128xf32, #tpu.memory_space<hbm>>) target(%arg6 : memref<128x128xf32, #tpu.memory_space<vmem>>) offsets(%arg5 : memref<128xi32, #tpu.memory_space<vmem>>) semaphore(%arg7 : memref<!tpu.dma_semaphore, #tpu.memory_space<semaphore_mem>>)
      %dma_wait3A = arith.constant 0 : i32
      %dma_wait3A_14 = arith.constant 0 : i32
      %dma_wait3A_15 = tpu.memref_slice %arg2[%dma_wait3A, %dma_wait3A_14] : memref<4096x128xf32, #tpu.memory_space<hbm>> -> memref<4096x128xf32, #tpu.memory_space<hbm>>
      tpu.wait_indirect_dma semaphore(%arg7 : memref<!tpu.dma_semaphore, #tpu.memory_space<semaphore_mem>>) src(%dma_wait3A_15 : memref<4096x128xf32, #tpu.memory_space<hbm>>) dst(%arg6 : memref<128x128xf32, #tpu.memory_space<vmem>>)
      "tpu.region"() ({
        %run_scoped3A = tpu.sem_alloc : memref<!tpu.dma_semaphore, #tpu.memory_space<semaphore_mem>>
        %dma_start3A_16 = arith.constant 0 : i32
        %dma_start3A_17 = tpu.memref_slice %arg4[%add3A_11, %dma_start3A_16] : memref<81920x128xf32, #tpu.memory_space<hbm>> -> memref<128x128xf32, #tpu.memory_space<hbm>>
        %dma_start3A_18 = arith.constant 0 : i32
        %dma_start3A_19 = tpu.memref_slice %arg4[%add3A_11, %dma_start3A_18] : memref<81920x128xf32, #tpu.memory_space<hbm>> -> memref<128x128xf32, #tpu.memory_space<hbm>>
        tpu.enqueue_dma source(%arg6 : memref<128x128xf32, #tpu.memory_space<vmem>>) target(%dma_start3A_19 : memref<128x128xf32, #tpu.memory_space<hbm>>) target_semaphore(%run_scoped3A : memref<!tpu.dma_semaphore, #tpu.memory_space<semaphore_mem>>)
        %dma_wait3A_20 = arith.constant 0 : i32
        %dma_wait3A_21 = tpu.memref_slice %arg4[%add3A_11, %dma_wait3A_20] : memref<81920x128xf32, #tpu.memory_space<hbm>> -> memref<128x128xf32, #tpu.memory_space<hbm>>
        %dma_wait3A_22 = arith.constant 0 : i32
        %dma_wait3A_23 = tpu.memref_slice %arg4[%add3A_11, %dma_wait3A_22] : memref<81920x128xf32, #tpu.memory_space<hbm>> -> memref<128x128xf32, #tpu.memory_space<hbm>>
        tpu.wait_dma2 semaphore(%run_scoped3A : memref<!tpu.dma_semaphore, #tpu.memory_space<semaphore_mem>>) src(%arg6 : memref<128x128xf32, #tpu.memory_space<vmem>>) dst(%dma_wait3A_23 : memref<128x128xf32, #tpu.memory_space<hbm>>)
        tpu.yield
      }) : () -> ()
    }
    %scan3A_7 = arith.constant 20 : i32
    return
  }
}

module attributes {stable_mosaic.version = 14 : i64} {
  func.func @_knn1_body(%arg0: i32, %arg1: memref<1x1024x16xf32, #tpu.memory_space<vmem>>, %arg2: memref<64x16xf32, #tpu.memory_space<vmem>>, %arg3: memref<1x1024x20xi32, #tpu.memory_space<vmem>>, %arg4: memref<1x1024x64xf32, #tpu.memory_space<vmem>>, %arg5: memref<1024x1024xf32, #tpu.memory_space<vmem>>) attributes {dimension_semantics = [#tpu.dimension_semantics<arbitrary>], iteration_bounds = array<i64: 4>, scalar_prefetch = 0 : i64, scratch_operands = 1 : i64, tpu.core_type = #tpu.core_type<tc>, window_params = [{transform_indices = @transform_0, window_bounds = array<i64: 1, 1024, 16>}, {pipeline_mode = #tpu.pipeline_mode<synchronous>, transform_indices = @transform_1, window_bounds = array<i64: 64, 16>}, {transform_indices = @transform_2, window_bounds = array<i64: 1, 1024, 20>}, {transform_indices = @transform_3, window_bounds = array<i64: 1, 1024, 64>}]} {
    %get3A = arith.constant 0 : index
    %get3A_0 = arith.constant 0 : index
    %get3A_1 = arith.constant 0 : index
    %get3A_2 = vector.load %arg1[%get3A, %get3A_0, %get3A_1] : memref<1x1024x16xf32, #tpu.memory_space<vmem>>, vector<1x1024x16xf32>
    %get3A_3 = vector.shape_cast %get3A_2 : vector<1x1024x16xf32> to vector<1024x16xf32>
    %get3A_4 = arith.constant 0 : index
    %get3A_5 = arith.constant 0 : index
    %get3A_6 = vector.load %arg2[%get3A_4, %get3A_5] : memref<64x16xf32, #tpu.memory_space<vmem>>, vector<64x16xf32>
    %convert_element_type3A = arith.truncf %get3A_3 : vector<1024x16xf32> to vector<1024x16xbf16>
    %dot_general3A = arith.constant dense<0.000000e+00> : vector<1024x1024xf32>
    %dot_general3A_7 = tpu.matmul %convert_element_type3A, %convert_element_type3A, %dot_general3A {dimension_numbers = #tpu.dot_dimension_numbers<[1], [1], [0], [0], [0, 0, 1, 0], [], []>, transpose_lhs_hint = false} : vector<1024x16xbf16>, vector<1024x16xbf16>, vector<1024x1024xf32> -> vector<1024x1024xf32>
    %mul3A = arith.mulf %get3A_3, %get3A_3 : vector<1024x16xf32>
    %reduce_sum3A = arith.constant dense<0.000000e+00> : vector<1024xf32>
    %reduce_sum3A_8 = vector.multi_reduction <add>, %mul3A, %reduce_sum3A [1] : vector<1024x16xf32> to vector<1024xf32>
    %broadcast_in_dim3A = vector.shape_cast %reduce_sum3A_8 : vector<1024xf32> to vector<1024x1xf32>
    %neg3A = arith.constant 0.000000e+00 : f32
    %neg3A_9 = vector.broadcast %neg3A : f32 to vector<1024x1xf32>
    %neg3A_10 = arith.subf %neg3A_9, %broadcast_in_dim3A : vector<1024x1xf32>
    %mul3A_11 = arith.constant 2.000000e+00 : f32
    %mul3A_12 = vector.broadcast %mul3A_11 : f32 to vector<1024x1024xf32>
    %mul3A_13 = arith.mulf %mul3A_12, %dot_general3A_7 : vector<1024x1024xf32>
    %add3A = vector.broadcast %neg3A_10 : vector<1024x1xf32> to vector<1024x1024xf32>
    %add3A_14 = arith.addf %add3A, %mul3A_13 : vector<1024x1024xf32>
    %broadcast_in_dim3A_15 = vector.shape_cast %reduce_sum3A_8 : vector<1024xf32> to vector<1x1024xf32>
    %sub3A = vector.broadcast %broadcast_in_dim3A_15 : vector<1x1024xf32> to vector<1024x1024xf32>
    %sub3A_16 = arith.subf %add3A_14, %sub3A : vector<1024x1024xf32>
    %swap3A = arith.constant 0 : index
    %swap3A_17 = arith.constant 0 : index
    %swap3A_18 = vector.load %arg5[%swap3A, %swap3A_17] : memref<1024x1024xf32, #tpu.memory_space<vmem>>, vector<1024x1024xf32>
    tpu.vector_store %arg5[%swap3A, %swap3A_17], %sub3A_16 {strides = array<i32>} : memref<1024x1024xf32, #tpu.memory_space<vmem>>, vector<1024x1024xf32>,
    %convert_element_type3A_19 = arith.truncf %get3A_6 : vector<64x16xf32> to vector<64x16xbf16>
    %dot_general3A_20 = arith.constant dense<0.000000e+00> : vector<1024x64xf32>
    %dot_general3A_21 = tpu.matmul %convert_element_type3A, %convert_element_type3A_19, %dot_general3A_20 {dimension_numbers = #tpu.dot_dimension_numbers<[1], [1], [0], [0], [0, 0, 1, 0], [], []>, transpose_lhs_hint = false} : vector<1024x16xbf16>, vector<64x16xbf16>, vector<1024x64xf32> -> vector<1024x64xf32>
    %iota3A = tpu.iota {dimensions = array<i32: 1>} : vector<1024x1024xi32>
    %get3A_22 = arith.constant 0 : index
    %get3A_23 = arith.constant 0 : index
    %get3A_24 = vector.load %arg5[%get3A_22, %get3A_23] : memref<1024x1024xf32, #tpu.memory_space<vmem>>, vector<1024x1024xf32>
    %reduce_max3A = arith.constant dense<0xFF800000> : vector<1024xf32>
    %reduce_max3A_25 = vector.multi_reduction <maximumf>, %get3A_24, %reduce_max3A [1] : vector<1024x1024xf32> to vector<1024xf32>
    %broadcast_in_dim3A_26 = vector.shape_cast %reduce_max3A_25 : vector<1024xf32> to vector<1024x1xf32>
    %get3A_27 = arith.constant 0 : index
    %get3A_28 = arith.constant 0 : index
    %get3A_29 = vector.load %arg5[%get3A_27, %get3A_28] : memref<1024x1024xf32, #tpu.memory_space<vmem>>, vector<1024x1024xf32>
    %eq3A = vector.broadcast %broadcast_in_dim3A_26 : vector<1024x1xf32> to vector<1024x1024xf32>
    %eq3A_30 = arith.cmpf oeq, %get3A_29, %eq3A : vector<1024x1024xf32>
    %jit3A = arith.constant 1024 : i32
    %broadcast_in_dim3A_31 = vector.broadcast %jit3A : i32 to vector<1024x1024xi32>
    %select_n3A = arith.select %eq3A_30, %iota3A, %broadcast_in_dim3A_31 : vector<1024x1024xi1>, vector<1024x1024xi32>
    %reduce_min3A = arith.constant dense<2147483647> : vector<1024xi32>
    %reduce_min3A_32 = vector.multi_reduction <minsi>, %select_n3A, %reduce_min3A [1] : vector<1024x1024xi32> to vector<1024xi32>
    %broadcast_in_dim3A_33 = vector.shape_cast %reduce_min3A_32 : vector<1024xi32> to vector<1024x1xi32>
    %eq3A_34 = vector.broadcast %broadcast_in_dim3A_33 : vector<1024x1xi32> to vector<1024x1024xi32>
    %eq3A_35 = arith.cmpi eq, %iota3A, %eq3A_34 : vector<1024x1024xi32>
    %jit3A_36 = arith.constant 0xFF800000 : f32
    %broadcast_in_dim3A_37 = vector.broadcast %jit3A_36 : f32 to vector<1024x1024xf32>
    %select_n3A_38 = arith.select %eq3A_35, %broadcast_in_dim3A_37, %get3A_29 : vector<1024x1024xi1>, vector<1024x1024xf32>
    %swap3A_39 = arith.constant 0 : index
    %swap3A_40 = arith.constant 0 : index
    %swap3A_41 = vector.load %arg5[%swap3A_39, %swap3A_40] : memref<1024x1024xf32, #tpu.memory_space<vmem>>, vector<1024x1024xf32>
    tpu.vector_store %arg5[%swap3A_39, %swap3A_40], %select_n3A_38 {strides = array<i32>} : memref<1024x1024xf32, #tpu.memory_space<vmem>>, vector<1024x1024xf32>,
    %reduce_max3A_42 = arith.constant dense<0xFF800000> : vector<1024xf32>
    %reduce_max3A_43 = vector.multi_reduction <maximumf>, %select_n3A_38, %reduce_max3A_42 [1] : vector<1024x1024xf32> to vector<1024xf32>
    %broadcast_in_dim3A_44 = vector.shape_cast %reduce_max3A_43 : vector<1024xf32> to vector<1024x1xf32>
    %get3A_45 = arith.constant 0 : index
    %get3A_46 = arith.constant 0 : index
    %get3A_47 = vector.load %arg5[%get3A_45, %get3A_46] : memref<1024x1024xf32, #tpu.memory_space<vmem>>, vector<1024x1024xf32>
    %eq3A_48 = vector.broadcast %broadcast_in_dim3A_44 : vector<1024x1xf32> to vector<1024x1024xf32>
    %eq3A_49 = arith.cmpf oeq, %get3A_47, %eq3A_48 : vector<1024x1024xf32>
    %jit3A_50 = arith.constant 1024 : i32
    %broadcast_in_dim3A_51 = vector.broadcast %jit3A_50 : i32 to vector<1024x1024xi32>
    %select_n3A_52 = arith.select %eq3A_49, %iota3A, %broadcast_in_dim3A_51 : vector<1024x1024xi1>, vector<1024x1024xi32>
    %reduce_min3A_53 = arith.constant dense<2147483647> : vector<1024xi32>
    %reduce_min3A_54 = vector.multi_reduction <minsi>, %select_n3A_52, %reduce_min3A_53 [1] : vector<1024x1024xi32> to vector<1024xi32>
    %broadcast_in_dim3A_55 = vector.shape_cast %reduce_min3A_54 : vector<1024xi32> to vector<1024x1xi32>
    %eq3A_56 = vector.broadcast %broadcast_in_dim3A_55 : vector<1024x1xi32> to vector<1024x1024xi32>
    %eq3A_57 = arith.cmpi eq, %iota3A, %eq3A_56 : vector<1024x1024xi32>
    %jit3A_58 = arith.constant 0xFF800000 : f32
    %broadcast_in_dim3A_59 = vector.broadcast %jit3A_58 : f32 to vector<1024x1024xf32>
    %select_n3A_60 = arith.select %eq3A_57, %broadcast_in_dim3A_59, %get3A_47 : vector<1024x1024xi1>, vector<1024x1024xf32>
    %swap3A_61 = arith.constant 0 : index
    %swap3A_62 = arith.constant 0 : index
    %swap3A_63 = vector.load %arg5[%swap3A_61, %swap3A_62] : memref<1024x1024xf32, #tpu.memory_space<vmem>>, vector<1024x1024xf32>
    tpu.vector_store %arg5[%swap3A_61, %swap3A_62], %select_n3A_60 {strides = array<i32>} : memref<1024x1024xf32, #tpu.memory_space<vmem>>, vector<1024x1024xf32>,
    %reduce_max3A_64 = arith.constant dense<0xFF800000> : vector<1024xf32>
    %reduce_max3A_65 = vector.multi_reduction <maximumf>, %select_n3A_60, %reduce_max3A_64 [1] : vector<1024x1024xf32> to vector<1024xf32>
    %broadcast_in_dim3A_66 = vector.shape_cast %reduce_max3A_65 : vector<1024xf32> to vector<1024x1xf32>
    %get3A_67 = arith.constant 0 : index
    %get3A_68 = arith.constant 0 : index
    %get3A_69 = vector.load %arg5[%get3A_67, %get3A_68] : memref<1024x1024xf32, #tpu.memory_space<vmem>>, vector<1024x1024xf32>
    %eq3A_70 = vector.broadcast %broadcast_in_dim3A_66 : vector<1024x1xf32> to vector<1024x1024xf32>
    %eq3A_71 = arith.cmpf oeq, %get3A_69, %eq3A_70 : vector<1024x1024xf32>
    %jit3A_72 = arith.constant 1024 : i32
    %broadcast_in_dim3A_73 = vector.broadcast %jit3A_72 : i32 to vector<1024x1024xi32>
    %select_n3A_74 = arith.select %eq3A_71, %iota3A, %broadcast_in_dim3A_73 : vector<1024x1024xi1>, vector<1024x1024xi32>
    %reduce_min3A_75 = arith.constant dense<2147483647> : vector<1024xi32>
    %reduce_min3A_76 = vector.multi_reduction <minsi>, %select_n3A_74, %reduce_min3A_75 [1] : vector<1024x1024xi32> to vector<1024xi32>
    %broadcast_in_dim3A_77 = vector.shape_cast %reduce_min3A_76 : vector<1024xi32> to vector<1024x1xi32>
    %eq3A_78 = vector.broadcast %broadcast_in_dim3A_77 : vector<1024x1xi32> to vector<1024x1024xi32>
    %eq3A_79 = arith.cmpi eq, %iota3A, %eq3A_78 : vector<1024x1024xi32>
    %jit3A_80 = arith.constant 0xFF800000 : f32
    %broadcast_in_dim3A_81 = vector.broadcast %jit3A_80 : f32 to vector<1024x1024xf32>
    %select_n3A_82 = arith.select %eq3A_79, %broadcast_in_dim3A_81, %get3A_69 : vector<1024x1024xi1>, vector<1024x1024xf32>
    %swap3A_83 = arith.constant 0 : index
    %swap3A_84 = arith.constant 0 : index
    %swap3A_85 = vector.load %arg5[%swap3A_83, %swap3A_84] : memref<1024x1024xf32, #tpu.memory_space<vmem>>, vector<1024x1024xf32>
    tpu.vector_store %arg5[%swap3A_83, %swap3A_84], %select_n3A_82 {strides = array<i32>} : memref<1024x1024xf32, #tpu.memory_space<vmem>>, vector<1024x1024xf32>,
    %reduce_max3A_86 = arith.constant dense<0xFF800000> : vector<1024xf32>
    %reduce_max3A_87 = vector.multi_reduction <maximumf>, %select_n3A_82, %reduce_max3A_86 [1] : vector<1024x1024xf32> to vector<1024xf32>
    %broadcast_in_dim3A_88 = vector.shape_cast %reduce_max3A_87 : vector<1024xf32> to vector<1024x1xf32>
    %get3A_89 = arith.constant 0 : index
    %get3A_90 = arith.constant 0 : index
    %get3A_91 = vector.load %arg5[%get3A_89, %get3A_90] : memref<1024x1024xf32, #tpu.memory_space<vmem>>, vector<1024x1024xf32>
    %eq3A_92 = vector.broadcast %broadcast_in_dim3A_88 : vector<1024x1xf32> to vector<1024x1024xf32>
    %eq3A_93 = arith.cmpf oeq, %get3A_91, %eq3A_92 : vector<1024x1024xf32>
    %jit3A_94 = arith.constant 1024 : i32
    %broadcast_in_dim3A_95 = vector.broadcast %jit3A_94 : i32 to vector<1024x1024xi32>
    %select_n3A_96 = arith.select %eq3A_93, %iota3A, %broadcast_in_dim3A_95 : vector<1024x1024xi1>, vector<1024x1024xi32>
    %reduce_min3A_97 = arith.constant dense<2147483647> : vector<1024xi32>
    %reduce_min3A_98 = vector.multi_reduction <minsi>, %select_n3A_96, %reduce_min3A_97 [1] : vector<1024x1024xi32> to vector<1024xi32>
    %broadcast_in_dim3A_99 = vector.shape_cast %reduce_min3A_98 : vector<1024xi32> to vector<1024x1xi32>
    %eq3A_100 = vector.broadcast %broadcast_in_dim3A_99 : vector<1024x1xi32> to vector<1024x1024xi32>
    %eq3A_101 = arith.cmpi eq, %iota3A, %eq3A_100 : vector<1024x1024xi32>
    %jit3A_102 = arith.constant 0xFF800000 : f32
    %broadcast_in_dim3A_103 = vector.broadcast %jit3A_102 : f32 to vector<1024x1024xf32>
    %select_n3A_104 = arith.select %eq3A_101, %broadcast_in_dim3A_103, %get3A_91 : vector<1024x1024xi1>, vector<1024x1024xf32>
    %swap3A_105 = arith.constant 0 : index
    %swap3A_106 = arith.constant 0 : index
    %swap3A_107 = vector.load %arg5[%swap3A_105, %swap3A_106] : memref<1024x1024xf32, #tpu.memory_space<vmem>>, vector<1024x1024xf32>
    tpu.vector_store %arg5[%swap3A_105, %swap3A_106], %select_n3A_104 {strides = array<i32>} : memref<1024x1024xf32, #tpu.memory_space<vmem>>, vector<1024x1024xf32>,
    %reduce_max3A_108 = arith.constant dense<0xFF800000> : vector<1024xf32>
    %reduce_max3A_109 = vector.multi_reduction <maximumf>, %select_n3A_104, %reduce_max3A_108 [1] : vector<1024x1024xf32> to vector<1024xf32>
    %broadcast_in_dim3A_110 = vector.shape_cast %reduce_max3A_109 : vector<1024xf32> to vector<1024x1xf32>
    %get3A_111 = arith.constant 0 : index
    %get3A_112 = arith.constant 0 : index
    %get3A_113 = vector.load %arg5[%get3A_111, %get3A_112] : memref<1024x1024xf32, #tpu.memory_space<vmem>>, vector<1024x1024xf32>
    %eq3A_114 = vector.broadcast %broadcast_in_dim3A_110 : vector<1024x1xf32> to vector<1024x1024xf32>
    %eq3A_115 = arith.cmpf oeq, %get3A_113, %eq3A_114 : vector<1024x1024xf32>
    %jit3A_116 = arith.constant 1024 : i32
    %broadcast_in_dim3A_117 = vector.broadcast %jit3A_116 : i32 to vector<1024x1024xi32>
    %select_n3A_118 = arith.select %eq3A_115, %iota3A, %broadcast_in_dim3A_117 : vector<1024x1024xi1>, vector<1024x1024xi32>
    %reduce_min3A_119 = arith.constant dense<2147483647> : vector<1024xi32>
    %reduce_min3A_120 = vector.multi_reduction <minsi>, %select_n3A_118, %reduce_min3A_119 [1] : vector<1024x1024xi32> to vector<1024xi32>
    %broadcast_in_dim3A_121 = vector.shape_cast %reduce_min3A_120 : vector<1024xi32> to vector<1024x1xi32>
    %eq3A_122 = vector.broadcast %broadcast_in_dim3A_121 : vector<1024x1xi32> to vector<1024x1024xi32>
    %eq3A_123 = arith.cmpi eq, %iota3A, %eq3A_122 : vector<1024x1024xi32>
    %jit3A_124 = arith.constant 0xFF800000 : f32
    %broadcast_in_dim3A_125 = vector.broadcast %jit3A_124 : f32 to vector<1024x1024xf32>
    %select_n3A_126 = arith.select %eq3A_123, %broadcast_in_dim3A_125, %get3A_113 : vector<1024x1024xi1>, vector<1024x1024xf32>
    %swap3A_127 = arith.constant 0 : index
    %swap3A_128 = arith.constant 0 : index
    %swap3A_129 = vector.load %arg5[%swap3A_127, %swap3A_128] : memref<1024x1024xf32, #tpu.memory_space<vmem>>, vector<1024x1024xf32>
    tpu.vector_store %arg5[%swap3A_127, %swap3A_128], %select_n3A_126 {strides = array<i32>} : memref<1024x1024xf32, #tpu.memory_space<vmem>>, vector<1024x1024xf32>,
    %reduce_max3A_130 = arith.constant dense<0xFF800000> : vector<1024xf32>
    %reduce_max3A_131 = vector.multi_reduction <maximumf>, %select_n3A_126, %reduce_max3A_130 [1] : vector<1024x1024xf32> to vector<1024xf32>
    %broadcast_in_dim3A_132 = vector.shape_cast %reduce_max3A_131 : vector<1024xf32> to vector<1024x1xf32>
    %get3A_133 = arith.constant 0 : index
    %get3A_134 = arith.constant 0 : index
    %get3A_135 = vector.load %arg5[%get3A_133, %get3A_134] : memref<1024x1024xf32, #tpu.memory_space<vmem>>, vector<1024x1024xf32>
    %eq3A_136 = vector.broadcast %broadcast_in_dim3A_132 : vector<1024x1xf32> to vector<1024x1024xf32>
    %eq3A_137 = arith.cmpf oeq, %get3A_135, %eq3A_136 : vector<1024x1024xf32>
    %jit3A_138 = arith.constant 1024 : i32
    %broadcast_in_dim3A_139 = vector.broadcast %jit3A_138 : i32 to vector<1024x1024xi32>
    %select_n3A_140 = arith.select %eq3A_137, %iota3A, %broadcast_in_dim3A_139 : vector<1024x1024xi1>, vector<1024x1024xi32>
    %reduce_min3A_141 = arith.constant dense<2147483647> : vector<1024xi32>
    %reduce_min3A_142 = vector.multi_reduction <minsi>, %select_n3A_140, %reduce_min3A_141 [1] : vector<1024x1024xi32> to vector<1024xi32>
    %broadcast_in_dim3A_143 = vector.shape_cast %reduce_min3A_142 : vector<1024xi32> to vector<1024x1xi32>
    %eq3A_144 = vector.broadcast %broadcast_in_dim3A_143 : vector<1024x1xi32> to vector<1024x1024xi32>
    %eq3A_145 = arith.cmpi eq, %iota3A, %eq3A_144 : vector<1024x1024xi32>
    %jit3A_146 = arith.constant 0xFF800000 : f32
    %broadcast_in_dim3A_147 = vector.broadcast %jit3A_146 : f32 to vector<1024x1024xf32>
    %select_n3A_148 = arith.select %eq3A_145, %broadcast_in_dim3A_147, %get3A_135 : vector<1024x1024xi1>, vector<1024x1024xf32>
    %swap3A_149 = arith.constant 0 : index
    %swap3A_150 = arith.constant 0 : index
    %swap3A_151 = vector.load %arg5[%swap3A_149, %swap3A_150] : memref<1024x1024xf32, #tpu.memory_space<vmem>>, vector<1024x1024xf32>
    tpu.vector_store %arg5[%swap3A_149, %swap3A_150], %select_n3A_148 {strides = array<i32>} : memref<1024x1024xf32, #tpu.memory_space<vmem>>, vector<1024x1024xf32>,
    %reduce_max3A_152 = arith.constant dense<0xFF800000> : vector<1024xf32>
    %reduce_max3A_153 = vector.multi_reduction <maximumf>, %select_n3A_148, %reduce_max3A_152 [1] : vector<1024x1024xf32> to vector<1024xf32>
    %broadcast_in_dim3A_154 = vector.shape_cast %reduce_max3A_153 : vector<1024xf32> to vector<1024x1xf32>
    %get3A_155 = arith.constant 0 : index
    %get3A_156 = arith.constant 0 : index
    %get3A_157 = vector.load %arg5[%get3A_155, %get3A_156] : memref<1024x1024xf32, #tpu.memory_space<vmem>>, vector<1024x1024xf32>
    %eq3A_158 = vector.broadcast %broadcast_in_dim3A_154 : vector<1024x1xf32> to vector<1024x1024xf32>
    %eq3A_159 = arith.cmpf oeq, %get3A_157, %eq3A_158 : vector<1024x1024xf32>
    %jit3A_160 = arith.constant 1024 : i32
    %broadcast_in_dim3A_161 = vector.broadcast %jit3A_160 : i32 to vector<1024x1024xi32>
    %select_n3A_162 = arith.select %eq3A_159, %iota3A, %broadcast_in_dim3A_161 : vector<1024x1024xi1>, vector<1024x1024xi32>
    %reduce_min3A_163 = arith.constant dense<2147483647> : vector<1024xi32>
    %reduce_min3A_164 = vector.multi_reduction <minsi>, %select_n3A_162, %reduce_min3A_163 [1] : vector<1024x1024xi32> to vector<1024xi32>
    %broadcast_in_dim3A_165 = vector.shape_cast %reduce_min3A_164 : vector<1024xi32> to vector<1024x1xi32>
    %eq3A_166 = vector.broadcast %broadcast_in_dim3A_165 : vector<1024x1xi32> to vector<1024x1024xi32>
    %eq3A_167 = arith.cmpi eq, %iota3A, %eq3A_166 : vector<1024x1024xi32>
    %jit3A_168 = arith.constant 0xFF800000 : f32
    %broadcast_in_dim3A_169 = vector.broadcast %jit3A_168 : f32 to vector<1024x1024xf32>
    %select_n3A_170 = arith.select %eq3A_167, %broadcast_in_dim3A_169, %get3A_157 : vector<1024x1024xi1>, vector<1024x1024xf32>
    %swap3A_171 = arith.constant 0 : index
    %swap3A_172 = arith.constant 0 : index
    %swap3A_173 = vector.load %arg5[%swap3A_171, %swap3A_172] : memref<1024x1024xf32, #tpu.memory_space<vmem>>, vector<1024x1024xf32>
    tpu.vector_store %arg5[%swap3A_171, %swap3A_172], %select_n3A_170 {strides = array<i32>} : memref<1024x1024xf32, #tpu.memory_space<vmem>>, vector<1024x1024xf32>,
    %reduce_max3A_174 = arith.constant dense<0xFF800000> : vector<1024xf32>
    %reduce_max3A_175 = vector.multi_reduction <maximumf>, %select_n3A_170, %reduce_max3A_174 [1] : vector<1024x1024xf32> to vector<1024xf32>
    %broadcast_in_dim3A_176 = vector.shape_cast %reduce_max3A_175 : vector<1024xf32> to vector<1024x1xf32>
    %get3A_177 = arith.constant 0 : index
    %get3A_178 = arith.constant 0 : index
    %get3A_179 = vector.load %arg5[%get3A_177, %get3A_178] : memref<1024x1024xf32, #tpu.memory_space<vmem>>, vector<1024x1024xf32>
    %eq3A_180 = vector.broadcast %broadcast_in_dim3A_176 : vector<1024x1xf32> to vector<1024x1024xf32>
    %eq3A_181 = arith.cmpf oeq, %get3A_179, %eq3A_180 : vector<1024x1024xf32>
    %jit3A_182 = arith.constant 1024 : i32
    %broadcast_in_dim3A_183 = vector.broadcast %jit3A_182 : i32 to vector<1024x1024xi32>
    %select_n3A_184 = arith.select %eq3A_181, %iota3A, %broadcast_in_dim3A_183 : vector<1024x1024xi1>, vector<1024x1024xi32>
    %reduce_min3A_185 = arith.constant dense<2147483647> : vector<1024xi32>
    %reduce_min3A_186 = vector.multi_reduction <minsi>, %select_n3A_184, %reduce_min3A_185 [1] : vector<1024x1024xi32> to vector<1024xi32>
    %broadcast_in_dim3A_187 = vector.shape_cast %reduce_min3A_186 : vector<1024xi32> to vector<1024x1xi32>
    %eq3A_188 = vector.broadcast %broadcast_in_dim3A_187 : vector<1024x1xi32> to vector<1024x1024xi32>
    %eq3A_189 = arith.cmpi eq, %iota3A, %eq3A_188 : vector<1024x1024xi32>
    %jit3A_190 = arith.constant 0xFF800000 : f32
    %broadcast_in_dim3A_191 = vector.broadcast %jit3A_190 : f32 to vector<1024x1024xf32>
    %select_n3A_192 = arith.select %eq3A_189, %broadcast_in_dim3A_191, %get3A_179 : vector<1024x1024xi1>, vector<1024x1024xf32>
    %swap3A_193 = arith.constant 0 : index
    %swap3A_194 = arith.constant 0 : index
    %swap3A_195 = vector.load %arg5[%swap3A_193, %swap3A_194] : memref<1024x1024xf32, #tpu.memory_space<vmem>>, vector<1024x1024xf32>
    tpu.vector_store %arg5[%swap3A_193, %swap3A_194], %select_n3A_192 {strides = array<i32>} : memref<1024x1024xf32, #tpu.memory_space<vmem>>, vector<1024x1024xf32>,
    %reduce_max3A_196 = arith.constant dense<0xFF800000> : vector<1024xf32>
    %reduce_max3A_197 = vector.multi_reduction <maximumf>, %select_n3A_192, %reduce_max3A_196 [1] : vector<1024x1024xf32> to vector<1024xf32>
    %broadcast_in_dim3A_198 = vector.shape_cast %reduce_max3A_197 : vector<1024xf32> to vector<1024x1xf32>
    %get3A_199 = arith.constant 0 : index
    %get3A_200 = arith.constant 0 : index
    %get3A_201 = vector.load %arg5[%get3A_199, %get3A_200] : memref<1024x1024xf32, #tpu.memory_space<vmem>>, vector<1024x1024xf32>
    %eq3A_202 = vector.broadcast %broadcast_in_dim3A_198 : vector<1024x1xf32> to vector<1024x1024xf32>
    %eq3A_203 = arith.cmpf oeq, %get3A_201, %eq3A_202 : vector<1024x1024xf32>
    %jit3A_204 = arith.constant 1024 : i32
    %broadcast_in_dim3A_205 = vector.broadcast %jit3A_204 : i32 to vector<1024x1024xi32>
    %select_n3A_206 = arith.select %eq3A_203, %iota3A, %broadcast_in_dim3A_205 : vector<1024x1024xi1>, vector<1024x1024xi32>
    %reduce_min3A_207 = arith.constant dense<2147483647> : vector<1024xi32>
    %reduce_min3A_208 = vector.multi_reduction <minsi>, %select_n3A_206, %reduce_min3A_207 [1] : vector<1024x1024xi32> to vector<1024xi32>
    %broadcast_in_dim3A_209 = vector.shape_cast %reduce_min3A_208 : vector<1024xi32> to vector<1024x1xi32>
    %eq3A_210 = vector.broadcast %broadcast_in_dim3A_209 : vector<1024x1xi32> to vector<1024x1024xi32>
    %eq3A_211 = arith.cmpi eq, %iota3A, %eq3A_210 : vector<1024x1024xi32>
    %jit3A_212 = arith.constant 0xFF800000 : f32
    %broadcast_in_dim3A_213 = vector.broadcast %jit3A_212 : f32 to vector<1024x1024xf32>
    %select_n3A_214 = arith.select %eq3A_211, %broadcast_in_dim3A_213, %get3A_201 : vector<1024x1024xi1>, vector<1024x1024xf32>
    %swap3A_215 = arith.constant 0 : index
    %swap3A_216 = arith.constant 0 : index
    %swap3A_217 = vector.load %arg5[%swap3A_215, %swap3A_216] : memref<1024x1024xf32, #tpu.memory_space<vmem>>, vector<1024x1024xf32>
    tpu.vector_store %arg5[%swap3A_215, %swap3A_216], %select_n3A_214 {strides = array<i32>} : memref<1024x1024xf32, #tpu.memory_space<vmem>>, vector<1024x1024xf32>,
    %reduce_max3A_218 = arith.constant dense<0xFF800000> : vector<1024xf32>
    %reduce_max3A_219 = vector.multi_reduction <maximumf>, %select_n3A_214, %reduce_max3A_218 [1] : vector<1024x1024xf32> to vector<1024xf32>
    %broadcast_in_dim3A_220 = vector.shape_cast %reduce_max3A_219 : vector<1024xf32> to vector<1024x1xf32>
    %get3A_221 = arith.constant 0 : index
    %get3A_222 = arith.constant 0 : index
    %get3A_223 = vector.load %arg5[%get3A_221, %get3A_222] : memref<1024x1024xf32, #tpu.memory_space<vmem>>, vector<1024x1024xf32>
    %eq3A_224 = vector.broadcast %broadcast_in_dim3A_220 : vector<1024x1xf32> to vector<1024x1024xf32>
    %eq3A_225 = arith.cmpf oeq, %get3A_223, %eq3A_224 : vector<1024x1024xf32>
    %jit3A_226 = arith.constant 1024 : i32
    %broadcast_in_dim3A_227 = vector.broadcast %jit3A_226 : i32 to vector<1024x1024xi32>
    %select_n3A_228 = arith.select %eq3A_225, %iota3A, %broadcast_in_dim3A_227 : vector<1024x1024xi1>, vector<1024x1024xi32>
    %reduce_min3A_229 = arith.constant dense<2147483647> : vector<1024xi32>
    %reduce_min3A_230 = vector.multi_reduction <minsi>, %select_n3A_228, %reduce_min3A_229 [1] : vector<1024x1024xi32> to vector<1024xi32>
    %broadcast_in_dim3A_231 = vector.shape_cast %reduce_min3A_230 : vector<1024xi32> to vector<1024x1xi32>
    %eq3A_232 = vector.broadcast %broadcast_in_dim3A_231 : vector<1024x1xi32> to vector<1024x1024xi32>
    %eq3A_233 = arith.cmpi eq, %iota3A, %eq3A_232 : vector<1024x1024xi32>
    %jit3A_234 = arith.constant 0xFF800000 : f32
    %broadcast_in_dim3A_235 = vector.broadcast %jit3A_234 : f32 to vector<1024x1024xf32>
    %select_n3A_236 = arith.select %eq3A_233, %broadcast_in_dim3A_235, %get3A_223 : vector<1024x1024xi1>, vector<1024x1024xf32>
    %swap3A_237 = arith.constant 0 : index
    %swap3A_238 = arith.constant 0 : index
    %swap3A_239 = vector.load %arg5[%swap3A_237, %swap3A_238] : memref<1024x1024xf32, #tpu.memory_space<vmem>>, vector<1024x1024xf32>
    tpu.vector_store %arg5[%swap3A_237, %swap3A_238], %select_n3A_236 {strides = array<i32>} : memref<1024x1024xf32, #tpu.memory_space<vmem>>, vector<1024x1024xf32>,
    %reduce_max3A_240 = arith.constant dense<0xFF800000> : vector<1024xf32>
    %reduce_max3A_241 = vector.multi_reduction <maximumf>, %select_n3A_236, %reduce_max3A_240 [1] : vector<1024x1024xf32> to vector<1024xf32>
    %broadcast_in_dim3A_242 = vector.shape_cast %reduce_max3A_241 : vector<1024xf32> to vector<1024x1xf32>
    %get3A_243 = arith.constant 0 : index
    %get3A_244 = arith.constant 0 : index
    %get3A_245 = vector.load %arg5[%get3A_243, %get3A_244] : memref<1024x1024xf32, #tpu.memory_space<vmem>>, vector<1024x1024xf32>
    %eq3A_246 = vector.broadcast %broadcast_in_dim3A_242 : vector<1024x1xf32> to vector<1024x1024xf32>
    %eq3A_247 = arith.cmpf oeq, %get3A_245, %eq3A_246 : vector<1024x1024xf32>
    %jit3A_248 = arith.constant 1024 : i32
    %broadcast_in_dim3A_249 = vector.broadcast %jit3A_248 : i32 to vector<1024x1024xi32>
    %select_n3A_250 = arith.select %eq3A_247, %iota3A, %broadcast_in_dim3A_249 : vector<1024x1024xi1>, vector<1024x1024xi32>
    %reduce_min3A_251 = arith.constant dense<2147483647> : vector<1024xi32>
    %reduce_min3A_252 = vector.multi_reduction <minsi>, %select_n3A_250, %reduce_min3A_251 [1] : vector<1024x1024xi32> to vector<1024xi32>
    %broadcast_in_dim3A_253 = vector.shape_cast %reduce_min3A_252 : vector<1024xi32> to vector<1024x1xi32>
    %eq3A_254 = vector.broadcast %broadcast_in_dim3A_253 : vector<1024x1xi32> to vector<1024x1024xi32>
    %eq3A_255 = arith.cmpi eq, %iota3A, %eq3A_254 : vector<1024x1024xi32>
    %jit3A_256 = arith.constant 0xFF800000 : f32
    %broadcast_in_dim3A_257 = vector.broadcast %jit3A_256 : f32 to vector<1024x1024xf32>
    %select_n3A_258 = arith.select %eq3A_255, %broadcast_in_dim3A_257, %get3A_245 : vector<1024x1024xi1>, vector<1024x1024xf32>
    %swap3A_259 = arith.constant 0 : index
    %swap3A_260 = arith.constant 0 : index
    %swap3A_261 = vector.load %arg5[%swap3A_259, %swap3A_260] : memref<1024x1024xf32, #tpu.memory_space<vmem>>, vector<1024x1024xf32>
    tpu.vector_store %arg5[%swap3A_259, %swap3A_260], %select_n3A_258 {strides = array<i32>} : memref<1024x1024xf32, #tpu.memory_space<vmem>>, vector<1024x1024xf32>,
    %reduce_max3A_262 = arith.constant dense<0xFF800000> : vector<1024xf32>
    %reduce_max3A_263 = vector.multi_reduction <maximumf>, %select_n3A_258, %reduce_max3A_262 [1] : vector<1024x1024xf32> to vector<1024xf32>
    %broadcast_in_dim3A_264 = vector.shape_cast %reduce_max3A_263 : vector<1024xf32> to vector<1024x1xf32>
    %get3A_265 = arith.constant 0 : index
    %get3A_266 = arith.constant 0 : index
    %get3A_267 = vector.load %arg5[%get3A_265, %get3A_266] : memref<1024x1024xf32, #tpu.memory_space<vmem>>, vector<1024x1024xf32>
    %eq3A_268 = vector.broadcast %broadcast_in_dim3A_264 : vector<1024x1xf32> to vector<1024x1024xf32>
    %eq3A_269 = arith.cmpf oeq, %get3A_267, %eq3A_268 : vector<1024x1024xf32>
    %jit3A_270 = arith.constant 1024 : i32
    %broadcast_in_dim3A_271 = vector.broadcast %jit3A_270 : i32 to vector<1024x1024xi32>
    %select_n3A_272 = arith.select %eq3A_269, %iota3A, %broadcast_in_dim3A_271 : vector<1024x1024xi1>, vector<1024x1024xi32>
    %reduce_min3A_273 = arith.constant dense<2147483647> : vector<1024xi32>
    %reduce_min3A_274 = vector.multi_reduction <minsi>, %select_n3A_272, %reduce_min3A_273 [1] : vector<1024x1024xi32> to vector<1024xi32>
    %broadcast_in_dim3A_275 = vector.shape_cast %reduce_min3A_274 : vector<1024xi32> to vector<1024x1xi32>
    %eq3A_276 = vector.broadcast %broadcast_in_dim3A_275 : vector<1024x1xi32> to vector<1024x1024xi32>
    %eq3A_277 = arith.cmpi eq, %iota3A, %eq3A_276 : vector<1024x1024xi32>
    %jit3A_278 = arith.constant 0xFF800000 : f32
    %broadcast_in_dim3A_279 = vector.broadcast %jit3A_278 : f32 to vector<1024x1024xf32>
    %select_n3A_280 = arith.select %eq3A_277, %broadcast_in_dim3A_279, %get3A_267 : vector<1024x1024xi1>, vector<1024x1024xf32>
    %swap3A_281 = arith.constant 0 : index
    %swap3A_282 = arith.constant 0 : index
    %swap3A_283 = vector.load %arg5[%swap3A_281, %swap3A_282] : memref<1024x1024xf32, #tpu.memory_space<vmem>>, vector<1024x1024xf32>
    tpu.vector_store %arg5[%swap3A_281, %swap3A_282], %select_n3A_280 {strides = array<i32>} : memref<1024x1024xf32, #tpu.memory_space<vmem>>, vector<1024x1024xf32>,
    %reduce_max3A_284 = arith.constant dense<0xFF800000> : vector<1024xf32>
    %reduce_max3A_285 = vector.multi_reduction <maximumf>, %select_n3A_280, %reduce_max3A_284 [1] : vector<1024x1024xf32> to vector<1024xf32>
    %broadcast_in_dim3A_286 = vector.shape_cast %reduce_max3A_285 : vector<1024xf32> to vector<1024x1xf32>
    %get3A_287 = arith.constant 0 : index
    %get3A_288 = arith.constant 0 : index
    %get3A_289 = vector.load %arg5[%get3A_287, %get3A_288] : memref<1024x1024xf32, #tpu.memory_space<vmem>>, vector<1024x1024xf32>
    %eq3A_290 = vector.broadcast %broadcast_in_dim3A_286 : vector<1024x1xf32> to vector<1024x1024xf32>
    %eq3A_291 = arith.cmpf oeq, %get3A_289, %eq3A_290 : vector<1024x1024xf32>
    %jit3A_292 = arith.constant 1024 : i32
    %broadcast_in_dim3A_293 = vector.broadcast %jit3A_292 : i32 to vector<1024x1024xi32>
    %select_n3A_294 = arith.select %eq3A_291, %iota3A, %broadcast_in_dim3A_293 : vector<1024x1024xi1>, vector<1024x1024xi32>
    %reduce_min3A_295 = arith.constant dense<2147483647> : vector<1024xi32>
    %reduce_min3A_296 = vector.multi_reduction <minsi>, %select_n3A_294, %reduce_min3A_295 [1] : vector<1024x1024xi32> to vector<1024xi32>
    %broadcast_in_dim3A_297 = vector.shape_cast %reduce_min3A_296 : vector<1024xi32> to vector<1024x1xi32>
    %eq3A_298 = vector.broadcast %broadcast_in_dim3A_297 : vector<1024x1xi32> to vector<1024x1024xi32>
    %eq3A_299 = arith.cmpi eq, %iota3A, %eq3A_298 : vector<1024x1024xi32>
    %jit3A_300 = arith.constant 0xFF800000 : f32
    %broadcast_in_dim3A_301 = vector.broadcast %jit3A_300 : f32 to vector<1024x1024xf32>
    %select_n3A_302 = arith.select %eq3A_299, %broadcast_in_dim3A_301, %get3A_289 : vector<1024x1024xi1>, vector<1024x1024xf32>
    %swap3A_303 = arith.constant 0 : index
    %swap3A_304 = arith.constant 0 : index
    %swap3A_305 = vector.load %arg5[%swap3A_303, %swap3A_304] : memref<1024x1024xf32, #tpu.memory_space<vmem>>, vector<1024x1024xf32>
    tpu.vector_store %arg5[%swap3A_303, %swap3A_304], %select_n3A_302 {strides = array<i32>} : memref<1024x1024xf32, #tpu.memory_space<vmem>>, vector<1024x1024xf32>,
    %reduce_max3A_306 = arith.constant dense<0xFF800000> : vector<1024xf32>
    %reduce_max3A_307 = vector.multi_reduction <maximumf>, %select_n3A_302, %reduce_max3A_306 [1] : vector<1024x1024xf32> to vector<1024xf32>
    %broadcast_in_dim3A_308 = vector.shape_cast %reduce_max3A_307 : vector<1024xf32> to vector<1024x1xf32>
    %get3A_309 = arith.constant 0 : index
    %get3A_310 = arith.constant 0 : index
    %get3A_311 = vector.load %arg5[%get3A_309, %get3A_310] : memref<1024x1024xf32, #tpu.memory_space<vmem>>, vector<1024x1024xf32>
    %eq3A_312 = vector.broadcast %broadcast_in_dim3A_308 : vector<1024x1xf32> to vector<1024x1024xf32>
    %eq3A_313 = arith.cmpf oeq, %get3A_311, %eq3A_312 : vector<1024x1024xf32>
    %jit3A_314 = arith.constant 1024 : i32
    %broadcast_in_dim3A_315 = vector.broadcast %jit3A_314 : i32 to vector<1024x1024xi32>
    %select_n3A_316 = arith.select %eq3A_313, %iota3A, %broadcast_in_dim3A_315 : vector<1024x1024xi1>, vector<1024x1024xi32>
    %reduce_min3A_317 = arith.constant dense<2147483647> : vector<1024xi32>
    %reduce_min3A_318 = vector.multi_reduction <minsi>, %select_n3A_316, %reduce_min3A_317 [1] : vector<1024x1024xi32> to vector<1024xi32>
    %broadcast_in_dim3A_319 = vector.shape_cast %reduce_min3A_318 : vector<1024xi32> to vector<1024x1xi32>
    %eq3A_320 = vector.broadcast %broadcast_in_dim3A_319 : vector<1024x1xi32> to vector<1024x1024xi32>
    %eq3A_321 = arith.cmpi eq, %iota3A, %eq3A_320 : vector<1024x1024xi32>
    %jit3A_322 = arith.constant 0xFF800000 : f32
    %broadcast_in_dim3A_323 = vector.broadcast %jit3A_322 : f32 to vector<1024x1024xf32>
    %select_n3A_324 = arith.select %eq3A_321, %broadcast_in_dim3A_323, %get3A_311 : vector<1024x1024xi1>, vector<1024x1024xf32>
    %swap3A_325 = arith.constant 0 : index
    %swap3A_326 = arith.constant 0 : index
    %swap3A_327 = vector.load %arg5[%swap3A_325, %swap3A_326] : memref<1024x1024xf32, #tpu.memory_space<vmem>>, vector<1024x1024xf32>
    tpu.vector_store %arg5[%swap3A_325, %swap3A_326], %select_n3A_324 {strides = array<i32>} : memref<1024x1024xf32, #tpu.memory_space<vmem>>, vector<1024x1024xf32>,
    %reduce_max3A_328 = arith.constant dense<0xFF800000> : vector<1024xf32>
    %reduce_max3A_329 = vector.multi_reduction <maximumf>, %select_n3A_324, %reduce_max3A_328 [1] : vector<1024x1024xf32> to vector<1024xf32>
    %broadcast_in_dim3A_330 = vector.shape_cast %reduce_max3A_329 : vector<1024xf32> to vector<1024x1xf32>
    %get3A_331 = arith.constant 0 : index
    %get3A_332 = arith.constant 0 : index
    %get3A_333 = vector.load %arg5[%get3A_331, %get3A_332] : memref<1024x1024xf32, #tpu.memory_space<vmem>>, vector<1024x1024xf32>
    %eq3A_334 = vector.broadcast %broadcast_in_dim3A_330 : vector<1024x1xf32> to vector<1024x1024xf32>
    %eq3A_335 = arith.cmpf oeq, %get3A_333, %eq3A_334 : vector<1024x1024xf32>
    %jit3A_336 = arith.constant 1024 : i32
    %broadcast_in_dim3A_337 = vector.broadcast %jit3A_336 : i32 to vector<1024x1024xi32>
    %select_n3A_338 = arith.select %eq3A_335, %iota3A, %broadcast_in_dim3A_337 : vector<1024x1024xi1>, vector<1024x1024xi32>
    %reduce_min3A_339 = arith.constant dense<2147483647> : vector<1024xi32>
    %reduce_min3A_340 = vector.multi_reduction <minsi>, %select_n3A_338, %reduce_min3A_339 [1] : vector<1024x1024xi32> to vector<1024xi32>
    %broadcast_in_dim3A_341 = vector.shape_cast %reduce_min3A_340 : vector<1024xi32> to vector<1024x1xi32>
    %eq3A_342 = vector.broadcast %broadcast_in_dim3A_341 : vector<1024x1xi32> to vector<1024x1024xi32>
    %eq3A_343 = arith.cmpi eq, %iota3A, %eq3A_342 : vector<1024x1024xi32>
    %jit3A_344 = arith.constant 0xFF800000 : f32
    %broadcast_in_dim3A_345 = vector.broadcast %jit3A_344 : f32 to vector<1024x1024xf32>
    %select_n3A_346 = arith.select %eq3A_343, %broadcast_in_dim3A_345, %get3A_333 : vector<1024x1024xi1>, vector<1024x1024xf32>
    %swap3A_347 = arith.constant 0 : index
    %swap3A_348 = arith.constant 0 : index
    %swap3A_349 = vector.load %arg5[%swap3A_347, %swap3A_348] : memref<1024x1024xf32, #tpu.memory_space<vmem>>, vector<1024x1024xf32>
    tpu.vector_store %arg5[%swap3A_347, %swap3A_348], %select_n3A_346 {strides = array<i32>} : memref<1024x1024xf32, #tpu.memory_space<vmem>>, vector<1024x1024xf32>,
    %reduce_max3A_350 = arith.constant dense<0xFF800000> : vector<1024xf32>
    %reduce_max3A_351 = vector.multi_reduction <maximumf>, %select_n3A_346, %reduce_max3A_350 [1] : vector<1024x1024xf32> to vector<1024xf32>
    %broadcast_in_dim3A_352 = vector.shape_cast %reduce_max3A_351 : vector<1024xf32> to vector<1024x1xf32>
    %get3A_353 = arith.constant 0 : index
    %get3A_354 = arith.constant 0 : index
    %get3A_355 = vector.load %arg5[%get3A_353, %get3A_354] : memref<1024x1024xf32, #tpu.memory_space<vmem>>, vector<1024x1024xf32>
    %eq3A_356 = vector.broadcast %broadcast_in_dim3A_352 : vector<1024x1xf32> to vector<1024x1024xf32>
    %eq3A_357 = arith.cmpf oeq, %get3A_355, %eq3A_356 : vector<1024x1024xf32>
    %jit3A_358 = arith.constant 1024 : i32
    %broadcast_in_dim3A_359 = vector.broadcast %jit3A_358 : i32 to vector<1024x1024xi32>
    %select_n3A_360 = arith.select %eq3A_357, %iota3A, %broadcast_in_dim3A_359 : vector<1024x1024xi1>, vector<1024x1024xi32>
    %reduce_min3A_361 = arith.constant dense<2147483647> : vector<1024xi32>
    %reduce_min3A_362 = vector.multi_reduction <minsi>, %select_n3A_360, %reduce_min3A_361 [1] : vector<1024x1024xi32> to vector<1024xi32>
    %broadcast_in_dim3A_363 = vector.shape_cast %reduce_min3A_362 : vector<1024xi32> to vector<1024x1xi32>
    %eq3A_364 = vector.broadcast %broadcast_in_dim3A_363 : vector<1024x1xi32> to vector<1024x1024xi32>
    %eq3A_365 = arith.cmpi eq, %iota3A, %eq3A_364 : vector<1024x1024xi32>
    %jit3A_366 = arith.constant 0xFF800000 : f32
    %broadcast_in_dim3A_367 = vector.broadcast %jit3A_366 : f32 to vector<1024x1024xf32>
    %select_n3A_368 = arith.select %eq3A_365, %broadcast_in_dim3A_367, %get3A_355 : vector<1024x1024xi1>, vector<1024x1024xf32>
    %swap3A_369 = arith.constant 0 : index
    %swap3A_370 = arith.constant 0 : index
    %swap3A_371 = vector.load %arg5[%swap3A_369, %swap3A_370] : memref<1024x1024xf32, #tpu.memory_space<vmem>>, vector<1024x1024xf32>
    tpu.vector_store %arg5[%swap3A_369, %swap3A_370], %select_n3A_368 {strides = array<i32>} : memref<1024x1024xf32, #tpu.memory_space<vmem>>, vector<1024x1024xf32>,
    %reduce_max3A_372 = arith.constant dense<0xFF800000> : vector<1024xf32>
    %reduce_max3A_373 = vector.multi_reduction <maximumf>, %select_n3A_368, %reduce_max3A_372 [1] : vector<1024x1024xf32> to vector<1024xf32>
    %broadcast_in_dim3A_374 = vector.shape_cast %reduce_max3A_373 : vector<1024xf32> to vector<1024x1xf32>
    %get3A_375 = arith.constant 0 : index
    %get3A_376 = arith.constant 0 : index
    %get3A_377 = vector.load %arg5[%get3A_375, %get3A_376] : memref<1024x1024xf32, #tpu.memory_space<vmem>>, vector<1024x1024xf32>
    %eq3A_378 = vector.broadcast %broadcast_in_dim3A_374 : vector<1024x1xf32> to vector<1024x1024xf32>
    %eq3A_379 = arith.cmpf oeq, %get3A_377, %eq3A_378 : vector<1024x1024xf32>
    %jit3A_380 = arith.constant 1024 : i32
    %broadcast_in_dim3A_381 = vector.broadcast %jit3A_380 : i32 to vector<1024x1024xi32>
    %select_n3A_382 = arith.select %eq3A_379, %iota3A, %broadcast_in_dim3A_381 : vector<1024x1024xi1>, vector<1024x1024xi32>
    %reduce_min3A_383 = arith.constant dense<2147483647> : vector<1024xi32>
    %reduce_min3A_384 = vector.multi_reduction <minsi>, %select_n3A_382, %reduce_min3A_383 [1] : vector<1024x1024xi32> to vector<1024xi32>
    %broadcast_in_dim3A_385 = vector.shape_cast %reduce_min3A_384 : vector<1024xi32> to vector<1024x1xi32>
    %eq3A_386 = vector.broadcast %broadcast_in_dim3A_385 : vector<1024x1xi32> to vector<1024x1024xi32>
    %eq3A_387 = arith.cmpi eq, %iota3A, %eq3A_386 : vector<1024x1024xi32>
    %jit3A_388 = arith.constant 0xFF800000 : f32
    %broadcast_in_dim3A_389 = vector.broadcast %jit3A_388 : f32 to vector<1024x1024xf32>
    %select_n3A_390 = arith.select %eq3A_387, %broadcast_in_dim3A_389, %get3A_377 : vector<1024x1024xi1>, vector<1024x1024xf32>
    %swap3A_391 = arith.constant 0 : index
    %swap3A_392 = arith.constant 0 : index
    %swap3A_393 = vector.load %arg5[%swap3A_391, %swap3A_392] : memref<1024x1024xf32, #tpu.memory_space<vmem>>, vector<1024x1024xf32>
    tpu.vector_store %arg5[%swap3A_391, %swap3A_392], %select_n3A_390 {strides = array<i32>} : memref<1024x1024xf32, #tpu.memory_space<vmem>>, vector<1024x1024xf32>,
    %reduce_max3A_394 = arith.constant dense<0xFF800000> : vector<1024xf32>
    %reduce_max3A_395 = vector.multi_reduction <maximumf>, %select_n3A_390, %reduce_max3A_394 [1] : vector<1024x1024xf32> to vector<1024xf32>
    %broadcast_in_dim3A_396 = vector.shape_cast %reduce_max3A_395 : vector<1024xf32> to vector<1024x1xf32>
    %get3A_397 = arith.constant 0 : index
    %get3A_398 = arith.constant 0 : index
    %get3A_399 = vector.load %arg5[%get3A_397, %get3A_398] : memref<1024x1024xf32, #tpu.memory_space<vmem>>, vector<1024x1024xf32>
    %eq3A_400 = vector.broadcast %broadcast_in_dim3A_396 : vector<1024x1xf32> to vector<1024x1024xf32>
    %eq3A_401 = arith.cmpf oeq, %get3A_399, %eq3A_400 : vector<1024x1024xf32>
    %jit3A_402 = arith.constant 1024 : i32
    %broadcast_in_dim3A_403 = vector.broadcast %jit3A_402 : i32 to vector<1024x1024xi32>
    %select_n3A_404 = arith.select %eq3A_401, %iota3A, %broadcast_in_dim3A_403 : vector<1024x1024xi1>, vector<1024x1024xi32>
    %reduce_min3A_405 = arith.constant dense<2147483647> : vector<1024xi32>
    %reduce_min3A_406 = vector.multi_reduction <minsi>, %select_n3A_404, %reduce_min3A_405 [1] : vector<1024x1024xi32> to vector<1024xi32>
    %broadcast_in_dim3A_407 = vector.shape_cast %reduce_min3A_406 : vector<1024xi32> to vector<1024x1xi32>
    %eq3A_408 = vector.broadcast %broadcast_in_dim3A_407 : vector<1024x1xi32> to vector<1024x1024xi32>
    %eq3A_409 = arith.cmpi eq, %iota3A, %eq3A_408 : vector<1024x1024xi32>
    %jit3A_410 = arith.constant 0xFF800000 : f32
    %broadcast_in_dim3A_411 = vector.broadcast %jit3A_410 : f32 to vector<1024x1024xf32>
    %select_n3A_412 = arith.select %eq3A_409, %broadcast_in_dim3A_411, %get3A_399 : vector<1024x1024xi1>, vector<1024x1024xf32>
    %swap3A_413 = arith.constant 0 : index
    %swap3A_414 = arith.constant 0 : index
    %swap3A_415 = vector.load %arg5[%swap3A_413, %swap3A_414] : memref<1024x1024xf32, #tpu.memory_space<vmem>>, vector<1024x1024xf32>
    tpu.vector_store %arg5[%swap3A_413, %swap3A_414], %select_n3A_412 {strides = array<i32>} : memref<1024x1024xf32, #tpu.memory_space<vmem>>, vector<1024x1024xf32>,
    %reduce_max3A_416 = arith.constant dense<0xFF800000> : vector<1024xf32>
    %reduce_max3A_417 = vector.multi_reduction <maximumf>, %select_n3A_412, %reduce_max3A_416 [1] : vector<1024x1024xf32> to vector<1024xf32>
    %broadcast_in_dim3A_418 = vector.shape_cast %reduce_max3A_417 : vector<1024xf32> to vector<1024x1xf32>
    %get3A_419 = arith.constant 0 : index
    %get3A_420 = arith.constant 0 : index
    %get3A_421 = vector.load %arg5[%get3A_419, %get3A_420] : memref<1024x1024xf32, #tpu.memory_space<vmem>>, vector<1024x1024xf32>
    %eq3A_422 = vector.broadcast %broadcast_in_dim3A_418 : vector<1024x1xf32> to vector<1024x1024xf32>
    %eq3A_423 = arith.cmpf oeq, %get3A_421, %eq3A_422 : vector<1024x1024xf32>
    %jit3A_424 = arith.constant 1024 : i32
    %broadcast_in_dim3A_425 = vector.broadcast %jit3A_424 : i32 to vector<1024x1024xi32>
    %select_n3A_426 = arith.select %eq3A_423, %iota3A, %broadcast_in_dim3A_425 : vector<1024x1024xi1>, vector<1024x1024xi32>
    %reduce_min3A_427 = arith.constant dense<2147483647> : vector<1024xi32>
    %reduce_min3A_428 = vector.multi_reduction <minsi>, %select_n3A_426, %reduce_min3A_427 [1] : vector<1024x1024xi32> to vector<1024xi32>
    %broadcast_in_dim3A_429 = vector.shape_cast %reduce_min3A_428 : vector<1024xi32> to vector<1024x1xi32>
    %eq3A_430 = vector.broadcast %broadcast_in_dim3A_429 : vector<1024x1xi32> to vector<1024x1024xi32>
    %eq3A_431 = arith.cmpi eq, %iota3A, %eq3A_430 : vector<1024x1024xi32>
    %jit3A_432 = arith.constant 0xFF800000 : f32
    %broadcast_in_dim3A_433 = vector.broadcast %jit3A_432 : f32 to vector<1024x1024xf32>
    %select_n3A_434 = arith.select %eq3A_431, %broadcast_in_dim3A_433, %get3A_421 : vector<1024x1024xi1>, vector<1024x1024xf32>
    %swap3A_435 = arith.constant 0 : index
    %swap3A_436 = arith.constant 0 : index
    %swap3A_437 = vector.load %arg5[%swap3A_435, %swap3A_436] : memref<1024x1024xf32, #tpu.memory_space<vmem>>, vector<1024x1024xf32>
    tpu.vector_store %arg5[%swap3A_435, %swap3A_436], %select_n3A_434 {strides = array<i32>} : memref<1024x1024xf32, #tpu.memory_space<vmem>>, vector<1024x1024xf32>,
    %reduce_max3A_438 = arith.constant dense<0xFF800000> : vector<1024xf32>
    %reduce_max3A_439 = vector.multi_reduction <maximumf>, %select_n3A_434, %reduce_max3A_438 [1] : vector<1024x1024xf32> to vector<1024xf32>
    %broadcast_in_dim3A_440 = vector.shape_cast %reduce_max3A_439 : vector<1024xf32> to vector<1024x1xf32>
    %get3A_441 = arith.constant 0 : index
    %get3A_442 = arith.constant 0 : index
    %get3A_443 = vector.load %arg5[%get3A_441, %get3A_442] : memref<1024x1024xf32, #tpu.memory_space<vmem>>, vector<1024x1024xf32>
    %eq3A_444 = vector.broadcast %broadcast_in_dim3A_440 : vector<1024x1xf32> to vector<1024x1024xf32>
    %eq3A_445 = arith.cmpf oeq, %get3A_443, %eq3A_444 : vector<1024x1024xf32>
    %jit3A_446 = arith.constant 1024 : i32
    %broadcast_in_dim3A_447 = vector.broadcast %jit3A_446 : i32 to vector<1024x1024xi32>
    %select_n3A_448 = arith.select %eq3A_445, %iota3A, %broadcast_in_dim3A_447 : vector<1024x1024xi1>, vector<1024x1024xi32>
    %reduce_min3A_449 = arith.constant dense<2147483647> : vector<1024xi32>
    %reduce_min3A_450 = vector.multi_reduction <minsi>, %select_n3A_448, %reduce_min3A_449 [1] : vector<1024x1024xi32> to vector<1024xi32>
    %broadcast_in_dim3A_451 = vector.shape_cast %reduce_min3A_450 : vector<1024xi32> to vector<1024x1xi32>
    %concatenate3A = tpu.concatenate %broadcast_in_dim3A_33, %broadcast_in_dim3A_55, %broadcast_in_dim3A_77, %broadcast_in_dim3A_99, %broadcast_in_dim3A_121, %broadcast_in_dim3A_143, %broadcast_in_dim3A_165, %broadcast_in_dim3A_187, %broadcast_in_dim3A_209, %broadcast_in_dim3A_231, %broadcast_in_dim3A_253, %broadcast_in_dim3A_275, %broadcast_in_dim3A_297, %broadcast_in_dim3A_319, %broadcast_in_dim3A_341, %broadcast_in_dim3A_363, %broadcast_in_dim3A_385, %broadcast_in_dim3A_407, %broadcast_in_dim3A_429, %broadcast_in_dim3A_451 in 1 : vector<1024x1xi32>, vector<1024x1xi32>, vector<1024x1xi32>, vector<1024x1xi32>, vector<1024x1xi32>, vector<1024x1xi32>, vector<1024x1xi32>, vector<1024x1xi32>, vector<1024x1xi32>, vector<1024x1xi32>, vector<1024x1xi32>, vector<1024x1xi32>, vector<1024x1xi32>, vector<1024x1xi32>, vector<1024x1xi32>, vector<1024x1xi32>, vector<1024x1xi32>, vector<1024x1xi32>, vector<1024x1xi32>, vector<1024x1xi32> -> vector<1024x20xi32>
    %mul3A_452 = arith.constant 1024 : i32
    %mul3A_453 = arith.muli %arg0, %mul3A_452 : i32
    %add3A_454 = vector.broadcast %mul3A_453 : i32 to vector<1024x20xi32>
    %add3A_455 = arith.addi %concatenate3A, %add3A_454 : vector<1024x20xi32>
    %swap3A_456 = arith.constant 0 : index
    %swap3A_457 = arith.constant 0 : index
    %swap3A_458 = arith.constant 0 : index
    %swap3A_459 = vector.load %arg3[%swap3A_456, %swap3A_457, %swap3A_458] : memref<1x1024x20xi32, #tpu.memory_space<vmem>>, vector<1x1024x20xi32>
    %swap3A_460 = vector.shape_cast %swap3A_459 : vector<1x1024x20xi32> to vector<1024x20xi32>
    %swap3A_461 = vector.shape_cast %add3A_455 : vector<1024x20xi32> to vector<1x1024x20xi32>
    tpu.vector_store %arg3[%swap3A_456, %swap3A_457, %swap3A_458], %swap3A_461 {strides = array<i32>} : memref<1x1024x20xi32, #tpu.memory_space<vmem>>, vector<1x1024x20xi32>,
    %swap3A_462 = arith.constant 0 : index
    %swap3A_463 = arith.constant 0 : index
    %swap3A_464 = arith.constant 0 : index
    %swap3A_465 = vector.load %arg4[%swap3A_462, %swap3A_463, %swap3A_464] : memref<1x1024x64xf32, #tpu.memory_space<vmem>>, vector<1x1024x64xf32>
    %swap3A_466 = vector.shape_cast %swap3A_465 : vector<1x1024x64xf32> to vector<1024x64xf32>
    %swap3A_467 = vector.shape_cast %dot_general3A_21 : vector<1024x64xf32> to vector<1x1024x64xf32>
    tpu.vector_store %arg4[%swap3A_462, %swap3A_463, %swap3A_464], %swap3A_467 {strides = array<i32>} : memref<1x1024x64xf32, #tpu.memory_space<vmem>>, vector<1x1024x64xf32>,
    return
  }
  func.func @transform_0(%arg0: i32) -> (i32, i32, i32) {
    %c0_i32 = arith.constant 0 : i32
    %c0_i32_0 = arith.constant 0 : i32
    %c0_i32_1 = arith.constant 0 : i32
    return %arg0, %c0_i32, %c0_i32_0 : i32, i32, i32
  }
  func.func @transform_1(%arg0: i32) -> (i32, i32) {
    %c0_i32 = arith.constant 0 : i32
    %c0_i32_0 = arith.constant 0 : i32
    %c0_i32_1 = arith.constant 0 : i32
    return %c0_i32, %c0_i32_0 : i32, i32
  }
  func.func @transform_2(%arg0: i32) -> (i32, i32, i32) {
    %c0_i32 = arith.constant 0 : i32
    %c0_i32_0 = arith.constant 0 : i32
    %c0_i32_1 = arith.constant 0 : i32
    return %arg0, %c0_i32, %c0_i32_0 : i32, i32, i32
  }
  func.func @transform_3(%arg0: i32) -> (i32, i32, i32) {
    %c0_i32 = arith.constant 0 : i32
    %c0_i32_0 = arith.constant 0 : i32
    %c0_i32_1 = arith.constant 0 : i32
    return %arg0, %c0_i32, %c0_i32_0 : i32, i32, i32
  }
}

module attributes {stable_mosaic.version = 14 : i64} {
  func.func @_agg_body(%arg0: i32, %arg1: memref<1x1024x20x16xf32, #tpu.memory_space<vmem>>, %arg2: memref<1x1024x16xf32, #tpu.memory_space<vmem>>, %arg3: memref<1x1024x64xf32, #tpu.memory_space<vmem>>, %arg4: memref<64x16xf32, #tpu.memory_space<vmem>>, %arg5: memref<64xf32, #tpu.memory_space<vmem>>, %arg6: memref<64xf32, #tpu.memory_space<vmem>>, %arg7: memref<1x1024x64xf32, #tpu.memory_space<vmem>>) attributes {dimension_semantics = [#tpu.dimension_semantics<arbitrary>], iteration_bounds = array<i64: 4>, scalar_prefetch = 0 : i64, scratch_operands = 0 : i64, tpu.core_type = #tpu.core_type<tc>, window_params = [{transform_indices = @transform_0, window_bounds = array<i64: 1, 1024, 20, 16>}, {transform_indices = @transform_1, window_bounds = array<i64: 1, 1024, 16>}, {transform_indices = @transform_2, window_bounds = array<i64: 1, 1024, 64>}, {pipeline_mode = #tpu.pipeline_mode<synchronous>, transform_indices = @transform_3, window_bounds = array<i64: 64, 16>}, {pipeline_mode = #tpu.pipeline_mode<synchronous>, transform_indices = @transform_4, window_bounds = array<i64: 64>}, {pipeline_mode = #tpu.pipeline_mode<synchronous>, transform_indices = @transform_5, window_bounds = array<i64: 64>}, {transform_indices = @transform_6, window_bounds = array<i64: 1, 1024, 64>}]} {
    %get3A = arith.constant 0 : index
    %get3A_0 = arith.constant 0 : index
    %get3A_1 = arith.constant 0 : index
    %get3A_2 = vector.load %arg2[%get3A, %get3A_0, %get3A_1] : memref<1x1024x16xf32, #tpu.memory_space<vmem>>, vector<1x1024x16xf32>
    %get3A_3 = vector.shape_cast %get3A_2 : vector<1x1024x16xf32> to vector<1024x16xf32>
    %get3A_4 = arith.constant 0 : index
    %get3A_5 = arith.constant 0 : index
    %get3A_6 = arith.constant 0 : index
    %get3A_7 = vector.load %arg3[%get3A_4, %get3A_5, %get3A_6] : memref<1x1024x64xf32, #tpu.memory_space<vmem>>, vector<1x1024x64xf32>
    %get3A_8 = vector.shape_cast %get3A_7 : vector<1x1024x64xf32> to vector<1024x64xf32>
    %get3A_9 = arith.constant 0 : index
    %get3A_10 = arith.constant 0 : index
    %get3A_11 = vector.load %arg4[%get3A_9, %get3A_10] : memref<64x16xf32, #tpu.memory_space<vmem>>, vector<64x16xf32>
    %get3A_12 = arith.constant 0 : index
    %get3A_13 = vector.load %arg5[%get3A_12] : memref<64xf32, #tpu.memory_space<vmem>>, vector<64xf32>
    %get3A_14 = arith.constant 0 : index
    %get3A_15 = vector.load %arg6[%get3A_14] : memref<64xf32, #tpu.memory_space<vmem>>, vector<64xf32>
    %convert_element_type3A = arith.truncf %get3A_11 : vector<64x16xf32> to vector<64x16xbf16>
    %get3A_16 = arith.constant 0 : index
    %get3A_17 = arith.constant 0 : index
    %get3A_18 = arith.constant 0 : index
    %get3A_19 = arith.constant 0 : index
    %get3A_20 = vector.load %arg1[%get3A_16, %get3A_17, %get3A_18, %get3A_19] : memref<1x1024x20x16xf32, #tpu.memory_space<vmem>>, vector<1x1024x1x16xf32>
    %get3A_21 = vector.shape_cast %get3A_20 : vector<1x1024x1x16xf32> to vector<1024x16xf32>
    %sub3A = arith.subf %get3A_21, %get3A_3 : vector<1024x16xf32>
    %convert_element_type3A_22 = arith.truncf %sub3A : vector<1024x16xf32> to vector<1024x16xbf16>
    %dot_general3A = arith.constant dense<0.000000e+00> : vector<1024x64xf32>
    %dot_general3A_23 = tpu.matmul %convert_element_type3A_22, %convert_element_type3A, %dot_general3A {dimension_numbers = #tpu.dot_dimension_numbers<[1], [1], [0], [0], [0, 0, 1, 0], [], []>, transpose_lhs_hint = false} : vector<1024x16xbf16>, vector<64x16xbf16>, vector<1024x64xf32> -> vector<1024x64xf32>
    %get3A_24 = arith.constant 0 : index
    %get3A_25 = arith.constant 0 : index
    %get3A_26 = arith.constant 1 : index
    %get3A_27 = arith.constant 0 : index
    %get3A_28 = vector.load %arg1[%get3A_24, %get3A_25, %get3A_26, %get3A_27] : memref<1x1024x20x16xf32, #tpu.memory_space<vmem>>, vector<1x1024x1x16xf32>
    %get3A_29 = vector.shape_cast %get3A_28 : vector<1x1024x1x16xf32> to vector<1024x16xf32>
    %sub3A_30 = arith.subf %get3A_29, %get3A_3 : vector<1024x16xf32>
    %convert_element_type3A_31 = arith.truncf %sub3A_30 : vector<1024x16xf32> to vector<1024x16xbf16>
    %dot_general3A_32 = arith.constant dense<0.000000e+00> : vector<1024x64xf32>
    %dot_general3A_33 = tpu.matmul %convert_element_type3A_31, %convert_element_type3A, %dot_general3A_32 {dimension_numbers = #tpu.dot_dimension_numbers<[1], [1], [0], [0], [0, 0, 1, 0], [], []>, transpose_lhs_hint = false} : vector<1024x16xbf16>, vector<64x16xbf16>, vector<1024x64xf32> -> vector<1024x64xf32>
    %max3A = arith.maximumf %dot_general3A_23, %dot_general3A_33 : vector<1024x64xf32>
    %get3A_34 = arith.constant 0 : index
    %get3A_35 = arith.constant 0 : index
    %get3A_36 = arith.constant 2 : index
    %get3A_37 = arith.constant 0 : index
    %get3A_38 = vector.load %arg1[%get3A_34, %get3A_35, %get3A_36, %get3A_37] : memref<1x1024x20x16xf32, #tpu.memory_space<vmem>>, vector<1x1024x1x16xf32>
    %get3A_39 = vector.shape_cast %get3A_38 : vector<1x1024x1x16xf32> to vector<1024x16xf32>
    %sub3A_40 = arith.subf %get3A_39, %get3A_3 : vector<1024x16xf32>
    %convert_element_type3A_41 = arith.truncf %sub3A_40 : vector<1024x16xf32> to vector<1024x16xbf16>
    %dot_general3A_42 = arith.constant dense<0.000000e+00> : vector<1024x64xf32>
    %dot_general3A_43 = tpu.matmul %convert_element_type3A_41, %convert_element_type3A, %dot_general3A_42 {dimension_numbers = #tpu.dot_dimension_numbers<[1], [1], [0], [0], [0, 0, 1, 0], [], []>, transpose_lhs_hint = false} : vector<1024x16xbf16>, vector<64x16xbf16>, vector<1024x64xf32> -> vector<1024x64xf32>
    %max3A_44 = arith.maximumf %max3A, %dot_general3A_43 : vector<1024x64xf32>
    %get3A_45 = arith.constant 0 : index
    %get3A_46 = arith.constant 0 : index
    %get3A_47 = arith.constant 3 : index
    %get3A_48 = arith.constant 0 : index
    %get3A_49 = vector.load %arg1[%get3A_45, %get3A_46, %get3A_47, %get3A_48] : memref<1x1024x20x16xf32, #tpu.memory_space<vmem>>, vector<1x1024x1x16xf32>
    %get3A_50 = vector.shape_cast %get3A_49 : vector<1x1024x1x16xf32> to vector<1024x16xf32>
    %sub3A_51 = arith.subf %get3A_50, %get3A_3 : vector<1024x16xf32>
    %convert_element_type3A_52 = arith.truncf %sub3A_51 : vector<1024x16xf32> to vector<1024x16xbf16>
    %dot_general3A_53 = arith.constant dense<0.000000e+00> : vector<1024x64xf32>
    %dot_general3A_54 = tpu.matmul %convert_element_type3A_52, %convert_element_type3A, %dot_general3A_53 {dimension_numbers = #tpu.dot_dimension_numbers<[1], [1], [0], [0], [0, 0, 1, 0], [], []>, transpose_lhs_hint = false} : vector<1024x16xbf16>, vector<64x16xbf16>, vector<1024x64xf32> -> vector<1024x64xf32>
    %max3A_55 = arith.maximumf %max3A_44, %dot_general3A_54 : vector<1024x64xf32>
    %get3A_56 = arith.constant 0 : index
    %get3A_57 = arith.constant 0 : index
    %get3A_58 = arith.constant 4 : index
    %get3A_59 = arith.constant 0 : index
    %get3A_60 = vector.load %arg1[%get3A_56, %get3A_57, %get3A_58, %get3A_59] : memref<1x1024x20x16xf32, #tpu.memory_space<vmem>>, vector<1x1024x1x16xf32>
    %get3A_61 = vector.shape_cast %get3A_60 : vector<1x1024x1x16xf32> to vector<1024x16xf32>
    %sub3A_62 = arith.subf %get3A_61, %get3A_3 : vector<1024x16xf32>
    %convert_element_type3A_63 = arith.truncf %sub3A_62 : vector<1024x16xf32> to vector<1024x16xbf16>
    %dot_general3A_64 = arith.constant dense<0.000000e+00> : vector<1024x64xf32>
    %dot_general3A_65 = tpu.matmul %convert_element_type3A_63, %convert_element_type3A, %dot_general3A_64 {dimension_numbers = #tpu.dot_dimension_numbers<[1], [1], [0], [0], [0, 0, 1, 0], [], []>, transpose_lhs_hint = false} : vector<1024x16xbf16>, vector<64x16xbf16>, vector<1024x64xf32> -> vector<1024x64xf32>
    %max3A_66 = arith.maximumf %max3A_55, %dot_general3A_65 : vector<1024x64xf32>
    %get3A_67 = arith.constant 0 : index
    %get3A_68 = arith.constant 0 : index
    %get3A_69 = arith.constant 5 : index
    %get3A_70 = arith.constant 0 : index
    %get3A_71 = vector.load %arg1[%get3A_67, %get3A_68, %get3A_69, %get3A_70] : memref<1x1024x20x16xf32, #tpu.memory_space<vmem>>, vector<1x1024x1x16xf32>
    %get3A_72 = vector.shape_cast %get3A_71 : vector<1x1024x1x16xf32> to vector<1024x16xf32>
    %sub3A_73 = arith.subf %get3A_72, %get3A_3 : vector<1024x16xf32>
    %convert_element_type3A_74 = arith.truncf %sub3A_73 : vector<1024x16xf32> to vector<1024x16xbf16>
    %dot_general3A_75 = arith.constant dense<0.000000e+00> : vector<1024x64xf32>
    %dot_general3A_76 = tpu.matmul %convert_element_type3A_74, %convert_element_type3A, %dot_general3A_75 {dimension_numbers = #tpu.dot_dimension_numbers<[1], [1], [0], [0], [0, 0, 1, 0], [], []>, transpose_lhs_hint = false} : vector<1024x16xbf16>, vector<64x16xbf16>, vector<1024x64xf32> -> vector<1024x64xf32>
    %max3A_77 = arith.maximumf %max3A_66, %dot_general3A_76 : vector<1024x64xf32>
    %get3A_78 = arith.constant 0 : index
    %get3A_79 = arith.constant 0 : index
    %get3A_80 = arith.constant 6 : index
    %get3A_81 = arith.constant 0 : index
    %get3A_82 = vector.load %arg1[%get3A_78, %get3A_79, %get3A_80, %get3A_81] : memref<1x1024x20x16xf32, #tpu.memory_space<vmem>>, vector<1x1024x1x16xf32>
    %get3A_83 = vector.shape_cast %get3A_82 : vector<1x1024x1x16xf32> to vector<1024x16xf32>
    %sub3A_84 = arith.subf %get3A_83, %get3A_3 : vector<1024x16xf32>
    %convert_element_type3A_85 = arith.truncf %sub3A_84 : vector<1024x16xf32> to vector<1024x16xbf16>
    %dot_general3A_86 = arith.constant dense<0.000000e+00> : vector<1024x64xf32>
    %dot_general3A_87 = tpu.matmul %convert_element_type3A_85, %convert_element_type3A, %dot_general3A_86 {dimension_numbers = #tpu.dot_dimension_numbers<[1], [1], [0], [0], [0, 0, 1, 0], [], []>, transpose_lhs_hint = false} : vector<1024x16xbf16>, vector<64x16xbf16>, vector<1024x64xf32> -> vector<1024x64xf32>
    %max3A_88 = arith.maximumf %max3A_77, %dot_general3A_87 : vector<1024x64xf32>
    %get3A_89 = arith.constant 0 : index
    %get3A_90 = arith.constant 0 : index
    %get3A_91 = arith.constant 7 : index
    %get3A_92 = arith.constant 0 : index
    %get3A_93 = vector.load %arg1[%get3A_89, %get3A_90, %get3A_91, %get3A_92] : memref<1x1024x20x16xf32, #tpu.memory_space<vmem>>, vector<1x1024x1x16xf32>
    %get3A_94 = vector.shape_cast %get3A_93 : vector<1x1024x1x16xf32> to vector<1024x16xf32>
    %sub3A_95 = arith.subf %get3A_94, %get3A_3 : vector<1024x16xf32>
    %convert_element_type3A_96 = arith.truncf %sub3A_95 : vector<1024x16xf32> to vector<1024x16xbf16>
    %dot_general3A_97 = arith.constant dense<0.000000e+00> : vector<1024x64xf32>
    %dot_general3A_98 = tpu.matmul %convert_element_type3A_96, %convert_element_type3A, %dot_general3A_97 {dimension_numbers = #tpu.dot_dimension_numbers<[1], [1], [0], [0], [0, 0, 1, 0], [], []>, transpose_lhs_hint = false} : vector<1024x16xbf16>, vector<64x16xbf16>, vector<1024x64xf32> -> vector<1024x64xf32>
    %max3A_99 = arith.maximumf %max3A_88, %dot_general3A_98 : vector<1024x64xf32>
    %get3A_100 = arith.constant 0 : index
    %get3A_101 = arith.constant 0 : index
    %get3A_102 = arith.constant 8 : index
    %get3A_103 = arith.constant 0 : index
    %get3A_104 = vector.load %arg1[%get3A_100, %get3A_101, %get3A_102, %get3A_103] : memref<1x1024x20x16xf32, #tpu.memory_space<vmem>>, vector<1x1024x1x16xf32>
    %get3A_105 = vector.shape_cast %get3A_104 : vector<1x1024x1x16xf32> to vector<1024x16xf32>
    %sub3A_106 = arith.subf %get3A_105, %get3A_3 : vector<1024x16xf32>
    %convert_element_type3A_107 = arith.truncf %sub3A_106 : vector<1024x16xf32> to vector<1024x16xbf16>
    %dot_general3A_108 = arith.constant dense<0.000000e+00> : vector<1024x64xf32>
    %dot_general3A_109 = tpu.matmul %convert_element_type3A_107, %convert_element_type3A, %dot_general3A_108 {dimension_numbers = #tpu.dot_dimension_numbers<[1], [1], [0], [0], [0, 0, 1, 0], [], []>, transpose_lhs_hint = false} : vector<1024x16xbf16>, vector<64x16xbf16>, vector<1024x64xf32> -> vector<1024x64xf32>
    %max3A_110 = arith.maximumf %max3A_99, %dot_general3A_109 : vector<1024x64xf32>
    %get3A_111 = arith.constant 0 : index
    %get3A_112 = arith.constant 0 : index
    %get3A_113 = arith.constant 9 : index
    %get3A_114 = arith.constant 0 : index
    %get3A_115 = vector.load %arg1[%get3A_111, %get3A_112, %get3A_113, %get3A_114] : memref<1x1024x20x16xf32, #tpu.memory_space<vmem>>, vector<1x1024x1x16xf32>
    %get3A_116 = vector.shape_cast %get3A_115 : vector<1x1024x1x16xf32> to vector<1024x16xf32>
    %sub3A_117 = arith.subf %get3A_116, %get3A_3 : vector<1024x16xf32>
    %convert_element_type3A_118 = arith.truncf %sub3A_117 : vector<1024x16xf32> to vector<1024x16xbf16>
    %dot_general3A_119 = arith.constant dense<0.000000e+00> : vector<1024x64xf32>
    %dot_general3A_120 = tpu.matmul %convert_element_type3A_118, %convert_element_type3A, %dot_general3A_119 {dimension_numbers = #tpu.dot_dimension_numbers<[1], [1], [0], [0], [0, 0, 1, 0], [], []>, transpose_lhs_hint = false} : vector<1024x16xbf16>, vector<64x16xbf16>, vector<1024x64xf32> -> vector<1024x64xf32>
    %max3A_121 = arith.maximumf %max3A_110, %dot_general3A_120 : vector<1024x64xf32>
    %get3A_122 = arith.constant 0 : index
    %get3A_123 = arith.constant 0 : index
    %get3A_124 = arith.constant 10 : index
    %get3A_125 = arith.constant 0 : index
    %get3A_126 = vector.load %arg1[%get3A_122, %get3A_123, %get3A_124, %get3A_125] : memref<1x1024x20x16xf32, #tpu.memory_space<vmem>>, vector<1x1024x1x16xf32>
    %get3A_127 = vector.shape_cast %get3A_126 : vector<1x1024x1x16xf32> to vector<1024x16xf32>
    %sub3A_128 = arith.subf %get3A_127, %get3A_3 : vector<1024x16xf32>
    %convert_element_type3A_129 = arith.truncf %sub3A_128 : vector<1024x16xf32> to vector<1024x16xbf16>
    %dot_general3A_130 = arith.constant dense<0.000000e+00> : vector<1024x64xf32>
    %dot_general3A_131 = tpu.matmul %convert_element_type3A_129, %convert_element_type3A, %dot_general3A_130 {dimension_numbers = #tpu.dot_dimension_numbers<[1], [1], [0], [0], [0, 0, 1, 0], [], []>, transpose_lhs_hint = false} : vector<1024x16xbf16>, vector<64x16xbf16>, vector<1024x64xf32> -> vector<1024x64xf32>
    %max3A_132 = arith.maximumf %max3A_121, %dot_general3A_131 : vector<1024x64xf32>
    %get3A_133 = arith.constant 0 : index
    %get3A_134 = arith.constant 0 : index
    %get3A_135 = arith.constant 11 : index
    %get3A_136 = arith.constant 0 : index
    %get3A_137 = vector.load %arg1[%get3A_133, %get3A_134, %get3A_135, %get3A_136] : memref<1x1024x20x16xf32, #tpu.memory_space<vmem>>, vector<1x1024x1x16xf32>
    %get3A_138 = vector.shape_cast %get3A_137 : vector<1x1024x1x16xf32> to vector<1024x16xf32>
    %sub3A_139 = arith.subf %get3A_138, %get3A_3 : vector<1024x16xf32>
    %convert_element_type3A_140 = arith.truncf %sub3A_139 : vector<1024x16xf32> to vector<1024x16xbf16>
    %dot_general3A_141 = arith.constant dense<0.000000e+00> : vector<1024x64xf32>
    %dot_general3A_142 = tpu.matmul %convert_element_type3A_140, %convert_element_type3A, %dot_general3A_141 {dimension_numbers = #tpu.dot_dimension_numbers<[1], [1], [0], [0], [0, 0, 1, 0], [], []>, transpose_lhs_hint = false} : vector<1024x16xbf16>, vector<64x16xbf16>, vector<1024x64xf32> -> vector<1024x64xf32>
    %max3A_143 = arith.maximumf %max3A_132, %dot_general3A_142 : vector<1024x64xf32>
    %get3A_144 = arith.constant 0 : index
    %get3A_145 = arith.constant 0 : index
    %get3A_146 = arith.constant 12 : index
    %get3A_147 = arith.constant 0 : index
    %get3A_148 = vector.load %arg1[%get3A_144, %get3A_145, %get3A_146, %get3A_147] : memref<1x1024x20x16xf32, #tpu.memory_space<vmem>>, vector<1x1024x1x16xf32>
    %get3A_149 = vector.shape_cast %get3A_148 : vector<1x1024x1x16xf32> to vector<1024x16xf32>
    %sub3A_150 = arith.subf %get3A_149, %get3A_3 : vector<1024x16xf32>
    %convert_element_type3A_151 = arith.truncf %sub3A_150 : vector<1024x16xf32> to vector<1024x16xbf16>
    %dot_general3A_152 = arith.constant dense<0.000000e+00> : vector<1024x64xf32>
    %dot_general3A_153 = tpu.matmul %convert_element_type3A_151, %convert_element_type3A, %dot_general3A_152 {dimension_numbers = #tpu.dot_dimension_numbers<[1], [1], [0], [0], [0, 0, 1, 0], [], []>, transpose_lhs_hint = false} : vector<1024x16xbf16>, vector<64x16xbf16>, vector<1024x64xf32> -> vector<1024x64xf32>
    %max3A_154 = arith.maximumf %max3A_143, %dot_general3A_153 : vector<1024x64xf32>
    %get3A_155 = arith.constant 0 : index
    %get3A_156 = arith.constant 0 : index
    %get3A_157 = arith.constant 13 : index
    %get3A_158 = arith.constant 0 : index
    %get3A_159 = vector.load %arg1[%get3A_155, %get3A_156, %get3A_157, %get3A_158] : memref<1x1024x20x16xf32, #tpu.memory_space<vmem>>, vector<1x1024x1x16xf32>
    %get3A_160 = vector.shape_cast %get3A_159 : vector<1x1024x1x16xf32> to vector<1024x16xf32>
    %sub3A_161 = arith.subf %get3A_160, %get3A_3 : vector<1024x16xf32>
    %convert_element_type3A_162 = arith.truncf %sub3A_161 : vector<1024x16xf32> to vector<1024x16xbf16>
    %dot_general3A_163 = arith.constant dense<0.000000e+00> : vector<1024x64xf32>
    %dot_general3A_164 = tpu.matmul %convert_element_type3A_162, %convert_element_type3A, %dot_general3A_163 {dimension_numbers = #tpu.dot_dimension_numbers<[1], [1], [0], [0], [0, 0, 1, 0], [], []>, transpose_lhs_hint = false} : vector<1024x16xbf16>, vector<64x16xbf16>, vector<1024x64xf32> -> vector<1024x64xf32>
    %max3A_165 = arith.maximumf %max3A_154, %dot_general3A_164 : vector<1024x64xf32>
    %get3A_166 = arith.constant 0 : index
    %get3A_167 = arith.constant 0 : index
    %get3A_168 = arith.constant 14 : index
    %get3A_169 = arith.constant 0 : index
    %get3A_170 = vector.load %arg1[%get3A_166, %get3A_167, %get3A_168, %get3A_169] : memref<1x1024x20x16xf32, #tpu.memory_space<vmem>>, vector<1x1024x1x16xf32>
    %get3A_171 = vector.shape_cast %get3A_170 : vector<1x1024x1x16xf32> to vector<1024x16xf32>
    %sub3A_172 = arith.subf %get3A_171, %get3A_3 : vector<1024x16xf32>
    %convert_element_type3A_173 = arith.truncf %sub3A_172 : vector<1024x16xf32> to vector<1024x16xbf16>
    %dot_general3A_174 = arith.constant dense<0.000000e+00> : vector<1024x64xf32>
    %dot_general3A_175 = tpu.matmul %convert_element_type3A_173, %convert_element_type3A, %dot_general3A_174 {dimension_numbers = #tpu.dot_dimension_numbers<[1], [1], [0], [0], [0, 0, 1, 0], [], []>, transpose_lhs_hint = false} : vector<1024x16xbf16>, vector<64x16xbf16>, vector<1024x64xf32> -> vector<1024x64xf32>
    %max3A_176 = arith.maximumf %max3A_165, %dot_general3A_175 : vector<1024x64xf32>
    %get3A_177 = arith.constant 0 : index
    %get3A_178 = arith.constant 0 : index
    %get3A_179 = arith.constant 15 : index
    %get3A_180 = arith.constant 0 : index
    %get3A_181 = vector.load %arg1[%get3A_177, %get3A_178, %get3A_179, %get3A_180] : memref<1x1024x20x16xf32, #tpu.memory_space<vmem>>, vector<1x1024x1x16xf32>
    %get3A_182 = vector.shape_cast %get3A_181 : vector<1x1024x1x16xf32> to vector<1024x16xf32>
    %sub3A_183 = arith.subf %get3A_182, %get3A_3 : vector<1024x16xf32>
    %convert_element_type3A_184 = arith.truncf %sub3A_183 : vector<1024x16xf32> to vector<1024x16xbf16>
    %dot_general3A_185 = arith.constant dense<0.000000e+00> : vector<1024x64xf32>
    %dot_general3A_186 = tpu.matmul %convert_element_type3A_184, %convert_element_type3A, %dot_general3A_185 {dimension_numbers = #tpu.dot_dimension_numbers<[1], [1], [0], [0], [0, 0, 1, 0], [], []>, transpose_lhs_hint = false} : vector<1024x16xbf16>, vector<64x16xbf16>, vector<1024x64xf32> -> vector<1024x64xf32>
    %max3A_187 = arith.maximumf %max3A_176, %dot_general3A_186 : vector<1024x64xf32>
    %get3A_188 = arith.constant 0 : index
    %get3A_189 = arith.constant 0 : index
    %get3A_190 = arith.constant 16 : index
    %get3A_191 = arith.constant 0 : index
    %get3A_192 = vector.load %arg1[%get3A_188, %get3A_189, %get3A_190, %get3A_191] : memref<1x1024x20x16xf32, #tpu.memory_space<vmem>>, vector<1x1024x1x16xf32>
    %get3A_193 = vector.shape_cast %get3A_192 : vector<1x1024x1x16xf32> to vector<1024x16xf32>
    %sub3A_194 = arith.subf %get3A_193, %get3A_3 : vector<1024x16xf32>
    %convert_element_type3A_195 = arith.truncf %sub3A_194 : vector<1024x16xf32> to vector<1024x16xbf16>
    %dot_general3A_196 = arith.constant dense<0.000000e+00> : vector<1024x64xf32>
    %dot_general3A_197 = tpu.matmul %convert_element_type3A_195, %convert_element_type3A, %dot_general3A_196 {dimension_numbers = #tpu.dot_dimension_numbers<[1], [1], [0], [0], [0, 0, 1, 0], [], []>, transpose_lhs_hint = false} : vector<1024x16xbf16>, vector<64x16xbf16>, vector<1024x64xf32> -> vector<1024x64xf32>
    %max3A_198 = arith.maximumf %max3A_187, %dot_general3A_197 : vector<1024x64xf32>
    %get3A_199 = arith.constant 0 : index
    %get3A_200 = arith.constant 0 : index
    %get3A_201 = arith.constant 17 : index
    %get3A_202 = arith.constant 0 : index
    %get3A_203 = vector.load %arg1[%get3A_199, %get3A_200, %get3A_201, %get3A_202] : memref<1x1024x20x16xf32, #tpu.memory_space<vmem>>, vector<1x1024x1x16xf32>
    %get3A_204 = vector.shape_cast %get3A_203 : vector<1x1024x1x16xf32> to vector<1024x16xf32>
    %sub3A_205 = arith.subf %get3A_204, %get3A_3 : vector<1024x16xf32>
    %convert_element_type3A_206 = arith.truncf %sub3A_205 : vector<1024x16xf32> to vector<1024x16xbf16>
    %dot_general3A_207 = arith.constant dense<0.000000e+00> : vector<1024x64xf32>
    %dot_general3A_208 = tpu.matmul %convert_element_type3A_206, %convert_element_type3A, %dot_general3A_207 {dimension_numbers = #tpu.dot_dimension_numbers<[1], [1], [0], [0], [0, 0, 1, 0], [], []>, transpose_lhs_hint = false} : vector<1024x16xbf16>, vector<64x16xbf16>, vector<1024x64xf32> -> vector<1024x64xf32>
    %max3A_209 = arith.maximumf %max3A_198, %dot_general3A_208 : vector<1024x64xf32>
    %get3A_210 = arith.constant 0 : index
    %get3A_211 = arith.constant 0 : index
    %get3A_212 = arith.constant 18 : index
    %get3A_213 = arith.constant 0 : index
    %get3A_214 = vector.load %arg1[%get3A_210, %get3A_211, %get3A_212, %get3A_213] : memref<1x1024x20x16xf32, #tpu.memory_space<vmem>>, vector<1x1024x1x16xf32>
    %get3A_215 = vector.shape_cast %get3A_214 : vector<1x1024x1x16xf32> to vector<1024x16xf32>
    %sub3A_216 = arith.subf %get3A_215, %get3A_3 : vector<1024x16xf32>
    %convert_element_type3A_217 = arith.truncf %sub3A_216 : vector<1024x16xf32> to vector<1024x16xbf16>
    %dot_general3A_218 = arith.constant dense<0.000000e+00> : vector<1024x64xf32>
    %dot_general3A_219 = tpu.matmul %convert_element_type3A_217, %convert_element_type3A, %dot_general3A_218 {dimension_numbers = #tpu.dot_dimension_numbers<[1], [1], [0], [0], [0, 0, 1, 0], [], []>, transpose_lhs_hint = false} : vector<1024x16xbf16>, vector<64x16xbf16>, vector<1024x64xf32> -> vector<1024x64xf32>
    %max3A_220 = arith.maximumf %max3A_209, %dot_general3A_219 : vector<1024x64xf32>
    %get3A_221 = arith.constant 0 : index
    %get3A_222 = arith.constant 0 : index
    %get3A_223 = arith.constant 19 : index
    %get3A_224 = arith.constant 0 : index
    %get3A_225 = vector.load %arg1[%get3A_221, %get3A_222, %get3A_223, %get3A_224] : memref<1x1024x20x16xf32, #tpu.memory_space<vmem>>, vector<1x1024x1x16xf32>
    %get3A_226 = vector.shape_cast %get3A_225 : vector<1x1024x1x16xf32> to vector<1024x16xf32>
    %sub3A_227 = arith.subf %get3A_226, %get3A_3 : vector<1024x16xf32>
    %convert_element_type3A_228 = arith.truncf %sub3A_227 : vector<1024x16xf32> to vector<1024x16xbf16>
    %dot_general3A_229 = arith.constant dense<0.000000e+00> : vector<1024x64xf32>
    %dot_general3A_230 = tpu.matmul %convert_element_type3A_228, %convert_element_type3A, %dot_general3A_229 {dimension_numbers = #tpu.dot_dimension_numbers<[1], [1], [0], [0], [0, 0, 1, 0], [], []>, transpose_lhs_hint = false} : vector<1024x16xbf16>, vector<64x16xbf16>, vector<1024x64xf32> -> vector<1024x64xf32>
    %max3A_231 = arith.maximumf %max3A_220, %dot_general3A_230 : vector<1024x64xf32>
    %add3A = arith.addf %max3A_231, %get3A_8 : vector<1024x64xf32>
    %broadcast_in_dim3A = vector.shape_cast %get3A_13 : vector<64xf32> to vector<1x64xf32>
    %mul3A = vector.broadcast %broadcast_in_dim3A : vector<1x64xf32> to vector<1024x64xf32>
    %mul3A_232 = arith.mulf %add3A, %mul3A : vector<1024x64xf32>
    %broadcast_in_dim3A_233 = vector.shape_cast %get3A_15 : vector<64xf32> to vector<1x64xf32>
    %add3A_234 = vector.broadcast %broadcast_in_dim3A_233 : vector<1x64xf32> to vector<1024x64xf32>
    %add3A_235 = arith.addf %mul3A_232, %add3A_234 : vector<1024x64xf32>
    %mul3A_236 = arith.constant 2.000000e-01 : f32
    %mul3A_237 = vector.broadcast %mul3A_236 : f32 to vector<1024x64xf32>
    %mul3A_238 = arith.mulf %mul3A_237, %add3A_235 : vector<1024x64xf32>
    %max3A_239 = arith.maximumf %add3A_235, %mul3A_238 : vector<1024x64xf32>
    %swap3A = arith.constant 0 : index
    %swap3A_240 = arith.constant 0 : index
    %swap3A_241 = arith.constant 0 : index
    %swap3A_242 = vector.load %arg7[%swap3A, %swap3A_240, %swap3A_241] : memref<1x1024x64xf32, #tpu.memory_space<vmem>>, vector<1x1024x64xf32>
    %swap3A_243 = vector.shape_cast %swap3A_242 : vector<1x1024x64xf32> to vector<1024x64xf32>
    %swap3A_244 = vector.shape_cast %max3A_239 : vector<1024x64xf32> to vector<1x1024x64xf32>
    tpu.vector_store %arg7[%swap3A, %swap3A_240, %swap3A_241], %swap3A_244 {strides = array<i32>} : memref<1x1024x64xf32, #tpu.memory_space<vmem>>, vector<1x1024x64xf32>,
    return
  }
  func.func @transform_0(%arg0: i32) -> (i32, i32, i32, i32) {
    %c0_i32 = arith.constant 0 : i32
    %c0_i32_0 = arith.constant 0 : i32
    %c0_i32_1 = arith.constant 0 : i32
    %c0_i32_2 = arith.constant 0 : i32
    return %arg0, %c0_i32, %c0_i32_0, %c0_i32_1 : i32, i32, i32, i32
  }
  func.func @transform_1(%arg0: i32) -> (i32, i32, i32) {
    %c0_i32 = arith.constant 0 : i32
    %c0_i32_0 = arith.constant 0 : i32
    %c0_i32_1 = arith.constant 0 : i32
    return %arg0, %c0_i32, %c0_i32_0 : i32, i32, i32
  }
  func.func @transform_2(%arg0: i32) -> (i32, i32, i32) {
    %c0_i32 = arith.constant 0 : i32
    %c0_i32_0 = arith.constant 0 : i32
    %c0_i32_1 = arith.constant 0 : i32
    return %arg0, %c0_i32, %c0_i32_0 : i32, i32, i32
  }
  func.func @transform_3(%arg0: i32) -> (i32, i32) {
    %c0_i32 = arith.constant 0 : i32
    %c0_i32_0 = arith.constant 0 : i32
    %c0_i32_1 = arith.constant 0 : i32
    return %c0_i32, %c0_i32_0 : i32, i32
  }
  func.func @transform_4(%arg0: i32) -> i32 {
    %c0_i32 = arith.constant 0 : i32
    %c0_i32_0 = arith.constant 0 : i32
    return %c0_i32 : i32
  }
  func.func @transform_5(%arg0: i32) -> i32 {
    %c0_i32 = arith.constant 0 : i32
    %c0_i32_0 = arith.constant 0 : i32
    return %c0_i32 : i32
  }
  func.func @transform_6(%arg0: i32) -> (i32, i32, i32) {
    %c0_i32 = arith.constant 0 : i32
    %c0_i32_0 = arith.constant 0 : i32
    %c0_i32_1 = arith.constant 0 : i32
    return %arg0, %c0_i32, %c0_i32_0 : i32, i32, i32
  }
}

module attributes {stable_mosaic.version = 14 : i64} {
  func.func @_knn1_body(%arg0: i32, %arg1: memref<1x1024x64xf32, #tpu.memory_space<vmem>>, %arg2: memref<64x64xf32, #tpu.memory_space<vmem>>, %arg3: memref<1x1024x20xi32, #tpu.memory_space<vmem>>, %arg4: memref<1x1024x64xf32, #tpu.memory_space<vmem>>, %arg5: memref<1024x1024xf32, #tpu.memory_space<vmem>>) attributes {dimension_semantics = [#tpu.dimension_semantics<arbitrary>], iteration_bounds = array<i64: 4>, scalar_prefetch = 0 : i64, scratch_operands = 1 : i64, tpu.core_type = #tpu.core_type<tc>, window_params = [{transform_indices = @transform_0, window_bounds = array<i64: 1, 1024, 64>}, {pipeline_mode = #tpu.pipeline_mode<synchronous>, transform_indices = @transform_1, window_bounds = array<i64: 64, 64>}, {transform_indices = @transform_2, window_bounds = array<i64: 1, 1024, 20>}, {transform_indices = @transform_3, window_bounds = array<i64: 1, 1024, 64>}]} {
    %get3A = arith.constant 0 : index
    %get3A_0 = arith.constant 0 : index
    %get3A_1 = arith.constant 0 : index
    %get3A_2 = vector.load %arg1[%get3A, %get3A_0, %get3A_1] : memref<1x1024x64xf32, #tpu.memory_space<vmem>>, vector<1x1024x64xf32>
    %get3A_3 = vector.shape_cast %get3A_2 : vector<1x1024x64xf32> to vector<1024x64xf32>
    %get3A_4 = arith.constant 0 : index
    %get3A_5 = arith.constant 0 : index
    %get3A_6 = vector.load %arg2[%get3A_4, %get3A_5] : memref<64x64xf32, #tpu.memory_space<vmem>>, vector<64x64xf32>
    %convert_element_type3A = arith.truncf %get3A_3 : vector<1024x64xf32> to vector<1024x64xbf16>
    %dot_general3A = arith.constant dense<0.000000e+00> : vector<1024x1024xf32>
    %dot_general3A_7 = tpu.matmul %convert_element_type3A, %convert_element_type3A, %dot_general3A {dimension_numbers = #tpu.dot_dimension_numbers<[1], [1], [0], [0], [0, 0, 1, 0], [], []>, transpose_lhs_hint = false} : vector<1024x64xbf16>, vector<1024x64xbf16>, vector<1024x1024xf32> -> vector<1024x1024xf32>
    %mul3A = arith.mulf %get3A_3, %get3A_3 : vector<1024x64xf32>
    %reduce_sum3A = arith.constant dense<0.000000e+00> : vector<1024xf32>
    %reduce_sum3A_8 = vector.multi_reduction <add>, %mul3A, %reduce_sum3A [1] : vector<1024x64xf32> to vector<1024xf32>
    %broadcast_in_dim3A = vector.shape_cast %reduce_sum3A_8 : vector<1024xf32> to vector<1024x1xf32>
    %neg3A = arith.constant 0.000000e+00 : f32
    %neg3A_9 = vector.broadcast %neg3A : f32 to vector<1024x1xf32>
    %neg3A_10 = arith.subf %neg3A_9, %broadcast_in_dim3A : vector<1024x1xf32>
    %mul3A_11 = arith.constant 2.000000e+00 : f32
    %mul3A_12 = vector.broadcast %mul3A_11 : f32 to vector<1024x1024xf32>
    %mul3A_13 = arith.mulf %mul3A_12, %dot_general3A_7 : vector<1024x1024xf32>
    %add3A = vector.broadcast %neg3A_10 : vector<1024x1xf32> to vector<1024x1024xf32>
    %add3A_14 = arith.addf %add3A, %mul3A_13 : vector<1024x1024xf32>
    %broadcast_in_dim3A_15 = vector.shape_cast %reduce_sum3A_8 : vector<1024xf32> to vector<1x1024xf32>
    %sub3A = vector.broadcast %broadcast_in_dim3A_15 : vector<1x1024xf32> to vector<1024x1024xf32>
    %sub3A_16 = arith.subf %add3A_14, %sub3A : vector<1024x1024xf32>
    %swap3A = arith.constant 0 : index
    %swap3A_17 = arith.constant 0 : index
    %swap3A_18 = vector.load %arg5[%swap3A, %swap3A_17] : memref<1024x1024xf32, #tpu.memory_space<vmem>>, vector<1024x1024xf32>
    tpu.vector_store %arg5[%swap3A, %swap3A_17], %sub3A_16 {strides = array<i32>} : memref<1024x1024xf32, #tpu.memory_space<vmem>>, vector<1024x1024xf32>,
    %convert_element_type3A_19 = arith.truncf %get3A_6 : vector<64x64xf32> to vector<64x64xbf16>
    %dot_general3A_20 = arith.constant dense<0.000000e+00> : vector<1024x64xf32>
    %dot_general3A_21 = tpu.matmul %convert_element_type3A, %convert_element_type3A_19, %dot_general3A_20 {dimension_numbers = #tpu.dot_dimension_numbers<[1], [1], [0], [0], [0, 0, 1, 0], [], []>, transpose_lhs_hint = false} : vector<1024x64xbf16>, vector<64x64xbf16>, vector<1024x64xf32> -> vector<1024x64xf32>
    %iota3A = tpu.iota {dimensions = array<i32: 1>} : vector<1024x1024xi32>
    %get3A_22 = arith.constant 0 : index
    %get3A_23 = arith.constant 0 : index
    %get3A_24 = vector.load %arg5[%get3A_22, %get3A_23] : memref<1024x1024xf32, #tpu.memory_space<vmem>>, vector<1024x1024xf32>
    %reduce_max3A = arith.constant dense<0xFF800000> : vector<1024xf32>
    %reduce_max3A_25 = vector.multi_reduction <maximumf>, %get3A_24, %reduce_max3A [1] : vector<1024x1024xf32> to vector<1024xf32>
    %broadcast_in_dim3A_26 = vector.shape_cast %reduce_max3A_25 : vector<1024xf32> to vector<1024x1xf32>
    %get3A_27 = arith.constant 0 : index
    %get3A_28 = arith.constant 0 : index
    %get3A_29 = vector.load %arg5[%get3A_27, %get3A_28] : memref<1024x1024xf32, #tpu.memory_space<vmem>>, vector<1024x1024xf32>
    %eq3A = vector.broadcast %broadcast_in_dim3A_26 : vector<1024x1xf32> to vector<1024x1024xf32>
    %eq3A_30 = arith.cmpf oeq, %get3A_29, %eq3A : vector<1024x1024xf32>
    %jit3A = arith.constant 1024 : i32
    %broadcast_in_dim3A_31 = vector.broadcast %jit3A : i32 to vector<1024x1024xi32>
    %select_n3A = arith.select %eq3A_30, %iota3A, %broadcast_in_dim3A_31 : vector<1024x1024xi1>, vector<1024x1024xi32>
    %reduce_min3A = arith.constant dense<2147483647> : vector<1024xi32>
    %reduce_min3A_32 = vector.multi_reduction <minsi>, %select_n3A, %reduce_min3A [1] : vector<1024x1024xi32> to vector<1024xi32>
    %broadcast_in_dim3A_33 = vector.shape_cast %reduce_min3A_32 : vector<1024xi32> to vector<1024x1xi32>
    %eq3A_34 = vector.broadcast %broadcast_in_dim3A_33 : vector<1024x1xi32> to vector<1024x1024xi32>
    %eq3A_35 = arith.cmpi eq, %iota3A, %eq3A_34 : vector<1024x1024xi32>
    %jit3A_36 = arith.constant 0xFF800000 : f32
    %broadcast_in_dim3A_37 = vector.broadcast %jit3A_36 : f32 to vector<1024x1024xf32>
    %select_n3A_38 = arith.select %eq3A_35, %broadcast_in_dim3A_37, %get3A_29 : vector<1024x1024xi1>, vector<1024x1024xf32>
    %swap3A_39 = arith.constant 0 : index
    %swap3A_40 = arith.constant 0 : index
    %swap3A_41 = vector.load %arg5[%swap3A_39, %swap3A_40] : memref<1024x1024xf32, #tpu.memory_space<vmem>>, vector<1024x1024xf32>
    tpu.vector_store %arg5[%swap3A_39, %swap3A_40], %select_n3A_38 {strides = array<i32>} : memref<1024x1024xf32, #tpu.memory_space<vmem>>, vector<1024x1024xf32>,
    %reduce_max3A_42 = arith.constant dense<0xFF800000> : vector<1024xf32>
    %reduce_max3A_43 = vector.multi_reduction <maximumf>, %select_n3A_38, %reduce_max3A_42 [1] : vector<1024x1024xf32> to vector<1024xf32>
    %broadcast_in_dim3A_44 = vector.shape_cast %reduce_max3A_43 : vector<1024xf32> to vector<1024x1xf32>
    %get3A_45 = arith.constant 0 : index
    %get3A_46 = arith.constant 0 : index
    %get3A_47 = vector.load %arg5[%get3A_45, %get3A_46] : memref<1024x1024xf32, #tpu.memory_space<vmem>>, vector<1024x1024xf32>
    %eq3A_48 = vector.broadcast %broadcast_in_dim3A_44 : vector<1024x1xf32> to vector<1024x1024xf32>
    %eq3A_49 = arith.cmpf oeq, %get3A_47, %eq3A_48 : vector<1024x1024xf32>
    %jit3A_50 = arith.constant 1024 : i32
    %broadcast_in_dim3A_51 = vector.broadcast %jit3A_50 : i32 to vector<1024x1024xi32>
    %select_n3A_52 = arith.select %eq3A_49, %iota3A, %broadcast_in_dim3A_51 : vector<1024x1024xi1>, vector<1024x1024xi32>
    %reduce_min3A_53 = arith.constant dense<2147483647> : vector<1024xi32>
    %reduce_min3A_54 = vector.multi_reduction <minsi>, %select_n3A_52, %reduce_min3A_53 [1] : vector<1024x1024xi32> to vector<1024xi32>
    %broadcast_in_dim3A_55 = vector.shape_cast %reduce_min3A_54 : vector<1024xi32> to vector<1024x1xi32>
    %eq3A_56 = vector.broadcast %broadcast_in_dim3A_55 : vector<1024x1xi32> to vector<1024x1024xi32>
    %eq3A_57 = arith.cmpi eq, %iota3A, %eq3A_56 : vector<1024x1024xi32>
    %jit3A_58 = arith.constant 0xFF800000 : f32
    %broadcast_in_dim3A_59 = vector.broadcast %jit3A_58 : f32 to vector<1024x1024xf32>
    %select_n3A_60 = arith.select %eq3A_57, %broadcast_in_dim3A_59, %get3A_47 : vector<1024x1024xi1>, vector<1024x1024xf32>
    %swap3A_61 = arith.constant 0 : index
    %swap3A_62 = arith.constant 0 : index
    %swap3A_63 = vector.load %arg5[%swap3A_61, %swap3A_62] : memref<1024x1024xf32, #tpu.memory_space<vmem>>, vector<1024x1024xf32>
    tpu.vector_store %arg5[%swap3A_61, %swap3A_62], %select_n3A_60 {strides = array<i32>} : memref<1024x1024xf32, #tpu.memory_space<vmem>>, vector<1024x1024xf32>,
    %reduce_max3A_64 = arith.constant dense<0xFF800000> : vector<1024xf32>
    %reduce_max3A_65 = vector.multi_reduction <maximumf>, %select_n3A_60, %reduce_max3A_64 [1] : vector<1024x1024xf32> to vector<1024xf32>
    %broadcast_in_dim3A_66 = vector.shape_cast %reduce_max3A_65 : vector<1024xf32> to vector<1024x1xf32>
    %get3A_67 = arith.constant 0 : index
    %get3A_68 = arith.constant 0 : index
    %get3A_69 = vector.load %arg5[%get3A_67, %get3A_68] : memref<1024x1024xf32, #tpu.memory_space<vmem>>, vector<1024x1024xf32>
    %eq3A_70 = vector.broadcast %broadcast_in_dim3A_66 : vector<1024x1xf32> to vector<1024x1024xf32>
    %eq3A_71 = arith.cmpf oeq, %get3A_69, %eq3A_70 : vector<1024x1024xf32>
    %jit3A_72 = arith.constant 1024 : i32
    %broadcast_in_dim3A_73 = vector.broadcast %jit3A_72 : i32 to vector<1024x1024xi32>
    %select_n3A_74 = arith.select %eq3A_71, %iota3A, %broadcast_in_dim3A_73 : vector<1024x1024xi1>, vector<1024x1024xi32>
    %reduce_min3A_75 = arith.constant dense<2147483647> : vector<1024xi32>
    %reduce_min3A_76 = vector.multi_reduction <minsi>, %select_n3A_74, %reduce_min3A_75 [1] : vector<1024x1024xi32> to vector<1024xi32>
    %broadcast_in_dim3A_77 = vector.shape_cast %reduce_min3A_76 : vector<1024xi32> to vector<1024x1xi32>
    %eq3A_78 = vector.broadcast %broadcast_in_dim3A_77 : vector<1024x1xi32> to vector<1024x1024xi32>
    %eq3A_79 = arith.cmpi eq, %iota3A, %eq3A_78 : vector<1024x1024xi32>
    %jit3A_80 = arith.constant 0xFF800000 : f32
    %broadcast_in_dim3A_81 = vector.broadcast %jit3A_80 : f32 to vector<1024x1024xf32>
    %select_n3A_82 = arith.select %eq3A_79, %broadcast_in_dim3A_81, %get3A_69 : vector<1024x1024xi1>, vector<1024x1024xf32>
    %swap3A_83 = arith.constant 0 : index
    %swap3A_84 = arith.constant 0 : index
    %swap3A_85 = vector.load %arg5[%swap3A_83, %swap3A_84] : memref<1024x1024xf32, #tpu.memory_space<vmem>>, vector<1024x1024xf32>
    tpu.vector_store %arg5[%swap3A_83, %swap3A_84], %select_n3A_82 {strides = array<i32>} : memref<1024x1024xf32, #tpu.memory_space<vmem>>, vector<1024x1024xf32>,
    %reduce_max3A_86 = arith.constant dense<0xFF800000> : vector<1024xf32>
    %reduce_max3A_87 = vector.multi_reduction <maximumf>, %select_n3A_82, %reduce_max3A_86 [1] : vector<1024x1024xf32> to vector<1024xf32>
    %broadcast_in_dim3A_88 = vector.shape_cast %reduce_max3A_87 : vector<1024xf32> to vector<1024x1xf32>
    %get3A_89 = arith.constant 0 : index
    %get3A_90 = arith.constant 0 : index
    %get3A_91 = vector.load %arg5[%get3A_89, %get3A_90] : memref<1024x1024xf32, #tpu.memory_space<vmem>>, vector<1024x1024xf32>
    %eq3A_92 = vector.broadcast %broadcast_in_dim3A_88 : vector<1024x1xf32> to vector<1024x1024xf32>
    %eq3A_93 = arith.cmpf oeq, %get3A_91, %eq3A_92 : vector<1024x1024xf32>
    %jit3A_94 = arith.constant 1024 : i32
    %broadcast_in_dim3A_95 = vector.broadcast %jit3A_94 : i32 to vector<1024x1024xi32>
    %select_n3A_96 = arith.select %eq3A_93, %iota3A, %broadcast_in_dim3A_95 : vector<1024x1024xi1>, vector<1024x1024xi32>
    %reduce_min3A_97 = arith.constant dense<2147483647> : vector<1024xi32>
    %reduce_min3A_98 = vector.multi_reduction <minsi>, %select_n3A_96, %reduce_min3A_97 [1] : vector<1024x1024xi32> to vector<1024xi32>
    %broadcast_in_dim3A_99 = vector.shape_cast %reduce_min3A_98 : vector<1024xi32> to vector<1024x1xi32>
    %eq3A_100 = vector.broadcast %broadcast_in_dim3A_99 : vector<1024x1xi32> to vector<1024x1024xi32>
    %eq3A_101 = arith.cmpi eq, %iota3A, %eq3A_100 : vector<1024x1024xi32>
    %jit3A_102 = arith.constant 0xFF800000 : f32
    %broadcast_in_dim3A_103 = vector.broadcast %jit3A_102 : f32 to vector<1024x1024xf32>
    %select_n3A_104 = arith.select %eq3A_101, %broadcast_in_dim3A_103, %get3A_91 : vector<1024x1024xi1>, vector<1024x1024xf32>
    %swap3A_105 = arith.constant 0 : index
    %swap3A_106 = arith.constant 0 : index
    %swap3A_107 = vector.load %arg5[%swap3A_105, %swap3A_106] : memref<1024x1024xf32, #tpu.memory_space<vmem>>, vector<1024x1024xf32>
    tpu.vector_store %arg5[%swap3A_105, %swap3A_106], %select_n3A_104 {strides = array<i32>} : memref<1024x1024xf32, #tpu.memory_space<vmem>>, vector<1024x1024xf32>,
    %reduce_max3A_108 = arith.constant dense<0xFF800000> : vector<1024xf32>
    %reduce_max3A_109 = vector.multi_reduction <maximumf>, %select_n3A_104, %reduce_max3A_108 [1] : vector<1024x1024xf32> to vector<1024xf32>
    %broadcast_in_dim3A_110 = vector.shape_cast %reduce_max3A_109 : vector<1024xf32> to vector<1024x1xf32>
    %get3A_111 = arith.constant 0 : index
    %get3A_112 = arith.constant 0 : index
    %get3A_113 = vector.load %arg5[%get3A_111, %get3A_112] : memref<1024x1024xf32, #tpu.memory_space<vmem>>, vector<1024x1024xf32>
    %eq3A_114 = vector.broadcast %broadcast_in_dim3A_110 : vector<1024x1xf32> to vector<1024x1024xf32>
    %eq3A_115 = arith.cmpf oeq, %get3A_113, %eq3A_114 : vector<1024x1024xf32>
    %jit3A_116 = arith.constant 1024 : i32
    %broadcast_in_dim3A_117 = vector.broadcast %jit3A_116 : i32 to vector<1024x1024xi32>
    %select_n3A_118 = arith.select %eq3A_115, %iota3A, %broadcast_in_dim3A_117 : vector<1024x1024xi1>, vector<1024x1024xi32>
    %reduce_min3A_119 = arith.constant dense<2147483647> : vector<1024xi32>
    %reduce_min3A_120 = vector.multi_reduction <minsi>, %select_n3A_118, %reduce_min3A_119 [1] : vector<1024x1024xi32> to vector<1024xi32>
    %broadcast_in_dim3A_121 = vector.shape_cast %reduce_min3A_120 : vector<1024xi32> to vector<1024x1xi32>
    %eq3A_122 = vector.broadcast %broadcast_in_dim3A_121 : vector<1024x1xi32> to vector<1024x1024xi32>
    %eq3A_123 = arith.cmpi eq, %iota3A, %eq3A_122 : vector<1024x1024xi32>
    %jit3A_124 = arith.constant 0xFF800000 : f32
    %broadcast_in_dim3A_125 = vector.broadcast %jit3A_124 : f32 to vector<1024x1024xf32>
    %select_n3A_126 = arith.select %eq3A_123, %broadcast_in_dim3A_125, %get3A_113 : vector<1024x1024xi1>, vector<1024x1024xf32>
    %swap3A_127 = arith.constant 0 : index
    %swap3A_128 = arith.constant 0 : index
    %swap3A_129 = vector.load %arg5[%swap3A_127, %swap3A_128] : memref<1024x1024xf32, #tpu.memory_space<vmem>>, vector<1024x1024xf32>
    tpu.vector_store %arg5[%swap3A_127, %swap3A_128], %select_n3A_126 {strides = array<i32>} : memref<1024x1024xf32, #tpu.memory_space<vmem>>, vector<1024x1024xf32>,
    %reduce_max3A_130 = arith.constant dense<0xFF800000> : vector<1024xf32>
    %reduce_max3A_131 = vector.multi_reduction <maximumf>, %select_n3A_126, %reduce_max3A_130 [1] : vector<1024x1024xf32> to vector<1024xf32>
    %broadcast_in_dim3A_132 = vector.shape_cast %reduce_max3A_131 : vector<1024xf32> to vector<1024x1xf32>
    %get3A_133 = arith.constant 0 : index
    %get3A_134 = arith.constant 0 : index
    %get3A_135 = vector.load %arg5[%get3A_133, %get3A_134] : memref<1024x1024xf32, #tpu.memory_space<vmem>>, vector<1024x1024xf32>
    %eq3A_136 = vector.broadcast %broadcast_in_dim3A_132 : vector<1024x1xf32> to vector<1024x1024xf32>
    %eq3A_137 = arith.cmpf oeq, %get3A_135, %eq3A_136 : vector<1024x1024xf32>
    %jit3A_138 = arith.constant 1024 : i32
    %broadcast_in_dim3A_139 = vector.broadcast %jit3A_138 : i32 to vector<1024x1024xi32>
    %select_n3A_140 = arith.select %eq3A_137, %iota3A, %broadcast_in_dim3A_139 : vector<1024x1024xi1>, vector<1024x1024xi32>
    %reduce_min3A_141 = arith.constant dense<2147483647> : vector<1024xi32>
    %reduce_min3A_142 = vector.multi_reduction <minsi>, %select_n3A_140, %reduce_min3A_141 [1] : vector<1024x1024xi32> to vector<1024xi32>
    %broadcast_in_dim3A_143 = vector.shape_cast %reduce_min3A_142 : vector<1024xi32> to vector<1024x1xi32>
    %eq3A_144 = vector.broadcast %broadcast_in_dim3A_143 : vector<1024x1xi32> to vector<1024x1024xi32>
    %eq3A_145 = arith.cmpi eq, %iota3A, %eq3A_144 : vector<1024x1024xi32>
    %jit3A_146 = arith.constant 0xFF800000 : f32
    %broadcast_in_dim3A_147 = vector.broadcast %jit3A_146 : f32 to vector<1024x1024xf32>
    %select_n3A_148 = arith.select %eq3A_145, %broadcast_in_dim3A_147, %get3A_135 : vector<1024x1024xi1>, vector<1024x1024xf32>
    %swap3A_149 = arith.constant 0 : index
    %swap3A_150 = arith.constant 0 : index
    %swap3A_151 = vector.load %arg5[%swap3A_149, %swap3A_150] : memref<1024x1024xf32, #tpu.memory_space<vmem>>, vector<1024x1024xf32>
    tpu.vector_store %arg5[%swap3A_149, %swap3A_150], %select_n3A_148 {strides = array<i32>} : memref<1024x1024xf32, #tpu.memory_space<vmem>>, vector<1024x1024xf32>,
    %reduce_max3A_152 = arith.constant dense<0xFF800000> : vector<1024xf32>
    %reduce_max3A_153 = vector.multi_reduction <maximumf>, %select_n3A_148, %reduce_max3A_152 [1] : vector<1024x1024xf32> to vector<1024xf32>
    %broadcast_in_dim3A_154 = vector.shape_cast %reduce_max3A_153 : vector<1024xf32> to vector<1024x1xf32>
    %get3A_155 = arith.constant 0 : index
    %get3A_156 = arith.constant 0 : index
    %get3A_157 = vector.load %arg5[%get3A_155, %get3A_156] : memref<1024x1024xf32, #tpu.memory_space<vmem>>, vector<1024x1024xf32>
    %eq3A_158 = vector.broadcast %broadcast_in_dim3A_154 : vector<1024x1xf32> to vector<1024x1024xf32>
    %eq3A_159 = arith.cmpf oeq, %get3A_157, %eq3A_158 : vector<1024x1024xf32>
    %jit3A_160 = arith.constant 1024 : i32
    %broadcast_in_dim3A_161 = vector.broadcast %jit3A_160 : i32 to vector<1024x1024xi32>
    %select_n3A_162 = arith.select %eq3A_159, %iota3A, %broadcast_in_dim3A_161 : vector<1024x1024xi1>, vector<1024x1024xi32>
    %reduce_min3A_163 = arith.constant dense<2147483647> : vector<1024xi32>
    %reduce_min3A_164 = vector.multi_reduction <minsi>, %select_n3A_162, %reduce_min3A_163 [1] : vector<1024x1024xi32> to vector<1024xi32>
    %broadcast_in_dim3A_165 = vector.shape_cast %reduce_min3A_164 : vector<1024xi32> to vector<1024x1xi32>
    %eq3A_166 = vector.broadcast %broadcast_in_dim3A_165 : vector<1024x1xi32> to vector<1024x1024xi32>
    %eq3A_167 = arith.cmpi eq, %iota3A, %eq3A_166 : vector<1024x1024xi32>
    %jit3A_168 = arith.constant 0xFF800000 : f32
    %broadcast_in_dim3A_169 = vector.broadcast %jit3A_168 : f32 to vector<1024x1024xf32>
    %select_n3A_170 = arith.select %eq3A_167, %broadcast_in_dim3A_169, %get3A_157 : vector<1024x1024xi1>, vector<1024x1024xf32>
    %swap3A_171 = arith.constant 0 : index
    %swap3A_172 = arith.constant 0 : index
    %swap3A_173 = vector.load %arg5[%swap3A_171, %swap3A_172] : memref<1024x1024xf32, #tpu.memory_space<vmem>>, vector<1024x1024xf32>
    tpu.vector_store %arg5[%swap3A_171, %swap3A_172], %select_n3A_170 {strides = array<i32>} : memref<1024x1024xf32, #tpu.memory_space<vmem>>, vector<1024x1024xf32>,
    %reduce_max3A_174 = arith.constant dense<0xFF800000> : vector<1024xf32>
    %reduce_max3A_175 = vector.multi_reduction <maximumf>, %select_n3A_170, %reduce_max3A_174 [1] : vector<1024x1024xf32> to vector<1024xf32>
    %broadcast_in_dim3A_176 = vector.shape_cast %reduce_max3A_175 : vector<1024xf32> to vector<1024x1xf32>
    %get3A_177 = arith.constant 0 : index
    %get3A_178 = arith.constant 0 : index
    %get3A_179 = vector.load %arg5[%get3A_177, %get3A_178] : memref<1024x1024xf32, #tpu.memory_space<vmem>>, vector<1024x1024xf32>
    %eq3A_180 = vector.broadcast %broadcast_in_dim3A_176 : vector<1024x1xf32> to vector<1024x1024xf32>
    %eq3A_181 = arith.cmpf oeq, %get3A_179, %eq3A_180 : vector<1024x1024xf32>
    %jit3A_182 = arith.constant 1024 : i32
    %broadcast_in_dim3A_183 = vector.broadcast %jit3A_182 : i32 to vector<1024x1024xi32>
    %select_n3A_184 = arith.select %eq3A_181, %iota3A, %broadcast_in_dim3A_183 : vector<1024x1024xi1>, vector<1024x1024xi32>
    %reduce_min3A_185 = arith.constant dense<2147483647> : vector<1024xi32>
    %reduce_min3A_186 = vector.multi_reduction <minsi>, %select_n3A_184, %reduce_min3A_185 [1] : vector<1024x1024xi32> to vector<1024xi32>
    %broadcast_in_dim3A_187 = vector.shape_cast %reduce_min3A_186 : vector<1024xi32> to vector<1024x1xi32>
    %eq3A_188 = vector.broadcast %broadcast_in_dim3A_187 : vector<1024x1xi32> to vector<1024x1024xi32>
    %eq3A_189 = arith.cmpi eq, %iota3A, %eq3A_188 : vector<1024x1024xi32>
    %jit3A_190 = arith.constant 0xFF800000 : f32
    %broadcast_in_dim3A_191 = vector.broadcast %jit3A_190 : f32 to vector<1024x1024xf32>
    %select_n3A_192 = arith.select %eq3A_189, %broadcast_in_dim3A_191, %get3A_179 : vector<1024x1024xi1>, vector<1024x1024xf32>
    %swap3A_193 = arith.constant 0 : index
    %swap3A_194 = arith.constant 0 : index
    %swap3A_195 = vector.load %arg5[%swap3A_193, %swap3A_194] : memref<1024x1024xf32, #tpu.memory_space<vmem>>, vector<1024x1024xf32>
    tpu.vector_store %arg5[%swap3A_193, %swap3A_194], %select_n3A_192 {strides = array<i32>} : memref<1024x1024xf32, #tpu.memory_space<vmem>>, vector<1024x1024xf32>,
    %reduce_max3A_196 = arith.constant dense<0xFF800000> : vector<1024xf32>
    %reduce_max3A_197 = vector.multi_reduction <maximumf>, %select_n3A_192, %reduce_max3A_196 [1] : vector<1024x1024xf32> to vector<1024xf32>
    %broadcast_in_dim3A_198 = vector.shape_cast %reduce_max3A_197 : vector<1024xf32> to vector<1024x1xf32>
    %get3A_199 = arith.constant 0 : index
    %get3A_200 = arith.constant 0 : index
    %get3A_201 = vector.load %arg5[%get3A_199, %get3A_200] : memref<1024x1024xf32, #tpu.memory_space<vmem>>, vector<1024x1024xf32>
    %eq3A_202 = vector.broadcast %broadcast_in_dim3A_198 : vector<1024x1xf32> to vector<1024x1024xf32>
    %eq3A_203 = arith.cmpf oeq, %get3A_201, %eq3A_202 : vector<1024x1024xf32>
    %jit3A_204 = arith.constant 1024 : i32
    %broadcast_in_dim3A_205 = vector.broadcast %jit3A_204 : i32 to vector<1024x1024xi32>
    %select_n3A_206 = arith.select %eq3A_203, %iota3A, %broadcast_in_dim3A_205 : vector<1024x1024xi1>, vector<1024x1024xi32>
    %reduce_min3A_207 = arith.constant dense<2147483647> : vector<1024xi32>
    %reduce_min3A_208 = vector.multi_reduction <minsi>, %select_n3A_206, %reduce_min3A_207 [1] : vector<1024x1024xi32> to vector<1024xi32>
    %broadcast_in_dim3A_209 = vector.shape_cast %reduce_min3A_208 : vector<1024xi32> to vector<1024x1xi32>
    %eq3A_210 = vector.broadcast %broadcast_in_dim3A_209 : vector<1024x1xi32> to vector<1024x1024xi32>
    %eq3A_211 = arith.cmpi eq, %iota3A, %eq3A_210 : vector<1024x1024xi32>
    %jit3A_212 = arith.constant 0xFF800000 : f32
    %broadcast_in_dim3A_213 = vector.broadcast %jit3A_212 : f32 to vector<1024x1024xf32>
    %select_n3A_214 = arith.select %eq3A_211, %broadcast_in_dim3A_213, %get3A_201 : vector<1024x1024xi1>, vector<1024x1024xf32>
    %swap3A_215 = arith.constant 0 : index
    %swap3A_216 = arith.constant 0 : index
    %swap3A_217 = vector.load %arg5[%swap3A_215, %swap3A_216] : memref<1024x1024xf32, #tpu.memory_space<vmem>>, vector<1024x1024xf32>
    tpu.vector_store %arg5[%swap3A_215, %swap3A_216], %select_n3A_214 {strides = array<i32>} : memref<1024x1024xf32, #tpu.memory_space<vmem>>, vector<1024x1024xf32>,
    %reduce_max3A_218 = arith.constant dense<0xFF800000> : vector<1024xf32>
    %reduce_max3A_219 = vector.multi_reduction <maximumf>, %select_n3A_214, %reduce_max3A_218 [1] : vector<1024x1024xf32> to vector<1024xf32>
    %broadcast_in_dim3A_220 = vector.shape_cast %reduce_max3A_219 : vector<1024xf32> to vector<1024x1xf32>
    %get3A_221 = arith.constant 0 : index
    %get3A_222 = arith.constant 0 : index
    %get3A_223 = vector.load %arg5[%get3A_221, %get3A_222] : memref<1024x1024xf32, #tpu.memory_space<vmem>>, vector<1024x1024xf32>
    %eq3A_224 = vector.broadcast %broadcast_in_dim3A_220 : vector<1024x1xf32> to vector<1024x1024xf32>
    %eq3A_225 = arith.cmpf oeq, %get3A_223, %eq3A_224 : vector<1024x1024xf32>
    %jit3A_226 = arith.constant 1024 : i32
    %broadcast_in_dim3A_227 = vector.broadcast %jit3A_226 : i32 to vector<1024x1024xi32>
    %select_n3A_228 = arith.select %eq3A_225, %iota3A, %broadcast_in_dim3A_227 : vector<1024x1024xi1>, vector<1024x1024xi32>
    %reduce_min3A_229 = arith.constant dense<2147483647> : vector<1024xi32>
    %reduce_min3A_230 = vector.multi_reduction <minsi>, %select_n3A_228, %reduce_min3A_229 [1] : vector<1024x1024xi32> to vector<1024xi32>
    %broadcast_in_dim3A_231 = vector.shape_cast %reduce_min3A_230 : vector<1024xi32> to vector<1024x1xi32>
    %eq3A_232 = vector.broadcast %broadcast_in_dim3A_231 : vector<1024x1xi32> to vector<1024x1024xi32>
    %eq3A_233 = arith.cmpi eq, %iota3A, %eq3A_232 : vector<1024x1024xi32>
    %jit3A_234 = arith.constant 0xFF800000 : f32
    %broadcast_in_dim3A_235 = vector.broadcast %jit3A_234 : f32 to vector<1024x1024xf32>
    %select_n3A_236 = arith.select %eq3A_233, %broadcast_in_dim3A_235, %get3A_223 : vector<1024x1024xi1>, vector<1024x1024xf32>
    %swap3A_237 = arith.constant 0 : index
    %swap3A_238 = arith.constant 0 : index
    %swap3A_239 = vector.load %arg5[%swap3A_237, %swap3A_238] : memref<1024x1024xf32, #tpu.memory_space<vmem>>, vector<1024x1024xf32>
    tpu.vector_store %arg5[%swap3A_237, %swap3A_238], %select_n3A_236 {strides = array<i32>} : memref<1024x1024xf32, #tpu.memory_space<vmem>>, vector<1024x1024xf32>,
    %reduce_max3A_240 = arith.constant dense<0xFF800000> : vector<1024xf32>
    %reduce_max3A_241 = vector.multi_reduction <maximumf>, %select_n3A_236, %reduce_max3A_240 [1] : vector<1024x1024xf32> to vector<1024xf32>
    %broadcast_in_dim3A_242 = vector.shape_cast %reduce_max3A_241 : vector<1024xf32> to vector<1024x1xf32>
    %get3A_243 = arith.constant 0 : index
    %get3A_244 = arith.constant 0 : index
    %get3A_245 = vector.load %arg5[%get3A_243, %get3A_244] : memref<1024x1024xf32, #tpu.memory_space<vmem>>, vector<1024x1024xf32>
    %eq3A_246 = vector.broadcast %broadcast_in_dim3A_242 : vector<1024x1xf32> to vector<1024x1024xf32>
    %eq3A_247 = arith.cmpf oeq, %get3A_245, %eq3A_246 : vector<1024x1024xf32>
    %jit3A_248 = arith.constant 1024 : i32
    %broadcast_in_dim3A_249 = vector.broadcast %jit3A_248 : i32 to vector<1024x1024xi32>
    %select_n3A_250 = arith.select %eq3A_247, %iota3A, %broadcast_in_dim3A_249 : vector<1024x1024xi1>, vector<1024x1024xi32>
    %reduce_min3A_251 = arith.constant dense<2147483647> : vector<1024xi32>
    %reduce_min3A_252 = vector.multi_reduction <minsi>, %select_n3A_250, %reduce_min3A_251 [1] : vector<1024x1024xi32> to vector<1024xi32>
    %broadcast_in_dim3A_253 = vector.shape_cast %reduce_min3A_252 : vector<1024xi32> to vector<1024x1xi32>
    %eq3A_254 = vector.broadcast %broadcast_in_dim3A_253 : vector<1024x1xi32> to vector<1024x1024xi32>
    %eq3A_255 = arith.cmpi eq, %iota3A, %eq3A_254 : vector<1024x1024xi32>
    %jit3A_256 = arith.constant 0xFF800000 : f32
    %broadcast_in_dim3A_257 = vector.broadcast %jit3A_256 : f32 to vector<1024x1024xf32>
    %select_n3A_258 = arith.select %eq3A_255, %broadcast_in_dim3A_257, %get3A_245 : vector<1024x1024xi1>, vector<1024x1024xf32>
    %swap3A_259 = arith.constant 0 : index
    %swap3A_260 = arith.constant 0 : index
    %swap3A_261 = vector.load %arg5[%swap3A_259, %swap3A_260] : memref<1024x1024xf32, #tpu.memory_space<vmem>>, vector<1024x1024xf32>
    tpu.vector_store %arg5[%swap3A_259, %swap3A_260], %select_n3A_258 {strides = array<i32>} : memref<1024x1024xf32, #tpu.memory_space<vmem>>, vector<1024x1024xf32>,
    %reduce_max3A_262 = arith.constant dense<0xFF800000> : vector<1024xf32>
    %reduce_max3A_263 = vector.multi_reduction <maximumf>, %select_n3A_258, %reduce_max3A_262 [1] : vector<1024x1024xf32> to vector<1024xf32>
    %broadcast_in_dim3A_264 = vector.shape_cast %reduce_max3A_263 : vector<1024xf32> to vector<1024x1xf32>
    %get3A_265 = arith.constant 0 : index
    %get3A_266 = arith.constant 0 : index
    %get3A_267 = vector.load %arg5[%get3A_265, %get3A_266] : memref<1024x1024xf32, #tpu.memory_space<vmem>>, vector<1024x1024xf32>
    %eq3A_268 = vector.broadcast %broadcast_in_dim3A_264 : vector<1024x1xf32> to vector<1024x1024xf32>
    %eq3A_269 = arith.cmpf oeq, %get3A_267, %eq3A_268 : vector<1024x1024xf32>
    %jit3A_270 = arith.constant 1024 : i32
    %broadcast_in_dim3A_271 = vector.broadcast %jit3A_270 : i32 to vector<1024x1024xi32>
    %select_n3A_272 = arith.select %eq3A_269, %iota3A, %broadcast_in_dim3A_271 : vector<1024x1024xi1>, vector<1024x1024xi32>
    %reduce_min3A_273 = arith.constant dense<2147483647> : vector<1024xi32>
    %reduce_min3A_274 = vector.multi_reduction <minsi>, %select_n3A_272, %reduce_min3A_273 [1] : vector<1024x1024xi32> to vector<1024xi32>
    %broadcast_in_dim3A_275 = vector.shape_cast %reduce_min3A_274 : vector<1024xi32> to vector<1024x1xi32>
    %eq3A_276 = vector.broadcast %broadcast_in_dim3A_275 : vector<1024x1xi32> to vector<1024x1024xi32>
    %eq3A_277 = arith.cmpi eq, %iota3A, %eq3A_276 : vector<1024x1024xi32>
    %jit3A_278 = arith.constant 0xFF800000 : f32
    %broadcast_in_dim3A_279 = vector.broadcast %jit3A_278 : f32 to vector<1024x1024xf32>
    %select_n3A_280 = arith.select %eq3A_277, %broadcast_in_dim3A_279, %get3A_267 : vector<1024x1024xi1>, vector<1024x1024xf32>
    %swap3A_281 = arith.constant 0 : index
    %swap3A_282 = arith.constant 0 : index
    %swap3A_283 = vector.load %arg5[%swap3A_281, %swap3A_282] : memref<1024x1024xf32, #tpu.memory_space<vmem>>, vector<1024x1024xf32>
    tpu.vector_store %arg5[%swap3A_281, %swap3A_282], %select_n3A_280 {strides = array<i32>} : memref<1024x1024xf32, #tpu.memory_space<vmem>>, vector<1024x1024xf32>,
    %reduce_max3A_284 = arith.constant dense<0xFF800000> : vector<1024xf32>
    %reduce_max3A_285 = vector.multi_reduction <maximumf>, %select_n3A_280, %reduce_max3A_284 [1] : vector<1024x1024xf32> to vector<1024xf32>
    %broadcast_in_dim3A_286 = vector.shape_cast %reduce_max3A_285 : vector<1024xf32> to vector<1024x1xf32>
    %get3A_287 = arith.constant 0 : index
    %get3A_288 = arith.constant 0 : index
    %get3A_289 = vector.load %arg5[%get3A_287, %get3A_288] : memref<1024x1024xf32, #tpu.memory_space<vmem>>, vector<1024x1024xf32>
    %eq3A_290 = vector.broadcast %broadcast_in_dim3A_286 : vector<1024x1xf32> to vector<1024x1024xf32>
    %eq3A_291 = arith.cmpf oeq, %get3A_289, %eq3A_290 : vector<1024x1024xf32>
    %jit3A_292 = arith.constant 1024 : i32
    %broadcast_in_dim3A_293 = vector.broadcast %jit3A_292 : i32 to vector<1024x1024xi32>
    %select_n3A_294 = arith.select %eq3A_291, %iota3A, %broadcast_in_dim3A_293 : vector<1024x1024xi1>, vector<1024x1024xi32>
    %reduce_min3A_295 = arith.constant dense<2147483647> : vector<1024xi32>
    %reduce_min3A_296 = vector.multi_reduction <minsi>, %select_n3A_294, %reduce_min3A_295 [1] : vector<1024x1024xi32> to vector<1024xi32>
    %broadcast_in_dim3A_297 = vector.shape_cast %reduce_min3A_296 : vector<1024xi32> to vector<1024x1xi32>
    %eq3A_298 = vector.broadcast %broadcast_in_dim3A_297 : vector<1024x1xi32> to vector<1024x1024xi32>
    %eq3A_299 = arith.cmpi eq, %iota3A, %eq3A_298 : vector<1024x1024xi32>
    %jit3A_300 = arith.constant 0xFF800000 : f32
    %broadcast_in_dim3A_301 = vector.broadcast %jit3A_300 : f32 to vector<1024x1024xf32>
    %select_n3A_302 = arith.select %eq3A_299, %broadcast_in_dim3A_301, %get3A_289 : vector<1024x1024xi1>, vector<1024x1024xf32>
    %swap3A_303 = arith.constant 0 : index
    %swap3A_304 = arith.constant 0 : index
    %swap3A_305 = vector.load %arg5[%swap3A_303, %swap3A_304] : memref<1024x1024xf32, #tpu.memory_space<vmem>>, vector<1024x1024xf32>
    tpu.vector_store %arg5[%swap3A_303, %swap3A_304], %select_n3A_302 {strides = array<i32>} : memref<1024x1024xf32, #tpu.memory_space<vmem>>, vector<1024x1024xf32>,
    %reduce_max3A_306 = arith.constant dense<0xFF800000> : vector<1024xf32>
    %reduce_max3A_307 = vector.multi_reduction <maximumf>, %select_n3A_302, %reduce_max3A_306 [1] : vector<1024x1024xf32> to vector<1024xf32>
    %broadcast_in_dim3A_308 = vector.shape_cast %reduce_max3A_307 : vector<1024xf32> to vector<1024x1xf32>
    %get3A_309 = arith.constant 0 : index
    %get3A_310 = arith.constant 0 : index
    %get3A_311 = vector.load %arg5[%get3A_309, %get3A_310] : memref<1024x1024xf32, #tpu.memory_space<vmem>>, vector<1024x1024xf32>
    %eq3A_312 = vector.broadcast %broadcast_in_dim3A_308 : vector<1024x1xf32> to vector<1024x1024xf32>
    %eq3A_313 = arith.cmpf oeq, %get3A_311, %eq3A_312 : vector<1024x1024xf32>
    %jit3A_314 = arith.constant 1024 : i32
    %broadcast_in_dim3A_315 = vector.broadcast %jit3A_314 : i32 to vector<1024x1024xi32>
    %select_n3A_316 = arith.select %eq3A_313, %iota3A, %broadcast_in_dim3A_315 : vector<1024x1024xi1>, vector<1024x1024xi32>
    %reduce_min3A_317 = arith.constant dense<2147483647> : vector<1024xi32>
    %reduce_min3A_318 = vector.multi_reduction <minsi>, %select_n3A_316, %reduce_min3A_317 [1] : vector<1024x1024xi32> to vector<1024xi32>
    %broadcast_in_dim3A_319 = vector.shape_cast %reduce_min3A_318 : vector<1024xi32> to vector<1024x1xi32>
    %eq3A_320 = vector.broadcast %broadcast_in_dim3A_319 : vector<1024x1xi32> to vector<1024x1024xi32>
    %eq3A_321 = arith.cmpi eq, %iota3A, %eq3A_320 : vector<1024x1024xi32>
    %jit3A_322 = arith.constant 0xFF800000 : f32
    %broadcast_in_dim3A_323 = vector.broadcast %jit3A_322 : f32 to vector<1024x1024xf32>
    %select_n3A_324 = arith.select %eq3A_321, %broadcast_in_dim3A_323, %get3A_311 : vector<1024x1024xi1>, vector<1024x1024xf32>
    %swap3A_325 = arith.constant 0 : index
    %swap3A_326 = arith.constant 0 : index
    %swap3A_327 = vector.load %arg5[%swap3A_325, %swap3A_326] : memref<1024x1024xf32, #tpu.memory_space<vmem>>, vector<1024x1024xf32>
    tpu.vector_store %arg5[%swap3A_325, %swap3A_326], %select_n3A_324 {strides = array<i32>} : memref<1024x1024xf32, #tpu.memory_space<vmem>>, vector<1024x1024xf32>,
    %reduce_max3A_328 = arith.constant dense<0xFF800000> : vector<1024xf32>
    %reduce_max3A_329 = vector.multi_reduction <maximumf>, %select_n3A_324, %reduce_max3A_328 [1] : vector<1024x1024xf32> to vector<1024xf32>
    %broadcast_in_dim3A_330 = vector.shape_cast %reduce_max3A_329 : vector<1024xf32> to vector<1024x1xf32>
    %get3A_331 = arith.constant 0 : index
    %get3A_332 = arith.constant 0 : index
    %get3A_333 = vector.load %arg5[%get3A_331, %get3A_332] : memref<1024x1024xf32, #tpu.memory_space<vmem>>, vector<1024x1024xf32>
    %eq3A_334 = vector.broadcast %broadcast_in_dim3A_330 : vector<1024x1xf32> to vector<1024x1024xf32>
    %eq3A_335 = arith.cmpf oeq, %get3A_333, %eq3A_334 : vector<1024x1024xf32>
    %jit3A_336 = arith.constant 1024 : i32
    %broadcast_in_dim3A_337 = vector.broadcast %jit3A_336 : i32 to vector<1024x1024xi32>
    %select_n3A_338 = arith.select %eq3A_335, %iota3A, %broadcast_in_dim3A_337 : vector<1024x1024xi1>, vector<1024x1024xi32>
    %reduce_min3A_339 = arith.constant dense<2147483647> : vector<1024xi32>
    %reduce_min3A_340 = vector.multi_reduction <minsi>, %select_n3A_338, %reduce_min3A_339 [1] : vector<1024x1024xi32> to vector<1024xi32>
    %broadcast_in_dim3A_341 = vector.shape_cast %reduce_min3A_340 : vector<1024xi32> to vector<1024x1xi32>
    %eq3A_342 = vector.broadcast %broadcast_in_dim3A_341 : vector<1024x1xi32> to vector<1024x1024xi32>
    %eq3A_343 = arith.cmpi eq, %iota3A, %eq3A_342 : vector<1024x1024xi32>
    %jit3A_344 = arith.constant 0xFF800000 : f32
    %broadcast_in_dim3A_345 = vector.broadcast %jit3A_344 : f32 to vector<1024x1024xf32>
    %select_n3A_346 = arith.select %eq3A_343, %broadcast_in_dim3A_345, %get3A_333 : vector<1024x1024xi1>, vector<1024x1024xf32>
    %swap3A_347 = arith.constant 0 : index
    %swap3A_348 = arith.constant 0 : index
    %swap3A_349 = vector.load %arg5[%swap3A_347, %swap3A_348] : memref<1024x1024xf32, #tpu.memory_space<vmem>>, vector<1024x1024xf32>
    tpu.vector_store %arg5[%swap3A_347, %swap3A_348], %select_n3A_346 {strides = array<i32>} : memref<1024x1024xf32, #tpu.memory_space<vmem>>, vector<1024x1024xf32>,
    %reduce_max3A_350 = arith.constant dense<0xFF800000> : vector<1024xf32>
    %reduce_max3A_351 = vector.multi_reduction <maximumf>, %select_n3A_346, %reduce_max3A_350 [1] : vector<1024x1024xf32> to vector<1024xf32>
    %broadcast_in_dim3A_352 = vector.shape_cast %reduce_max3A_351 : vector<1024xf32> to vector<1024x1xf32>
    %get3A_353 = arith.constant 0 : index
    %get3A_354 = arith.constant 0 : index
    %get3A_355 = vector.load %arg5[%get3A_353, %get3A_354] : memref<1024x1024xf32, #tpu.memory_space<vmem>>, vector<1024x1024xf32>
    %eq3A_356 = vector.broadcast %broadcast_in_dim3A_352 : vector<1024x1xf32> to vector<1024x1024xf32>
    %eq3A_357 = arith.cmpf oeq, %get3A_355, %eq3A_356 : vector<1024x1024xf32>
    %jit3A_358 = arith.constant 1024 : i32
    %broadcast_in_dim3A_359 = vector.broadcast %jit3A_358 : i32 to vector<1024x1024xi32>
    %select_n3A_360 = arith.select %eq3A_357, %iota3A, %broadcast_in_dim3A_359 : vector<1024x1024xi1>, vector<1024x1024xi32>
    %reduce_min3A_361 = arith.constant dense<2147483647> : vector<1024xi32>
    %reduce_min3A_362 = vector.multi_reduction <minsi>, %select_n3A_360, %reduce_min3A_361 [1] : vector<1024x1024xi32> to vector<1024xi32>
    %broadcast_in_dim3A_363 = vector.shape_cast %reduce_min3A_362 : vector<1024xi32> to vector<1024x1xi32>
    %eq3A_364 = vector.broadcast %broadcast_in_dim3A_363 : vector<1024x1xi32> to vector<1024x1024xi32>
    %eq3A_365 = arith.cmpi eq, %iota3A, %eq3A_364 : vector<1024x1024xi32>
    %jit3A_366 = arith.constant 0xFF800000 : f32
    %broadcast_in_dim3A_367 = vector.broadcast %jit3A_366 : f32 to vector<1024x1024xf32>
    %select_n3A_368 = arith.select %eq3A_365, %broadcast_in_dim3A_367, %get3A_355 : vector<1024x1024xi1>, vector<1024x1024xf32>
    %swap3A_369 = arith.constant 0 : index
    %swap3A_370 = arith.constant 0 : index
    %swap3A_371 = vector.load %arg5[%swap3A_369, %swap3A_370] : memref<1024x1024xf32, #tpu.memory_space<vmem>>, vector<1024x1024xf32>
    tpu.vector_store %arg5[%swap3A_369, %swap3A_370], %select_n3A_368 {strides = array<i32>} : memref<1024x1024xf32, #tpu.memory_space<vmem>>, vector<1024x1024xf32>,
    %reduce_max3A_372 = arith.constant dense<0xFF800000> : vector<1024xf32>
    %reduce_max3A_373 = vector.multi_reduction <maximumf>, %select_n3A_368, %reduce_max3A_372 [1] : vector<1024x1024xf32> to vector<1024xf32>
    %broadcast_in_dim3A_374 = vector.shape_cast %reduce_max3A_373 : vector<1024xf32> to vector<1024x1xf32>
    %get3A_375 = arith.constant 0 : index
    %get3A_376 = arith.constant 0 : index
    %get3A_377 = vector.load %arg5[%get3A_375, %get3A_376] : memref<1024x1024xf32, #tpu.memory_space<vmem>>, vector<1024x1024xf32>
    %eq3A_378 = vector.broadcast %broadcast_in_dim3A_374 : vector<1024x1xf32> to vector<1024x1024xf32>
    %eq3A_379 = arith.cmpf oeq, %get3A_377, %eq3A_378 : vector<1024x1024xf32>
    %jit3A_380 = arith.constant 1024 : i32
    %broadcast_in_dim3A_381 = vector.broadcast %jit3A_380 : i32 to vector<1024x1024xi32>
    %select_n3A_382 = arith.select %eq3A_379, %iota3A, %broadcast_in_dim3A_381 : vector<1024x1024xi1>, vector<1024x1024xi32>
    %reduce_min3A_383 = arith.constant dense<2147483647> : vector<1024xi32>
    %reduce_min3A_384 = vector.multi_reduction <minsi>, %select_n3A_382, %reduce_min3A_383 [1] : vector<1024x1024xi32> to vector<1024xi32>
    %broadcast_in_dim3A_385 = vector.shape_cast %reduce_min3A_384 : vector<1024xi32> to vector<1024x1xi32>
    %eq3A_386 = vector.broadcast %broadcast_in_dim3A_385 : vector<1024x1xi32> to vector<1024x1024xi32>
    %eq3A_387 = arith.cmpi eq, %iota3A, %eq3A_386 : vector<1024x1024xi32>
    %jit3A_388 = arith.constant 0xFF800000 : f32
    %broadcast_in_dim3A_389 = vector.broadcast %jit3A_388 : f32 to vector<1024x1024xf32>
    %select_n3A_390 = arith.select %eq3A_387, %broadcast_in_dim3A_389, %get3A_377 : vector<1024x1024xi1>, vector<1024x1024xf32>
    %swap3A_391 = arith.constant 0 : index
    %swap3A_392 = arith.constant 0 : index
    %swap3A_393 = vector.load %arg5[%swap3A_391, %swap3A_392] : memref<1024x1024xf32, #tpu.memory_space<vmem>>, vector<1024x1024xf32>
    tpu.vector_store %arg5[%swap3A_391, %swap3A_392], %select_n3A_390 {strides = array<i32>} : memref<1024x1024xf32, #tpu.memory_space<vmem>>, vector<1024x1024xf32>,
    %reduce_max3A_394 = arith.constant dense<0xFF800000> : vector<1024xf32>
    %reduce_max3A_395 = vector.multi_reduction <maximumf>, %select_n3A_390, %reduce_max3A_394 [1] : vector<1024x1024xf32> to vector<1024xf32>
    %broadcast_in_dim3A_396 = vector.shape_cast %reduce_max3A_395 : vector<1024xf32> to vector<1024x1xf32>
    %get3A_397 = arith.constant 0 : index
    %get3A_398 = arith.constant 0 : index
    %get3A_399 = vector.load %arg5[%get3A_397, %get3A_398] : memref<1024x1024xf32, #tpu.memory_space<vmem>>, vector<1024x1024xf32>
    %eq3A_400 = vector.broadcast %broadcast_in_dim3A_396 : vector<1024x1xf32> to vector<1024x1024xf32>
    %eq3A_401 = arith.cmpf oeq, %get3A_399, %eq3A_400 : vector<1024x1024xf32>
    %jit3A_402 = arith.constant 1024 : i32
    %broadcast_in_dim3A_403 = vector.broadcast %jit3A_402 : i32 to vector<1024x1024xi32>
    %select_n3A_404 = arith.select %eq3A_401, %iota3A, %broadcast_in_dim3A_403 : vector<1024x1024xi1>, vector<1024x1024xi32>
    %reduce_min3A_405 = arith.constant dense<2147483647> : vector<1024xi32>
    %reduce_min3A_406 = vector.multi_reduction <minsi>, %select_n3A_404, %reduce_min3A_405 [1] : vector<1024x1024xi32> to vector<1024xi32>
    %broadcast_in_dim3A_407 = vector.shape_cast %reduce_min3A_406 : vector<1024xi32> to vector<1024x1xi32>
    %eq3A_408 = vector.broadcast %broadcast_in_dim3A_407 : vector<1024x1xi32> to vector<1024x1024xi32>
    %eq3A_409 = arith.cmpi eq, %iota3A, %eq3A_408 : vector<1024x1024xi32>
    %jit3A_410 = arith.constant 0xFF800000 : f32
    %broadcast_in_dim3A_411 = vector.broadcast %jit3A_410 : f32 to vector<1024x1024xf32>
    %select_n3A_412 = arith.select %eq3A_409, %broadcast_in_dim3A_411, %get3A_399 : vector<1024x1024xi1>, vector<1024x1024xf32>
    %swap3A_413 = arith.constant 0 : index
    %swap3A_414 = arith.constant 0 : index
    %swap3A_415 = vector.load %arg5[%swap3A_413, %swap3A_414] : memref<1024x1024xf32, #tpu.memory_space<vmem>>, vector<1024x1024xf32>
    tpu.vector_store %arg5[%swap3A_413, %swap3A_414], %select_n3A_412 {strides = array<i32>} : memref<1024x1024xf32, #tpu.memory_space<vmem>>, vector<1024x1024xf32>,
    %reduce_max3A_416 = arith.constant dense<0xFF800000> : vector<1024xf32>
    %reduce_max3A_417 = vector.multi_reduction <maximumf>, %select_n3A_412, %reduce_max3A_416 [1] : vector<1024x1024xf32> to vector<1024xf32>
    %broadcast_in_dim3A_418 = vector.shape_cast %reduce_max3A_417 : vector<1024xf32> to vector<1024x1xf32>
    %get3A_419 = arith.constant 0 : index
    %get3A_420 = arith.constant 0 : index
    %get3A_421 = vector.load %arg5[%get3A_419, %get3A_420] : memref<1024x1024xf32, #tpu.memory_space<vmem>>, vector<1024x1024xf32>
    %eq3A_422 = vector.broadcast %broadcast_in_dim3A_418 : vector<1024x1xf32> to vector<1024x1024xf32>
    %eq3A_423 = arith.cmpf oeq, %get3A_421, %eq3A_422 : vector<1024x1024xf32>
    %jit3A_424 = arith.constant 1024 : i32
    %broadcast_in_dim3A_425 = vector.broadcast %jit3A_424 : i32 to vector<1024x1024xi32>
    %select_n3A_426 = arith.select %eq3A_423, %iota3A, %broadcast_in_dim3A_425 : vector<1024x1024xi1>, vector<1024x1024xi32>
    %reduce_min3A_427 = arith.constant dense<2147483647> : vector<1024xi32>
    %reduce_min3A_428 = vector.multi_reduction <minsi>, %select_n3A_426, %reduce_min3A_427 [1] : vector<1024x1024xi32> to vector<1024xi32>
    %broadcast_in_dim3A_429 = vector.shape_cast %reduce_min3A_428 : vector<1024xi32> to vector<1024x1xi32>
    %eq3A_430 = vector.broadcast %broadcast_in_dim3A_429 : vector<1024x1xi32> to vector<1024x1024xi32>
    %eq3A_431 = arith.cmpi eq, %iota3A, %eq3A_430 : vector<1024x1024xi32>
    %jit3A_432 = arith.constant 0xFF800000 : f32
    %broadcast_in_dim3A_433 = vector.broadcast %jit3A_432 : f32 to vector<1024x1024xf32>
    %select_n3A_434 = arith.select %eq3A_431, %broadcast_in_dim3A_433, %get3A_421 : vector<1024x1024xi1>, vector<1024x1024xf32>
    %swap3A_435 = arith.constant 0 : index
    %swap3A_436 = arith.constant 0 : index
    %swap3A_437 = vector.load %arg5[%swap3A_435, %swap3A_436] : memref<1024x1024xf32, #tpu.memory_space<vmem>>, vector<1024x1024xf32>
    tpu.vector_store %arg5[%swap3A_435, %swap3A_436], %select_n3A_434 {strides = array<i32>} : memref<1024x1024xf32, #tpu.memory_space<vmem>>, vector<1024x1024xf32>,
    %reduce_max3A_438 = arith.constant dense<0xFF800000> : vector<1024xf32>
    %reduce_max3A_439 = vector.multi_reduction <maximumf>, %select_n3A_434, %reduce_max3A_438 [1] : vector<1024x1024xf32> to vector<1024xf32>
    %broadcast_in_dim3A_440 = vector.shape_cast %reduce_max3A_439 : vector<1024xf32> to vector<1024x1xf32>
    %get3A_441 = arith.constant 0 : index
    %get3A_442 = arith.constant 0 : index
    %get3A_443 = vector.load %arg5[%get3A_441, %get3A_442] : memref<1024x1024xf32, #tpu.memory_space<vmem>>, vector<1024x1024xf32>
    %eq3A_444 = vector.broadcast %broadcast_in_dim3A_440 : vector<1024x1xf32> to vector<1024x1024xf32>
    %eq3A_445 = arith.cmpf oeq, %get3A_443, %eq3A_444 : vector<1024x1024xf32>
    %jit3A_446 = arith.constant 1024 : i32
    %broadcast_in_dim3A_447 = vector.broadcast %jit3A_446 : i32 to vector<1024x1024xi32>
    %select_n3A_448 = arith.select %eq3A_445, %iota3A, %broadcast_in_dim3A_447 : vector<1024x1024xi1>, vector<1024x1024xi32>
    %reduce_min3A_449 = arith.constant dense<2147483647> : vector<1024xi32>
    %reduce_min3A_450 = vector.multi_reduction <minsi>, %select_n3A_448, %reduce_min3A_449 [1] : vector<1024x1024xi32> to vector<1024xi32>
    %broadcast_in_dim3A_451 = vector.shape_cast %reduce_min3A_450 : vector<1024xi32> to vector<1024x1xi32>
    %concatenate3A = tpu.concatenate %broadcast_in_dim3A_33, %broadcast_in_dim3A_55, %broadcast_in_dim3A_77, %broadcast_in_dim3A_99, %broadcast_in_dim3A_121, %broadcast_in_dim3A_143, %broadcast_in_dim3A_165, %broadcast_in_dim3A_187, %broadcast_in_dim3A_209, %broadcast_in_dim3A_231, %broadcast_in_dim3A_253, %broadcast_in_dim3A_275, %broadcast_in_dim3A_297, %broadcast_in_dim3A_319, %broadcast_in_dim3A_341, %broadcast_in_dim3A_363, %broadcast_in_dim3A_385, %broadcast_in_dim3A_407, %broadcast_in_dim3A_429, %broadcast_in_dim3A_451 in 1 : vector<1024x1xi32>, vector<1024x1xi32>, vector<1024x1xi32>, vector<1024x1xi32>, vector<1024x1xi32>, vector<1024x1xi32>, vector<1024x1xi32>, vector<1024x1xi32>, vector<1024x1xi32>, vector<1024x1xi32>, vector<1024x1xi32>, vector<1024x1xi32>, vector<1024x1xi32>, vector<1024x1xi32>, vector<1024x1xi32>, vector<1024x1xi32>, vector<1024x1xi32>, vector<1024x1xi32>, vector<1024x1xi32>, vector<1024x1xi32> -> vector<1024x20xi32>
    %mul3A_452 = arith.constant 1024 : i32
    %mul3A_453 = arith.muli %arg0, %mul3A_452 : i32
    %add3A_454 = vector.broadcast %mul3A_453 : i32 to vector<1024x20xi32>
    %add3A_455 = arith.addi %concatenate3A, %add3A_454 : vector<1024x20xi32>
    %swap3A_456 = arith.constant 0 : index
    %swap3A_457 = arith.constant 0 : index
    %swap3A_458 = arith.constant 0 : index
    %swap3A_459 = vector.load %arg3[%swap3A_456, %swap3A_457, %swap3A_458] : memref<1x1024x20xi32, #tpu.memory_space<vmem>>, vector<1x1024x20xi32>
    %swap3A_460 = vector.shape_cast %swap3A_459 : vector<1x1024x20xi32> to vector<1024x20xi32>
    %swap3A_461 = vector.shape_cast %add3A_455 : vector<1024x20xi32> to vector<1x1024x20xi32>
    tpu.vector_store %arg3[%swap3A_456, %swap3A_457, %swap3A_458], %swap3A_461 {strides = array<i32>} : memref<1x1024x20xi32, #tpu.memory_space<vmem>>, vector<1x1024x20xi32>,
    %swap3A_462 = arith.constant 0 : index
    %swap3A_463 = arith.constant 0 : index
    %swap3A_464 = arith.constant 0 : index
    %swap3A_465 = vector.load %arg4[%swap3A_462, %swap3A_463, %swap3A_464] : memref<1x1024x64xf32, #tpu.memory_space<vmem>>, vector<1x1024x64xf32>
    %swap3A_466 = vector.shape_cast %swap3A_465 : vector<1x1024x64xf32> to vector<1024x64xf32>
    %swap3A_467 = vector.shape_cast %dot_general3A_21 : vector<1024x64xf32> to vector<1x1024x64xf32>
    tpu.vector_store %arg4[%swap3A_462, %swap3A_463, %swap3A_464], %swap3A_467 {strides = array<i32>} : memref<1x1024x64xf32, #tpu.memory_space<vmem>>, vector<1x1024x64xf32>,
    return
  }
  func.func @transform_0(%arg0: i32) -> (i32, i32, i32) {
    %c0_i32 = arith.constant 0 : i32
    %c0_i32_0 = arith.constant 0 : i32
    %c0_i32_1 = arith.constant 0 : i32
    return %arg0, %c0_i32, %c0_i32_0 : i32, i32, i32
  }
  func.func @transform_1(%arg0: i32) -> (i32, i32) {
    %c0_i32 = arith.constant 0 : i32
    %c0_i32_0 = arith.constant 0 : i32
    %c0_i32_1 = arith.constant 0 : i32
    return %c0_i32, %c0_i32_0 : i32, i32
  }
  func.func @transform_2(%arg0: i32) -> (i32, i32, i32) {
    %c0_i32 = arith.constant 0 : i32
    %c0_i32_0 = arith.constant 0 : i32
    %c0_i32_1 = arith.constant 0 : i32
    return %arg0, %c0_i32, %c0_i32_0 : i32, i32, i32
  }
  func.func @transform_3(%arg0: i32) -> (i32, i32, i32) {
    %c0_i32 = arith.constant 0 : i32
    %c0_i32_0 = arith.constant 0 : i32
    %c0_i32_1 = arith.constant 0 : i32
    return %arg0, %c0_i32, %c0_i32_0 : i32, i32, i32
  }
}

module attributes {stable_mosaic.version = 14 : i64} {
  func.func @_agg_body(%arg0: i32, %arg1: memref<1x1024x20x64xf32, #tpu.memory_space<vmem>>, %arg2: memref<1x1024x64xf32, #tpu.memory_space<vmem>>, %arg3: memref<1x1024x64xf32, #tpu.memory_space<vmem>>, %arg4: memref<64x64xf32, #tpu.memory_space<vmem>>, %arg5: memref<64xf32, #tpu.memory_space<vmem>>, %arg6: memref<64xf32, #tpu.memory_space<vmem>>, %arg7: memref<1x1024x64xf32, #tpu.memory_space<vmem>>) attributes {dimension_semantics = [#tpu.dimension_semantics<arbitrary>], iteration_bounds = array<i64: 4>, scalar_prefetch = 0 : i64, scratch_operands = 0 : i64, tpu.core_type = #tpu.core_type<tc>, window_params = [{transform_indices = @transform_0, window_bounds = array<i64: 1, 1024, 20, 64>}, {transform_indices = @transform_1, window_bounds = array<i64: 1, 1024, 64>}, {transform_indices = @transform_2, window_bounds = array<i64: 1, 1024, 64>}, {pipeline_mode = #tpu.pipeline_mode<synchronous>, transform_indices = @transform_3, window_bounds = array<i64: 64, 64>}, {pipeline_mode = #tpu.pipeline_mode<synchronous>, transform_indices = @transform_4, window_bounds = array<i64: 64>}, {pipeline_mode = #tpu.pipeline_mode<synchronous>, transform_indices = @transform_5, window_bounds = array<i64: 64>}, {transform_indices = @transform_6, window_bounds = array<i64: 1, 1024, 64>}]} {
    %get3A = arith.constant 0 : index
    %get3A_0 = arith.constant 0 : index
    %get3A_1 = arith.constant 0 : index
    %get3A_2 = vector.load %arg2[%get3A, %get3A_0, %get3A_1] : memref<1x1024x64xf32, #tpu.memory_space<vmem>>, vector<1x1024x64xf32>
    %get3A_3 = vector.shape_cast %get3A_2 : vector<1x1024x64xf32> to vector<1024x64xf32>
    %get3A_4 = arith.constant 0 : index
    %get3A_5 = arith.constant 0 : index
    %get3A_6 = arith.constant 0 : index
    %get3A_7 = vector.load %arg3[%get3A_4, %get3A_5, %get3A_6] : memref<1x1024x64xf32, #tpu.memory_space<vmem>>, vector<1x1024x64xf32>
    %get3A_8 = vector.shape_cast %get3A_7 : vector<1x1024x64xf32> to vector<1024x64xf32>
    %get3A_9 = arith.constant 0 : index
    %get3A_10 = arith.constant 0 : index
    %get3A_11 = vector.load %arg4[%get3A_9, %get3A_10] : memref<64x64xf32, #tpu.memory_space<vmem>>, vector<64x64xf32>
    %get3A_12 = arith.constant 0 : index
    %get3A_13 = vector.load %arg5[%get3A_12] : memref<64xf32, #tpu.memory_space<vmem>>, vector<64xf32>
    %get3A_14 = arith.constant 0 : index
    %get3A_15 = vector.load %arg6[%get3A_14] : memref<64xf32, #tpu.memory_space<vmem>>, vector<64xf32>
    %convert_element_type3A = arith.truncf %get3A_11 : vector<64x64xf32> to vector<64x64xbf16>
    %get3A_16 = arith.constant 0 : index
    %get3A_17 = arith.constant 0 : index
    %get3A_18 = arith.constant 0 : index
    %get3A_19 = arith.constant 0 : index
    %get3A_20 = vector.load %arg1[%get3A_16, %get3A_17, %get3A_18, %get3A_19] : memref<1x1024x20x64xf32, #tpu.memory_space<vmem>>, vector<1x1024x1x64xf32>
    %get3A_21 = vector.shape_cast %get3A_20 : vector<1x1024x1x64xf32> to vector<1024x64xf32>
    %sub3A = arith.subf %get3A_21, %get3A_3 : vector<1024x64xf32>
    %convert_element_type3A_22 = arith.truncf %sub3A : vector<1024x64xf32> to vector<1024x64xbf16>
    %dot_general3A = arith.constant dense<0.000000e+00> : vector<1024x64xf32>
    %dot_general3A_23 = tpu.matmul %convert_element_type3A_22, %convert_element_type3A, %dot_general3A {dimension_numbers = #tpu.dot_dimension_numbers<[1], [1], [0], [0], [0, 0, 1, 0], [], []>, transpose_lhs_hint = false} : vector<1024x64xbf16>, vector<64x64xbf16>, vector<1024x64xf32> -> vector<1024x64xf32>
    %get3A_24 = arith.constant 0 : index
    %get3A_25 = arith.constant 0 : index
    %get3A_26 = arith.constant 1 : index
    %get3A_27 = arith.constant 0 : index
    %get3A_28 = vector.load %arg1[%get3A_24, %get3A_25, %get3A_26, %get3A_27] : memref<1x1024x20x64xf32, #tpu.memory_space<vmem>>, vector<1x1024x1x64xf32>
    %get3A_29 = vector.shape_cast %get3A_28 : vector<1x1024x1x64xf32> to vector<1024x64xf32>
    %sub3A_30 = arith.subf %get3A_29, %get3A_3 : vector<1024x64xf32>
    %convert_element_type3A_31 = arith.truncf %sub3A_30 : vector<1024x64xf32> to vector<1024x64xbf16>
    %dot_general3A_32 = arith.constant dense<0.000000e+00> : vector<1024x64xf32>
    %dot_general3A_33 = tpu.matmul %convert_element_type3A_31, %convert_element_type3A, %dot_general3A_32 {dimension_numbers = #tpu.dot_dimension_numbers<[1], [1], [0], [0], [0, 0, 1, 0], [], []>, transpose_lhs_hint = false} : vector<1024x64xbf16>, vector<64x64xbf16>, vector<1024x64xf32> -> vector<1024x64xf32>
    %max3A = arith.maximumf %dot_general3A_23, %dot_general3A_33 : vector<1024x64xf32>
    %get3A_34 = arith.constant 0 : index
    %get3A_35 = arith.constant 0 : index
    %get3A_36 = arith.constant 2 : index
    %get3A_37 = arith.constant 0 : index
    %get3A_38 = vector.load %arg1[%get3A_34, %get3A_35, %get3A_36, %get3A_37] : memref<1x1024x20x64xf32, #tpu.memory_space<vmem>>, vector<1x1024x1x64xf32>
    %get3A_39 = vector.shape_cast %get3A_38 : vector<1x1024x1x64xf32> to vector<1024x64xf32>
    %sub3A_40 = arith.subf %get3A_39, %get3A_3 : vector<1024x64xf32>
    %convert_element_type3A_41 = arith.truncf %sub3A_40 : vector<1024x64xf32> to vector<1024x64xbf16>
    %dot_general3A_42 = arith.constant dense<0.000000e+00> : vector<1024x64xf32>
    %dot_general3A_43 = tpu.matmul %convert_element_type3A_41, %convert_element_type3A, %dot_general3A_42 {dimension_numbers = #tpu.dot_dimension_numbers<[1], [1], [0], [0], [0, 0, 1, 0], [], []>, transpose_lhs_hint = false} : vector<1024x64xbf16>, vector<64x64xbf16>, vector<1024x64xf32> -> vector<1024x64xf32>
    %max3A_44 = arith.maximumf %max3A, %dot_general3A_43 : vector<1024x64xf32>
    %get3A_45 = arith.constant 0 : index
    %get3A_46 = arith.constant 0 : index
    %get3A_47 = arith.constant 3 : index
    %get3A_48 = arith.constant 0 : index
    %get3A_49 = vector.load %arg1[%get3A_45, %get3A_46, %get3A_47, %get3A_48] : memref<1x1024x20x64xf32, #tpu.memory_space<vmem>>, vector<1x1024x1x64xf32>
    %get3A_50 = vector.shape_cast %get3A_49 : vector<1x1024x1x64xf32> to vector<1024x64xf32>
    %sub3A_51 = arith.subf %get3A_50, %get3A_3 : vector<1024x64xf32>
    %convert_element_type3A_52 = arith.truncf %sub3A_51 : vector<1024x64xf32> to vector<1024x64xbf16>
    %dot_general3A_53 = arith.constant dense<0.000000e+00> : vector<1024x64xf32>
    %dot_general3A_54 = tpu.matmul %convert_element_type3A_52, %convert_element_type3A, %dot_general3A_53 {dimension_numbers = #tpu.dot_dimension_numbers<[1], [1], [0], [0], [0, 0, 1, 0], [], []>, transpose_lhs_hint = false} : vector<1024x64xbf16>, vector<64x64xbf16>, vector<1024x64xf32> -> vector<1024x64xf32>
    %max3A_55 = arith.maximumf %max3A_44, %dot_general3A_54 : vector<1024x64xf32>
    %get3A_56 = arith.constant 0 : index
    %get3A_57 = arith.constant 0 : index
    %get3A_58 = arith.constant 4 : index
    %get3A_59 = arith.constant 0 : index
    %get3A_60 = vector.load %arg1[%get3A_56, %get3A_57, %get3A_58, %get3A_59] : memref<1x1024x20x64xf32, #tpu.memory_space<vmem>>, vector<1x1024x1x64xf32>
    %get3A_61 = vector.shape_cast %get3A_60 : vector<1x1024x1x64xf32> to vector<1024x64xf32>
    %sub3A_62 = arith.subf %get3A_61, %get3A_3 : vector<1024x64xf32>
    %convert_element_type3A_63 = arith.truncf %sub3A_62 : vector<1024x64xf32> to vector<1024x64xbf16>
    %dot_general3A_64 = arith.constant dense<0.000000e+00> : vector<1024x64xf32>
    %dot_general3A_65 = tpu.matmul %convert_element_type3A_63, %convert_element_type3A, %dot_general3A_64 {dimension_numbers = #tpu.dot_dimension_numbers<[1], [1], [0], [0], [0, 0, 1, 0], [], []>, transpose_lhs_hint = false} : vector<1024x64xbf16>, vector<64x64xbf16>, vector<1024x64xf32> -> vector<1024x64xf32>
    %max3A_66 = arith.maximumf %max3A_55, %dot_general3A_65 : vector<1024x64xf32>
    %get3A_67 = arith.constant 0 : index
    %get3A_68 = arith.constant 0 : index
    %get3A_69 = arith.constant 5 : index
    %get3A_70 = arith.constant 0 : index
    %get3A_71 = vector.load %arg1[%get3A_67, %get3A_68, %get3A_69, %get3A_70] : memref<1x1024x20x64xf32, #tpu.memory_space<vmem>>, vector<1x1024x1x64xf32>
    %get3A_72 = vector.shape_cast %get3A_71 : vector<1x1024x1x64xf32> to vector<1024x64xf32>
    %sub3A_73 = arith.subf %get3A_72, %get3A_3 : vector<1024x64xf32>
    %convert_element_type3A_74 = arith.truncf %sub3A_73 : vector<1024x64xf32> to vector<1024x64xbf16>
    %dot_general3A_75 = arith.constant dense<0.000000e+00> : vector<1024x64xf32>
    %dot_general3A_76 = tpu.matmul %convert_element_type3A_74, %convert_element_type3A, %dot_general3A_75 {dimension_numbers = #tpu.dot_dimension_numbers<[1], [1], [0], [0], [0, 0, 1, 0], [], []>, transpose_lhs_hint = false} : vector<1024x64xbf16>, vector<64x64xbf16>, vector<1024x64xf32> -> vector<1024x64xf32>
    %max3A_77 = arith.maximumf %max3A_66, %dot_general3A_76 : vector<1024x64xf32>
    %get3A_78 = arith.constant 0 : index
    %get3A_79 = arith.constant 0 : index
    %get3A_80 = arith.constant 6 : index
    %get3A_81 = arith.constant 0 : index
    %get3A_82 = vector.load %arg1[%get3A_78, %get3A_79, %get3A_80, %get3A_81] : memref<1x1024x20x64xf32, #tpu.memory_space<vmem>>, vector<1x1024x1x64xf32>
    %get3A_83 = vector.shape_cast %get3A_82 : vector<1x1024x1x64xf32> to vector<1024x64xf32>
    %sub3A_84 = arith.subf %get3A_83, %get3A_3 : vector<1024x64xf32>
    %convert_element_type3A_85 = arith.truncf %sub3A_84 : vector<1024x64xf32> to vector<1024x64xbf16>
    %dot_general3A_86 = arith.constant dense<0.000000e+00> : vector<1024x64xf32>
    %dot_general3A_87 = tpu.matmul %convert_element_type3A_85, %convert_element_type3A, %dot_general3A_86 {dimension_numbers = #tpu.dot_dimension_numbers<[1], [1], [0], [0], [0, 0, 1, 0], [], []>, transpose_lhs_hint = false} : vector<1024x64xbf16>, vector<64x64xbf16>, vector<1024x64xf32> -> vector<1024x64xf32>
    %max3A_88 = arith.maximumf %max3A_77, %dot_general3A_87 : vector<1024x64xf32>
    %get3A_89 = arith.constant 0 : index
    %get3A_90 = arith.constant 0 : index
    %get3A_91 = arith.constant 7 : index
    %get3A_92 = arith.constant 0 : index
    %get3A_93 = vector.load %arg1[%get3A_89, %get3A_90, %get3A_91, %get3A_92] : memref<1x1024x20x64xf32, #tpu.memory_space<vmem>>, vector<1x1024x1x64xf32>
    %get3A_94 = vector.shape_cast %get3A_93 : vector<1x1024x1x64xf32> to vector<1024x64xf32>
    %sub3A_95 = arith.subf %get3A_94, %get3A_3 : vector<1024x64xf32>
    %convert_element_type3A_96 = arith.truncf %sub3A_95 : vector<1024x64xf32> to vector<1024x64xbf16>
    %dot_general3A_97 = arith.constant dense<0.000000e+00> : vector<1024x64xf32>
    %dot_general3A_98 = tpu.matmul %convert_element_type3A_96, %convert_element_type3A, %dot_general3A_97 {dimension_numbers = #tpu.dot_dimension_numbers<[1], [1], [0], [0], [0, 0, 1, 0], [], []>, transpose_lhs_hint = false} : vector<1024x64xbf16>, vector<64x64xbf16>, vector<1024x64xf32> -> vector<1024x64xf32>
    %max3A_99 = arith.maximumf %max3A_88, %dot_general3A_98 : vector<1024x64xf32>
    %get3A_100 = arith.constant 0 : index
    %get3A_101 = arith.constant 0 : index
    %get3A_102 = arith.constant 8 : index
    %get3A_103 = arith.constant 0 : index
    %get3A_104 = vector.load %arg1[%get3A_100, %get3A_101, %get3A_102, %get3A_103] : memref<1x1024x20x64xf32, #tpu.memory_space<vmem>>, vector<1x1024x1x64xf32>
    %get3A_105 = vector.shape_cast %get3A_104 : vector<1x1024x1x64xf32> to vector<1024x64xf32>
    %sub3A_106 = arith.subf %get3A_105, %get3A_3 : vector<1024x64xf32>
    %convert_element_type3A_107 = arith.truncf %sub3A_106 : vector<1024x64xf32> to vector<1024x64xbf16>
    %dot_general3A_108 = arith.constant dense<0.000000e+00> : vector<1024x64xf32>
    %dot_general3A_109 = tpu.matmul %convert_element_type3A_107, %convert_element_type3A, %dot_general3A_108 {dimension_numbers = #tpu.dot_dimension_numbers<[1], [1], [0], [0], [0, 0, 1, 0], [], []>, transpose_lhs_hint = false} : vector<1024x64xbf16>, vector<64x64xbf16>, vector<1024x64xf32> -> vector<1024x64xf32>
    %max3A_110 = arith.maximumf %max3A_99, %dot_general3A_109 : vector<1024x64xf32>
    %get3A_111 = arith.constant 0 : index
    %get3A_112 = arith.constant 0 : index
    %get3A_113 = arith.constant 9 : index
    %get3A_114 = arith.constant 0 : index
    %get3A_115 = vector.load %arg1[%get3A_111, %get3A_112, %get3A_113, %get3A_114] : memref<1x1024x20x64xf32, #tpu.memory_space<vmem>>, vector<1x1024x1x64xf32>
    %get3A_116 = vector.shape_cast %get3A_115 : vector<1x1024x1x64xf32> to vector<1024x64xf32>
    %sub3A_117 = arith.subf %get3A_116, %get3A_3 : vector<1024x64xf32>
    %convert_element_type3A_118 = arith.truncf %sub3A_117 : vector<1024x64xf32> to vector<1024x64xbf16>
    %dot_general3A_119 = arith.constant dense<0.000000e+00> : vector<1024x64xf32>
    %dot_general3A_120 = tpu.matmul %convert_element_type3A_118, %convert_element_type3A, %dot_general3A_119 {dimension_numbers = #tpu.dot_dimension_numbers<[1], [1], [0], [0], [0, 0, 1, 0], [], []>, transpose_lhs_hint = false} : vector<1024x64xbf16>, vector<64x64xbf16>, vector<1024x64xf32> -> vector<1024x64xf32>
    %max3A_121 = arith.maximumf %max3A_110, %dot_general3A_120 : vector<1024x64xf32>
    %get3A_122 = arith.constant 0 : index
    %get3A_123 = arith.constant 0 : index
    %get3A_124 = arith.constant 10 : index
    %get3A_125 = arith.constant 0 : index
    %get3A_126 = vector.load %arg1[%get3A_122, %get3A_123, %get3A_124, %get3A_125] : memref<1x1024x20x64xf32, #tpu.memory_space<vmem>>, vector<1x1024x1x64xf32>
    %get3A_127 = vector.shape_cast %get3A_126 : vector<1x1024x1x64xf32> to vector<1024x64xf32>
    %sub3A_128 = arith.subf %get3A_127, %get3A_3 : vector<1024x64xf32>
    %convert_element_type3A_129 = arith.truncf %sub3A_128 : vector<1024x64xf32> to vector<1024x64xbf16>
    %dot_general3A_130 = arith.constant dense<0.000000e+00> : vector<1024x64xf32>
    %dot_general3A_131 = tpu.matmul %convert_element_type3A_129, %convert_element_type3A, %dot_general3A_130 {dimension_numbers = #tpu.dot_dimension_numbers<[1], [1], [0], [0], [0, 0, 1, 0], [], []>, transpose_lhs_hint = false} : vector<1024x64xbf16>, vector<64x64xbf16>, vector<1024x64xf32> -> vector<1024x64xf32>
    %max3A_132 = arith.maximumf %max3A_121, %dot_general3A_131 : vector<1024x64xf32>
    %get3A_133 = arith.constant 0 : index
    %get3A_134 = arith.constant 0 : index
    %get3A_135 = arith.constant 11 : index
    %get3A_136 = arith.constant 0 : index
    %get3A_137 = vector.load %arg1[%get3A_133, %get3A_134, %get3A_135, %get3A_136] : memref<1x1024x20x64xf32, #tpu.memory_space<vmem>>, vector<1x1024x1x64xf32>
    %get3A_138 = vector.shape_cast %get3A_137 : vector<1x1024x1x64xf32> to vector<1024x64xf32>
    %sub3A_139 = arith.subf %get3A_138, %get3A_3 : vector<1024x64xf32>
    %convert_element_type3A_140 = arith.truncf %sub3A_139 : vector<1024x64xf32> to vector<1024x64xbf16>
    %dot_general3A_141 = arith.constant dense<0.000000e+00> : vector<1024x64xf32>
    %dot_general3A_142 = tpu.matmul %convert_element_type3A_140, %convert_element_type3A, %dot_general3A_141 {dimension_numbers = #tpu.dot_dimension_numbers<[1], [1], [0], [0], [0, 0, 1, 0], [], []>, transpose_lhs_hint = false} : vector<1024x64xbf16>, vector<64x64xbf16>, vector<1024x64xf32> -> vector<1024x64xf32>
    %max3A_143 = arith.maximumf %max3A_132, %dot_general3A_142 : vector<1024x64xf32>
    %get3A_144 = arith.constant 0 : index
    %get3A_145 = arith.constant 0 : index
    %get3A_146 = arith.constant 12 : index
    %get3A_147 = arith.constant 0 : index
    %get3A_148 = vector.load %arg1[%get3A_144, %get3A_145, %get3A_146, %get3A_147] : memref<1x1024x20x64xf32, #tpu.memory_space<vmem>>, vector<1x1024x1x64xf32>
    %get3A_149 = vector.shape_cast %get3A_148 : vector<1x1024x1x64xf32> to vector<1024x64xf32>
    %sub3A_150 = arith.subf %get3A_149, %get3A_3 : vector<1024x64xf32>
    %convert_element_type3A_151 = arith.truncf %sub3A_150 : vector<1024x64xf32> to vector<1024x64xbf16>
    %dot_general3A_152 = arith.constant dense<0.000000e+00> : vector<1024x64xf32>
    %dot_general3A_153 = tpu.matmul %convert_element_type3A_151, %convert_element_type3A, %dot_general3A_152 {dimension_numbers = #tpu.dot_dimension_numbers<[1], [1], [0], [0], [0, 0, 1, 0], [], []>, transpose_lhs_hint = false} : vector<1024x64xbf16>, vector<64x64xbf16>, vector<1024x64xf32> -> vector<1024x64xf32>
    %max3A_154 = arith.maximumf %max3A_143, %dot_general3A_153 : vector<1024x64xf32>
    %get3A_155 = arith.constant 0 : index
    %get3A_156 = arith.constant 0 : index
    %get3A_157 = arith.constant 13 : index
    %get3A_158 = arith.constant 0 : index
    %get3A_159 = vector.load %arg1[%get3A_155, %get3A_156, %get3A_157, %get3A_158] : memref<1x1024x20x64xf32, #tpu.memory_space<vmem>>, vector<1x1024x1x64xf32>
    %get3A_160 = vector.shape_cast %get3A_159 : vector<1x1024x1x64xf32> to vector<1024x64xf32>
    %sub3A_161 = arith.subf %get3A_160, %get3A_3 : vector<1024x64xf32>
    %convert_element_type3A_162 = arith.truncf %sub3A_161 : vector<1024x64xf32> to vector<1024x64xbf16>
    %dot_general3A_163 = arith.constant dense<0.000000e+00> : vector<1024x64xf32>
    %dot_general3A_164 = tpu.matmul %convert_element_type3A_162, %convert_element_type3A, %dot_general3A_163 {dimension_numbers = #tpu.dot_dimension_numbers<[1], [1], [0], [0], [0, 0, 1, 0], [], []>, transpose_lhs_hint = false} : vector<1024x64xbf16>, vector<64x64xbf16>, vector<1024x64xf32> -> vector<1024x64xf32>
    %max3A_165 = arith.maximumf %max3A_154, %dot_general3A_164 : vector<1024x64xf32>
    %get3A_166 = arith.constant 0 : index
    %get3A_167 = arith.constant 0 : index
    %get3A_168 = arith.constant 14 : index
    %get3A_169 = arith.constant 0 : index
    %get3A_170 = vector.load %arg1[%get3A_166, %get3A_167, %get3A_168, %get3A_169] : memref<1x1024x20x64xf32, #tpu.memory_space<vmem>>, vector<1x1024x1x64xf32>
    %get3A_171 = vector.shape_cast %get3A_170 : vector<1x1024x1x64xf32> to vector<1024x64xf32>
    %sub3A_172 = arith.subf %get3A_171, %get3A_3 : vector<1024x64xf32>
    %convert_element_type3A_173 = arith.truncf %sub3A_172 : vector<1024x64xf32> to vector<1024x64xbf16>
    %dot_general3A_174 = arith.constant dense<0.000000e+00> : vector<1024x64xf32>
    %dot_general3A_175 = tpu.matmul %convert_element_type3A_173, %convert_element_type3A, %dot_general3A_174 {dimension_numbers = #tpu.dot_dimension_numbers<[1], [1], [0], [0], [0, 0, 1, 0], [], []>, transpose_lhs_hint = false} : vector<1024x64xbf16>, vector<64x64xbf16>, vector<1024x64xf32> -> vector<1024x64xf32>
    %max3A_176 = arith.maximumf %max3A_165, %dot_general3A_175 : vector<1024x64xf32>
    %get3A_177 = arith.constant 0 : index
    %get3A_178 = arith.constant 0 : index
    %get3A_179 = arith.constant 15 : index
    %get3A_180 = arith.constant 0 : index
    %get3A_181 = vector.load %arg1[%get3A_177, %get3A_178, %get3A_179, %get3A_180] : memref<1x1024x20x64xf32, #tpu.memory_space<vmem>>, vector<1x1024x1x64xf32>
    %get3A_182 = vector.shape_cast %get3A_181 : vector<1x1024x1x64xf32> to vector<1024x64xf32>
    %sub3A_183 = arith.subf %get3A_182, %get3A_3 : vector<1024x64xf32>
    %convert_element_type3A_184 = arith.truncf %sub3A_183 : vector<1024x64xf32> to vector<1024x64xbf16>
    %dot_general3A_185 = arith.constant dense<0.000000e+00> : vector<1024x64xf32>
    %dot_general3A_186 = tpu.matmul %convert_element_type3A_184, %convert_element_type3A, %dot_general3A_185 {dimension_numbers = #tpu.dot_dimension_numbers<[1], [1], [0], [0], [0, 0, 1, 0], [], []>, transpose_lhs_hint = false} : vector<1024x64xbf16>, vector<64x64xbf16>, vector<1024x64xf32> -> vector<1024x64xf32>
    %max3A_187 = arith.maximumf %max3A_176, %dot_general3A_186 : vector<1024x64xf32>
    %get3A_188 = arith.constant 0 : index
    %get3A_189 = arith.constant 0 : index
    %get3A_190 = arith.constant 16 : index
    %get3A_191 = arith.constant 0 : index
    %get3A_192 = vector.load %arg1[%get3A_188, %get3A_189, %get3A_190, %get3A_191] : memref<1x1024x20x64xf32, #tpu.memory_space<vmem>>, vector<1x1024x1x64xf32>
    %get3A_193 = vector.shape_cast %get3A_192 : vector<1x1024x1x64xf32> to vector<1024x64xf32>
    %sub3A_194 = arith.subf %get3A_193, %get3A_3 : vector<1024x64xf32>
    %convert_element_type3A_195 = arith.truncf %sub3A_194 : vector<1024x64xf32> to vector<1024x64xbf16>
    %dot_general3A_196 = arith.constant dense<0.000000e+00> : vector<1024x64xf32>
    %dot_general3A_197 = tpu.matmul %convert_element_type3A_195, %convert_element_type3A, %dot_general3A_196 {dimension_numbers = #tpu.dot_dimension_numbers<[1], [1], [0], [0], [0, 0, 1, 0], [], []>, transpose_lhs_hint = false} : vector<1024x64xbf16>, vector<64x64xbf16>, vector<1024x64xf32> -> vector<1024x64xf32>
    %max3A_198 = arith.maximumf %max3A_187, %dot_general3A_197 : vector<1024x64xf32>
    %get3A_199 = arith.constant 0 : index
    %get3A_200 = arith.constant 0 : index
    %get3A_201 = arith.constant 17 : index
    %get3A_202 = arith.constant 0 : index
    %get3A_203 = vector.load %arg1[%get3A_199, %get3A_200, %get3A_201, %get3A_202] : memref<1x1024x20x64xf32, #tpu.memory_space<vmem>>, vector<1x1024x1x64xf32>
    %get3A_204 = vector.shape_cast %get3A_203 : vector<1x1024x1x64xf32> to vector<1024x64xf32>
    %sub3A_205 = arith.subf %get3A_204, %get3A_3 : vector<1024x64xf32>
    %convert_element_type3A_206 = arith.truncf %sub3A_205 : vector<1024x64xf32> to vector<1024x64xbf16>
    %dot_general3A_207 = arith.constant dense<0.000000e+00> : vector<1024x64xf32>
    %dot_general3A_208 = tpu.matmul %convert_element_type3A_206, %convert_element_type3A, %dot_general3A_207 {dimension_numbers = #tpu.dot_dimension_numbers<[1], [1], [0], [0], [0, 0, 1, 0], [], []>, transpose_lhs_hint = false} : vector<1024x64xbf16>, vector<64x64xbf16>, vector<1024x64xf32> -> vector<1024x64xf32>
    %max3A_209 = arith.maximumf %max3A_198, %dot_general3A_208 : vector<1024x64xf32>
    %get3A_210 = arith.constant 0 : index
    %get3A_211 = arith.constant 0 : index
    %get3A_212 = arith.constant 18 : index
    %get3A_213 = arith.constant 0 : index
    %get3A_214 = vector.load %arg1[%get3A_210, %get3A_211, %get3A_212, %get3A_213] : memref<1x1024x20x64xf32, #tpu.memory_space<vmem>>, vector<1x1024x1x64xf32>
    %get3A_215 = vector.shape_cast %get3A_214 : vector<1x1024x1x64xf32> to vector<1024x64xf32>
    %sub3A_216 = arith.subf %get3A_215, %get3A_3 : vector<1024x64xf32>
    %convert_element_type3A_217 = arith.truncf %sub3A_216 : vector<1024x64xf32> to vector<1024x64xbf16>
    %dot_general3A_218 = arith.constant dense<0.000000e+00> : vector<1024x64xf32>
    %dot_general3A_219 = tpu.matmul %convert_element_type3A_217, %convert_element_type3A, %dot_general3A_218 {dimension_numbers = #tpu.dot_dimension_numbers<[1], [1], [0], [0], [0, 0, 1, 0], [], []>, transpose_lhs_hint = false} : vector<1024x64xbf16>, vector<64x64xbf16>, vector<1024x64xf32> -> vector<1024x64xf32>
    %max3A_220 = arith.maximumf %max3A_209, %dot_general3A_219 : vector<1024x64xf32>
    %get3A_221 = arith.constant 0 : index
    %get3A_222 = arith.constant 0 : index
    %get3A_223 = arith.constant 19 : index
    %get3A_224 = arith.constant 0 : index
    %get3A_225 = vector.load %arg1[%get3A_221, %get3A_222, %get3A_223, %get3A_224] : memref<1x1024x20x64xf32, #tpu.memory_space<vmem>>, vector<1x1024x1x64xf32>
    %get3A_226 = vector.shape_cast %get3A_225 : vector<1x1024x1x64xf32> to vector<1024x64xf32>
    %sub3A_227 = arith.subf %get3A_226, %get3A_3 : vector<1024x64xf32>
    %convert_element_type3A_228 = arith.truncf %sub3A_227 : vector<1024x64xf32> to vector<1024x64xbf16>
    %dot_general3A_229 = arith.constant dense<0.000000e+00> : vector<1024x64xf32>
    %dot_general3A_230 = tpu.matmul %convert_element_type3A_228, %convert_element_type3A, %dot_general3A_229 {dimension_numbers = #tpu.dot_dimension_numbers<[1], [1], [0], [0], [0, 0, 1, 0], [], []>, transpose_lhs_hint = false} : vector<1024x64xbf16>, vector<64x64xbf16>, vector<1024x64xf32> -> vector<1024x64xf32>
    %max3A_231 = arith.maximumf %max3A_220, %dot_general3A_230 : vector<1024x64xf32>
    %add3A = arith.addf %max3A_231, %get3A_8 : vector<1024x64xf32>
    %broadcast_in_dim3A = vector.shape_cast %get3A_13 : vector<64xf32> to vector<1x64xf32>
    %mul3A = vector.broadcast %broadcast_in_dim3A : vector<1x64xf32> to vector<1024x64xf32>
    %mul3A_232 = arith.mulf %add3A, %mul3A : vector<1024x64xf32>
    %broadcast_in_dim3A_233 = vector.shape_cast %get3A_15 : vector<64xf32> to vector<1x64xf32>
    %add3A_234 = vector.broadcast %broadcast_in_dim3A_233 : vector<1x64xf32> to vector<1024x64xf32>
    %add3A_235 = arith.addf %mul3A_232, %add3A_234 : vector<1024x64xf32>
    %mul3A_236 = arith.constant 2.000000e-01 : f32
    %mul3A_237 = vector.broadcast %mul3A_236 : f32 to vector<1024x64xf32>
    %mul3A_238 = arith.mulf %mul3A_237, %add3A_235 : vector<1024x64xf32>
    %max3A_239 = arith.maximumf %add3A_235, %mul3A_238 : vector<1024x64xf32>
    %swap3A = arith.constant 0 : index
    %swap3A_240 = arith.constant 0 : index
    %swap3A_241 = arith.constant 0 : index
    %swap3A_242 = vector.load %arg7[%swap3A, %swap3A_240, %swap3A_241] : memref<1x1024x64xf32, #tpu.memory_space<vmem>>, vector<1x1024x64xf32>
    %swap3A_243 = vector.shape_cast %swap3A_242 : vector<1x1024x64xf32> to vector<1024x64xf32>
    %swap3A_244 = vector.shape_cast %max3A_239 : vector<1024x64xf32> to vector<1x1024x64xf32>
    tpu.vector_store %arg7[%swap3A, %swap3A_240, %swap3A_241], %swap3A_244 {strides = array<i32>} : memref<1x1024x64xf32, #tpu.memory_space<vmem>>, vector<1x1024x64xf32>,
    return
  }
  func.func @transform_0(%arg0: i32) -> (i32, i32, i32, i32) {
    %c0_i32 = arith.constant 0 : i32
    %c0_i32_0 = arith.constant 0 : i32
    %c0_i32_1 = arith.constant 0 : i32
    %c0_i32_2 = arith.constant 0 : i32
    return %arg0, %c0_i32, %c0_i32_0, %c0_i32_1 : i32, i32, i32, i32
  }
  func.func @transform_1(%arg0: i32) -> (i32, i32, i32) {
    %c0_i32 = arith.constant 0 : i32
    %c0_i32_0 = arith.constant 0 : i32
    %c0_i32_1 = arith.constant 0 : i32
    return %arg0, %c0_i32, %c0_i32_0 : i32, i32, i32
  }
  func.func @transform_2(%arg0: i32) -> (i32, i32, i32) {
    %c0_i32 = arith.constant 0 : i32
    %c0_i32_0 = arith.constant 0 : i32
    %c0_i32_1 = arith.constant 0 : i32
    return %arg0, %c0_i32, %c0_i32_0 : i32, i32, i32
  }
  func.func @transform_3(%arg0: i32) -> (i32, i32) {
    %c0_i32 = arith.constant 0 : i32
    %c0_i32_0 = arith.constant 0 : i32
    %c0_i32_1 = arith.constant 0 : i32
    return %c0_i32, %c0_i32_0 : i32, i32
  }
  func.func @transform_4(%arg0: i32) -> i32 {
    %c0_i32 = arith.constant 0 : i32
    %c0_i32_0 = arith.constant 0 : i32
    return %c0_i32 : i32
  }
  func.func @transform_5(%arg0: i32) -> i32 {
    %c0_i32 = arith.constant 0 : i32
    %c0_i32_0 = arith.constant 0 : i32
    return %c0_i32 : i32
  }
  func.func @transform_6(%arg0: i32) -> (i32, i32, i32) {
    %c0_i32 = arith.constant 0 : i32
    %c0_i32_0 = arith.constant 0 : i32
    %c0_i32_1 = arith.constant 0 : i32
    return %arg0, %c0_i32, %c0_i32_0 : i32, i32, i32
  }
}

module attributes {stable_mosaic.version = 14 : i64} {
  func.func @_knn1_body(%arg0: i32, %arg1: memref<1x1024x64xf32, #tpu.memory_space<vmem>>, %arg2: memref<128x64xf32, #tpu.memory_space<vmem>>, %arg3: memref<1x1024x20xi32, #tpu.memory_space<vmem>>, %arg4: memref<1x1024x128xf32, #tpu.memory_space<vmem>>, %arg5: memref<1024x1024xf32, #tpu.memory_space<vmem>>) attributes {dimension_semantics = [#tpu.dimension_semantics<arbitrary>], iteration_bounds = array<i64: 4>, scalar_prefetch = 0 : i64, scratch_operands = 1 : i64, tpu.core_type = #tpu.core_type<tc>, window_params = [{transform_indices = @transform_0, window_bounds = array<i64: 1, 1024, 64>}, {pipeline_mode = #tpu.pipeline_mode<synchronous>, transform_indices = @transform_1, window_bounds = array<i64: 128, 64>}, {transform_indices = @transform_2, window_bounds = array<i64: 1, 1024, 20>}, {transform_indices = @transform_3, window_bounds = array<i64: 1, 1024, 128>}]} {
    %get3A = arith.constant 0 : index
    %get3A_0 = arith.constant 0 : index
    %get3A_1 = arith.constant 0 : index
    %get3A_2 = vector.load %arg1[%get3A, %get3A_0, %get3A_1] : memref<1x1024x64xf32, #tpu.memory_space<vmem>>, vector<1x1024x64xf32>
    %get3A_3 = vector.shape_cast %get3A_2 : vector<1x1024x64xf32> to vector<1024x64xf32>
    %get3A_4 = arith.constant 0 : index
    %get3A_5 = arith.constant 0 : index
    %get3A_6 = vector.load %arg2[%get3A_4, %get3A_5] : memref<128x64xf32, #tpu.memory_space<vmem>>, vector<128x64xf32>
    %convert_element_type3A = arith.truncf %get3A_3 : vector<1024x64xf32> to vector<1024x64xbf16>
    %dot_general3A = arith.constant dense<0.000000e+00> : vector<1024x1024xf32>
    %dot_general3A_7 = tpu.matmul %convert_element_type3A, %convert_element_type3A, %dot_general3A {dimension_numbers = #tpu.dot_dimension_numbers<[1], [1], [0], [0], [0, 0, 1, 0], [], []>, transpose_lhs_hint = false} : vector<1024x64xbf16>, vector<1024x64xbf16>, vector<1024x1024xf32> -> vector<1024x1024xf32>
    %mul3A = arith.mulf %get3A_3, %get3A_3 : vector<1024x64xf32>
    %reduce_sum3A = arith.constant dense<0.000000e+00> : vector<1024xf32>
    %reduce_sum3A_8 = vector.multi_reduction <add>, %mul3A, %reduce_sum3A [1] : vector<1024x64xf32> to vector<1024xf32>
    %broadcast_in_dim3A = vector.shape_cast %reduce_sum3A_8 : vector<1024xf32> to vector<1024x1xf32>
    %neg3A = arith.constant 0.000000e+00 : f32
    %neg3A_9 = vector.broadcast %neg3A : f32 to vector<1024x1xf32>
    %neg3A_10 = arith.subf %neg3A_9, %broadcast_in_dim3A : vector<1024x1xf32>
    %mul3A_11 = arith.constant 2.000000e+00 : f32
    %mul3A_12 = vector.broadcast %mul3A_11 : f32 to vector<1024x1024xf32>
    %mul3A_13 = arith.mulf %mul3A_12, %dot_general3A_7 : vector<1024x1024xf32>
    %add3A = vector.broadcast %neg3A_10 : vector<1024x1xf32> to vector<1024x1024xf32>
    %add3A_14 = arith.addf %add3A, %mul3A_13 : vector<1024x1024xf32>
    %broadcast_in_dim3A_15 = vector.shape_cast %reduce_sum3A_8 : vector<1024xf32> to vector<1x1024xf32>
    %sub3A = vector.broadcast %broadcast_in_dim3A_15 : vector<1x1024xf32> to vector<1024x1024xf32>
    %sub3A_16 = arith.subf %add3A_14, %sub3A : vector<1024x1024xf32>
    %swap3A = arith.constant 0 : index
    %swap3A_17 = arith.constant 0 : index
    %swap3A_18 = vector.load %arg5[%swap3A, %swap3A_17] : memref<1024x1024xf32, #tpu.memory_space<vmem>>, vector<1024x1024xf32>
    tpu.vector_store %arg5[%swap3A, %swap3A_17], %sub3A_16 {strides = array<i32>} : memref<1024x1024xf32, #tpu.memory_space<vmem>>, vector<1024x1024xf32>,
    %convert_element_type3A_19 = arith.truncf %get3A_6 : vector<128x64xf32> to vector<128x64xbf16>
    %dot_general3A_20 = arith.constant dense<0.000000e+00> : vector<1024x128xf32>
    %dot_general3A_21 = tpu.matmul %convert_element_type3A, %convert_element_type3A_19, %dot_general3A_20 {dimension_numbers = #tpu.dot_dimension_numbers<[1], [1], [0], [0], [0, 0, 1, 0], [], []>, transpose_lhs_hint = false} : vector<1024x64xbf16>, vector<128x64xbf16>, vector<1024x128xf32> -> vector<1024x128xf32>
    %iota3A = tpu.iota {dimensions = array<i32: 1>} : vector<1024x1024xi32>
    %get3A_22 = arith.constant 0 : index
    %get3A_23 = arith.constant 0 : index
    %get3A_24 = vector.load %arg5[%get3A_22, %get3A_23] : memref<1024x1024xf32, #tpu.memory_space<vmem>>, vector<1024x1024xf32>
    %reduce_max3A = arith.constant dense<0xFF800000> : vector<1024xf32>
    %reduce_max3A_25 = vector.multi_reduction <maximumf>, %get3A_24, %reduce_max3A [1] : vector<1024x1024xf32> to vector<1024xf32>
    %broadcast_in_dim3A_26 = vector.shape_cast %reduce_max3A_25 : vector<1024xf32> to vector<1024x1xf32>
    %get3A_27 = arith.constant 0 : index
    %get3A_28 = arith.constant 0 : index
    %get3A_29 = vector.load %arg5[%get3A_27, %get3A_28] : memref<1024x1024xf32, #tpu.memory_space<vmem>>, vector<1024x1024xf32>
    %eq3A = vector.broadcast %broadcast_in_dim3A_26 : vector<1024x1xf32> to vector<1024x1024xf32>
    %eq3A_30 = arith.cmpf oeq, %get3A_29, %eq3A : vector<1024x1024xf32>
    %jit3A = arith.constant 1024 : i32
    %broadcast_in_dim3A_31 = vector.broadcast %jit3A : i32 to vector<1024x1024xi32>
    %select_n3A = arith.select %eq3A_30, %iota3A, %broadcast_in_dim3A_31 : vector<1024x1024xi1>, vector<1024x1024xi32>
    %reduce_min3A = arith.constant dense<2147483647> : vector<1024xi32>
    %reduce_min3A_32 = vector.multi_reduction <minsi>, %select_n3A, %reduce_min3A [1] : vector<1024x1024xi32> to vector<1024xi32>
    %broadcast_in_dim3A_33 = vector.shape_cast %reduce_min3A_32 : vector<1024xi32> to vector<1024x1xi32>
    %eq3A_34 = vector.broadcast %broadcast_in_dim3A_33 : vector<1024x1xi32> to vector<1024x1024xi32>
    %eq3A_35 = arith.cmpi eq, %iota3A, %eq3A_34 : vector<1024x1024xi32>
    %jit3A_36 = arith.constant 0xFF800000 : f32
    %broadcast_in_dim3A_37 = vector.broadcast %jit3A_36 : f32 to vector<1024x1024xf32>
    %select_n3A_38 = arith.select %eq3A_35, %broadcast_in_dim3A_37, %get3A_29 : vector<1024x1024xi1>, vector<1024x1024xf32>
    %swap3A_39 = arith.constant 0 : index
    %swap3A_40 = arith.constant 0 : index
    %swap3A_41 = vector.load %arg5[%swap3A_39, %swap3A_40] : memref<1024x1024xf32, #tpu.memory_space<vmem>>, vector<1024x1024xf32>
    tpu.vector_store %arg5[%swap3A_39, %swap3A_40], %select_n3A_38 {strides = array<i32>} : memref<1024x1024xf32, #tpu.memory_space<vmem>>, vector<1024x1024xf32>,
    %reduce_max3A_42 = arith.constant dense<0xFF800000> : vector<1024xf32>
    %reduce_max3A_43 = vector.multi_reduction <maximumf>, %select_n3A_38, %reduce_max3A_42 [1] : vector<1024x1024xf32> to vector<1024xf32>
    %broadcast_in_dim3A_44 = vector.shape_cast %reduce_max3A_43 : vector<1024xf32> to vector<1024x1xf32>
    %get3A_45 = arith.constant 0 : index
    %get3A_46 = arith.constant 0 : index
    %get3A_47 = vector.load %arg5[%get3A_45, %get3A_46] : memref<1024x1024xf32, #tpu.memory_space<vmem>>, vector<1024x1024xf32>
    %eq3A_48 = vector.broadcast %broadcast_in_dim3A_44 : vector<1024x1xf32> to vector<1024x1024xf32>
    %eq3A_49 = arith.cmpf oeq, %get3A_47, %eq3A_48 : vector<1024x1024xf32>
    %jit3A_50 = arith.constant 1024 : i32
    %broadcast_in_dim3A_51 = vector.broadcast %jit3A_50 : i32 to vector<1024x1024xi32>
    %select_n3A_52 = arith.select %eq3A_49, %iota3A, %broadcast_in_dim3A_51 : vector<1024x1024xi1>, vector<1024x1024xi32>
    %reduce_min3A_53 = arith.constant dense<2147483647> : vector<1024xi32>
    %reduce_min3A_54 = vector.multi_reduction <minsi>, %select_n3A_52, %reduce_min3A_53 [1] : vector<1024x1024xi32> to vector<1024xi32>
    %broadcast_in_dim3A_55 = vector.shape_cast %reduce_min3A_54 : vector<1024xi32> to vector<1024x1xi32>
    %eq3A_56 = vector.broadcast %broadcast_in_dim3A_55 : vector<1024x1xi32> to vector<1024x1024xi32>
    %eq3A_57 = arith.cmpi eq, %iota3A, %eq3A_56 : vector<1024x1024xi32>
    %jit3A_58 = arith.constant 0xFF800000 : f32
    %broadcast_in_dim3A_59 = vector.broadcast %jit3A_58 : f32 to vector<1024x1024xf32>
    %select_n3A_60 = arith.select %eq3A_57, %broadcast_in_dim3A_59, %get3A_47 : vector<1024x1024xi1>, vector<1024x1024xf32>
    %swap3A_61 = arith.constant 0 : index
    %swap3A_62 = arith.constant 0 : index
    %swap3A_63 = vector.load %arg5[%swap3A_61, %swap3A_62] : memref<1024x1024xf32, #tpu.memory_space<vmem>>, vector<1024x1024xf32>
    tpu.vector_store %arg5[%swap3A_61, %swap3A_62], %select_n3A_60 {strides = array<i32>} : memref<1024x1024xf32, #tpu.memory_space<vmem>>, vector<1024x1024xf32>,
    %reduce_max3A_64 = arith.constant dense<0xFF800000> : vector<1024xf32>
    %reduce_max3A_65 = vector.multi_reduction <maximumf>, %select_n3A_60, %reduce_max3A_64 [1] : vector<1024x1024xf32> to vector<1024xf32>
    %broadcast_in_dim3A_66 = vector.shape_cast %reduce_max3A_65 : vector<1024xf32> to vector<1024x1xf32>
    %get3A_67 = arith.constant 0 : index
    %get3A_68 = arith.constant 0 : index
    %get3A_69 = vector.load %arg5[%get3A_67, %get3A_68] : memref<1024x1024xf32, #tpu.memory_space<vmem>>, vector<1024x1024xf32>
    %eq3A_70 = vector.broadcast %broadcast_in_dim3A_66 : vector<1024x1xf32> to vector<1024x1024xf32>
    %eq3A_71 = arith.cmpf oeq, %get3A_69, %eq3A_70 : vector<1024x1024xf32>
    %jit3A_72 = arith.constant 1024 : i32
    %broadcast_in_dim3A_73 = vector.broadcast %jit3A_72 : i32 to vector<1024x1024xi32>
    %select_n3A_74 = arith.select %eq3A_71, %iota3A, %broadcast_in_dim3A_73 : vector<1024x1024xi1>, vector<1024x1024xi32>
    %reduce_min3A_75 = arith.constant dense<2147483647> : vector<1024xi32>
    %reduce_min3A_76 = vector.multi_reduction <minsi>, %select_n3A_74, %reduce_min3A_75 [1] : vector<1024x1024xi32> to vector<1024xi32>
    %broadcast_in_dim3A_77 = vector.shape_cast %reduce_min3A_76 : vector<1024xi32> to vector<1024x1xi32>
    %eq3A_78 = vector.broadcast %broadcast_in_dim3A_77 : vector<1024x1xi32> to vector<1024x1024xi32>
    %eq3A_79 = arith.cmpi eq, %iota3A, %eq3A_78 : vector<1024x1024xi32>
    %jit3A_80 = arith.constant 0xFF800000 : f32
    %broadcast_in_dim3A_81 = vector.broadcast %jit3A_80 : f32 to vector<1024x1024xf32>
    %select_n3A_82 = arith.select %eq3A_79, %broadcast_in_dim3A_81, %get3A_69 : vector<1024x1024xi1>, vector<1024x1024xf32>
    %swap3A_83 = arith.constant 0 : index
    %swap3A_84 = arith.constant 0 : index
    %swap3A_85 = vector.load %arg5[%swap3A_83, %swap3A_84] : memref<1024x1024xf32, #tpu.memory_space<vmem>>, vector<1024x1024xf32>
    tpu.vector_store %arg5[%swap3A_83, %swap3A_84], %select_n3A_82 {strides = array<i32>} : memref<1024x1024xf32, #tpu.memory_space<vmem>>, vector<1024x1024xf32>,
    %reduce_max3A_86 = arith.constant dense<0xFF800000> : vector<1024xf32>
    %reduce_max3A_87 = vector.multi_reduction <maximumf>, %select_n3A_82, %reduce_max3A_86 [1] : vector<1024x1024xf32> to vector<1024xf32>
    %broadcast_in_dim3A_88 = vector.shape_cast %reduce_max3A_87 : vector<1024xf32> to vector<1024x1xf32>
    %get3A_89 = arith.constant 0 : index
    %get3A_90 = arith.constant 0 : index
    %get3A_91 = vector.load %arg5[%get3A_89, %get3A_90] : memref<1024x1024xf32, #tpu.memory_space<vmem>>, vector<1024x1024xf32>
    %eq3A_92 = vector.broadcast %broadcast_in_dim3A_88 : vector<1024x1xf32> to vector<1024x1024xf32>
    %eq3A_93 = arith.cmpf oeq, %get3A_91, %eq3A_92 : vector<1024x1024xf32>
    %jit3A_94 = arith.constant 1024 : i32
    %broadcast_in_dim3A_95 = vector.broadcast %jit3A_94 : i32 to vector<1024x1024xi32>
    %select_n3A_96 = arith.select %eq3A_93, %iota3A, %broadcast_in_dim3A_95 : vector<1024x1024xi1>, vector<1024x1024xi32>
    %reduce_min3A_97 = arith.constant dense<2147483647> : vector<1024xi32>
    %reduce_min3A_98 = vector.multi_reduction <minsi>, %select_n3A_96, %reduce_min3A_97 [1] : vector<1024x1024xi32> to vector<1024xi32>
    %broadcast_in_dim3A_99 = vector.shape_cast %reduce_min3A_98 : vector<1024xi32> to vector<1024x1xi32>
    %eq3A_100 = vector.broadcast %broadcast_in_dim3A_99 : vector<1024x1xi32> to vector<1024x1024xi32>
    %eq3A_101 = arith.cmpi eq, %iota3A, %eq3A_100 : vector<1024x1024xi32>
    %jit3A_102 = arith.constant 0xFF800000 : f32
    %broadcast_in_dim3A_103 = vector.broadcast %jit3A_102 : f32 to vector<1024x1024xf32>
    %select_n3A_104 = arith.select %eq3A_101, %broadcast_in_dim3A_103, %get3A_91 : vector<1024x1024xi1>, vector<1024x1024xf32>
    %swap3A_105 = arith.constant 0 : index
    %swap3A_106 = arith.constant 0 : index
    %swap3A_107 = vector.load %arg5[%swap3A_105, %swap3A_106] : memref<1024x1024xf32, #tpu.memory_space<vmem>>, vector<1024x1024xf32>
    tpu.vector_store %arg5[%swap3A_105, %swap3A_106], %select_n3A_104 {strides = array<i32>} : memref<1024x1024xf32, #tpu.memory_space<vmem>>, vector<1024x1024xf32>,
    %reduce_max3A_108 = arith.constant dense<0xFF800000> : vector<1024xf32>
    %reduce_max3A_109 = vector.multi_reduction <maximumf>, %select_n3A_104, %reduce_max3A_108 [1] : vector<1024x1024xf32> to vector<1024xf32>
    %broadcast_in_dim3A_110 = vector.shape_cast %reduce_max3A_109 : vector<1024xf32> to vector<1024x1xf32>
    %get3A_111 = arith.constant 0 : index
    %get3A_112 = arith.constant 0 : index
    %get3A_113 = vector.load %arg5[%get3A_111, %get3A_112] : memref<1024x1024xf32, #tpu.memory_space<vmem>>, vector<1024x1024xf32>
    %eq3A_114 = vector.broadcast %broadcast_in_dim3A_110 : vector<1024x1xf32> to vector<1024x1024xf32>
    %eq3A_115 = arith.cmpf oeq, %get3A_113, %eq3A_114 : vector<1024x1024xf32>
    %jit3A_116 = arith.constant 1024 : i32
    %broadcast_in_dim3A_117 = vector.broadcast %jit3A_116 : i32 to vector<1024x1024xi32>
    %select_n3A_118 = arith.select %eq3A_115, %iota3A, %broadcast_in_dim3A_117 : vector<1024x1024xi1>, vector<1024x1024xi32>
    %reduce_min3A_119 = arith.constant dense<2147483647> : vector<1024xi32>
    %reduce_min3A_120 = vector.multi_reduction <minsi>, %select_n3A_118, %reduce_min3A_119 [1] : vector<1024x1024xi32> to vector<1024xi32>
    %broadcast_in_dim3A_121 = vector.shape_cast %reduce_min3A_120 : vector<1024xi32> to vector<1024x1xi32>
    %eq3A_122 = vector.broadcast %broadcast_in_dim3A_121 : vector<1024x1xi32> to vector<1024x1024xi32>
    %eq3A_123 = arith.cmpi eq, %iota3A, %eq3A_122 : vector<1024x1024xi32>
    %jit3A_124 = arith.constant 0xFF800000 : f32
    %broadcast_in_dim3A_125 = vector.broadcast %jit3A_124 : f32 to vector<1024x1024xf32>
    %select_n3A_126 = arith.select %eq3A_123, %broadcast_in_dim3A_125, %get3A_113 : vector<1024x1024xi1>, vector<1024x1024xf32>
    %swap3A_127 = arith.constant 0 : index
    %swap3A_128 = arith.constant 0 : index
    %swap3A_129 = vector.load %arg5[%swap3A_127, %swap3A_128] : memref<1024x1024xf32, #tpu.memory_space<vmem>>, vector<1024x1024xf32>
    tpu.vector_store %arg5[%swap3A_127, %swap3A_128], %select_n3A_126 {strides = array<i32>} : memref<1024x1024xf32, #tpu.memory_space<vmem>>, vector<1024x1024xf32>,
    %reduce_max3A_130 = arith.constant dense<0xFF800000> : vector<1024xf32>
    %reduce_max3A_131 = vector.multi_reduction <maximumf>, %select_n3A_126, %reduce_max3A_130 [1] : vector<1024x1024xf32> to vector<1024xf32>
    %broadcast_in_dim3A_132 = vector.shape_cast %reduce_max3A_131 : vector<1024xf32> to vector<1024x1xf32>
    %get3A_133 = arith.constant 0 : index
    %get3A_134 = arith.constant 0 : index
    %get3A_135 = vector.load %arg5[%get3A_133, %get3A_134] : memref<1024x1024xf32, #tpu.memory_space<vmem>>, vector<1024x1024xf32>
    %eq3A_136 = vector.broadcast %broadcast_in_dim3A_132 : vector<1024x1xf32> to vector<1024x1024xf32>
    %eq3A_137 = arith.cmpf oeq, %get3A_135, %eq3A_136 : vector<1024x1024xf32>
    %jit3A_138 = arith.constant 1024 : i32
    %broadcast_in_dim3A_139 = vector.broadcast %jit3A_138 : i32 to vector<1024x1024xi32>
    %select_n3A_140 = arith.select %eq3A_137, %iota3A, %broadcast_in_dim3A_139 : vector<1024x1024xi1>, vector<1024x1024xi32>
    %reduce_min3A_141 = arith.constant dense<2147483647> : vector<1024xi32>
    %reduce_min3A_142 = vector.multi_reduction <minsi>, %select_n3A_140, %reduce_min3A_141 [1] : vector<1024x1024xi32> to vector<1024xi32>
    %broadcast_in_dim3A_143 = vector.shape_cast %reduce_min3A_142 : vector<1024xi32> to vector<1024x1xi32>
    %eq3A_144 = vector.broadcast %broadcast_in_dim3A_143 : vector<1024x1xi32> to vector<1024x1024xi32>
    %eq3A_145 = arith.cmpi eq, %iota3A, %eq3A_144 : vector<1024x1024xi32>
    %jit3A_146 = arith.constant 0xFF800000 : f32
    %broadcast_in_dim3A_147 = vector.broadcast %jit3A_146 : f32 to vector<1024x1024xf32>
    %select_n3A_148 = arith.select %eq3A_145, %broadcast_in_dim3A_147, %get3A_135 : vector<1024x1024xi1>, vector<1024x1024xf32>
    %swap3A_149 = arith.constant 0 : index
    %swap3A_150 = arith.constant 0 : index
    %swap3A_151 = vector.load %arg5[%swap3A_149, %swap3A_150] : memref<1024x1024xf32, #tpu.memory_space<vmem>>, vector<1024x1024xf32>
    tpu.vector_store %arg5[%swap3A_149, %swap3A_150], %select_n3A_148 {strides = array<i32>} : memref<1024x1024xf32, #tpu.memory_space<vmem>>, vector<1024x1024xf32>,
    %reduce_max3A_152 = arith.constant dense<0xFF800000> : vector<1024xf32>
    %reduce_max3A_153 = vector.multi_reduction <maximumf>, %select_n3A_148, %reduce_max3A_152 [1] : vector<1024x1024xf32> to vector<1024xf32>
    %broadcast_in_dim3A_154 = vector.shape_cast %reduce_max3A_153 : vector<1024xf32> to vector<1024x1xf32>
    %get3A_155 = arith.constant 0 : index
    %get3A_156 = arith.constant 0 : index
    %get3A_157 = vector.load %arg5[%get3A_155, %get3A_156] : memref<1024x1024xf32, #tpu.memory_space<vmem>>, vector<1024x1024xf32>
    %eq3A_158 = vector.broadcast %broadcast_in_dim3A_154 : vector<1024x1xf32> to vector<1024x1024xf32>
    %eq3A_159 = arith.cmpf oeq, %get3A_157, %eq3A_158 : vector<1024x1024xf32>
    %jit3A_160 = arith.constant 1024 : i32
    %broadcast_in_dim3A_161 = vector.broadcast %jit3A_160 : i32 to vector<1024x1024xi32>
    %select_n3A_162 = arith.select %eq3A_159, %iota3A, %broadcast_in_dim3A_161 : vector<1024x1024xi1>, vector<1024x1024xi32>
    %reduce_min3A_163 = arith.constant dense<2147483647> : vector<1024xi32>
    %reduce_min3A_164 = vector.multi_reduction <minsi>, %select_n3A_162, %reduce_min3A_163 [1] : vector<1024x1024xi32> to vector<1024xi32>
    %broadcast_in_dim3A_165 = vector.shape_cast %reduce_min3A_164 : vector<1024xi32> to vector<1024x1xi32>
    %eq3A_166 = vector.broadcast %broadcast_in_dim3A_165 : vector<1024x1xi32> to vector<1024x1024xi32>
    %eq3A_167 = arith.cmpi eq, %iota3A, %eq3A_166 : vector<1024x1024xi32>
    %jit3A_168 = arith.constant 0xFF800000 : f32
    %broadcast_in_dim3A_169 = vector.broadcast %jit3A_168 : f32 to vector<1024x1024xf32>
    %select_n3A_170 = arith.select %eq3A_167, %broadcast_in_dim3A_169, %get3A_157 : vector<1024x1024xi1>, vector<1024x1024xf32>
    %swap3A_171 = arith.constant 0 : index
    %swap3A_172 = arith.constant 0 : index
    %swap3A_173 = vector.load %arg5[%swap3A_171, %swap3A_172] : memref<1024x1024xf32, #tpu.memory_space<vmem>>, vector<1024x1024xf32>
    tpu.vector_store %arg5[%swap3A_171, %swap3A_172], %select_n3A_170 {strides = array<i32>} : memref<1024x1024xf32, #tpu.memory_space<vmem>>, vector<1024x1024xf32>,
    %reduce_max3A_174 = arith.constant dense<0xFF800000> : vector<1024xf32>
    %reduce_max3A_175 = vector.multi_reduction <maximumf>, %select_n3A_170, %reduce_max3A_174 [1] : vector<1024x1024xf32> to vector<1024xf32>
    %broadcast_in_dim3A_176 = vector.shape_cast %reduce_max3A_175 : vector<1024xf32> to vector<1024x1xf32>
    %get3A_177 = arith.constant 0 : index
    %get3A_178 = arith.constant 0 : index
    %get3A_179 = vector.load %arg5[%get3A_177, %get3A_178] : memref<1024x1024xf32, #tpu.memory_space<vmem>>, vector<1024x1024xf32>
    %eq3A_180 = vector.broadcast %broadcast_in_dim3A_176 : vector<1024x1xf32> to vector<1024x1024xf32>
    %eq3A_181 = arith.cmpf oeq, %get3A_179, %eq3A_180 : vector<1024x1024xf32>
    %jit3A_182 = arith.constant 1024 : i32
    %broadcast_in_dim3A_183 = vector.broadcast %jit3A_182 : i32 to vector<1024x1024xi32>
    %select_n3A_184 = arith.select %eq3A_181, %iota3A, %broadcast_in_dim3A_183 : vector<1024x1024xi1>, vector<1024x1024xi32>
    %reduce_min3A_185 = arith.constant dense<2147483647> : vector<1024xi32>
    %reduce_min3A_186 = vector.multi_reduction <minsi>, %select_n3A_184, %reduce_min3A_185 [1] : vector<1024x1024xi32> to vector<1024xi32>
    %broadcast_in_dim3A_187 = vector.shape_cast %reduce_min3A_186 : vector<1024xi32> to vector<1024x1xi32>
    %eq3A_188 = vector.broadcast %broadcast_in_dim3A_187 : vector<1024x1xi32> to vector<1024x1024xi32>
    %eq3A_189 = arith.cmpi eq, %iota3A, %eq3A_188 : vector<1024x1024xi32>
    %jit3A_190 = arith.constant 0xFF800000 : f32
    %broadcast_in_dim3A_191 = vector.broadcast %jit3A_190 : f32 to vector<1024x1024xf32>
    %select_n3A_192 = arith.select %eq3A_189, %broadcast_in_dim3A_191, %get3A_179 : vector<1024x1024xi1>, vector<1024x1024xf32>
    %swap3A_193 = arith.constant 0 : index
    %swap3A_194 = arith.constant 0 : index
    %swap3A_195 = vector.load %arg5[%swap3A_193, %swap3A_194] : memref<1024x1024xf32, #tpu.memory_space<vmem>>, vector<1024x1024xf32>
    tpu.vector_store %arg5[%swap3A_193, %swap3A_194], %select_n3A_192 {strides = array<i32>} : memref<1024x1024xf32, #tpu.memory_space<vmem>>, vector<1024x1024xf32>,
    %reduce_max3A_196 = arith.constant dense<0xFF800000> : vector<1024xf32>
    %reduce_max3A_197 = vector.multi_reduction <maximumf>, %select_n3A_192, %reduce_max3A_196 [1] : vector<1024x1024xf32> to vector<1024xf32>
    %broadcast_in_dim3A_198 = vector.shape_cast %reduce_max3A_197 : vector<1024xf32> to vector<1024x1xf32>
    %get3A_199 = arith.constant 0 : index
    %get3A_200 = arith.constant 0 : index
    %get3A_201 = vector.load %arg5[%get3A_199, %get3A_200] : memref<1024x1024xf32, #tpu.memory_space<vmem>>, vector<1024x1024xf32>
    %eq3A_202 = vector.broadcast %broadcast_in_dim3A_198 : vector<1024x1xf32> to vector<1024x1024xf32>
    %eq3A_203 = arith.cmpf oeq, %get3A_201, %eq3A_202 : vector<1024x1024xf32>
    %jit3A_204 = arith.constant 1024 : i32
    %broadcast_in_dim3A_205 = vector.broadcast %jit3A_204 : i32 to vector<1024x1024xi32>
    %select_n3A_206 = arith.select %eq3A_203, %iota3A, %broadcast_in_dim3A_205 : vector<1024x1024xi1>, vector<1024x1024xi32>
    %reduce_min3A_207 = arith.constant dense<2147483647> : vector<1024xi32>
    %reduce_min3A_208 = vector.multi_reduction <minsi>, %select_n3A_206, %reduce_min3A_207 [1] : vector<1024x1024xi32> to vector<1024xi32>
    %broadcast_in_dim3A_209 = vector.shape_cast %reduce_min3A_208 : vector<1024xi32> to vector<1024x1xi32>
    %eq3A_210 = vector.broadcast %broadcast_in_dim3A_209 : vector<1024x1xi32> to vector<1024x1024xi32>
    %eq3A_211 = arith.cmpi eq, %iota3A, %eq3A_210 : vector<1024x1024xi32>
    %jit3A_212 = arith.constant 0xFF800000 : f32
    %broadcast_in_dim3A_213 = vector.broadcast %jit3A_212 : f32 to vector<1024x1024xf32>
    %select_n3A_214 = arith.select %eq3A_211, %broadcast_in_dim3A_213, %get3A_201 : vector<1024x1024xi1>, vector<1024x1024xf32>
    %swap3A_215 = arith.constant 0 : index
    %swap3A_216 = arith.constant 0 : index
    %swap3A_217 = vector.load %arg5[%swap3A_215, %swap3A_216] : memref<1024x1024xf32, #tpu.memory_space<vmem>>, vector<1024x1024xf32>
    tpu.vector_store %arg5[%swap3A_215, %swap3A_216], %select_n3A_214 {strides = array<i32>} : memref<1024x1024xf32, #tpu.memory_space<vmem>>, vector<1024x1024xf32>,
    %reduce_max3A_218 = arith.constant dense<0xFF800000> : vector<1024xf32>
    %reduce_max3A_219 = vector.multi_reduction <maximumf>, %select_n3A_214, %reduce_max3A_218 [1] : vector<1024x1024xf32> to vector<1024xf32>
    %broadcast_in_dim3A_220 = vector.shape_cast %reduce_max3A_219 : vector<1024xf32> to vector<1024x1xf32>
    %get3A_221 = arith.constant 0 : index
    %get3A_222 = arith.constant 0 : index
    %get3A_223 = vector.load %arg5[%get3A_221, %get3A_222] : memref<1024x1024xf32, #tpu.memory_space<vmem>>, vector<1024x1024xf32>
    %eq3A_224 = vector.broadcast %broadcast_in_dim3A_220 : vector<1024x1xf32> to vector<1024x1024xf32>
    %eq3A_225 = arith.cmpf oeq, %get3A_223, %eq3A_224 : vector<1024x1024xf32>
    %jit3A_226 = arith.constant 1024 : i32
    %broadcast_in_dim3A_227 = vector.broadcast %jit3A_226 : i32 to vector<1024x1024xi32>
    %select_n3A_228 = arith.select %eq3A_225, %iota3A, %broadcast_in_dim3A_227 : vector<1024x1024xi1>, vector<1024x1024xi32>
    %reduce_min3A_229 = arith.constant dense<2147483647> : vector<1024xi32>
    %reduce_min3A_230 = vector.multi_reduction <minsi>, %select_n3A_228, %reduce_min3A_229 [1] : vector<1024x1024xi32> to vector<1024xi32>
    %broadcast_in_dim3A_231 = vector.shape_cast %reduce_min3A_230 : vector<1024xi32> to vector<1024x1xi32>
    %eq3A_232 = vector.broadcast %broadcast_in_dim3A_231 : vector<1024x1xi32> to vector<1024x1024xi32>
    %eq3A_233 = arith.cmpi eq, %iota3A, %eq3A_232 : vector<1024x1024xi32>
    %jit3A_234 = arith.constant 0xFF800000 : f32
    %broadcast_in_dim3A_235 = vector.broadcast %jit3A_234 : f32 to vector<1024x1024xf32>
    %select_n3A_236 = arith.select %eq3A_233, %broadcast_in_dim3A_235, %get3A_223 : vector<1024x1024xi1>, vector<1024x1024xf32>
    %swap3A_237 = arith.constant 0 : index
    %swap3A_238 = arith.constant 0 : index
    %swap3A_239 = vector.load %arg5[%swap3A_237, %swap3A_238] : memref<1024x1024xf32, #tpu.memory_space<vmem>>, vector<1024x1024xf32>
    tpu.vector_store %arg5[%swap3A_237, %swap3A_238], %select_n3A_236 {strides = array<i32>} : memref<1024x1024xf32, #tpu.memory_space<vmem>>, vector<1024x1024xf32>,
    %reduce_max3A_240 = arith.constant dense<0xFF800000> : vector<1024xf32>
    %reduce_max3A_241 = vector.multi_reduction <maximumf>, %select_n3A_236, %reduce_max3A_240 [1] : vector<1024x1024xf32> to vector<1024xf32>
    %broadcast_in_dim3A_242 = vector.shape_cast %reduce_max3A_241 : vector<1024xf32> to vector<1024x1xf32>
    %get3A_243 = arith.constant 0 : index
    %get3A_244 = arith.constant 0 : index
    %get3A_245 = vector.load %arg5[%get3A_243, %get3A_244] : memref<1024x1024xf32, #tpu.memory_space<vmem>>, vector<1024x1024xf32>
    %eq3A_246 = vector.broadcast %broadcast_in_dim3A_242 : vector<1024x1xf32> to vector<1024x1024xf32>
    %eq3A_247 = arith.cmpf oeq, %get3A_245, %eq3A_246 : vector<1024x1024xf32>
    %jit3A_248 = arith.constant 1024 : i32
    %broadcast_in_dim3A_249 = vector.broadcast %jit3A_248 : i32 to vector<1024x1024xi32>
    %select_n3A_250 = arith.select %eq3A_247, %iota3A, %broadcast_in_dim3A_249 : vector<1024x1024xi1>, vector<1024x1024xi32>
    %reduce_min3A_251 = arith.constant dense<2147483647> : vector<1024xi32>
    %reduce_min3A_252 = vector.multi_reduction <minsi>, %select_n3A_250, %reduce_min3A_251 [1] : vector<1024x1024xi32> to vector<1024xi32>
    %broadcast_in_dim3A_253 = vector.shape_cast %reduce_min3A_252 : vector<1024xi32> to vector<1024x1xi32>
    %eq3A_254 = vector.broadcast %broadcast_in_dim3A_253 : vector<1024x1xi32> to vector<1024x1024xi32>
    %eq3A_255 = arith.cmpi eq, %iota3A, %eq3A_254 : vector<1024x1024xi32>
    %jit3A_256 = arith.constant 0xFF800000 : f32
    %broadcast_in_dim3A_257 = vector.broadcast %jit3A_256 : f32 to vector<1024x1024xf32>
    %select_n3A_258 = arith.select %eq3A_255, %broadcast_in_dim3A_257, %get3A_245 : vector<1024x1024xi1>, vector<1024x1024xf32>
    %swap3A_259 = arith.constant 0 : index
    %swap3A_260 = arith.constant 0 : index
    %swap3A_261 = vector.load %arg5[%swap3A_259, %swap3A_260] : memref<1024x1024xf32, #tpu.memory_space<vmem>>, vector<1024x1024xf32>
    tpu.vector_store %arg5[%swap3A_259, %swap3A_260], %select_n3A_258 {strides = array<i32>} : memref<1024x1024xf32, #tpu.memory_space<vmem>>, vector<1024x1024xf32>,
    %reduce_max3A_262 = arith.constant dense<0xFF800000> : vector<1024xf32>
    %reduce_max3A_263 = vector.multi_reduction <maximumf>, %select_n3A_258, %reduce_max3A_262 [1] : vector<1024x1024xf32> to vector<1024xf32>
    %broadcast_in_dim3A_264 = vector.shape_cast %reduce_max3A_263 : vector<1024xf32> to vector<1024x1xf32>
    %get3A_265 = arith.constant 0 : index
    %get3A_266 = arith.constant 0 : index
    %get3A_267 = vector.load %arg5[%get3A_265, %get3A_266] : memref<1024x1024xf32, #tpu.memory_space<vmem>>, vector<1024x1024xf32>
    %eq3A_268 = vector.broadcast %broadcast_in_dim3A_264 : vector<1024x1xf32> to vector<1024x1024xf32>
    %eq3A_269 = arith.cmpf oeq, %get3A_267, %eq3A_268 : vector<1024x1024xf32>
    %jit3A_270 = arith.constant 1024 : i32
    %broadcast_in_dim3A_271 = vector.broadcast %jit3A_270 : i32 to vector<1024x1024xi32>
    %select_n3A_272 = arith.select %eq3A_269, %iota3A, %broadcast_in_dim3A_271 : vector<1024x1024xi1>, vector<1024x1024xi32>
    %reduce_min3A_273 = arith.constant dense<2147483647> : vector<1024xi32>
    %reduce_min3A_274 = vector.multi_reduction <minsi>, %select_n3A_272, %reduce_min3A_273 [1] : vector<1024x1024xi32> to vector<1024xi32>
    %broadcast_in_dim3A_275 = vector.shape_cast %reduce_min3A_274 : vector<1024xi32> to vector<1024x1xi32>
    %eq3A_276 = vector.broadcast %broadcast_in_dim3A_275 : vector<1024x1xi32> to vector<1024x1024xi32>
    %eq3A_277 = arith.cmpi eq, %iota3A, %eq3A_276 : vector<1024x1024xi32>
    %jit3A_278 = arith.constant 0xFF800000 : f32
    %broadcast_in_dim3A_279 = vector.broadcast %jit3A_278 : f32 to vector<1024x1024xf32>
    %select_n3A_280 = arith.select %eq3A_277, %broadcast_in_dim3A_279, %get3A_267 : vector<1024x1024xi1>, vector<1024x1024xf32>
    %swap3A_281 = arith.constant 0 : index
    %swap3A_282 = arith.constant 0 : index
    %swap3A_283 = vector.load %arg5[%swap3A_281, %swap3A_282] : memref<1024x1024xf32, #tpu.memory_space<vmem>>, vector<1024x1024xf32>
    tpu.vector_store %arg5[%swap3A_281, %swap3A_282], %select_n3A_280 {strides = array<i32>} : memref<1024x1024xf32, #tpu.memory_space<vmem>>, vector<1024x1024xf32>,
    %reduce_max3A_284 = arith.constant dense<0xFF800000> : vector<1024xf32>
    %reduce_max3A_285 = vector.multi_reduction <maximumf>, %select_n3A_280, %reduce_max3A_284 [1] : vector<1024x1024xf32> to vector<1024xf32>
    %broadcast_in_dim3A_286 = vector.shape_cast %reduce_max3A_285 : vector<1024xf32> to vector<1024x1xf32>
    %get3A_287 = arith.constant 0 : index
    %get3A_288 = arith.constant 0 : index
    %get3A_289 = vector.load %arg5[%get3A_287, %get3A_288] : memref<1024x1024xf32, #tpu.memory_space<vmem>>, vector<1024x1024xf32>
    %eq3A_290 = vector.broadcast %broadcast_in_dim3A_286 : vector<1024x1xf32> to vector<1024x1024xf32>
    %eq3A_291 = arith.cmpf oeq, %get3A_289, %eq3A_290 : vector<1024x1024xf32>
    %jit3A_292 = arith.constant 1024 : i32
    %broadcast_in_dim3A_293 = vector.broadcast %jit3A_292 : i32 to vector<1024x1024xi32>
    %select_n3A_294 = arith.select %eq3A_291, %iota3A, %broadcast_in_dim3A_293 : vector<1024x1024xi1>, vector<1024x1024xi32>
    %reduce_min3A_295 = arith.constant dense<2147483647> : vector<1024xi32>
    %reduce_min3A_296 = vector.multi_reduction <minsi>, %select_n3A_294, %reduce_min3A_295 [1] : vector<1024x1024xi32> to vector<1024xi32>
    %broadcast_in_dim3A_297 = vector.shape_cast %reduce_min3A_296 : vector<1024xi32> to vector<1024x1xi32>
    %eq3A_298 = vector.broadcast %broadcast_in_dim3A_297 : vector<1024x1xi32> to vector<1024x1024xi32>
    %eq3A_299 = arith.cmpi eq, %iota3A, %eq3A_298 : vector<1024x1024xi32>
    %jit3A_300 = arith.constant 0xFF800000 : f32
    %broadcast_in_dim3A_301 = vector.broadcast %jit3A_300 : f32 to vector<1024x1024xf32>
    %select_n3A_302 = arith.select %eq3A_299, %broadcast_in_dim3A_301, %get3A_289 : vector<1024x1024xi1>, vector<1024x1024xf32>
    %swap3A_303 = arith.constant 0 : index
    %swap3A_304 = arith.constant 0 : index
    %swap3A_305 = vector.load %arg5[%swap3A_303, %swap3A_304] : memref<1024x1024xf32, #tpu.memory_space<vmem>>, vector<1024x1024xf32>
    tpu.vector_store %arg5[%swap3A_303, %swap3A_304], %select_n3A_302 {strides = array<i32>} : memref<1024x1024xf32, #tpu.memory_space<vmem>>, vector<1024x1024xf32>,
    %reduce_max3A_306 = arith.constant dense<0xFF800000> : vector<1024xf32>
    %reduce_max3A_307 = vector.multi_reduction <maximumf>, %select_n3A_302, %reduce_max3A_306 [1] : vector<1024x1024xf32> to vector<1024xf32>
    %broadcast_in_dim3A_308 = vector.shape_cast %reduce_max3A_307 : vector<1024xf32> to vector<1024x1xf32>
    %get3A_309 = arith.constant 0 : index
    %get3A_310 = arith.constant 0 : index
    %get3A_311 = vector.load %arg5[%get3A_309, %get3A_310] : memref<1024x1024xf32, #tpu.memory_space<vmem>>, vector<1024x1024xf32>
    %eq3A_312 = vector.broadcast %broadcast_in_dim3A_308 : vector<1024x1xf32> to vector<1024x1024xf32>
    %eq3A_313 = arith.cmpf oeq, %get3A_311, %eq3A_312 : vector<1024x1024xf32>
    %jit3A_314 = arith.constant 1024 : i32
    %broadcast_in_dim3A_315 = vector.broadcast %jit3A_314 : i32 to vector<1024x1024xi32>
    %select_n3A_316 = arith.select %eq3A_313, %iota3A, %broadcast_in_dim3A_315 : vector<1024x1024xi1>, vector<1024x1024xi32>
    %reduce_min3A_317 = arith.constant dense<2147483647> : vector<1024xi32>
    %reduce_min3A_318 = vector.multi_reduction <minsi>, %select_n3A_316, %reduce_min3A_317 [1] : vector<1024x1024xi32> to vector<1024xi32>
    %broadcast_in_dim3A_319 = vector.shape_cast %reduce_min3A_318 : vector<1024xi32> to vector<1024x1xi32>
    %eq3A_320 = vector.broadcast %broadcast_in_dim3A_319 : vector<1024x1xi32> to vector<1024x1024xi32>
    %eq3A_321 = arith.cmpi eq, %iota3A, %eq3A_320 : vector<1024x1024xi32>
    %jit3A_322 = arith.constant 0xFF800000 : f32
    %broadcast_in_dim3A_323 = vector.broadcast %jit3A_322 : f32 to vector<1024x1024xf32>
    %select_n3A_324 = arith.select %eq3A_321, %broadcast_in_dim3A_323, %get3A_311 : vector<1024x1024xi1>, vector<1024x1024xf32>
    %swap3A_325 = arith.constant 0 : index
    %swap3A_326 = arith.constant 0 : index
    %swap3A_327 = vector.load %arg5[%swap3A_325, %swap3A_326] : memref<1024x1024xf32, #tpu.memory_space<vmem>>, vector<1024x1024xf32>
    tpu.vector_store %arg5[%swap3A_325, %swap3A_326], %select_n3A_324 {strides = array<i32>} : memref<1024x1024xf32, #tpu.memory_space<vmem>>, vector<1024x1024xf32>,
    %reduce_max3A_328 = arith.constant dense<0xFF800000> : vector<1024xf32>
    %reduce_max3A_329 = vector.multi_reduction <maximumf>, %select_n3A_324, %reduce_max3A_328 [1] : vector<1024x1024xf32> to vector<1024xf32>
    %broadcast_in_dim3A_330 = vector.shape_cast %reduce_max3A_329 : vector<1024xf32> to vector<1024x1xf32>
    %get3A_331 = arith.constant 0 : index
    %get3A_332 = arith.constant 0 : index
    %get3A_333 = vector.load %arg5[%get3A_331, %get3A_332] : memref<1024x1024xf32, #tpu.memory_space<vmem>>, vector<1024x1024xf32>
    %eq3A_334 = vector.broadcast %broadcast_in_dim3A_330 : vector<1024x1xf32> to vector<1024x1024xf32>
    %eq3A_335 = arith.cmpf oeq, %get3A_333, %eq3A_334 : vector<1024x1024xf32>
    %jit3A_336 = arith.constant 1024 : i32
    %broadcast_in_dim3A_337 = vector.broadcast %jit3A_336 : i32 to vector<1024x1024xi32>
    %select_n3A_338 = arith.select %eq3A_335, %iota3A, %broadcast_in_dim3A_337 : vector<1024x1024xi1>, vector<1024x1024xi32>
    %reduce_min3A_339 = arith.constant dense<2147483647> : vector<1024xi32>
    %reduce_min3A_340 = vector.multi_reduction <minsi>, %select_n3A_338, %reduce_min3A_339 [1] : vector<1024x1024xi32> to vector<1024xi32>
    %broadcast_in_dim3A_341 = vector.shape_cast %reduce_min3A_340 : vector<1024xi32> to vector<1024x1xi32>
    %eq3A_342 = vector.broadcast %broadcast_in_dim3A_341 : vector<1024x1xi32> to vector<1024x1024xi32>
    %eq3A_343 = arith.cmpi eq, %iota3A, %eq3A_342 : vector<1024x1024xi32>
    %jit3A_344 = arith.constant 0xFF800000 : f32
    %broadcast_in_dim3A_345 = vector.broadcast %jit3A_344 : f32 to vector<1024x1024xf32>
    %select_n3A_346 = arith.select %eq3A_343, %broadcast_in_dim3A_345, %get3A_333 : vector<1024x1024xi1>, vector<1024x1024xf32>
    %swap3A_347 = arith.constant 0 : index
    %swap3A_348 = arith.constant 0 : index
    %swap3A_349 = vector.load %arg5[%swap3A_347, %swap3A_348] : memref<1024x1024xf32, #tpu.memory_space<vmem>>, vector<1024x1024xf32>
    tpu.vector_store %arg5[%swap3A_347, %swap3A_348], %select_n3A_346 {strides = array<i32>} : memref<1024x1024xf32, #tpu.memory_space<vmem>>, vector<1024x1024xf32>,
    %reduce_max3A_350 = arith.constant dense<0xFF800000> : vector<1024xf32>
    %reduce_max3A_351 = vector.multi_reduction <maximumf>, %select_n3A_346, %reduce_max3A_350 [1] : vector<1024x1024xf32> to vector<1024xf32>
    %broadcast_in_dim3A_352 = vector.shape_cast %reduce_max3A_351 : vector<1024xf32> to vector<1024x1xf32>
    %get3A_353 = arith.constant 0 : index
    %get3A_354 = arith.constant 0 : index
    %get3A_355 = vector.load %arg5[%get3A_353, %get3A_354] : memref<1024x1024xf32, #tpu.memory_space<vmem>>, vector<1024x1024xf32>
    %eq3A_356 = vector.broadcast %broadcast_in_dim3A_352 : vector<1024x1xf32> to vector<1024x1024xf32>
    %eq3A_357 = arith.cmpf oeq, %get3A_355, %eq3A_356 : vector<1024x1024xf32>
    %jit3A_358 = arith.constant 1024 : i32
    %broadcast_in_dim3A_359 = vector.broadcast %jit3A_358 : i32 to vector<1024x1024xi32>
    %select_n3A_360 = arith.select %eq3A_357, %iota3A, %broadcast_in_dim3A_359 : vector<1024x1024xi1>, vector<1024x1024xi32>
    %reduce_min3A_361 = arith.constant dense<2147483647> : vector<1024xi32>
    %reduce_min3A_362 = vector.multi_reduction <minsi>, %select_n3A_360, %reduce_min3A_361 [1] : vector<1024x1024xi32> to vector<1024xi32>
    %broadcast_in_dim3A_363 = vector.shape_cast %reduce_min3A_362 : vector<1024xi32> to vector<1024x1xi32>
    %eq3A_364 = vector.broadcast %broadcast_in_dim3A_363 : vector<1024x1xi32> to vector<1024x1024xi32>
    %eq3A_365 = arith.cmpi eq, %iota3A, %eq3A_364 : vector<1024x1024xi32>
    %jit3A_366 = arith.constant 0xFF800000 : f32
    %broadcast_in_dim3A_367 = vector.broadcast %jit3A_366 : f32 to vector<1024x1024xf32>
    %select_n3A_368 = arith.select %eq3A_365, %broadcast_in_dim3A_367, %get3A_355 : vector<1024x1024xi1>, vector<1024x1024xf32>
    %swap3A_369 = arith.constant 0 : index
    %swap3A_370 = arith.constant 0 : index
    %swap3A_371 = vector.load %arg5[%swap3A_369, %swap3A_370] : memref<1024x1024xf32, #tpu.memory_space<vmem>>, vector<1024x1024xf32>
    tpu.vector_store %arg5[%swap3A_369, %swap3A_370], %select_n3A_368 {strides = array<i32>} : memref<1024x1024xf32, #tpu.memory_space<vmem>>, vector<1024x1024xf32>,
    %reduce_max3A_372 = arith.constant dense<0xFF800000> : vector<1024xf32>
    %reduce_max3A_373 = vector.multi_reduction <maximumf>, %select_n3A_368, %reduce_max3A_372 [1] : vector<1024x1024xf32> to vector<1024xf32>
    %broadcast_in_dim3A_374 = vector.shape_cast %reduce_max3A_373 : vector<1024xf32> to vector<1024x1xf32>
    %get3A_375 = arith.constant 0 : index
    %get3A_376 = arith.constant 0 : index
    %get3A_377 = vector.load %arg5[%get3A_375, %get3A_376] : memref<1024x1024xf32, #tpu.memory_space<vmem>>, vector<1024x1024xf32>
    %eq3A_378 = vector.broadcast %broadcast_in_dim3A_374 : vector<1024x1xf32> to vector<1024x1024xf32>
    %eq3A_379 = arith.cmpf oeq, %get3A_377, %eq3A_378 : vector<1024x1024xf32>
    %jit3A_380 = arith.constant 1024 : i32
    %broadcast_in_dim3A_381 = vector.broadcast %jit3A_380 : i32 to vector<1024x1024xi32>
    %select_n3A_382 = arith.select %eq3A_379, %iota3A, %broadcast_in_dim3A_381 : vector<1024x1024xi1>, vector<1024x1024xi32>
    %reduce_min3A_383 = arith.constant dense<2147483647> : vector<1024xi32>
    %reduce_min3A_384 = vector.multi_reduction <minsi>, %select_n3A_382, %reduce_min3A_383 [1] : vector<1024x1024xi32> to vector<1024xi32>
    %broadcast_in_dim3A_385 = vector.shape_cast %reduce_min3A_384 : vector<1024xi32> to vector<1024x1xi32>
    %eq3A_386 = vector.broadcast %broadcast_in_dim3A_385 : vector<1024x1xi32> to vector<1024x1024xi32>
    %eq3A_387 = arith.cmpi eq, %iota3A, %eq3A_386 : vector<1024x1024xi32>
    %jit3A_388 = arith.constant 0xFF800000 : f32
    %broadcast_in_dim3A_389 = vector.broadcast %jit3A_388 : f32 to vector<1024x1024xf32>
    %select_n3A_390 = arith.select %eq3A_387, %broadcast_in_dim3A_389, %get3A_377 : vector<1024x1024xi1>, vector<1024x1024xf32>
    %swap3A_391 = arith.constant 0 : index
    %swap3A_392 = arith.constant 0 : index
    %swap3A_393 = vector.load %arg5[%swap3A_391, %swap3A_392] : memref<1024x1024xf32, #tpu.memory_space<vmem>>, vector<1024x1024xf32>
    tpu.vector_store %arg5[%swap3A_391, %swap3A_392], %select_n3A_390 {strides = array<i32>} : memref<1024x1024xf32, #tpu.memory_space<vmem>>, vector<1024x1024xf32>,
    %reduce_max3A_394 = arith.constant dense<0xFF800000> : vector<1024xf32>
    %reduce_max3A_395 = vector.multi_reduction <maximumf>, %select_n3A_390, %reduce_max3A_394 [1] : vector<1024x1024xf32> to vector<1024xf32>
    %broadcast_in_dim3A_396 = vector.shape_cast %reduce_max3A_395 : vector<1024xf32> to vector<1024x1xf32>
    %get3A_397 = arith.constant 0 : index
    %get3A_398 = arith.constant 0 : index
    %get3A_399 = vector.load %arg5[%get3A_397, %get3A_398] : memref<1024x1024xf32, #tpu.memory_space<vmem>>, vector<1024x1024xf32>
    %eq3A_400 = vector.broadcast %broadcast_in_dim3A_396 : vector<1024x1xf32> to vector<1024x1024xf32>
    %eq3A_401 = arith.cmpf oeq, %get3A_399, %eq3A_400 : vector<1024x1024xf32>
    %jit3A_402 = arith.constant 1024 : i32
    %broadcast_in_dim3A_403 = vector.broadcast %jit3A_402 : i32 to vector<1024x1024xi32>
    %select_n3A_404 = arith.select %eq3A_401, %iota3A, %broadcast_in_dim3A_403 : vector<1024x1024xi1>, vector<1024x1024xi32>
    %reduce_min3A_405 = arith.constant dense<2147483647> : vector<1024xi32>
    %reduce_min3A_406 = vector.multi_reduction <minsi>, %select_n3A_404, %reduce_min3A_405 [1] : vector<1024x1024xi32> to vector<1024xi32>
    %broadcast_in_dim3A_407 = vector.shape_cast %reduce_min3A_406 : vector<1024xi32> to vector<1024x1xi32>
    %eq3A_408 = vector.broadcast %broadcast_in_dim3A_407 : vector<1024x1xi32> to vector<1024x1024xi32>
    %eq3A_409 = arith.cmpi eq, %iota3A, %eq3A_408 : vector<1024x1024xi32>
    %jit3A_410 = arith.constant 0xFF800000 : f32
    %broadcast_in_dim3A_411 = vector.broadcast %jit3A_410 : f32 to vector<1024x1024xf32>
    %select_n3A_412 = arith.select %eq3A_409, %broadcast_in_dim3A_411, %get3A_399 : vector<1024x1024xi1>, vector<1024x1024xf32>
    %swap3A_413 = arith.constant 0 : index
    %swap3A_414 = arith.constant 0 : index
    %swap3A_415 = vector.load %arg5[%swap3A_413, %swap3A_414] : memref<1024x1024xf32, #tpu.memory_space<vmem>>, vector<1024x1024xf32>
    tpu.vector_store %arg5[%swap3A_413, %swap3A_414], %select_n3A_412 {strides = array<i32>} : memref<1024x1024xf32, #tpu.memory_space<vmem>>, vector<1024x1024xf32>,
    %reduce_max3A_416 = arith.constant dense<0xFF800000> : vector<1024xf32>
    %reduce_max3A_417 = vector.multi_reduction <maximumf>, %select_n3A_412, %reduce_max3A_416 [1] : vector<1024x1024xf32> to vector<1024xf32>
    %broadcast_in_dim3A_418 = vector.shape_cast %reduce_max3A_417 : vector<1024xf32> to vector<1024x1xf32>
    %get3A_419 = arith.constant 0 : index
    %get3A_420 = arith.constant 0 : index
    %get3A_421 = vector.load %arg5[%get3A_419, %get3A_420] : memref<1024x1024xf32, #tpu.memory_space<vmem>>, vector<1024x1024xf32>
    %eq3A_422 = vector.broadcast %broadcast_in_dim3A_418 : vector<1024x1xf32> to vector<1024x1024xf32>
    %eq3A_423 = arith.cmpf oeq, %get3A_421, %eq3A_422 : vector<1024x1024xf32>
    %jit3A_424 = arith.constant 1024 : i32
    %broadcast_in_dim3A_425 = vector.broadcast %jit3A_424 : i32 to vector<1024x1024xi32>
    %select_n3A_426 = arith.select %eq3A_423, %iota3A, %broadcast_in_dim3A_425 : vector<1024x1024xi1>, vector<1024x1024xi32>
    %reduce_min3A_427 = arith.constant dense<2147483647> : vector<1024xi32>
    %reduce_min3A_428 = vector.multi_reduction <minsi>, %select_n3A_426, %reduce_min3A_427 [1] : vector<1024x1024xi32> to vector<1024xi32>
    %broadcast_in_dim3A_429 = vector.shape_cast %reduce_min3A_428 : vector<1024xi32> to vector<1024x1xi32>
    %eq3A_430 = vector.broadcast %broadcast_in_dim3A_429 : vector<1024x1xi32> to vector<1024x1024xi32>
    %eq3A_431 = arith.cmpi eq, %iota3A, %eq3A_430 : vector<1024x1024xi32>
    %jit3A_432 = arith.constant 0xFF800000 : f32
    %broadcast_in_dim3A_433 = vector.broadcast %jit3A_432 : f32 to vector<1024x1024xf32>
    %select_n3A_434 = arith.select %eq3A_431, %broadcast_in_dim3A_433, %get3A_421 : vector<1024x1024xi1>, vector<1024x1024xf32>
    %swap3A_435 = arith.constant 0 : index
    %swap3A_436 = arith.constant 0 : index
    %swap3A_437 = vector.load %arg5[%swap3A_435, %swap3A_436] : memref<1024x1024xf32, #tpu.memory_space<vmem>>, vector<1024x1024xf32>
    tpu.vector_store %arg5[%swap3A_435, %swap3A_436], %select_n3A_434 {strides = array<i32>} : memref<1024x1024xf32, #tpu.memory_space<vmem>>, vector<1024x1024xf32>,
    %reduce_max3A_438 = arith.constant dense<0xFF800000> : vector<1024xf32>
    %reduce_max3A_439 = vector.multi_reduction <maximumf>, %select_n3A_434, %reduce_max3A_438 [1] : vector<1024x1024xf32> to vector<1024xf32>
    %broadcast_in_dim3A_440 = vector.shape_cast %reduce_max3A_439 : vector<1024xf32> to vector<1024x1xf32>
    %get3A_441 = arith.constant 0 : index
    %get3A_442 = arith.constant 0 : index
    %get3A_443 = vector.load %arg5[%get3A_441, %get3A_442] : memref<1024x1024xf32, #tpu.memory_space<vmem>>, vector<1024x1024xf32>
    %eq3A_444 = vector.broadcast %broadcast_in_dim3A_440 : vector<1024x1xf32> to vector<1024x1024xf32>
    %eq3A_445 = arith.cmpf oeq, %get3A_443, %eq3A_444 : vector<1024x1024xf32>
    %jit3A_446 = arith.constant 1024 : i32
    %broadcast_in_dim3A_447 = vector.broadcast %jit3A_446 : i32 to vector<1024x1024xi32>
    %select_n3A_448 = arith.select %eq3A_445, %iota3A, %broadcast_in_dim3A_447 : vector<1024x1024xi1>, vector<1024x1024xi32>
    %reduce_min3A_449 = arith.constant dense<2147483647> : vector<1024xi32>
    %reduce_min3A_450 = vector.multi_reduction <minsi>, %select_n3A_448, %reduce_min3A_449 [1] : vector<1024x1024xi32> to vector<1024xi32>
    %broadcast_in_dim3A_451 = vector.shape_cast %reduce_min3A_450 : vector<1024xi32> to vector<1024x1xi32>
    %concatenate3A = tpu.concatenate %broadcast_in_dim3A_33, %broadcast_in_dim3A_55, %broadcast_in_dim3A_77, %broadcast_in_dim3A_99, %broadcast_in_dim3A_121, %broadcast_in_dim3A_143, %broadcast_in_dim3A_165, %broadcast_in_dim3A_187, %broadcast_in_dim3A_209, %broadcast_in_dim3A_231, %broadcast_in_dim3A_253, %broadcast_in_dim3A_275, %broadcast_in_dim3A_297, %broadcast_in_dim3A_319, %broadcast_in_dim3A_341, %broadcast_in_dim3A_363, %broadcast_in_dim3A_385, %broadcast_in_dim3A_407, %broadcast_in_dim3A_429, %broadcast_in_dim3A_451 in 1 : vector<1024x1xi32>, vector<1024x1xi32>, vector<1024x1xi32>, vector<1024x1xi32>, vector<1024x1xi32>, vector<1024x1xi32>, vector<1024x1xi32>, vector<1024x1xi32>, vector<1024x1xi32>, vector<1024x1xi32>, vector<1024x1xi32>, vector<1024x1xi32>, vector<1024x1xi32>, vector<1024x1xi32>, vector<1024x1xi32>, vector<1024x1xi32>, vector<1024x1xi32>, vector<1024x1xi32>, vector<1024x1xi32>, vector<1024x1xi32> -> vector<1024x20xi32>
    %mul3A_452 = arith.constant 1024 : i32
    %mul3A_453 = arith.muli %arg0, %mul3A_452 : i32
    %add3A_454 = vector.broadcast %mul3A_453 : i32 to vector<1024x20xi32>
    %add3A_455 = arith.addi %concatenate3A, %add3A_454 : vector<1024x20xi32>
    %swap3A_456 = arith.constant 0 : index
    %swap3A_457 = arith.constant 0 : index
    %swap3A_458 = arith.constant 0 : index
    %swap3A_459 = vector.load %arg3[%swap3A_456, %swap3A_457, %swap3A_458] : memref<1x1024x20xi32, #tpu.memory_space<vmem>>, vector<1x1024x20xi32>
    %swap3A_460 = vector.shape_cast %swap3A_459 : vector<1x1024x20xi32> to vector<1024x20xi32>
    %swap3A_461 = vector.shape_cast %add3A_455 : vector<1024x20xi32> to vector<1x1024x20xi32>
    tpu.vector_store %arg3[%swap3A_456, %swap3A_457, %swap3A_458], %swap3A_461 {strides = array<i32>} : memref<1x1024x20xi32, #tpu.memory_space<vmem>>, vector<1x1024x20xi32>,
    %swap3A_462 = arith.constant 0 : index
    %swap3A_463 = arith.constant 0 : index
    %swap3A_464 = arith.constant 0 : index
    %swap3A_465 = vector.load %arg4[%swap3A_462, %swap3A_463, %swap3A_464] : memref<1x1024x128xf32, #tpu.memory_space<vmem>>, vector<1x1024x128xf32>
    %swap3A_466 = vector.shape_cast %swap3A_465 : vector<1x1024x128xf32> to vector<1024x128xf32>
    %swap3A_467 = vector.shape_cast %dot_general3A_21 : vector<1024x128xf32> to vector<1x1024x128xf32>
    tpu.vector_store %arg4[%swap3A_462, %swap3A_463, %swap3A_464], %swap3A_467 {strides = array<i32>} : memref<1x1024x128xf32, #tpu.memory_space<vmem>>, vector<1x1024x128xf32>,
    return
  }
  func.func @transform_0(%arg0: i32) -> (i32, i32, i32) {
    %c0_i32 = arith.constant 0 : i32
    %c0_i32_0 = arith.constant 0 : i32
    %c0_i32_1 = arith.constant 0 : i32
    return %arg0, %c0_i32, %c0_i32_0 : i32, i32, i32
  }
  func.func @transform_1(%arg0: i32) -> (i32, i32) {
    %c0_i32 = arith.constant 0 : i32
    %c0_i32_0 = arith.constant 0 : i32
    %c0_i32_1 = arith.constant 0 : i32
    return %c0_i32, %c0_i32_0 : i32, i32
  }
  func.func @transform_2(%arg0: i32) -> (i32, i32, i32) {
    %c0_i32 = arith.constant 0 : i32
    %c0_i32_0 = arith.constant 0 : i32
    %c0_i32_1 = arith.constant 0 : i32
    return %arg0, %c0_i32, %c0_i32_0 : i32, i32, i32
  }
  func.func @transform_3(%arg0: i32) -> (i32, i32, i32) {
    %c0_i32 = arith.constant 0 : i32
    %c0_i32_0 = arith.constant 0 : i32
    %c0_i32_1 = arith.constant 0 : i32
    return %arg0, %c0_i32, %c0_i32_0 : i32, i32, i32
  }
}

module attributes {stable_mosaic.version = 14 : i64} {
  func.func @_agg_body(%arg0: i32, %arg1: memref<1x1024x20x64xf32, #tpu.memory_space<vmem>>, %arg2: memref<1x1024x64xf32, #tpu.memory_space<vmem>>, %arg3: memref<1x1024x128xf32, #tpu.memory_space<vmem>>, %arg4: memref<128x64xf32, #tpu.memory_space<vmem>>, %arg5: memref<128xf32, #tpu.memory_space<vmem>>, %arg6: memref<128xf32, #tpu.memory_space<vmem>>, %arg7: memref<1x1024x128xf32, #tpu.memory_space<vmem>>) attributes {dimension_semantics = [#tpu.dimension_semantics<arbitrary>], iteration_bounds = array<i64: 4>, scalar_prefetch = 0 : i64, scratch_operands = 0 : i64, tpu.core_type = #tpu.core_type<tc>, window_params = [{transform_indices = @transform_0, window_bounds = array<i64: 1, 1024, 20, 64>}, {transform_indices = @transform_1, window_bounds = array<i64: 1, 1024, 64>}, {transform_indices = @transform_2, window_bounds = array<i64: 1, 1024, 128>}, {pipeline_mode = #tpu.pipeline_mode<synchronous>, transform_indices = @transform_3, window_bounds = array<i64: 128, 64>}, {pipeline_mode = #tpu.pipeline_mode<synchronous>, transform_indices = @transform_4, window_bounds = array<i64: 128>}, {pipeline_mode = #tpu.pipeline_mode<synchronous>, transform_indices = @transform_5, window_bounds = array<i64: 128>}, {transform_indices = @transform_6, window_bounds = array<i64: 1, 1024, 128>}]} {
    %get3A = arith.constant 0 : index
    %get3A_0 = arith.constant 0 : index
    %get3A_1 = arith.constant 0 : index
    %get3A_2 = vector.load %arg2[%get3A, %get3A_0, %get3A_1] : memref<1x1024x64xf32, #tpu.memory_space<vmem>>, vector<1x1024x64xf32>
    %get3A_3 = vector.shape_cast %get3A_2 : vector<1x1024x64xf32> to vector<1024x64xf32>
    %get3A_4 = arith.constant 0 : index
    %get3A_5 = arith.constant 0 : index
    %get3A_6 = arith.constant 0 : index
    %get3A_7 = vector.load %arg3[%get3A_4, %get3A_5, %get3A_6] : memref<1x1024x128xf32, #tpu.memory_space<vmem>>, vector<1x1024x128xf32>
    %get3A_8 = vector.shape_cast %get3A_7 : vector<1x1024x128xf32> to vector<1024x128xf32>
    %get3A_9 = arith.constant 0 : index
    %get3A_10 = arith.constant 0 : index
    %get3A_11 = vector.load %arg4[%get3A_9, %get3A_10] : memref<128x64xf32, #tpu.memory_space<vmem>>, vector<128x64xf32>
    %get3A_12 = arith.constant 0 : index
    %get3A_13 = vector.load %arg5[%get3A_12] : memref<128xf32, #tpu.memory_space<vmem>>, vector<128xf32>
    %get3A_14 = arith.constant 0 : index
    %get3A_15 = vector.load %arg6[%get3A_14] : memref<128xf32, #tpu.memory_space<vmem>>, vector<128xf32>
    %convert_element_type3A = arith.truncf %get3A_11 : vector<128x64xf32> to vector<128x64xbf16>
    %get3A_16 = arith.constant 0 : index
    %get3A_17 = arith.constant 0 : index
    %get3A_18 = arith.constant 0 : index
    %get3A_19 = arith.constant 0 : index
    %get3A_20 = vector.load %arg1[%get3A_16, %get3A_17, %get3A_18, %get3A_19] : memref<1x1024x20x64xf32, #tpu.memory_space<vmem>>, vector<1x1024x1x64xf32>
    %get3A_21 = vector.shape_cast %get3A_20 : vector<1x1024x1x64xf32> to vector<1024x64xf32>
    %sub3A = arith.subf %get3A_21, %get3A_3 : vector<1024x64xf32>
    %convert_element_type3A_22 = arith.truncf %sub3A : vector<1024x64xf32> to vector<1024x64xbf16>
    %dot_general3A = arith.constant dense<0.000000e+00> : vector<1024x128xf32>
    %dot_general3A_23 = tpu.matmul %convert_element_type3A_22, %convert_element_type3A, %dot_general3A {dimension_numbers = #tpu.dot_dimension_numbers<[1], [1], [0], [0], [0, 0, 1, 0], [], []>, transpose_lhs_hint = false} : vector<1024x64xbf16>, vector<128x64xbf16>, vector<1024x128xf32> -> vector<1024x128xf32>
    %get3A_24 = arith.constant 0 : index
    %get3A_25 = arith.constant 0 : index
    %get3A_26 = arith.constant 1 : index
    %get3A_27 = arith.constant 0 : index
    %get3A_28 = vector.load %arg1[%get3A_24, %get3A_25, %get3A_26, %get3A_27] : memref<1x1024x20x64xf32, #tpu.memory_space<vmem>>, vector<1x1024x1x64xf32>
    %get3A_29 = vector.shape_cast %get3A_28 : vector<1x1024x1x64xf32> to vector<1024x64xf32>
    %sub3A_30 = arith.subf %get3A_29, %get3A_3 : vector<1024x64xf32>
    %convert_element_type3A_31 = arith.truncf %sub3A_30 : vector<1024x64xf32> to vector<1024x64xbf16>
    %dot_general3A_32 = arith.constant dense<0.000000e+00> : vector<1024x128xf32>
    %dot_general3A_33 = tpu.matmul %convert_element_type3A_31, %convert_element_type3A, %dot_general3A_32 {dimension_numbers = #tpu.dot_dimension_numbers<[1], [1], [0], [0], [0, 0, 1, 0], [], []>, transpose_lhs_hint = false} : vector<1024x64xbf16>, vector<128x64xbf16>, vector<1024x128xf32> -> vector<1024x128xf32>
    %max3A = arith.maximumf %dot_general3A_23, %dot_general3A_33 : vector<1024x128xf32>
    %get3A_34 = arith.constant 0 : index
    %get3A_35 = arith.constant 0 : index
    %get3A_36 = arith.constant 2 : index
    %get3A_37 = arith.constant 0 : index
    %get3A_38 = vector.load %arg1[%get3A_34, %get3A_35, %get3A_36, %get3A_37] : memref<1x1024x20x64xf32, #tpu.memory_space<vmem>>, vector<1x1024x1x64xf32>
    %get3A_39 = vector.shape_cast %get3A_38 : vector<1x1024x1x64xf32> to vector<1024x64xf32>
    %sub3A_40 = arith.subf %get3A_39, %get3A_3 : vector<1024x64xf32>
    %convert_element_type3A_41 = arith.truncf %sub3A_40 : vector<1024x64xf32> to vector<1024x64xbf16>
    %dot_general3A_42 = arith.constant dense<0.000000e+00> : vector<1024x128xf32>
    %dot_general3A_43 = tpu.matmul %convert_element_type3A_41, %convert_element_type3A, %dot_general3A_42 {dimension_numbers = #tpu.dot_dimension_numbers<[1], [1], [0], [0], [0, 0, 1, 0], [], []>, transpose_lhs_hint = false} : vector<1024x64xbf16>, vector<128x64xbf16>, vector<1024x128xf32> -> vector<1024x128xf32>
    %max3A_44 = arith.maximumf %max3A, %dot_general3A_43 : vector<1024x128xf32>
    %get3A_45 = arith.constant 0 : index
    %get3A_46 = arith.constant 0 : index
    %get3A_47 = arith.constant 3 : index
    %get3A_48 = arith.constant 0 : index
    %get3A_49 = vector.load %arg1[%get3A_45, %get3A_46, %get3A_47, %get3A_48] : memref<1x1024x20x64xf32, #tpu.memory_space<vmem>>, vector<1x1024x1x64xf32>
    %get3A_50 = vector.shape_cast %get3A_49 : vector<1x1024x1x64xf32> to vector<1024x64xf32>
    %sub3A_51 = arith.subf %get3A_50, %get3A_3 : vector<1024x64xf32>
    %convert_element_type3A_52 = arith.truncf %sub3A_51 : vector<1024x64xf32> to vector<1024x64xbf16>
    %dot_general3A_53 = arith.constant dense<0.000000e+00> : vector<1024x128xf32>
    %dot_general3A_54 = tpu.matmul %convert_element_type3A_52, %convert_element_type3A, %dot_general3A_53 {dimension_numbers = #tpu.dot_dimension_numbers<[1], [1], [0], [0], [0, 0, 1, 0], [], []>, transpose_lhs_hint = false} : vector<1024x64xbf16>, vector<128x64xbf16>, vector<1024x128xf32> -> vector<1024x128xf32>
    %max3A_55 = arith.maximumf %max3A_44, %dot_general3A_54 : vector<1024x128xf32>
    %get3A_56 = arith.constant 0 : index
    %get3A_57 = arith.constant 0 : index
    %get3A_58 = arith.constant 4 : index
    %get3A_59 = arith.constant 0 : index
    %get3A_60 = vector.load %arg1[%get3A_56, %get3A_57, %get3A_58, %get3A_59] : memref<1x1024x20x64xf32, #tpu.memory_space<vmem>>, vector<1x1024x1x64xf32>
    %get3A_61 = vector.shape_cast %get3A_60 : vector<1x1024x1x64xf32> to vector<1024x64xf32>
    %sub3A_62 = arith.subf %get3A_61, %get3A_3 : vector<1024x64xf32>
    %convert_element_type3A_63 = arith.truncf %sub3A_62 : vector<1024x64xf32> to vector<1024x64xbf16>
    %dot_general3A_64 = arith.constant dense<0.000000e+00> : vector<1024x128xf32>
    %dot_general3A_65 = tpu.matmul %convert_element_type3A_63, %convert_element_type3A, %dot_general3A_64 {dimension_numbers = #tpu.dot_dimension_numbers<[1], [1], [0], [0], [0, 0, 1, 0], [], []>, transpose_lhs_hint = false} : vector<1024x64xbf16>, vector<128x64xbf16>, vector<1024x128xf32> -> vector<1024x128xf32>
    %max3A_66 = arith.maximumf %max3A_55, %dot_general3A_65 : vector<1024x128xf32>
    %get3A_67 = arith.constant 0 : index
    %get3A_68 = arith.constant 0 : index
    %get3A_69 = arith.constant 5 : index
    %get3A_70 = arith.constant 0 : index
    %get3A_71 = vector.load %arg1[%get3A_67, %get3A_68, %get3A_69, %get3A_70] : memref<1x1024x20x64xf32, #tpu.memory_space<vmem>>, vector<1x1024x1x64xf32>
    %get3A_72 = vector.shape_cast %get3A_71 : vector<1x1024x1x64xf32> to vector<1024x64xf32>
    %sub3A_73 = arith.subf %get3A_72, %get3A_3 : vector<1024x64xf32>
    %convert_element_type3A_74 = arith.truncf %sub3A_73 : vector<1024x64xf32> to vector<1024x64xbf16>
    %dot_general3A_75 = arith.constant dense<0.000000e+00> : vector<1024x128xf32>
    %dot_general3A_76 = tpu.matmul %convert_element_type3A_74, %convert_element_type3A, %dot_general3A_75 {dimension_numbers = #tpu.dot_dimension_numbers<[1], [1], [0], [0], [0, 0, 1, 0], [], []>, transpose_lhs_hint = false} : vector<1024x64xbf16>, vector<128x64xbf16>, vector<1024x128xf32> -> vector<1024x128xf32>
    %max3A_77 = arith.maximumf %max3A_66, %dot_general3A_76 : vector<1024x128xf32>
    %get3A_78 = arith.constant 0 : index
    %get3A_79 = arith.constant 0 : index
    %get3A_80 = arith.constant 6 : index
    %get3A_81 = arith.constant 0 : index
    %get3A_82 = vector.load %arg1[%get3A_78, %get3A_79, %get3A_80, %get3A_81] : memref<1x1024x20x64xf32, #tpu.memory_space<vmem>>, vector<1x1024x1x64xf32>
    %get3A_83 = vector.shape_cast %get3A_82 : vector<1x1024x1x64xf32> to vector<1024x64xf32>
    %sub3A_84 = arith.subf %get3A_83, %get3A_3 : vector<1024x64xf32>
    %convert_element_type3A_85 = arith.truncf %sub3A_84 : vector<1024x64xf32> to vector<1024x64xbf16>
    %dot_general3A_86 = arith.constant dense<0.000000e+00> : vector<1024x128xf32>
    %dot_general3A_87 = tpu.matmul %convert_element_type3A_85, %convert_element_type3A, %dot_general3A_86 {dimension_numbers = #tpu.dot_dimension_numbers<[1], [1], [0], [0], [0, 0, 1, 0], [], []>, transpose_lhs_hint = false} : vector<1024x64xbf16>, vector<128x64xbf16>, vector<1024x128xf32> -> vector<1024x128xf32>
    %max3A_88 = arith.maximumf %max3A_77, %dot_general3A_87 : vector<1024x128xf32>
    %get3A_89 = arith.constant 0 : index
    %get3A_90 = arith.constant 0 : index
    %get3A_91 = arith.constant 7 : index
    %get3A_92 = arith.constant 0 : index
    %get3A_93 = vector.load %arg1[%get3A_89, %get3A_90, %get3A_91, %get3A_92] : memref<1x1024x20x64xf32, #tpu.memory_space<vmem>>, vector<1x1024x1x64xf32>
    %get3A_94 = vector.shape_cast %get3A_93 : vector<1x1024x1x64xf32> to vector<1024x64xf32>
    %sub3A_95 = arith.subf %get3A_94, %get3A_3 : vector<1024x64xf32>
    %convert_element_type3A_96 = arith.truncf %sub3A_95 : vector<1024x64xf32> to vector<1024x64xbf16>
    %dot_general3A_97 = arith.constant dense<0.000000e+00> : vector<1024x128xf32>
    %dot_general3A_98 = tpu.matmul %convert_element_type3A_96, %convert_element_type3A, %dot_general3A_97 {dimension_numbers = #tpu.dot_dimension_numbers<[1], [1], [0], [0], [0, 0, 1, 0], [], []>, transpose_lhs_hint = false} : vector<1024x64xbf16>, vector<128x64xbf16>, vector<1024x128xf32> -> vector<1024x128xf32>
    %max3A_99 = arith.maximumf %max3A_88, %dot_general3A_98 : vector<1024x128xf32>
    %get3A_100 = arith.constant 0 : index
    %get3A_101 = arith.constant 0 : index
    %get3A_102 = arith.constant 8 : index
    %get3A_103 = arith.constant 0 : index
    %get3A_104 = vector.load %arg1[%get3A_100, %get3A_101, %get3A_102, %get3A_103] : memref<1x1024x20x64xf32, #tpu.memory_space<vmem>>, vector<1x1024x1x64xf32>
    %get3A_105 = vector.shape_cast %get3A_104 : vector<1x1024x1x64xf32> to vector<1024x64xf32>
    %sub3A_106 = arith.subf %get3A_105, %get3A_3 : vector<1024x64xf32>
    %convert_element_type3A_107 = arith.truncf %sub3A_106 : vector<1024x64xf32> to vector<1024x64xbf16>
    %dot_general3A_108 = arith.constant dense<0.000000e+00> : vector<1024x128xf32>
    %dot_general3A_109 = tpu.matmul %convert_element_type3A_107, %convert_element_type3A, %dot_general3A_108 {dimension_numbers = #tpu.dot_dimension_numbers<[1], [1], [0], [0], [0, 0, 1, 0], [], []>, transpose_lhs_hint = false} : vector<1024x64xbf16>, vector<128x64xbf16>, vector<1024x128xf32> -> vector<1024x128xf32>
    %max3A_110 = arith.maximumf %max3A_99, %dot_general3A_109 : vector<1024x128xf32>
    %get3A_111 = arith.constant 0 : index
    %get3A_112 = arith.constant 0 : index
    %get3A_113 = arith.constant 9 : index
    %get3A_114 = arith.constant 0 : index
    %get3A_115 = vector.load %arg1[%get3A_111, %get3A_112, %get3A_113, %get3A_114] : memref<1x1024x20x64xf32, #tpu.memory_space<vmem>>, vector<1x1024x1x64xf32>
    %get3A_116 = vector.shape_cast %get3A_115 : vector<1x1024x1x64xf32> to vector<1024x64xf32>
    %sub3A_117 = arith.subf %get3A_116, %get3A_3 : vector<1024x64xf32>
    %convert_element_type3A_118 = arith.truncf %sub3A_117 : vector<1024x64xf32> to vector<1024x64xbf16>
    %dot_general3A_119 = arith.constant dense<0.000000e+00> : vector<1024x128xf32>
    %dot_general3A_120 = tpu.matmul %convert_element_type3A_118, %convert_element_type3A, %dot_general3A_119 {dimension_numbers = #tpu.dot_dimension_numbers<[1], [1], [0], [0], [0, 0, 1, 0], [], []>, transpose_lhs_hint = false} : vector<1024x64xbf16>, vector<128x64xbf16>, vector<1024x128xf32> -> vector<1024x128xf32>
    %max3A_121 = arith.maximumf %max3A_110, %dot_general3A_120 : vector<1024x128xf32>
    %get3A_122 = arith.constant 0 : index
    %get3A_123 = arith.constant 0 : index
    %get3A_124 = arith.constant 10 : index
    %get3A_125 = arith.constant 0 : index
    %get3A_126 = vector.load %arg1[%get3A_122, %get3A_123, %get3A_124, %get3A_125] : memref<1x1024x20x64xf32, #tpu.memory_space<vmem>>, vector<1x1024x1x64xf32>
    %get3A_127 = vector.shape_cast %get3A_126 : vector<1x1024x1x64xf32> to vector<1024x64xf32>
    %sub3A_128 = arith.subf %get3A_127, %get3A_3 : vector<1024x64xf32>
    %convert_element_type3A_129 = arith.truncf %sub3A_128 : vector<1024x64xf32> to vector<1024x64xbf16>
    %dot_general3A_130 = arith.constant dense<0.000000e+00> : vector<1024x128xf32>
    %dot_general3A_131 = tpu.matmul %convert_element_type3A_129, %convert_element_type3A, %dot_general3A_130 {dimension_numbers = #tpu.dot_dimension_numbers<[1], [1], [0], [0], [0, 0, 1, 0], [], []>, transpose_lhs_hint = false} : vector<1024x64xbf16>, vector<128x64xbf16>, vector<1024x128xf32> -> vector<1024x128xf32>
    %max3A_132 = arith.maximumf %max3A_121, %dot_general3A_131 : vector<1024x128xf32>
    %get3A_133 = arith.constant 0 : index
    %get3A_134 = arith.constant 0 : index
    %get3A_135 = arith.constant 11 : index
    %get3A_136 = arith.constant 0 : index
    %get3A_137 = vector.load %arg1[%get3A_133, %get3A_134, %get3A_135, %get3A_136] : memref<1x1024x20x64xf32, #tpu.memory_space<vmem>>, vector<1x1024x1x64xf32>
    %get3A_138 = vector.shape_cast %get3A_137 : vector<1x1024x1x64xf32> to vector<1024x64xf32>
    %sub3A_139 = arith.subf %get3A_138, %get3A_3 : vector<1024x64xf32>
    %convert_element_type3A_140 = arith.truncf %sub3A_139 : vector<1024x64xf32> to vector<1024x64xbf16>
    %dot_general3A_141 = arith.constant dense<0.000000e+00> : vector<1024x128xf32>
    %dot_general3A_142 = tpu.matmul %convert_element_type3A_140, %convert_element_type3A, %dot_general3A_141 {dimension_numbers = #tpu.dot_dimension_numbers<[1], [1], [0], [0], [0, 0, 1, 0], [], []>, transpose_lhs_hint = false} : vector<1024x64xbf16>, vector<128x64xbf16>, vector<1024x128xf32> -> vector<1024x128xf32>
    %max3A_143 = arith.maximumf %max3A_132, %dot_general3A_142 : vector<1024x128xf32>
    %get3A_144 = arith.constant 0 : index
    %get3A_145 = arith.constant 0 : index
    %get3A_146 = arith.constant 12 : index
    %get3A_147 = arith.constant 0 : index
    %get3A_148 = vector.load %arg1[%get3A_144, %get3A_145, %get3A_146, %get3A_147] : memref<1x1024x20x64xf32, #tpu.memory_space<vmem>>, vector<1x1024x1x64xf32>
    %get3A_149 = vector.shape_cast %get3A_148 : vector<1x1024x1x64xf32> to vector<1024x64xf32>
    %sub3A_150 = arith.subf %get3A_149, %get3A_3 : vector<1024x64xf32>
    %convert_element_type3A_151 = arith.truncf %sub3A_150 : vector<1024x64xf32> to vector<1024x64xbf16>
    %dot_general3A_152 = arith.constant dense<0.000000e+00> : vector<1024x128xf32>
    %dot_general3A_153 = tpu.matmul %convert_element_type3A_151, %convert_element_type3A, %dot_general3A_152 {dimension_numbers = #tpu.dot_dimension_numbers<[1], [1], [0], [0], [0, 0, 1, 0], [], []>, transpose_lhs_hint = false} : vector<1024x64xbf16>, vector<128x64xbf16>, vector<1024x128xf32> -> vector<1024x128xf32>
    %max3A_154 = arith.maximumf %max3A_143, %dot_general3A_153 : vector<1024x128xf32>
    %get3A_155 = arith.constant 0 : index
    %get3A_156 = arith.constant 0 : index
    %get3A_157 = arith.constant 13 : index
    %get3A_158 = arith.constant 0 : index
    %get3A_159 = vector.load %arg1[%get3A_155, %get3A_156, %get3A_157, %get3A_158] : memref<1x1024x20x64xf32, #tpu.memory_space<vmem>>, vector<1x1024x1x64xf32>
    %get3A_160 = vector.shape_cast %get3A_159 : vector<1x1024x1x64xf32> to vector<1024x64xf32>
    %sub3A_161 = arith.subf %get3A_160, %get3A_3 : vector<1024x64xf32>
    %convert_element_type3A_162 = arith.truncf %sub3A_161 : vector<1024x64xf32> to vector<1024x64xbf16>
    %dot_general3A_163 = arith.constant dense<0.000000e+00> : vector<1024x128xf32>
    %dot_general3A_164 = tpu.matmul %convert_element_type3A_162, %convert_element_type3A, %dot_general3A_163 {dimension_numbers = #tpu.dot_dimension_numbers<[1], [1], [0], [0], [0, 0, 1, 0], [], []>, transpose_lhs_hint = false} : vector<1024x64xbf16>, vector<128x64xbf16>, vector<1024x128xf32> -> vector<1024x128xf32>
    %max3A_165 = arith.maximumf %max3A_154, %dot_general3A_164 : vector<1024x128xf32>
    %get3A_166 = arith.constant 0 : index
    %get3A_167 = arith.constant 0 : index
    %get3A_168 = arith.constant 14 : index
    %get3A_169 = arith.constant 0 : index
    %get3A_170 = vector.load %arg1[%get3A_166, %get3A_167, %get3A_168, %get3A_169] : memref<1x1024x20x64xf32, #tpu.memory_space<vmem>>, vector<1x1024x1x64xf32>
    %get3A_171 = vector.shape_cast %get3A_170 : vector<1x1024x1x64xf32> to vector<1024x64xf32>
    %sub3A_172 = arith.subf %get3A_171, %get3A_3 : vector<1024x64xf32>
    %convert_element_type3A_173 = arith.truncf %sub3A_172 : vector<1024x64xf32> to vector<1024x64xbf16>
    %dot_general3A_174 = arith.constant dense<0.000000e+00> : vector<1024x128xf32>
    %dot_general3A_175 = tpu.matmul %convert_element_type3A_173, %convert_element_type3A, %dot_general3A_174 {dimension_numbers = #tpu.dot_dimension_numbers<[1], [1], [0], [0], [0, 0, 1, 0], [], []>, transpose_lhs_hint = false} : vector<1024x64xbf16>, vector<128x64xbf16>, vector<1024x128xf32> -> vector<1024x128xf32>
    %max3A_176 = arith.maximumf %max3A_165, %dot_general3A_175 : vector<1024x128xf32>
    %get3A_177 = arith.constant 0 : index
    %get3A_178 = arith.constant 0 : index
    %get3A_179 = arith.constant 15 : index
    %get3A_180 = arith.constant 0 : index
    %get3A_181 = vector.load %arg1[%get3A_177, %get3A_178, %get3A_179, %get3A_180] : memref<1x1024x20x64xf32, #tpu.memory_space<vmem>>, vector<1x1024x1x64xf32>
    %get3A_182 = vector.shape_cast %get3A_181 : vector<1x1024x1x64xf32> to vector<1024x64xf32>
    %sub3A_183 = arith.subf %get3A_182, %get3A_3 : vector<1024x64xf32>
    %convert_element_type3A_184 = arith.truncf %sub3A_183 : vector<1024x64xf32> to vector<1024x64xbf16>
    %dot_general3A_185 = arith.constant dense<0.000000e+00> : vector<1024x128xf32>
    %dot_general3A_186 = tpu.matmul %convert_element_type3A_184, %convert_element_type3A, %dot_general3A_185 {dimension_numbers = #tpu.dot_dimension_numbers<[1], [1], [0], [0], [0, 0, 1, 0], [], []>, transpose_lhs_hint = false} : vector<1024x64xbf16>, vector<128x64xbf16>, vector<1024x128xf32> -> vector<1024x128xf32>
    %max3A_187 = arith.maximumf %max3A_176, %dot_general3A_186 : vector<1024x128xf32>
    %get3A_188 = arith.constant 0 : index
    %get3A_189 = arith.constant 0 : index
    %get3A_190 = arith.constant 16 : index
    %get3A_191 = arith.constant 0 : index
    %get3A_192 = vector.load %arg1[%get3A_188, %get3A_189, %get3A_190, %get3A_191] : memref<1x1024x20x64xf32, #tpu.memory_space<vmem>>, vector<1x1024x1x64xf32>
    %get3A_193 = vector.shape_cast %get3A_192 : vector<1x1024x1x64xf32> to vector<1024x64xf32>
    %sub3A_194 = arith.subf %get3A_193, %get3A_3 : vector<1024x64xf32>
    %convert_element_type3A_195 = arith.truncf %sub3A_194 : vector<1024x64xf32> to vector<1024x64xbf16>
    %dot_general3A_196 = arith.constant dense<0.000000e+00> : vector<1024x128xf32>
    %dot_general3A_197 = tpu.matmul %convert_element_type3A_195, %convert_element_type3A, %dot_general3A_196 {dimension_numbers = #tpu.dot_dimension_numbers<[1], [1], [0], [0], [0, 0, 1, 0], [], []>, transpose_lhs_hint = false} : vector<1024x64xbf16>, vector<128x64xbf16>, vector<1024x128xf32> -> vector<1024x128xf32>
    %max3A_198 = arith.maximumf %max3A_187, %dot_general3A_197 : vector<1024x128xf32>
    %get3A_199 = arith.constant 0 : index
    %get3A_200 = arith.constant 0 : index
    %get3A_201 = arith.constant 17 : index
    %get3A_202 = arith.constant 0 : index
    %get3A_203 = vector.load %arg1[%get3A_199, %get3A_200, %get3A_201, %get3A_202] : memref<1x1024x20x64xf32, #tpu.memory_space<vmem>>, vector<1x1024x1x64xf32>
    %get3A_204 = vector.shape_cast %get3A_203 : vector<1x1024x1x64xf32> to vector<1024x64xf32>
    %sub3A_205 = arith.subf %get3A_204, %get3A_3 : vector<1024x64xf32>
    %convert_element_type3A_206 = arith.truncf %sub3A_205 : vector<1024x64xf32> to vector<1024x64xbf16>
    %dot_general3A_207 = arith.constant dense<0.000000e+00> : vector<1024x128xf32>
    %dot_general3A_208 = tpu.matmul %convert_element_type3A_206, %convert_element_type3A, %dot_general3A_207 {dimension_numbers = #tpu.dot_dimension_numbers<[1], [1], [0], [0], [0, 0, 1, 0], [], []>, transpose_lhs_hint = false} : vector<1024x64xbf16>, vector<128x64xbf16>, vector<1024x128xf32> -> vector<1024x128xf32>
    %max3A_209 = arith.maximumf %max3A_198, %dot_general3A_208 : vector<1024x128xf32>
    %get3A_210 = arith.constant 0 : index
    %get3A_211 = arith.constant 0 : index
    %get3A_212 = arith.constant 18 : index
    %get3A_213 = arith.constant 0 : index
    %get3A_214 = vector.load %arg1[%get3A_210, %get3A_211, %get3A_212, %get3A_213] : memref<1x1024x20x64xf32, #tpu.memory_space<vmem>>, vector<1x1024x1x64xf32>
    %get3A_215 = vector.shape_cast %get3A_214 : vector<1x1024x1x64xf32> to vector<1024x64xf32>
    %sub3A_216 = arith.subf %get3A_215, %get3A_3 : vector<1024x64xf32>
    %convert_element_type3A_217 = arith.truncf %sub3A_216 : vector<1024x64xf32> to vector<1024x64xbf16>
    %dot_general3A_218 = arith.constant dense<0.000000e+00> : vector<1024x128xf32>
    %dot_general3A_219 = tpu.matmul %convert_element_type3A_217, %convert_element_type3A, %dot_general3A_218 {dimension_numbers = #tpu.dot_dimension_numbers<[1], [1], [0], [0], [0, 0, 1, 0], [], []>, transpose_lhs_hint = false} : vector<1024x64xbf16>, vector<128x64xbf16>, vector<1024x128xf32> -> vector<1024x128xf32>
    %max3A_220 = arith.maximumf %max3A_209, %dot_general3A_219 : vector<1024x128xf32>
    %get3A_221 = arith.constant 0 : index
    %get3A_222 = arith.constant 0 : index
    %get3A_223 = arith.constant 19 : index
    %get3A_224 = arith.constant 0 : index
    %get3A_225 = vector.load %arg1[%get3A_221, %get3A_222, %get3A_223, %get3A_224] : memref<1x1024x20x64xf32, #tpu.memory_space<vmem>>, vector<1x1024x1x64xf32>
    %get3A_226 = vector.shape_cast %get3A_225 : vector<1x1024x1x64xf32> to vector<1024x64xf32>
    %sub3A_227 = arith.subf %get3A_226, %get3A_3 : vector<1024x64xf32>
    %convert_element_type3A_228 = arith.truncf %sub3A_227 : vector<1024x64xf32> to vector<1024x64xbf16>
    %dot_general3A_229 = arith.constant dense<0.000000e+00> : vector<1024x128xf32>
    %dot_general3A_230 = tpu.matmul %convert_element_type3A_228, %convert_element_type3A, %dot_general3A_229 {dimension_numbers = #tpu.dot_dimension_numbers<[1], [1], [0], [0], [0, 0, 1, 0], [], []>, transpose_lhs_hint = false} : vector<1024x64xbf16>, vector<128x64xbf16>, vector<1024x128xf32> -> vector<1024x128xf32>
    %max3A_231 = arith.maximumf %max3A_220, %dot_general3A_230 : vector<1024x128xf32>
    %add3A = arith.addf %max3A_231, %get3A_8 : vector<1024x128xf32>
    %broadcast_in_dim3A = vector.shape_cast %get3A_13 : vector<128xf32> to vector<1x128xf32>
    %mul3A = vector.broadcast %broadcast_in_dim3A : vector<1x128xf32> to vector<1024x128xf32>
    %mul3A_232 = arith.mulf %add3A, %mul3A : vector<1024x128xf32>
    %broadcast_in_dim3A_233 = vector.shape_cast %get3A_15 : vector<128xf32> to vector<1x128xf32>
    %add3A_234 = vector.broadcast %broadcast_in_dim3A_233 : vector<1x128xf32> to vector<1024x128xf32>
    %add3A_235 = arith.addf %mul3A_232, %add3A_234 : vector<1024x128xf32>
    %mul3A_236 = arith.constant 2.000000e-01 : f32
    %mul3A_237 = vector.broadcast %mul3A_236 : f32 to vector<1024x128xf32>
    %mul3A_238 = arith.mulf %mul3A_237, %add3A_235 : vector<1024x128xf32>
    %max3A_239 = arith.maximumf %add3A_235, %mul3A_238 : vector<1024x128xf32>
    %swap3A = arith.constant 0 : index
    %swap3A_240 = arith.constant 0 : index
    %swap3A_241 = arith.constant 0 : index
    %swap3A_242 = vector.load %arg7[%swap3A, %swap3A_240, %swap3A_241] : memref<1x1024x128xf32, #tpu.memory_space<vmem>>, vector<1x1024x128xf32>
    %swap3A_243 = vector.shape_cast %swap3A_242 : vector<1x1024x128xf32> to vector<1024x128xf32>
    %swap3A_244 = vector.shape_cast %max3A_239 : vector<1024x128xf32> to vector<1x1024x128xf32>
    tpu.vector_store %arg7[%swap3A, %swap3A_240, %swap3A_241], %swap3A_244 {strides = array<i32>} : memref<1x1024x128xf32, #tpu.memory_space<vmem>>, vector<1x1024x128xf32>,
    return
  }
  func.func @transform_0(%arg0: i32) -> (i32, i32, i32, i32) {
    %c0_i32 = arith.constant 0 : i32
    %c0_i32_0 = arith.constant 0 : i32
    %c0_i32_1 = arith.constant 0 : i32
    %c0_i32_2 = arith.constant 0 : i32
    return %arg0, %c0_i32, %c0_i32_0, %c0_i32_1 : i32, i32, i32, i32
  }
  func.func @transform_1(%arg0: i32) -> (i32, i32, i32) {
    %c0_i32 = arith.constant 0 : i32
    %c0_i32_0 = arith.constant 0 : i32
    %c0_i32_1 = arith.constant 0 : i32
    return %arg0, %c0_i32, %c0_i32_0 : i32, i32, i32
  }
  func.func @transform_2(%arg0: i32) -> (i32, i32, i32) {
    %c0_i32 = arith.constant 0 : i32
    %c0_i32_0 = arith.constant 0 : i32
    %c0_i32_1 = arith.constant 0 : i32
    return %arg0, %c0_i32, %c0_i32_0 : i32, i32, i32
  }
  func.func @transform_3(%arg0: i32) -> (i32, i32) {
    %c0_i32 = arith.constant 0 : i32
    %c0_i32_0 = arith.constant 0 : i32
    %c0_i32_1 = arith.constant 0 : i32
    return %c0_i32, %c0_i32_0 : i32, i32
  }
  func.func @transform_4(%arg0: i32) -> i32 {
    %c0_i32 = arith.constant 0 : i32
    %c0_i32_0 = arith.constant 0 : i32
    return %c0_i32 : i32
  }
  func.func @transform_5(%arg0: i32) -> i32 {
    %c0_i32 = arith.constant 0 : i32
    %c0_i32_0 = arith.constant 0 : i32
    return %c0_i32 : i32
  }
  func.func @transform_6(%arg0: i32) -> (i32, i32, i32) {
    %c0_i32 = arith.constant 0 : i32
    %c0_i32_0 = arith.constant 0 : i32
    %c0_i32_1 = arith.constant 0 : i32
    return %arg0, %c0_i32, %c0_i32_0 : i32, i32, i32
  }
}

module attributes {stable_mosaic.version = 14 : i64} {
  func.func @_knn1_body(%arg0: i32, %arg1: memref<1x1024x128xf32, #tpu.memory_space<vmem>>, %arg2: memref<256x128xf32, #tpu.memory_space<vmem>>, %arg3: memref<1x1024x20xi32, #tpu.memory_space<vmem>>, %arg4: memref<1x1024x256xf32, #tpu.memory_space<vmem>>, %arg5: memref<1024x1024xf32, #tpu.memory_space<vmem>>) attributes {dimension_semantics = [#tpu.dimension_semantics<arbitrary>], iteration_bounds = array<i64: 4>, scalar_prefetch = 0 : i64, scratch_operands = 1 : i64, tpu.core_type = #tpu.core_type<tc>, window_params = [{transform_indices = @transform_0, window_bounds = array<i64: 1, 1024, 128>}, {pipeline_mode = #tpu.pipeline_mode<synchronous>, transform_indices = @transform_1, window_bounds = array<i64: 256, 128>}, {transform_indices = @transform_2, window_bounds = array<i64: 1, 1024, 20>}, {transform_indices = @transform_3, window_bounds = array<i64: 1, 1024, 256>}]} {
    %get3A = arith.constant 0 : index
    %get3A_0 = arith.constant 0 : index
    %get3A_1 = arith.constant 0 : index
    %get3A_2 = vector.load %arg1[%get3A, %get3A_0, %get3A_1] : memref<1x1024x128xf32, #tpu.memory_space<vmem>>, vector<1x1024x128xf32>
    %get3A_3 = vector.shape_cast %get3A_2 : vector<1x1024x128xf32> to vector<1024x128xf32>
    %get3A_4 = arith.constant 0 : index
    %get3A_5 = arith.constant 0 : index
    %get3A_6 = vector.load %arg2[%get3A_4, %get3A_5] : memref<256x128xf32, #tpu.memory_space<vmem>>, vector<256x128xf32>
    %convert_element_type3A = arith.truncf %get3A_3 : vector<1024x128xf32> to vector<1024x128xbf16>
    %dot_general3A = arith.constant dense<0.000000e+00> : vector<1024x1024xf32>
    %dot_general3A_7 = tpu.matmul %convert_element_type3A, %convert_element_type3A, %dot_general3A {dimension_numbers = #tpu.dot_dimension_numbers<[1], [1], [0], [0], [0, 0, 1, 0], [], []>, transpose_lhs_hint = false} : vector<1024x128xbf16>, vector<1024x128xbf16>, vector<1024x1024xf32> -> vector<1024x1024xf32>
    %mul3A = arith.mulf %get3A_3, %get3A_3 : vector<1024x128xf32>
    %reduce_sum3A = arith.constant dense<0.000000e+00> : vector<1024xf32>
    %reduce_sum3A_8 = vector.multi_reduction <add>, %mul3A, %reduce_sum3A [1] : vector<1024x128xf32> to vector<1024xf32>
    %broadcast_in_dim3A = vector.shape_cast %reduce_sum3A_8 : vector<1024xf32> to vector<1024x1xf32>
    %neg3A = arith.constant 0.000000e+00 : f32
    %neg3A_9 = vector.broadcast %neg3A : f32 to vector<1024x1xf32>
    %neg3A_10 = arith.subf %neg3A_9, %broadcast_in_dim3A : vector<1024x1xf32>
    %mul3A_11 = arith.constant 2.000000e+00 : f32
    %mul3A_12 = vector.broadcast %mul3A_11 : f32 to vector<1024x1024xf32>
    %mul3A_13 = arith.mulf %mul3A_12, %dot_general3A_7 : vector<1024x1024xf32>
    %add3A = vector.broadcast %neg3A_10 : vector<1024x1xf32> to vector<1024x1024xf32>
    %add3A_14 = arith.addf %add3A, %mul3A_13 : vector<1024x1024xf32>
    %broadcast_in_dim3A_15 = vector.shape_cast %reduce_sum3A_8 : vector<1024xf32> to vector<1x1024xf32>
    %sub3A = vector.broadcast %broadcast_in_dim3A_15 : vector<1x1024xf32> to vector<1024x1024xf32>
    %sub3A_16 = arith.subf %add3A_14, %sub3A : vector<1024x1024xf32>
    %swap3A = arith.constant 0 : index
    %swap3A_17 = arith.constant 0 : index
    %swap3A_18 = vector.load %arg5[%swap3A, %swap3A_17] : memref<1024x1024xf32, #tpu.memory_space<vmem>>, vector<1024x1024xf32>
    tpu.vector_store %arg5[%swap3A, %swap3A_17], %sub3A_16 {strides = array<i32>} : memref<1024x1024xf32, #tpu.memory_space<vmem>>, vector<1024x1024xf32>,
    %convert_element_type3A_19 = arith.truncf %get3A_6 : vector<256x128xf32> to vector<256x128xbf16>
    %dot_general3A_20 = arith.constant dense<0.000000e+00> : vector<1024x256xf32>
    %dot_general3A_21 = tpu.matmul %convert_element_type3A, %convert_element_type3A_19, %dot_general3A_20 {dimension_numbers = #tpu.dot_dimension_numbers<[1], [1], [0], [0], [0, 0, 1, 0], [], []>, transpose_lhs_hint = false} : vector<1024x128xbf16>, vector<256x128xbf16>, vector<1024x256xf32> -> vector<1024x256xf32>
    %iota3A = tpu.iota {dimensions = array<i32: 1>} : vector<1024x1024xi32>
    %get3A_22 = arith.constant 0 : index
    %get3A_23 = arith.constant 0 : index
    %get3A_24 = vector.load %arg5[%get3A_22, %get3A_23] : memref<1024x1024xf32, #tpu.memory_space<vmem>>, vector<1024x1024xf32>
    %reduce_max3A = arith.constant dense<0xFF800000> : vector<1024xf32>
    %reduce_max3A_25 = vector.multi_reduction <maximumf>, %get3A_24, %reduce_max3A [1] : vector<1024x1024xf32> to vector<1024xf32>
    %broadcast_in_dim3A_26 = vector.shape_cast %reduce_max3A_25 : vector<1024xf32> to vector<1024x1xf32>
    %get3A_27 = arith.constant 0 : index
    %get3A_28 = arith.constant 0 : index
    %get3A_29 = vector.load %arg5[%get3A_27, %get3A_28] : memref<1024x1024xf32, #tpu.memory_space<vmem>>, vector<1024x1024xf32>
    %eq3A = vector.broadcast %broadcast_in_dim3A_26 : vector<1024x1xf32> to vector<1024x1024xf32>
    %eq3A_30 = arith.cmpf oeq, %get3A_29, %eq3A : vector<1024x1024xf32>
    %jit3A = arith.constant 1024 : i32
    %broadcast_in_dim3A_31 = vector.broadcast %jit3A : i32 to vector<1024x1024xi32>
    %select_n3A = arith.select %eq3A_30, %iota3A, %broadcast_in_dim3A_31 : vector<1024x1024xi1>, vector<1024x1024xi32>
    %reduce_min3A = arith.constant dense<2147483647> : vector<1024xi32>
    %reduce_min3A_32 = vector.multi_reduction <minsi>, %select_n3A, %reduce_min3A [1] : vector<1024x1024xi32> to vector<1024xi32>
    %broadcast_in_dim3A_33 = vector.shape_cast %reduce_min3A_32 : vector<1024xi32> to vector<1024x1xi32>
    %eq3A_34 = vector.broadcast %broadcast_in_dim3A_33 : vector<1024x1xi32> to vector<1024x1024xi32>
    %eq3A_35 = arith.cmpi eq, %iota3A, %eq3A_34 : vector<1024x1024xi32>
    %jit3A_36 = arith.constant 0xFF800000 : f32
    %broadcast_in_dim3A_37 = vector.broadcast %jit3A_36 : f32 to vector<1024x1024xf32>
    %select_n3A_38 = arith.select %eq3A_35, %broadcast_in_dim3A_37, %get3A_29 : vector<1024x1024xi1>, vector<1024x1024xf32>
    %swap3A_39 = arith.constant 0 : index
    %swap3A_40 = arith.constant 0 : index
    %swap3A_41 = vector.load %arg5[%swap3A_39, %swap3A_40] : memref<1024x1024xf32, #tpu.memory_space<vmem>>, vector<1024x1024xf32>
    tpu.vector_store %arg5[%swap3A_39, %swap3A_40], %select_n3A_38 {strides = array<i32>} : memref<1024x1024xf32, #tpu.memory_space<vmem>>, vector<1024x1024xf32>,
    %reduce_max3A_42 = arith.constant dense<0xFF800000> : vector<1024xf32>
    %reduce_max3A_43 = vector.multi_reduction <maximumf>, %select_n3A_38, %reduce_max3A_42 [1] : vector<1024x1024xf32> to vector<1024xf32>
    %broadcast_in_dim3A_44 = vector.shape_cast %reduce_max3A_43 : vector<1024xf32> to vector<1024x1xf32>
    %get3A_45 = arith.constant 0 : index
    %get3A_46 = arith.constant 0 : index
    %get3A_47 = vector.load %arg5[%get3A_45, %get3A_46] : memref<1024x1024xf32, #tpu.memory_space<vmem>>, vector<1024x1024xf32>
    %eq3A_48 = vector.broadcast %broadcast_in_dim3A_44 : vector<1024x1xf32> to vector<1024x1024xf32>
    %eq3A_49 = arith.cmpf oeq, %get3A_47, %eq3A_48 : vector<1024x1024xf32>
    %jit3A_50 = arith.constant 1024 : i32
    %broadcast_in_dim3A_51 = vector.broadcast %jit3A_50 : i32 to vector<1024x1024xi32>
    %select_n3A_52 = arith.select %eq3A_49, %iota3A, %broadcast_in_dim3A_51 : vector<1024x1024xi1>, vector<1024x1024xi32>
    %reduce_min3A_53 = arith.constant dense<2147483647> : vector<1024xi32>
    %reduce_min3A_54 = vector.multi_reduction <minsi>, %select_n3A_52, %reduce_min3A_53 [1] : vector<1024x1024xi32> to vector<1024xi32>
    %broadcast_in_dim3A_55 = vector.shape_cast %reduce_min3A_54 : vector<1024xi32> to vector<1024x1xi32>
    %eq3A_56 = vector.broadcast %broadcast_in_dim3A_55 : vector<1024x1xi32> to vector<1024x1024xi32>
    %eq3A_57 = arith.cmpi eq, %iota3A, %eq3A_56 : vector<1024x1024xi32>
    %jit3A_58 = arith.constant 0xFF800000 : f32
    %broadcast_in_dim3A_59 = vector.broadcast %jit3A_58 : f32 to vector<1024x1024xf32>
    %select_n3A_60 = arith.select %eq3A_57, %broadcast_in_dim3A_59, %get3A_47 : vector<1024x1024xi1>, vector<1024x1024xf32>
    %swap3A_61 = arith.constant 0 : index
    %swap3A_62 = arith.constant 0 : index
    %swap3A_63 = vector.load %arg5[%swap3A_61, %swap3A_62] : memref<1024x1024xf32, #tpu.memory_space<vmem>>, vector<1024x1024xf32>
    tpu.vector_store %arg5[%swap3A_61, %swap3A_62], %select_n3A_60 {strides = array<i32>} : memref<1024x1024xf32, #tpu.memory_space<vmem>>, vector<1024x1024xf32>,
    %reduce_max3A_64 = arith.constant dense<0xFF800000> : vector<1024xf32>
    %reduce_max3A_65 = vector.multi_reduction <maximumf>, %select_n3A_60, %reduce_max3A_64 [1] : vector<1024x1024xf32> to vector<1024xf32>
    %broadcast_in_dim3A_66 = vector.shape_cast %reduce_max3A_65 : vector<1024xf32> to vector<1024x1xf32>
    %get3A_67 = arith.constant 0 : index
    %get3A_68 = arith.constant 0 : index
    %get3A_69 = vector.load %arg5[%get3A_67, %get3A_68] : memref<1024x1024xf32, #tpu.memory_space<vmem>>, vector<1024x1024xf32>
    %eq3A_70 = vector.broadcast %broadcast_in_dim3A_66 : vector<1024x1xf32> to vector<1024x1024xf32>
    %eq3A_71 = arith.cmpf oeq, %get3A_69, %eq3A_70 : vector<1024x1024xf32>
    %jit3A_72 = arith.constant 1024 : i32
    %broadcast_in_dim3A_73 = vector.broadcast %jit3A_72 : i32 to vector<1024x1024xi32>
    %select_n3A_74 = arith.select %eq3A_71, %iota3A, %broadcast_in_dim3A_73 : vector<1024x1024xi1>, vector<1024x1024xi32>
    %reduce_min3A_75 = arith.constant dense<2147483647> : vector<1024xi32>
    %reduce_min3A_76 = vector.multi_reduction <minsi>, %select_n3A_74, %reduce_min3A_75 [1] : vector<1024x1024xi32> to vector<1024xi32>
    %broadcast_in_dim3A_77 = vector.shape_cast %reduce_min3A_76 : vector<1024xi32> to vector<1024x1xi32>
    %eq3A_78 = vector.broadcast %broadcast_in_dim3A_77 : vector<1024x1xi32> to vector<1024x1024xi32>
    %eq3A_79 = arith.cmpi eq, %iota3A, %eq3A_78 : vector<1024x1024xi32>
    %jit3A_80 = arith.constant 0xFF800000 : f32
    %broadcast_in_dim3A_81 = vector.broadcast %jit3A_80 : f32 to vector<1024x1024xf32>
    %select_n3A_82 = arith.select %eq3A_79, %broadcast_in_dim3A_81, %get3A_69 : vector<1024x1024xi1>, vector<1024x1024xf32>
    %swap3A_83 = arith.constant 0 : index
    %swap3A_84 = arith.constant 0 : index
    %swap3A_85 = vector.load %arg5[%swap3A_83, %swap3A_84] : memref<1024x1024xf32, #tpu.memory_space<vmem>>, vector<1024x1024xf32>
    tpu.vector_store %arg5[%swap3A_83, %swap3A_84], %select_n3A_82 {strides = array<i32>} : memref<1024x1024xf32, #tpu.memory_space<vmem>>, vector<1024x1024xf32>,
    %reduce_max3A_86 = arith.constant dense<0xFF800000> : vector<1024xf32>
    %reduce_max3A_87 = vector.multi_reduction <maximumf>, %select_n3A_82, %reduce_max3A_86 [1] : vector<1024x1024xf32> to vector<1024xf32>
    %broadcast_in_dim3A_88 = vector.shape_cast %reduce_max3A_87 : vector<1024xf32> to vector<1024x1xf32>
    %get3A_89 = arith.constant 0 : index
    %get3A_90 = arith.constant 0 : index
    %get3A_91 = vector.load %arg5[%get3A_89, %get3A_90] : memref<1024x1024xf32, #tpu.memory_space<vmem>>, vector<1024x1024xf32>
    %eq3A_92 = vector.broadcast %broadcast_in_dim3A_88 : vector<1024x1xf32> to vector<1024x1024xf32>
    %eq3A_93 = arith.cmpf oeq, %get3A_91, %eq3A_92 : vector<1024x1024xf32>
    %jit3A_94 = arith.constant 1024 : i32
    %broadcast_in_dim3A_95 = vector.broadcast %jit3A_94 : i32 to vector<1024x1024xi32>
    %select_n3A_96 = arith.select %eq3A_93, %iota3A, %broadcast_in_dim3A_95 : vector<1024x1024xi1>, vector<1024x1024xi32>
    %reduce_min3A_97 = arith.constant dense<2147483647> : vector<1024xi32>
    %reduce_min3A_98 = vector.multi_reduction <minsi>, %select_n3A_96, %reduce_min3A_97 [1] : vector<1024x1024xi32> to vector<1024xi32>
    %broadcast_in_dim3A_99 = vector.shape_cast %reduce_min3A_98 : vector<1024xi32> to vector<1024x1xi32>
    %eq3A_100 = vector.broadcast %broadcast_in_dim3A_99 : vector<1024x1xi32> to vector<1024x1024xi32>
    %eq3A_101 = arith.cmpi eq, %iota3A, %eq3A_100 : vector<1024x1024xi32>
    %jit3A_102 = arith.constant 0xFF800000 : f32
    %broadcast_in_dim3A_103 = vector.broadcast %jit3A_102 : f32 to vector<1024x1024xf32>
    %select_n3A_104 = arith.select %eq3A_101, %broadcast_in_dim3A_103, %get3A_91 : vector<1024x1024xi1>, vector<1024x1024xf32>
    %swap3A_105 = arith.constant 0 : index
    %swap3A_106 = arith.constant 0 : index
    %swap3A_107 = vector.load %arg5[%swap3A_105, %swap3A_106] : memref<1024x1024xf32, #tpu.memory_space<vmem>>, vector<1024x1024xf32>
    tpu.vector_store %arg5[%swap3A_105, %swap3A_106], %select_n3A_104 {strides = array<i32>} : memref<1024x1024xf32, #tpu.memory_space<vmem>>, vector<1024x1024xf32>,
    %reduce_max3A_108 = arith.constant dense<0xFF800000> : vector<1024xf32>
    %reduce_max3A_109 = vector.multi_reduction <maximumf>, %select_n3A_104, %reduce_max3A_108 [1] : vector<1024x1024xf32> to vector<1024xf32>
    %broadcast_in_dim3A_110 = vector.shape_cast %reduce_max3A_109 : vector<1024xf32> to vector<1024x1xf32>
    %get3A_111 = arith.constant 0 : index
    %get3A_112 = arith.constant 0 : index
    %get3A_113 = vector.load %arg5[%get3A_111, %get3A_112] : memref<1024x1024xf32, #tpu.memory_space<vmem>>, vector<1024x1024xf32>
    %eq3A_114 = vector.broadcast %broadcast_in_dim3A_110 : vector<1024x1xf32> to vector<1024x1024xf32>
    %eq3A_115 = arith.cmpf oeq, %get3A_113, %eq3A_114 : vector<1024x1024xf32>
    %jit3A_116 = arith.constant 1024 : i32
    %broadcast_in_dim3A_117 = vector.broadcast %jit3A_116 : i32 to vector<1024x1024xi32>
    %select_n3A_118 = arith.select %eq3A_115, %iota3A, %broadcast_in_dim3A_117 : vector<1024x1024xi1>, vector<1024x1024xi32>
    %reduce_min3A_119 = arith.constant dense<2147483647> : vector<1024xi32>
    %reduce_min3A_120 = vector.multi_reduction <minsi>, %select_n3A_118, %reduce_min3A_119 [1] : vector<1024x1024xi32> to vector<1024xi32>
    %broadcast_in_dim3A_121 = vector.shape_cast %reduce_min3A_120 : vector<1024xi32> to vector<1024x1xi32>
    %eq3A_122 = vector.broadcast %broadcast_in_dim3A_121 : vector<1024x1xi32> to vector<1024x1024xi32>
    %eq3A_123 = arith.cmpi eq, %iota3A, %eq3A_122 : vector<1024x1024xi32>
    %jit3A_124 = arith.constant 0xFF800000 : f32
    %broadcast_in_dim3A_125 = vector.broadcast %jit3A_124 : f32 to vector<1024x1024xf32>
    %select_n3A_126 = arith.select %eq3A_123, %broadcast_in_dim3A_125, %get3A_113 : vector<1024x1024xi1>, vector<1024x1024xf32>
    %swap3A_127 = arith.constant 0 : index
    %swap3A_128 = arith.constant 0 : index
    %swap3A_129 = vector.load %arg5[%swap3A_127, %swap3A_128] : memref<1024x1024xf32, #tpu.memory_space<vmem>>, vector<1024x1024xf32>
    tpu.vector_store %arg5[%swap3A_127, %swap3A_128], %select_n3A_126 {strides = array<i32>} : memref<1024x1024xf32, #tpu.memory_space<vmem>>, vector<1024x1024xf32>,
    %reduce_max3A_130 = arith.constant dense<0xFF800000> : vector<1024xf32>
    %reduce_max3A_131 = vector.multi_reduction <maximumf>, %select_n3A_126, %reduce_max3A_130 [1] : vector<1024x1024xf32> to vector<1024xf32>
    %broadcast_in_dim3A_132 = vector.shape_cast %reduce_max3A_131 : vector<1024xf32> to vector<1024x1xf32>
    %get3A_133 = arith.constant 0 : index
    %get3A_134 = arith.constant 0 : index
    %get3A_135 = vector.load %arg5[%get3A_133, %get3A_134] : memref<1024x1024xf32, #tpu.memory_space<vmem>>, vector<1024x1024xf32>
    %eq3A_136 = vector.broadcast %broadcast_in_dim3A_132 : vector<1024x1xf32> to vector<1024x1024xf32>
    %eq3A_137 = arith.cmpf oeq, %get3A_135, %eq3A_136 : vector<1024x1024xf32>
    %jit3A_138 = arith.constant 1024 : i32
    %broadcast_in_dim3A_139 = vector.broadcast %jit3A_138 : i32 to vector<1024x1024xi32>
    %select_n3A_140 = arith.select %eq3A_137, %iota3A, %broadcast_in_dim3A_139 : vector<1024x1024xi1>, vector<1024x1024xi32>
    %reduce_min3A_141 = arith.constant dense<2147483647> : vector<1024xi32>
    %reduce_min3A_142 = vector.multi_reduction <minsi>, %select_n3A_140, %reduce_min3A_141 [1] : vector<1024x1024xi32> to vector<1024xi32>
    %broadcast_in_dim3A_143 = vector.shape_cast %reduce_min3A_142 : vector<1024xi32> to vector<1024x1xi32>
    %eq3A_144 = vector.broadcast %broadcast_in_dim3A_143 : vector<1024x1xi32> to vector<1024x1024xi32>
    %eq3A_145 = arith.cmpi eq, %iota3A, %eq3A_144 : vector<1024x1024xi32>
    %jit3A_146 = arith.constant 0xFF800000 : f32
    %broadcast_in_dim3A_147 = vector.broadcast %jit3A_146 : f32 to vector<1024x1024xf32>
    %select_n3A_148 = arith.select %eq3A_145, %broadcast_in_dim3A_147, %get3A_135 : vector<1024x1024xi1>, vector<1024x1024xf32>
    %swap3A_149 = arith.constant 0 : index
    %swap3A_150 = arith.constant 0 : index
    %swap3A_151 = vector.load %arg5[%swap3A_149, %swap3A_150] : memref<1024x1024xf32, #tpu.memory_space<vmem>>, vector<1024x1024xf32>
    tpu.vector_store %arg5[%swap3A_149, %swap3A_150], %select_n3A_148 {strides = array<i32>} : memref<1024x1024xf32, #tpu.memory_space<vmem>>, vector<1024x1024xf32>,
    %reduce_max3A_152 = arith.constant dense<0xFF800000> : vector<1024xf32>
    %reduce_max3A_153 = vector.multi_reduction <maximumf>, %select_n3A_148, %reduce_max3A_152 [1] : vector<1024x1024xf32> to vector<1024xf32>
    %broadcast_in_dim3A_154 = vector.shape_cast %reduce_max3A_153 : vector<1024xf32> to vector<1024x1xf32>
    %get3A_155 = arith.constant 0 : index
    %get3A_156 = arith.constant 0 : index
    %get3A_157 = vector.load %arg5[%get3A_155, %get3A_156] : memref<1024x1024xf32, #tpu.memory_space<vmem>>, vector<1024x1024xf32>
    %eq3A_158 = vector.broadcast %broadcast_in_dim3A_154 : vector<1024x1xf32> to vector<1024x1024xf32>
    %eq3A_159 = arith.cmpf oeq, %get3A_157, %eq3A_158 : vector<1024x1024xf32>
    %jit3A_160 = arith.constant 1024 : i32
    %broadcast_in_dim3A_161 = vector.broadcast %jit3A_160 : i32 to vector<1024x1024xi32>
    %select_n3A_162 = arith.select %eq3A_159, %iota3A, %broadcast_in_dim3A_161 : vector<1024x1024xi1>, vector<1024x1024xi32>
    %reduce_min3A_163 = arith.constant dense<2147483647> : vector<1024xi32>
    %reduce_min3A_164 = vector.multi_reduction <minsi>, %select_n3A_162, %reduce_min3A_163 [1] : vector<1024x1024xi32> to vector<1024xi32>
    %broadcast_in_dim3A_165 = vector.shape_cast %reduce_min3A_164 : vector<1024xi32> to vector<1024x1xi32>
    %eq3A_166 = vector.broadcast %broadcast_in_dim3A_165 : vector<1024x1xi32> to vector<1024x1024xi32>
    %eq3A_167 = arith.cmpi eq, %iota3A, %eq3A_166 : vector<1024x1024xi32>
    %jit3A_168 = arith.constant 0xFF800000 : f32
    %broadcast_in_dim3A_169 = vector.broadcast %jit3A_168 : f32 to vector<1024x1024xf32>
    %select_n3A_170 = arith.select %eq3A_167, %broadcast_in_dim3A_169, %get3A_157 : vector<1024x1024xi1>, vector<1024x1024xf32>
    %swap3A_171 = arith.constant 0 : index
    %swap3A_172 = arith.constant 0 : index
    %swap3A_173 = vector.load %arg5[%swap3A_171, %swap3A_172] : memref<1024x1024xf32, #tpu.memory_space<vmem>>, vector<1024x1024xf32>
    tpu.vector_store %arg5[%swap3A_171, %swap3A_172], %select_n3A_170 {strides = array<i32>} : memref<1024x1024xf32, #tpu.memory_space<vmem>>, vector<1024x1024xf32>,
    %reduce_max3A_174 = arith.constant dense<0xFF800000> : vector<1024xf32>
    %reduce_max3A_175 = vector.multi_reduction <maximumf>, %select_n3A_170, %reduce_max3A_174 [1] : vector<1024x1024xf32> to vector<1024xf32>
    %broadcast_in_dim3A_176 = vector.shape_cast %reduce_max3A_175 : vector<1024xf32> to vector<1024x1xf32>
    %get3A_177 = arith.constant 0 : index
    %get3A_178 = arith.constant 0 : index
    %get3A_179 = vector.load %arg5[%get3A_177, %get3A_178] : memref<1024x1024xf32, #tpu.memory_space<vmem>>, vector<1024x1024xf32>
    %eq3A_180 = vector.broadcast %broadcast_in_dim3A_176 : vector<1024x1xf32> to vector<1024x1024xf32>
    %eq3A_181 = arith.cmpf oeq, %get3A_179, %eq3A_180 : vector<1024x1024xf32>
    %jit3A_182 = arith.constant 1024 : i32
    %broadcast_in_dim3A_183 = vector.broadcast %jit3A_182 : i32 to vector<1024x1024xi32>
    %select_n3A_184 = arith.select %eq3A_181, %iota3A, %broadcast_in_dim3A_183 : vector<1024x1024xi1>, vector<1024x1024xi32>
    %reduce_min3A_185 = arith.constant dense<2147483647> : vector<1024xi32>
    %reduce_min3A_186 = vector.multi_reduction <minsi>, %select_n3A_184, %reduce_min3A_185 [1] : vector<1024x1024xi32> to vector<1024xi32>
    %broadcast_in_dim3A_187 = vector.shape_cast %reduce_min3A_186 : vector<1024xi32> to vector<1024x1xi32>
    %eq3A_188 = vector.broadcast %broadcast_in_dim3A_187 : vector<1024x1xi32> to vector<1024x1024xi32>
    %eq3A_189 = arith.cmpi eq, %iota3A, %eq3A_188 : vector<1024x1024xi32>
    %jit3A_190 = arith.constant 0xFF800000 : f32
    %broadcast_in_dim3A_191 = vector.broadcast %jit3A_190 : f32 to vector<1024x1024xf32>
    %select_n3A_192 = arith.select %eq3A_189, %broadcast_in_dim3A_191, %get3A_179 : vector<1024x1024xi1>, vector<1024x1024xf32>
    %swap3A_193 = arith.constant 0 : index
    %swap3A_194 = arith.constant 0 : index
    %swap3A_195 = vector.load %arg5[%swap3A_193, %swap3A_194] : memref<1024x1024xf32, #tpu.memory_space<vmem>>, vector<1024x1024xf32>
    tpu.vector_store %arg5[%swap3A_193, %swap3A_194], %select_n3A_192 {strides = array<i32>} : memref<1024x1024xf32, #tpu.memory_space<vmem>>, vector<1024x1024xf32>,
    %reduce_max3A_196 = arith.constant dense<0xFF800000> : vector<1024xf32>
    %reduce_max3A_197 = vector.multi_reduction <maximumf>, %select_n3A_192, %reduce_max3A_196 [1] : vector<1024x1024xf32> to vector<1024xf32>
    %broadcast_in_dim3A_198 = vector.shape_cast %reduce_max3A_197 : vector<1024xf32> to vector<1024x1xf32>
    %get3A_199 = arith.constant 0 : index
    %get3A_200 = arith.constant 0 : index
    %get3A_201 = vector.load %arg5[%get3A_199, %get3A_200] : memref<1024x1024xf32, #tpu.memory_space<vmem>>, vector<1024x1024xf32>
    %eq3A_202 = vector.broadcast %broadcast_in_dim3A_198 : vector<1024x1xf32> to vector<1024x1024xf32>
    %eq3A_203 = arith.cmpf oeq, %get3A_201, %eq3A_202 : vector<1024x1024xf32>
    %jit3A_204 = arith.constant 1024 : i32
    %broadcast_in_dim3A_205 = vector.broadcast %jit3A_204 : i32 to vector<1024x1024xi32>
    %select_n3A_206 = arith.select %eq3A_203, %iota3A, %broadcast_in_dim3A_205 : vector<1024x1024xi1>, vector<1024x1024xi32>
    %reduce_min3A_207 = arith.constant dense<2147483647> : vector<1024xi32>
    %reduce_min3A_208 = vector.multi_reduction <minsi>, %select_n3A_206, %reduce_min3A_207 [1] : vector<1024x1024xi32> to vector<1024xi32>
    %broadcast_in_dim3A_209 = vector.shape_cast %reduce_min3A_208 : vector<1024xi32> to vector<1024x1xi32>
    %eq3A_210 = vector.broadcast %broadcast_in_dim3A_209 : vector<1024x1xi32> to vector<1024x1024xi32>
    %eq3A_211 = arith.cmpi eq, %iota3A, %eq3A_210 : vector<1024x1024xi32>
    %jit3A_212 = arith.constant 0xFF800000 : f32
    %broadcast_in_dim3A_213 = vector.broadcast %jit3A_212 : f32 to vector<1024x1024xf32>
    %select_n3A_214 = arith.select %eq3A_211, %broadcast_in_dim3A_213, %get3A_201 : vector<1024x1024xi1>, vector<1024x1024xf32>
    %swap3A_215 = arith.constant 0 : index
    %swap3A_216 = arith.constant 0 : index
    %swap3A_217 = vector.load %arg5[%swap3A_215, %swap3A_216] : memref<1024x1024xf32, #tpu.memory_space<vmem>>, vector<1024x1024xf32>
    tpu.vector_store %arg5[%swap3A_215, %swap3A_216], %select_n3A_214 {strides = array<i32>} : memref<1024x1024xf32, #tpu.memory_space<vmem>>, vector<1024x1024xf32>,
    %reduce_max3A_218 = arith.constant dense<0xFF800000> : vector<1024xf32>
    %reduce_max3A_219 = vector.multi_reduction <maximumf>, %select_n3A_214, %reduce_max3A_218 [1] : vector<1024x1024xf32> to vector<1024xf32>
    %broadcast_in_dim3A_220 = vector.shape_cast %reduce_max3A_219 : vector<1024xf32> to vector<1024x1xf32>
    %get3A_221 = arith.constant 0 : index
    %get3A_222 = arith.constant 0 : index
    %get3A_223 = vector.load %arg5[%get3A_221, %get3A_222] : memref<1024x1024xf32, #tpu.memory_space<vmem>>, vector<1024x1024xf32>
    %eq3A_224 = vector.broadcast %broadcast_in_dim3A_220 : vector<1024x1xf32> to vector<1024x1024xf32>
    %eq3A_225 = arith.cmpf oeq, %get3A_223, %eq3A_224 : vector<1024x1024xf32>
    %jit3A_226 = arith.constant 1024 : i32
    %broadcast_in_dim3A_227 = vector.broadcast %jit3A_226 : i32 to vector<1024x1024xi32>
    %select_n3A_228 = arith.select %eq3A_225, %iota3A, %broadcast_in_dim3A_227 : vector<1024x1024xi1>, vector<1024x1024xi32>
    %reduce_min3A_229 = arith.constant dense<2147483647> : vector<1024xi32>
    %reduce_min3A_230 = vector.multi_reduction <minsi>, %select_n3A_228, %reduce_min3A_229 [1] : vector<1024x1024xi32> to vector<1024xi32>
    %broadcast_in_dim3A_231 = vector.shape_cast %reduce_min3A_230 : vector<1024xi32> to vector<1024x1xi32>
    %eq3A_232 = vector.broadcast %broadcast_in_dim3A_231 : vector<1024x1xi32> to vector<1024x1024xi32>
    %eq3A_233 = arith.cmpi eq, %iota3A, %eq3A_232 : vector<1024x1024xi32>
    %jit3A_234 = arith.constant 0xFF800000 : f32
    %broadcast_in_dim3A_235 = vector.broadcast %jit3A_234 : f32 to vector<1024x1024xf32>
    %select_n3A_236 = arith.select %eq3A_233, %broadcast_in_dim3A_235, %get3A_223 : vector<1024x1024xi1>, vector<1024x1024xf32>
    %swap3A_237 = arith.constant 0 : index
    %swap3A_238 = arith.constant 0 : index
    %swap3A_239 = vector.load %arg5[%swap3A_237, %swap3A_238] : memref<1024x1024xf32, #tpu.memory_space<vmem>>, vector<1024x1024xf32>
    tpu.vector_store %arg5[%swap3A_237, %swap3A_238], %select_n3A_236 {strides = array<i32>} : memref<1024x1024xf32, #tpu.memory_space<vmem>>, vector<1024x1024xf32>,
    %reduce_max3A_240 = arith.constant dense<0xFF800000> : vector<1024xf32>
    %reduce_max3A_241 = vector.multi_reduction <maximumf>, %select_n3A_236, %reduce_max3A_240 [1] : vector<1024x1024xf32> to vector<1024xf32>
    %broadcast_in_dim3A_242 = vector.shape_cast %reduce_max3A_241 : vector<1024xf32> to vector<1024x1xf32>
    %get3A_243 = arith.constant 0 : index
    %get3A_244 = arith.constant 0 : index
    %get3A_245 = vector.load %arg5[%get3A_243, %get3A_244] : memref<1024x1024xf32, #tpu.memory_space<vmem>>, vector<1024x1024xf32>
    %eq3A_246 = vector.broadcast %broadcast_in_dim3A_242 : vector<1024x1xf32> to vector<1024x1024xf32>
    %eq3A_247 = arith.cmpf oeq, %get3A_245, %eq3A_246 : vector<1024x1024xf32>
    %jit3A_248 = arith.constant 1024 : i32
    %broadcast_in_dim3A_249 = vector.broadcast %jit3A_248 : i32 to vector<1024x1024xi32>
    %select_n3A_250 = arith.select %eq3A_247, %iota3A, %broadcast_in_dim3A_249 : vector<1024x1024xi1>, vector<1024x1024xi32>
    %reduce_min3A_251 = arith.constant dense<2147483647> : vector<1024xi32>
    %reduce_min3A_252 = vector.multi_reduction <minsi>, %select_n3A_250, %reduce_min3A_251 [1] : vector<1024x1024xi32> to vector<1024xi32>
    %broadcast_in_dim3A_253 = vector.shape_cast %reduce_min3A_252 : vector<1024xi32> to vector<1024x1xi32>
    %eq3A_254 = vector.broadcast %broadcast_in_dim3A_253 : vector<1024x1xi32> to vector<1024x1024xi32>
    %eq3A_255 = arith.cmpi eq, %iota3A, %eq3A_254 : vector<1024x1024xi32>
    %jit3A_256 = arith.constant 0xFF800000 : f32
    %broadcast_in_dim3A_257 = vector.broadcast %jit3A_256 : f32 to vector<1024x1024xf32>
    %select_n3A_258 = arith.select %eq3A_255, %broadcast_in_dim3A_257, %get3A_245 : vector<1024x1024xi1>, vector<1024x1024xf32>
    %swap3A_259 = arith.constant 0 : index
    %swap3A_260 = arith.constant 0 : index
    %swap3A_261 = vector.load %arg5[%swap3A_259, %swap3A_260] : memref<1024x1024xf32, #tpu.memory_space<vmem>>, vector<1024x1024xf32>
    tpu.vector_store %arg5[%swap3A_259, %swap3A_260], %select_n3A_258 {strides = array<i32>} : memref<1024x1024xf32, #tpu.memory_space<vmem>>, vector<1024x1024xf32>,
    %reduce_max3A_262 = arith.constant dense<0xFF800000> : vector<1024xf32>
    %reduce_max3A_263 = vector.multi_reduction <maximumf>, %select_n3A_258, %reduce_max3A_262 [1] : vector<1024x1024xf32> to vector<1024xf32>
    %broadcast_in_dim3A_264 = vector.shape_cast %reduce_max3A_263 : vector<1024xf32> to vector<1024x1xf32>
    %get3A_265 = arith.constant 0 : index
    %get3A_266 = arith.constant 0 : index
    %get3A_267 = vector.load %arg5[%get3A_265, %get3A_266] : memref<1024x1024xf32, #tpu.memory_space<vmem>>, vector<1024x1024xf32>
    %eq3A_268 = vector.broadcast %broadcast_in_dim3A_264 : vector<1024x1xf32> to vector<1024x1024xf32>
    %eq3A_269 = arith.cmpf oeq, %get3A_267, %eq3A_268 : vector<1024x1024xf32>
    %jit3A_270 = arith.constant 1024 : i32
    %broadcast_in_dim3A_271 = vector.broadcast %jit3A_270 : i32 to vector<1024x1024xi32>
    %select_n3A_272 = arith.select %eq3A_269, %iota3A, %broadcast_in_dim3A_271 : vector<1024x1024xi1>, vector<1024x1024xi32>
    %reduce_min3A_273 = arith.constant dense<2147483647> : vector<1024xi32>
    %reduce_min3A_274 = vector.multi_reduction <minsi>, %select_n3A_272, %reduce_min3A_273 [1] : vector<1024x1024xi32> to vector<1024xi32>
    %broadcast_in_dim3A_275 = vector.shape_cast %reduce_min3A_274 : vector<1024xi32> to vector<1024x1xi32>
    %eq3A_276 = vector.broadcast %broadcast_in_dim3A_275 : vector<1024x1xi32> to vector<1024x1024xi32>
    %eq3A_277 = arith.cmpi eq, %iota3A, %eq3A_276 : vector<1024x1024xi32>
    %jit3A_278 = arith.constant 0xFF800000 : f32
    %broadcast_in_dim3A_279 = vector.broadcast %jit3A_278 : f32 to vector<1024x1024xf32>
    %select_n3A_280 = arith.select %eq3A_277, %broadcast_in_dim3A_279, %get3A_267 : vector<1024x1024xi1>, vector<1024x1024xf32>
    %swap3A_281 = arith.constant 0 : index
    %swap3A_282 = arith.constant 0 : index
    %swap3A_283 = vector.load %arg5[%swap3A_281, %swap3A_282] : memref<1024x1024xf32, #tpu.memory_space<vmem>>, vector<1024x1024xf32>
    tpu.vector_store %arg5[%swap3A_281, %swap3A_282], %select_n3A_280 {strides = array<i32>} : memref<1024x1024xf32, #tpu.memory_space<vmem>>, vector<1024x1024xf32>,
    %reduce_max3A_284 = arith.constant dense<0xFF800000> : vector<1024xf32>
    %reduce_max3A_285 = vector.multi_reduction <maximumf>, %select_n3A_280, %reduce_max3A_284 [1] : vector<1024x1024xf32> to vector<1024xf32>
    %broadcast_in_dim3A_286 = vector.shape_cast %reduce_max3A_285 : vector<1024xf32> to vector<1024x1xf32>
    %get3A_287 = arith.constant 0 : index
    %get3A_288 = arith.constant 0 : index
    %get3A_289 = vector.load %arg5[%get3A_287, %get3A_288] : memref<1024x1024xf32, #tpu.memory_space<vmem>>, vector<1024x1024xf32>
    %eq3A_290 = vector.broadcast %broadcast_in_dim3A_286 : vector<1024x1xf32> to vector<1024x1024xf32>
    %eq3A_291 = arith.cmpf oeq, %get3A_289, %eq3A_290 : vector<1024x1024xf32>
    %jit3A_292 = arith.constant 1024 : i32
    %broadcast_in_dim3A_293 = vector.broadcast %jit3A_292 : i32 to vector<1024x1024xi32>
    %select_n3A_294 = arith.select %eq3A_291, %iota3A, %broadcast_in_dim3A_293 : vector<1024x1024xi1>, vector<1024x1024xi32>
    %reduce_min3A_295 = arith.constant dense<2147483647> : vector<1024xi32>
    %reduce_min3A_296 = vector.multi_reduction <minsi>, %select_n3A_294, %reduce_min3A_295 [1] : vector<1024x1024xi32> to vector<1024xi32>
    %broadcast_in_dim3A_297 = vector.shape_cast %reduce_min3A_296 : vector<1024xi32> to vector<1024x1xi32>
    %eq3A_298 = vector.broadcast %broadcast_in_dim3A_297 : vector<1024x1xi32> to vector<1024x1024xi32>
    %eq3A_299 = arith.cmpi eq, %iota3A, %eq3A_298 : vector<1024x1024xi32>
    %jit3A_300 = arith.constant 0xFF800000 : f32
    %broadcast_in_dim3A_301 = vector.broadcast %jit3A_300 : f32 to vector<1024x1024xf32>
    %select_n3A_302 = arith.select %eq3A_299, %broadcast_in_dim3A_301, %get3A_289 : vector<1024x1024xi1>, vector<1024x1024xf32>
    %swap3A_303 = arith.constant 0 : index
    %swap3A_304 = arith.constant 0 : index
    %swap3A_305 = vector.load %arg5[%swap3A_303, %swap3A_304] : memref<1024x1024xf32, #tpu.memory_space<vmem>>, vector<1024x1024xf32>
    tpu.vector_store %arg5[%swap3A_303, %swap3A_304], %select_n3A_302 {strides = array<i32>} : memref<1024x1024xf32, #tpu.memory_space<vmem>>, vector<1024x1024xf32>,
    %reduce_max3A_306 = arith.constant dense<0xFF800000> : vector<1024xf32>
    %reduce_max3A_307 = vector.multi_reduction <maximumf>, %select_n3A_302, %reduce_max3A_306 [1] : vector<1024x1024xf32> to vector<1024xf32>
    %broadcast_in_dim3A_308 = vector.shape_cast %reduce_max3A_307 : vector<1024xf32> to vector<1024x1xf32>
    %get3A_309 = arith.constant 0 : index
    %get3A_310 = arith.constant 0 : index
    %get3A_311 = vector.load %arg5[%get3A_309, %get3A_310] : memref<1024x1024xf32, #tpu.memory_space<vmem>>, vector<1024x1024xf32>
    %eq3A_312 = vector.broadcast %broadcast_in_dim3A_308 : vector<1024x1xf32> to vector<1024x1024xf32>
    %eq3A_313 = arith.cmpf oeq, %get3A_311, %eq3A_312 : vector<1024x1024xf32>
    %jit3A_314 = arith.constant 1024 : i32
    %broadcast_in_dim3A_315 = vector.broadcast %jit3A_314 : i32 to vector<1024x1024xi32>
    %select_n3A_316 = arith.select %eq3A_313, %iota3A, %broadcast_in_dim3A_315 : vector<1024x1024xi1>, vector<1024x1024xi32>
    %reduce_min3A_317 = arith.constant dense<2147483647> : vector<1024xi32>
    %reduce_min3A_318 = vector.multi_reduction <minsi>, %select_n3A_316, %reduce_min3A_317 [1] : vector<1024x1024xi32> to vector<1024xi32>
    %broadcast_in_dim3A_319 = vector.shape_cast %reduce_min3A_318 : vector<1024xi32> to vector<1024x1xi32>
    %eq3A_320 = vector.broadcast %broadcast_in_dim3A_319 : vector<1024x1xi32> to vector<1024x1024xi32>
    %eq3A_321 = arith.cmpi eq, %iota3A, %eq3A_320 : vector<1024x1024xi32>
    %jit3A_322 = arith.constant 0xFF800000 : f32
    %broadcast_in_dim3A_323 = vector.broadcast %jit3A_322 : f32 to vector<1024x1024xf32>
    %select_n3A_324 = arith.select %eq3A_321, %broadcast_in_dim3A_323, %get3A_311 : vector<1024x1024xi1>, vector<1024x1024xf32>
    %swap3A_325 = arith.constant 0 : index
    %swap3A_326 = arith.constant 0 : index
    %swap3A_327 = vector.load %arg5[%swap3A_325, %swap3A_326] : memref<1024x1024xf32, #tpu.memory_space<vmem>>, vector<1024x1024xf32>
    tpu.vector_store %arg5[%swap3A_325, %swap3A_326], %select_n3A_324 {strides = array<i32>} : memref<1024x1024xf32, #tpu.memory_space<vmem>>, vector<1024x1024xf32>,
    %reduce_max3A_328 = arith.constant dense<0xFF800000> : vector<1024xf32>
    %reduce_max3A_329 = vector.multi_reduction <maximumf>, %select_n3A_324, %reduce_max3A_328 [1] : vector<1024x1024xf32> to vector<1024xf32>
    %broadcast_in_dim3A_330 = vector.shape_cast %reduce_max3A_329 : vector<1024xf32> to vector<1024x1xf32>
    %get3A_331 = arith.constant 0 : index
    %get3A_332 = arith.constant 0 : index
    %get3A_333 = vector.load %arg5[%get3A_331, %get3A_332] : memref<1024x1024xf32, #tpu.memory_space<vmem>>, vector<1024x1024xf32>
    %eq3A_334 = vector.broadcast %broadcast_in_dim3A_330 : vector<1024x1xf32> to vector<1024x1024xf32>
    %eq3A_335 = arith.cmpf oeq, %get3A_333, %eq3A_334 : vector<1024x1024xf32>
    %jit3A_336 = arith.constant 1024 : i32
    %broadcast_in_dim3A_337 = vector.broadcast %jit3A_336 : i32 to vector<1024x1024xi32>
    %select_n3A_338 = arith.select %eq3A_335, %iota3A, %broadcast_in_dim3A_337 : vector<1024x1024xi1>, vector<1024x1024xi32>
    %reduce_min3A_339 = arith.constant dense<2147483647> : vector<1024xi32>
    %reduce_min3A_340 = vector.multi_reduction <minsi>, %select_n3A_338, %reduce_min3A_339 [1] : vector<1024x1024xi32> to vector<1024xi32>
    %broadcast_in_dim3A_341 = vector.shape_cast %reduce_min3A_340 : vector<1024xi32> to vector<1024x1xi32>
    %eq3A_342 = vector.broadcast %broadcast_in_dim3A_341 : vector<1024x1xi32> to vector<1024x1024xi32>
    %eq3A_343 = arith.cmpi eq, %iota3A, %eq3A_342 : vector<1024x1024xi32>
    %jit3A_344 = arith.constant 0xFF800000 : f32
    %broadcast_in_dim3A_345 = vector.broadcast %jit3A_344 : f32 to vector<1024x1024xf32>
    %select_n3A_346 = arith.select %eq3A_343, %broadcast_in_dim3A_345, %get3A_333 : vector<1024x1024xi1>, vector<1024x1024xf32>
    %swap3A_347 = arith.constant 0 : index
    %swap3A_348 = arith.constant 0 : index
    %swap3A_349 = vector.load %arg5[%swap3A_347, %swap3A_348] : memref<1024x1024xf32, #tpu.memory_space<vmem>>, vector<1024x1024xf32>
    tpu.vector_store %arg5[%swap3A_347, %swap3A_348], %select_n3A_346 {strides = array<i32>} : memref<1024x1024xf32, #tpu.memory_space<vmem>>, vector<1024x1024xf32>,
    %reduce_max3A_350 = arith.constant dense<0xFF800000> : vector<1024xf32>
    %reduce_max3A_351 = vector.multi_reduction <maximumf>, %select_n3A_346, %reduce_max3A_350 [1] : vector<1024x1024xf32> to vector<1024xf32>
    %broadcast_in_dim3A_352 = vector.shape_cast %reduce_max3A_351 : vector<1024xf32> to vector<1024x1xf32>
    %get3A_353 = arith.constant 0 : index
    %get3A_354 = arith.constant 0 : index
    %get3A_355 = vector.load %arg5[%get3A_353, %get3A_354] : memref<1024x1024xf32, #tpu.memory_space<vmem>>, vector<1024x1024xf32>
    %eq3A_356 = vector.broadcast %broadcast_in_dim3A_352 : vector<1024x1xf32> to vector<1024x1024xf32>
    %eq3A_357 = arith.cmpf oeq, %get3A_355, %eq3A_356 : vector<1024x1024xf32>
    %jit3A_358 = arith.constant 1024 : i32
    %broadcast_in_dim3A_359 = vector.broadcast %jit3A_358 : i32 to vector<1024x1024xi32>
    %select_n3A_360 = arith.select %eq3A_357, %iota3A, %broadcast_in_dim3A_359 : vector<1024x1024xi1>, vector<1024x1024xi32>
    %reduce_min3A_361 = arith.constant dense<2147483647> : vector<1024xi32>
    %reduce_min3A_362 = vector.multi_reduction <minsi>, %select_n3A_360, %reduce_min3A_361 [1] : vector<1024x1024xi32> to vector<1024xi32>
    %broadcast_in_dim3A_363 = vector.shape_cast %reduce_min3A_362 : vector<1024xi32> to vector<1024x1xi32>
    %eq3A_364 = vector.broadcast %broadcast_in_dim3A_363 : vector<1024x1xi32> to vector<1024x1024xi32>
    %eq3A_365 = arith.cmpi eq, %iota3A, %eq3A_364 : vector<1024x1024xi32>
    %jit3A_366 = arith.constant 0xFF800000 : f32
    %broadcast_in_dim3A_367 = vector.broadcast %jit3A_366 : f32 to vector<1024x1024xf32>
    %select_n3A_368 = arith.select %eq3A_365, %broadcast_in_dim3A_367, %get3A_355 : vector<1024x1024xi1>, vector<1024x1024xf32>
    %swap3A_369 = arith.constant 0 : index
    %swap3A_370 = arith.constant 0 : index
    %swap3A_371 = vector.load %arg5[%swap3A_369, %swap3A_370] : memref<1024x1024xf32, #tpu.memory_space<vmem>>, vector<1024x1024xf32>
    tpu.vector_store %arg5[%swap3A_369, %swap3A_370], %select_n3A_368 {strides = array<i32>} : memref<1024x1024xf32, #tpu.memory_space<vmem>>, vector<1024x1024xf32>,
    %reduce_max3A_372 = arith.constant dense<0xFF800000> : vector<1024xf32>
    %reduce_max3A_373 = vector.multi_reduction <maximumf>, %select_n3A_368, %reduce_max3A_372 [1] : vector<1024x1024xf32> to vector<1024xf32>
    %broadcast_in_dim3A_374 = vector.shape_cast %reduce_max3A_373 : vector<1024xf32> to vector<1024x1xf32>
    %get3A_375 = arith.constant 0 : index
    %get3A_376 = arith.constant 0 : index
    %get3A_377 = vector.load %arg5[%get3A_375, %get3A_376] : memref<1024x1024xf32, #tpu.memory_space<vmem>>, vector<1024x1024xf32>
    %eq3A_378 = vector.broadcast %broadcast_in_dim3A_374 : vector<1024x1xf32> to vector<1024x1024xf32>
    %eq3A_379 = arith.cmpf oeq, %get3A_377, %eq3A_378 : vector<1024x1024xf32>
    %jit3A_380 = arith.constant 1024 : i32
    %broadcast_in_dim3A_381 = vector.broadcast %jit3A_380 : i32 to vector<1024x1024xi32>
    %select_n3A_382 = arith.select %eq3A_379, %iota3A, %broadcast_in_dim3A_381 : vector<1024x1024xi1>, vector<1024x1024xi32>
    %reduce_min3A_383 = arith.constant dense<2147483647> : vector<1024xi32>
    %reduce_min3A_384 = vector.multi_reduction <minsi>, %select_n3A_382, %reduce_min3A_383 [1] : vector<1024x1024xi32> to vector<1024xi32>
    %broadcast_in_dim3A_385 = vector.shape_cast %reduce_min3A_384 : vector<1024xi32> to vector<1024x1xi32>
    %eq3A_386 = vector.broadcast %broadcast_in_dim3A_385 : vector<1024x1xi32> to vector<1024x1024xi32>
    %eq3A_387 = arith.cmpi eq, %iota3A, %eq3A_386 : vector<1024x1024xi32>
    %jit3A_388 = arith.constant 0xFF800000 : f32
    %broadcast_in_dim3A_389 = vector.broadcast %jit3A_388 : f32 to vector<1024x1024xf32>
    %select_n3A_390 = arith.select %eq3A_387, %broadcast_in_dim3A_389, %get3A_377 : vector<1024x1024xi1>, vector<1024x1024xf32>
    %swap3A_391 = arith.constant 0 : index
    %swap3A_392 = arith.constant 0 : index
    %swap3A_393 = vector.load %arg5[%swap3A_391, %swap3A_392] : memref<1024x1024xf32, #tpu.memory_space<vmem>>, vector<1024x1024xf32>
    tpu.vector_store %arg5[%swap3A_391, %swap3A_392], %select_n3A_390 {strides = array<i32>} : memref<1024x1024xf32, #tpu.memory_space<vmem>>, vector<1024x1024xf32>,
    %reduce_max3A_394 = arith.constant dense<0xFF800000> : vector<1024xf32>
    %reduce_max3A_395 = vector.multi_reduction <maximumf>, %select_n3A_390, %reduce_max3A_394 [1] : vector<1024x1024xf32> to vector<1024xf32>
    %broadcast_in_dim3A_396 = vector.shape_cast %reduce_max3A_395 : vector<1024xf32> to vector<1024x1xf32>
    %get3A_397 = arith.constant 0 : index
    %get3A_398 = arith.constant 0 : index
    %get3A_399 = vector.load %arg5[%get3A_397, %get3A_398] : memref<1024x1024xf32, #tpu.memory_space<vmem>>, vector<1024x1024xf32>
    %eq3A_400 = vector.broadcast %broadcast_in_dim3A_396 : vector<1024x1xf32> to vector<1024x1024xf32>
    %eq3A_401 = arith.cmpf oeq, %get3A_399, %eq3A_400 : vector<1024x1024xf32>
    %jit3A_402 = arith.constant 1024 : i32
    %broadcast_in_dim3A_403 = vector.broadcast %jit3A_402 : i32 to vector<1024x1024xi32>
    %select_n3A_404 = arith.select %eq3A_401, %iota3A, %broadcast_in_dim3A_403 : vector<1024x1024xi1>, vector<1024x1024xi32>
    %reduce_min3A_405 = arith.constant dense<2147483647> : vector<1024xi32>
    %reduce_min3A_406 = vector.multi_reduction <minsi>, %select_n3A_404, %reduce_min3A_405 [1] : vector<1024x1024xi32> to vector<1024xi32>
    %broadcast_in_dim3A_407 = vector.shape_cast %reduce_min3A_406 : vector<1024xi32> to vector<1024x1xi32>
    %eq3A_408 = vector.broadcast %broadcast_in_dim3A_407 : vector<1024x1xi32> to vector<1024x1024xi32>
    %eq3A_409 = arith.cmpi eq, %iota3A, %eq3A_408 : vector<1024x1024xi32>
    %jit3A_410 = arith.constant 0xFF800000 : f32
    %broadcast_in_dim3A_411 = vector.broadcast %jit3A_410 : f32 to vector<1024x1024xf32>
    %select_n3A_412 = arith.select %eq3A_409, %broadcast_in_dim3A_411, %get3A_399 : vector<1024x1024xi1>, vector<1024x1024xf32>
    %swap3A_413 = arith.constant 0 : index
    %swap3A_414 = arith.constant 0 : index
    %swap3A_415 = vector.load %arg5[%swap3A_413, %swap3A_414] : memref<1024x1024xf32, #tpu.memory_space<vmem>>, vector<1024x1024xf32>
    tpu.vector_store %arg5[%swap3A_413, %swap3A_414], %select_n3A_412 {strides = array<i32>} : memref<1024x1024xf32, #tpu.memory_space<vmem>>, vector<1024x1024xf32>,
    %reduce_max3A_416 = arith.constant dense<0xFF800000> : vector<1024xf32>
    %reduce_max3A_417 = vector.multi_reduction <maximumf>, %select_n3A_412, %reduce_max3A_416 [1] : vector<1024x1024xf32> to vector<1024xf32>
    %broadcast_in_dim3A_418 = vector.shape_cast %reduce_max3A_417 : vector<1024xf32> to vector<1024x1xf32>
    %get3A_419 = arith.constant 0 : index
    %get3A_420 = arith.constant 0 : index
    %get3A_421 = vector.load %arg5[%get3A_419, %get3A_420] : memref<1024x1024xf32, #tpu.memory_space<vmem>>, vector<1024x1024xf32>
    %eq3A_422 = vector.broadcast %broadcast_in_dim3A_418 : vector<1024x1xf32> to vector<1024x1024xf32>
    %eq3A_423 = arith.cmpf oeq, %get3A_421, %eq3A_422 : vector<1024x1024xf32>
    %jit3A_424 = arith.constant 1024 : i32
    %broadcast_in_dim3A_425 = vector.broadcast %jit3A_424 : i32 to vector<1024x1024xi32>
    %select_n3A_426 = arith.select %eq3A_423, %iota3A, %broadcast_in_dim3A_425 : vector<1024x1024xi1>, vector<1024x1024xi32>
    %reduce_min3A_427 = arith.constant dense<2147483647> : vector<1024xi32>
    %reduce_min3A_428 = vector.multi_reduction <minsi>, %select_n3A_426, %reduce_min3A_427 [1] : vector<1024x1024xi32> to vector<1024xi32>
    %broadcast_in_dim3A_429 = vector.shape_cast %reduce_min3A_428 : vector<1024xi32> to vector<1024x1xi32>
    %eq3A_430 = vector.broadcast %broadcast_in_dim3A_429 : vector<1024x1xi32> to vector<1024x1024xi32>
    %eq3A_431 = arith.cmpi eq, %iota3A, %eq3A_430 : vector<1024x1024xi32>
    %jit3A_432 = arith.constant 0xFF800000 : f32
    %broadcast_in_dim3A_433 = vector.broadcast %jit3A_432 : f32 to vector<1024x1024xf32>
    %select_n3A_434 = arith.select %eq3A_431, %broadcast_in_dim3A_433, %get3A_421 : vector<1024x1024xi1>, vector<1024x1024xf32>
    %swap3A_435 = arith.constant 0 : index
    %swap3A_436 = arith.constant 0 : index
    %swap3A_437 = vector.load %arg5[%swap3A_435, %swap3A_436] : memref<1024x1024xf32, #tpu.memory_space<vmem>>, vector<1024x1024xf32>
    tpu.vector_store %arg5[%swap3A_435, %swap3A_436], %select_n3A_434 {strides = array<i32>} : memref<1024x1024xf32, #tpu.memory_space<vmem>>, vector<1024x1024xf32>,
    %reduce_max3A_438 = arith.constant dense<0xFF800000> : vector<1024xf32>
    %reduce_max3A_439 = vector.multi_reduction <maximumf>, %select_n3A_434, %reduce_max3A_438 [1] : vector<1024x1024xf32> to vector<1024xf32>
    %broadcast_in_dim3A_440 = vector.shape_cast %reduce_max3A_439 : vector<1024xf32> to vector<1024x1xf32>
    %get3A_441 = arith.constant 0 : index
    %get3A_442 = arith.constant 0 : index
    %get3A_443 = vector.load %arg5[%get3A_441, %get3A_442] : memref<1024x1024xf32, #tpu.memory_space<vmem>>, vector<1024x1024xf32>
    %eq3A_444 = vector.broadcast %broadcast_in_dim3A_440 : vector<1024x1xf32> to vector<1024x1024xf32>
    %eq3A_445 = arith.cmpf oeq, %get3A_443, %eq3A_444 : vector<1024x1024xf32>
    %jit3A_446 = arith.constant 1024 : i32
    %broadcast_in_dim3A_447 = vector.broadcast %jit3A_446 : i32 to vector<1024x1024xi32>
    %select_n3A_448 = arith.select %eq3A_445, %iota3A, %broadcast_in_dim3A_447 : vector<1024x1024xi1>, vector<1024x1024xi32>
    %reduce_min3A_449 = arith.constant dense<2147483647> : vector<1024xi32>
    %reduce_min3A_450 = vector.multi_reduction <minsi>, %select_n3A_448, %reduce_min3A_449 [1] : vector<1024x1024xi32> to vector<1024xi32>
    %broadcast_in_dim3A_451 = vector.shape_cast %reduce_min3A_450 : vector<1024xi32> to vector<1024x1xi32>
    %concatenate3A = tpu.concatenate %broadcast_in_dim3A_33, %broadcast_in_dim3A_55, %broadcast_in_dim3A_77, %broadcast_in_dim3A_99, %broadcast_in_dim3A_121, %broadcast_in_dim3A_143, %broadcast_in_dim3A_165, %broadcast_in_dim3A_187, %broadcast_in_dim3A_209, %broadcast_in_dim3A_231, %broadcast_in_dim3A_253, %broadcast_in_dim3A_275, %broadcast_in_dim3A_297, %broadcast_in_dim3A_319, %broadcast_in_dim3A_341, %broadcast_in_dim3A_363, %broadcast_in_dim3A_385, %broadcast_in_dim3A_407, %broadcast_in_dim3A_429, %broadcast_in_dim3A_451 in 1 : vector<1024x1xi32>, vector<1024x1xi32>, vector<1024x1xi32>, vector<1024x1xi32>, vector<1024x1xi32>, vector<1024x1xi32>, vector<1024x1xi32>, vector<1024x1xi32>, vector<1024x1xi32>, vector<1024x1xi32>, vector<1024x1xi32>, vector<1024x1xi32>, vector<1024x1xi32>, vector<1024x1xi32>, vector<1024x1xi32>, vector<1024x1xi32>, vector<1024x1xi32>, vector<1024x1xi32>, vector<1024x1xi32>, vector<1024x1xi32> -> vector<1024x20xi32>
    %mul3A_452 = arith.constant 1024 : i32
    %mul3A_453 = arith.muli %arg0, %mul3A_452 : i32
    %add3A_454 = vector.broadcast %mul3A_453 : i32 to vector<1024x20xi32>
    %add3A_455 = arith.addi %concatenate3A, %add3A_454 : vector<1024x20xi32>
    %swap3A_456 = arith.constant 0 : index
    %swap3A_457 = arith.constant 0 : index
    %swap3A_458 = arith.constant 0 : index
    %swap3A_459 = vector.load %arg3[%swap3A_456, %swap3A_457, %swap3A_458] : memref<1x1024x20xi32, #tpu.memory_space<vmem>>, vector<1x1024x20xi32>
    %swap3A_460 = vector.shape_cast %swap3A_459 : vector<1x1024x20xi32> to vector<1024x20xi32>
    %swap3A_461 = vector.shape_cast %add3A_455 : vector<1024x20xi32> to vector<1x1024x20xi32>
    tpu.vector_store %arg3[%swap3A_456, %swap3A_457, %swap3A_458], %swap3A_461 {strides = array<i32>} : memref<1x1024x20xi32, #tpu.memory_space<vmem>>, vector<1x1024x20xi32>,
    %swap3A_462 = arith.constant 0 : index
    %swap3A_463 = arith.constant 0 : index
    %swap3A_464 = arith.constant 0 : index
    %swap3A_465 = vector.load %arg4[%swap3A_462, %swap3A_463, %swap3A_464] : memref<1x1024x256xf32, #tpu.memory_space<vmem>>, vector<1x1024x256xf32>
    %swap3A_466 = vector.shape_cast %swap3A_465 : vector<1x1024x256xf32> to vector<1024x256xf32>
    %swap3A_467 = vector.shape_cast %dot_general3A_21 : vector<1024x256xf32> to vector<1x1024x256xf32>
    tpu.vector_store %arg4[%swap3A_462, %swap3A_463, %swap3A_464], %swap3A_467 {strides = array<i32>} : memref<1x1024x256xf32, #tpu.memory_space<vmem>>, vector<1x1024x256xf32>,
    return
  }
  func.func @transform_0(%arg0: i32) -> (i32, i32, i32) {
    %c0_i32 = arith.constant 0 : i32
    %c0_i32_0 = arith.constant 0 : i32
    %c0_i32_1 = arith.constant 0 : i32
    return %arg0, %c0_i32, %c0_i32_0 : i32, i32, i32
  }
  func.func @transform_1(%arg0: i32) -> (i32, i32) {
    %c0_i32 = arith.constant 0 : i32
    %c0_i32_0 = arith.constant 0 : i32
    %c0_i32_1 = arith.constant 0 : i32
    return %c0_i32, %c0_i32_0 : i32, i32
  }
  func.func @transform_2(%arg0: i32) -> (i32, i32, i32) {
    %c0_i32 = arith.constant 0 : i32
    %c0_i32_0 = arith.constant 0 : i32
    %c0_i32_1 = arith.constant 0 : i32
    return %arg0, %c0_i32, %c0_i32_0 : i32, i32, i32
  }
  func.func @transform_3(%arg0: i32) -> (i32, i32, i32) {
    %c0_i32 = arith.constant 0 : i32
    %c0_i32_0 = arith.constant 0 : i32
    %c0_i32_1 = arith.constant 0 : i32
    return %arg0, %c0_i32, %c0_i32_0 : i32, i32, i32
  }
}

module attributes {stable_mosaic.version = 14 : i64} {
  func.func @_agg_body(%arg0: i32, %arg1: memref<1x1024x20x128xf32, #tpu.memory_space<vmem>>, %arg2: memref<1x1024x128xf32, #tpu.memory_space<vmem>>, %arg3: memref<1x1024x256xf32, #tpu.memory_space<vmem>>, %arg4: memref<256x128xf32, #tpu.memory_space<vmem>>, %arg5: memref<256xf32, #tpu.memory_space<vmem>>, %arg6: memref<256xf32, #tpu.memory_space<vmem>>, %arg7: memref<1x1024x256xf32, #tpu.memory_space<vmem>>) attributes {dimension_semantics = [#tpu.dimension_semantics<arbitrary>], iteration_bounds = array<i64: 4>, scalar_prefetch = 0 : i64, scratch_operands = 0 : i64, tpu.core_type = #tpu.core_type<tc>, window_params = [{transform_indices = @transform_0, window_bounds = array<i64: 1, 1024, 20, 128>}, {transform_indices = @transform_1, window_bounds = array<i64: 1, 1024, 128>}, {transform_indices = @transform_2, window_bounds = array<i64: 1, 1024, 256>}, {pipeline_mode = #tpu.pipeline_mode<synchronous>, transform_indices = @transform_3, window_bounds = array<i64: 256, 128>}, {pipeline_mode = #tpu.pipeline_mode<synchronous>, transform_indices = @transform_4, window_bounds = array<i64: 256>}, {pipeline_mode = #tpu.pipeline_mode<synchronous>, transform_indices = @transform_5, window_bounds = array<i64: 256>}, {transform_indices = @transform_6, window_bounds = array<i64: 1, 1024, 256>}]} {
    %get3A = arith.constant 0 : index
    %get3A_0 = arith.constant 0 : index
    %get3A_1 = arith.constant 0 : index
    %get3A_2 = vector.load %arg2[%get3A, %get3A_0, %get3A_1] : memref<1x1024x128xf32, #tpu.memory_space<vmem>>, vector<1x1024x128xf32>
    %get3A_3 = vector.shape_cast %get3A_2 : vector<1x1024x128xf32> to vector<1024x128xf32>
    %get3A_4 = arith.constant 0 : index
    %get3A_5 = arith.constant 0 : index
    %get3A_6 = arith.constant 0 : index
    %get3A_7 = vector.load %arg3[%get3A_4, %get3A_5, %get3A_6] : memref<1x1024x256xf32, #tpu.memory_space<vmem>>, vector<1x1024x256xf32>
    %get3A_8 = vector.shape_cast %get3A_7 : vector<1x1024x256xf32> to vector<1024x256xf32>
    %get3A_9 = arith.constant 0 : index
    %get3A_10 = arith.constant 0 : index
    %get3A_11 = vector.load %arg4[%get3A_9, %get3A_10] : memref<256x128xf32, #tpu.memory_space<vmem>>, vector<256x128xf32>
    %get3A_12 = arith.constant 0 : index
    %get3A_13 = vector.load %arg5[%get3A_12] : memref<256xf32, #tpu.memory_space<vmem>>, vector<256xf32>
    %get3A_14 = arith.constant 0 : index
    %get3A_15 = vector.load %arg6[%get3A_14] : memref<256xf32, #tpu.memory_space<vmem>>, vector<256xf32>
    %convert_element_type3A = arith.truncf %get3A_11 : vector<256x128xf32> to vector<256x128xbf16>
    %get3A_16 = arith.constant 0 : index
    %get3A_17 = arith.constant 0 : index
    %get3A_18 = arith.constant 0 : index
    %get3A_19 = arith.constant 0 : index
    %get3A_20 = vector.load %arg1[%get3A_16, %get3A_17, %get3A_18, %get3A_19] : memref<1x1024x20x128xf32, #tpu.memory_space<vmem>>, vector<1x1024x1x128xf32>
    %get3A_21 = vector.shape_cast %get3A_20 : vector<1x1024x1x128xf32> to vector<1024x128xf32>
    %sub3A = arith.subf %get3A_21, %get3A_3 : vector<1024x128xf32>
    %convert_element_type3A_22 = arith.truncf %sub3A : vector<1024x128xf32> to vector<1024x128xbf16>
    %dot_general3A = arith.constant dense<0.000000e+00> : vector<1024x256xf32>
    %dot_general3A_23 = tpu.matmul %convert_element_type3A_22, %convert_element_type3A, %dot_general3A {dimension_numbers = #tpu.dot_dimension_numbers<[1], [1], [0], [0], [0, 0, 1, 0], [], []>, transpose_lhs_hint = false} : vector<1024x128xbf16>, vector<256x128xbf16>, vector<1024x256xf32> -> vector<1024x256xf32>
    %get3A_24 = arith.constant 0 : index
    %get3A_25 = arith.constant 0 : index
    %get3A_26 = arith.constant 1 : index
    %get3A_27 = arith.constant 0 : index
    %get3A_28 = vector.load %arg1[%get3A_24, %get3A_25, %get3A_26, %get3A_27] : memref<1x1024x20x128xf32, #tpu.memory_space<vmem>>, vector<1x1024x1x128xf32>
    %get3A_29 = vector.shape_cast %get3A_28 : vector<1x1024x1x128xf32> to vector<1024x128xf32>
    %sub3A_30 = arith.subf %get3A_29, %get3A_3 : vector<1024x128xf32>
    %convert_element_type3A_31 = arith.truncf %sub3A_30 : vector<1024x128xf32> to vector<1024x128xbf16>
    %dot_general3A_32 = arith.constant dense<0.000000e+00> : vector<1024x256xf32>
    %dot_general3A_33 = tpu.matmul %convert_element_type3A_31, %convert_element_type3A, %dot_general3A_32 {dimension_numbers = #tpu.dot_dimension_numbers<[1], [1], [0], [0], [0, 0, 1, 0], [], []>, transpose_lhs_hint = false} : vector<1024x128xbf16>, vector<256x128xbf16>, vector<1024x256xf32> -> vector<1024x256xf32>
    %max3A = arith.maximumf %dot_general3A_23, %dot_general3A_33 : vector<1024x256xf32>
    %get3A_34 = arith.constant 0 : index
    %get3A_35 = arith.constant 0 : index
    %get3A_36 = arith.constant 2 : index
    %get3A_37 = arith.constant 0 : index
    %get3A_38 = vector.load %arg1[%get3A_34, %get3A_35, %get3A_36, %get3A_37] : memref<1x1024x20x128xf32, #tpu.memory_space<vmem>>, vector<1x1024x1x128xf32>
    %get3A_39 = vector.shape_cast %get3A_38 : vector<1x1024x1x128xf32> to vector<1024x128xf32>
    %sub3A_40 = arith.subf %get3A_39, %get3A_3 : vector<1024x128xf32>
    %convert_element_type3A_41 = arith.truncf %sub3A_40 : vector<1024x128xf32> to vector<1024x128xbf16>
    %dot_general3A_42 = arith.constant dense<0.000000e+00> : vector<1024x256xf32>
    %dot_general3A_43 = tpu.matmul %convert_element_type3A_41, %convert_element_type3A, %dot_general3A_42 {dimension_numbers = #tpu.dot_dimension_numbers<[1], [1], [0], [0], [0, 0, 1, 0], [], []>, transpose_lhs_hint = false} : vector<1024x128xbf16>, vector<256x128xbf16>, vector<1024x256xf32> -> vector<1024x256xf32>
    %max3A_44 = arith.maximumf %max3A, %dot_general3A_43 : vector<1024x256xf32>
    %get3A_45 = arith.constant 0 : index
    %get3A_46 = arith.constant 0 : index
    %get3A_47 = arith.constant 3 : index
    %get3A_48 = arith.constant 0 : index
    %get3A_49 = vector.load %arg1[%get3A_45, %get3A_46, %get3A_47, %get3A_48] : memref<1x1024x20x128xf32, #tpu.memory_space<vmem>>, vector<1x1024x1x128xf32>
    %get3A_50 = vector.shape_cast %get3A_49 : vector<1x1024x1x128xf32> to vector<1024x128xf32>
    %sub3A_51 = arith.subf %get3A_50, %get3A_3 : vector<1024x128xf32>
    %convert_element_type3A_52 = arith.truncf %sub3A_51 : vector<1024x128xf32> to vector<1024x128xbf16>
    %dot_general3A_53 = arith.constant dense<0.000000e+00> : vector<1024x256xf32>
    %dot_general3A_54 = tpu.matmul %convert_element_type3A_52, %convert_element_type3A, %dot_general3A_53 {dimension_numbers = #tpu.dot_dimension_numbers<[1], [1], [0], [0], [0, 0, 1, 0], [], []>, transpose_lhs_hint = false} : vector<1024x128xbf16>, vector<256x128xbf16>, vector<1024x256xf32> -> vector<1024x256xf32>
    %max3A_55 = arith.maximumf %max3A_44, %dot_general3A_54 : vector<1024x256xf32>
    %get3A_56 = arith.constant 0 : index
    %get3A_57 = arith.constant 0 : index
    %get3A_58 = arith.constant 4 : index
    %get3A_59 = arith.constant 0 : index
    %get3A_60 = vector.load %arg1[%get3A_56, %get3A_57, %get3A_58, %get3A_59] : memref<1x1024x20x128xf32, #tpu.memory_space<vmem>>, vector<1x1024x1x128xf32>
    %get3A_61 = vector.shape_cast %get3A_60 : vector<1x1024x1x128xf32> to vector<1024x128xf32>
    %sub3A_62 = arith.subf %get3A_61, %get3A_3 : vector<1024x128xf32>
    %convert_element_type3A_63 = arith.truncf %sub3A_62 : vector<1024x128xf32> to vector<1024x128xbf16>
    %dot_general3A_64 = arith.constant dense<0.000000e+00> : vector<1024x256xf32>
    %dot_general3A_65 = tpu.matmul %convert_element_type3A_63, %convert_element_type3A, %dot_general3A_64 {dimension_numbers = #tpu.dot_dimension_numbers<[1], [1], [0], [0], [0, 0, 1, 0], [], []>, transpose_lhs_hint = false} : vector<1024x128xbf16>, vector<256x128xbf16>, vector<1024x256xf32> -> vector<1024x256xf32>
    %max3A_66 = arith.maximumf %max3A_55, %dot_general3A_65 : vector<1024x256xf32>
    %get3A_67 = arith.constant 0 : index
    %get3A_68 = arith.constant 0 : index
    %get3A_69 = arith.constant 5 : index
    %get3A_70 = arith.constant 0 : index
    %get3A_71 = vector.load %arg1[%get3A_67, %get3A_68, %get3A_69, %get3A_70] : memref<1x1024x20x128xf32, #tpu.memory_space<vmem>>, vector<1x1024x1x128xf32>
    %get3A_72 = vector.shape_cast %get3A_71 : vector<1x1024x1x128xf32> to vector<1024x128xf32>
    %sub3A_73 = arith.subf %get3A_72, %get3A_3 : vector<1024x128xf32>
    %convert_element_type3A_74 = arith.truncf %sub3A_73 : vector<1024x128xf32> to vector<1024x128xbf16>
    %dot_general3A_75 = arith.constant dense<0.000000e+00> : vector<1024x256xf32>
    %dot_general3A_76 = tpu.matmul %convert_element_type3A_74, %convert_element_type3A, %dot_general3A_75 {dimension_numbers = #tpu.dot_dimension_numbers<[1], [1], [0], [0], [0, 0, 1, 0], [], []>, transpose_lhs_hint = false} : vector<1024x128xbf16>, vector<256x128xbf16>, vector<1024x256xf32> -> vector<1024x256xf32>
    %max3A_77 = arith.maximumf %max3A_66, %dot_general3A_76 : vector<1024x256xf32>
    %get3A_78 = arith.constant 0 : index
    %get3A_79 = arith.constant 0 : index
    %get3A_80 = arith.constant 6 : index
    %get3A_81 = arith.constant 0 : index
    %get3A_82 = vector.load %arg1[%get3A_78, %get3A_79, %get3A_80, %get3A_81] : memref<1x1024x20x128xf32, #tpu.memory_space<vmem>>, vector<1x1024x1x128xf32>
    %get3A_83 = vector.shape_cast %get3A_82 : vector<1x1024x1x128xf32> to vector<1024x128xf32>
    %sub3A_84 = arith.subf %get3A_83, %get3A_3 : vector<1024x128xf32>
    %convert_element_type3A_85 = arith.truncf %sub3A_84 : vector<1024x128xf32> to vector<1024x128xbf16>
    %dot_general3A_86 = arith.constant dense<0.000000e+00> : vector<1024x256xf32>
    %dot_general3A_87 = tpu.matmul %convert_element_type3A_85, %convert_element_type3A, %dot_general3A_86 {dimension_numbers = #tpu.dot_dimension_numbers<[1], [1], [0], [0], [0, 0, 1, 0], [], []>, transpose_lhs_hint = false} : vector<1024x128xbf16>, vector<256x128xbf16>, vector<1024x256xf32> -> vector<1024x256xf32>
    %max3A_88 = arith.maximumf %max3A_77, %dot_general3A_87 : vector<1024x256xf32>
    %get3A_89 = arith.constant 0 : index
    %get3A_90 = arith.constant 0 : index
    %get3A_91 = arith.constant 7 : index
    %get3A_92 = arith.constant 0 : index
    %get3A_93 = vector.load %arg1[%get3A_89, %get3A_90, %get3A_91, %get3A_92] : memref<1x1024x20x128xf32, #tpu.memory_space<vmem>>, vector<1x1024x1x128xf32>
    %get3A_94 = vector.shape_cast %get3A_93 : vector<1x1024x1x128xf32> to vector<1024x128xf32>
    %sub3A_95 = arith.subf %get3A_94, %get3A_3 : vector<1024x128xf32>
    %convert_element_type3A_96 = arith.truncf %sub3A_95 : vector<1024x128xf32> to vector<1024x128xbf16>
    %dot_general3A_97 = arith.constant dense<0.000000e+00> : vector<1024x256xf32>
    %dot_general3A_98 = tpu.matmul %convert_element_type3A_96, %convert_element_type3A, %dot_general3A_97 {dimension_numbers = #tpu.dot_dimension_numbers<[1], [1], [0], [0], [0, 0, 1, 0], [], []>, transpose_lhs_hint = false} : vector<1024x128xbf16>, vector<256x128xbf16>, vector<1024x256xf32> -> vector<1024x256xf32>
    %max3A_99 = arith.maximumf %max3A_88, %dot_general3A_98 : vector<1024x256xf32>
    %get3A_100 = arith.constant 0 : index
    %get3A_101 = arith.constant 0 : index
    %get3A_102 = arith.constant 8 : index
    %get3A_103 = arith.constant 0 : index
    %get3A_104 = vector.load %arg1[%get3A_100, %get3A_101, %get3A_102, %get3A_103] : memref<1x1024x20x128xf32, #tpu.memory_space<vmem>>, vector<1x1024x1x128xf32>
    %get3A_105 = vector.shape_cast %get3A_104 : vector<1x1024x1x128xf32> to vector<1024x128xf32>
    %sub3A_106 = arith.subf %get3A_105, %get3A_3 : vector<1024x128xf32>
    %convert_element_type3A_107 = arith.truncf %sub3A_106 : vector<1024x128xf32> to vector<1024x128xbf16>
    %dot_general3A_108 = arith.constant dense<0.000000e+00> : vector<1024x256xf32>
    %dot_general3A_109 = tpu.matmul %convert_element_type3A_107, %convert_element_type3A, %dot_general3A_108 {dimension_numbers = #tpu.dot_dimension_numbers<[1], [1], [0], [0], [0, 0, 1, 0], [], []>, transpose_lhs_hint = false} : vector<1024x128xbf16>, vector<256x128xbf16>, vector<1024x256xf32> -> vector<1024x256xf32>
    %max3A_110 = arith.maximumf %max3A_99, %dot_general3A_109 : vector<1024x256xf32>
    %get3A_111 = arith.constant 0 : index
    %get3A_112 = arith.constant 0 : index
    %get3A_113 = arith.constant 9 : index
    %get3A_114 = arith.constant 0 : index
    %get3A_115 = vector.load %arg1[%get3A_111, %get3A_112, %get3A_113, %get3A_114] : memref<1x1024x20x128xf32, #tpu.memory_space<vmem>>, vector<1x1024x1x128xf32>
    %get3A_116 = vector.shape_cast %get3A_115 : vector<1x1024x1x128xf32> to vector<1024x128xf32>
    %sub3A_117 = arith.subf %get3A_116, %get3A_3 : vector<1024x128xf32>
    %convert_element_type3A_118 = arith.truncf %sub3A_117 : vector<1024x128xf32> to vector<1024x128xbf16>
    %dot_general3A_119 = arith.constant dense<0.000000e+00> : vector<1024x256xf32>
    %dot_general3A_120 = tpu.matmul %convert_element_type3A_118, %convert_element_type3A, %dot_general3A_119 {dimension_numbers = #tpu.dot_dimension_numbers<[1], [1], [0], [0], [0, 0, 1, 0], [], []>, transpose_lhs_hint = false} : vector<1024x128xbf16>, vector<256x128xbf16>, vector<1024x256xf32> -> vector<1024x256xf32>
    %max3A_121 = arith.maximumf %max3A_110, %dot_general3A_120 : vector<1024x256xf32>
    %get3A_122 = arith.constant 0 : index
    %get3A_123 = arith.constant 0 : index
    %get3A_124 = arith.constant 10 : index
    %get3A_125 = arith.constant 0 : index
    %get3A_126 = vector.load %arg1[%get3A_122, %get3A_123, %get3A_124, %get3A_125] : memref<1x1024x20x128xf32, #tpu.memory_space<vmem>>, vector<1x1024x1x128xf32>
    %get3A_127 = vector.shape_cast %get3A_126 : vector<1x1024x1x128xf32> to vector<1024x128xf32>
    %sub3A_128 = arith.subf %get3A_127, %get3A_3 : vector<1024x128xf32>
    %convert_element_type3A_129 = arith.truncf %sub3A_128 : vector<1024x128xf32> to vector<1024x128xbf16>
    %dot_general3A_130 = arith.constant dense<0.000000e+00> : vector<1024x256xf32>
    %dot_general3A_131 = tpu.matmul %convert_element_type3A_129, %convert_element_type3A, %dot_general3A_130 {dimension_numbers = #tpu.dot_dimension_numbers<[1], [1], [0], [0], [0, 0, 1, 0], [], []>, transpose_lhs_hint = false} : vector<1024x128xbf16>, vector<256x128xbf16>, vector<1024x256xf32> -> vector<1024x256xf32>
    %max3A_132 = arith.maximumf %max3A_121, %dot_general3A_131 : vector<1024x256xf32>
    %get3A_133 = arith.constant 0 : index
    %get3A_134 = arith.constant 0 : index
    %get3A_135 = arith.constant 11 : index
    %get3A_136 = arith.constant 0 : index
    %get3A_137 = vector.load %arg1[%get3A_133, %get3A_134, %get3A_135, %get3A_136] : memref<1x1024x20x128xf32, #tpu.memory_space<vmem>>, vector<1x1024x1x128xf32>
    %get3A_138 = vector.shape_cast %get3A_137 : vector<1x1024x1x128xf32> to vector<1024x128xf32>
    %sub3A_139 = arith.subf %get3A_138, %get3A_3 : vector<1024x128xf32>
    %convert_element_type3A_140 = arith.truncf %sub3A_139 : vector<1024x128xf32> to vector<1024x128xbf16>
    %dot_general3A_141 = arith.constant dense<0.000000e+00> : vector<1024x256xf32>
    %dot_general3A_142 = tpu.matmul %convert_element_type3A_140, %convert_element_type3A, %dot_general3A_141 {dimension_numbers = #tpu.dot_dimension_numbers<[1], [1], [0], [0], [0, 0, 1, 0], [], []>, transpose_lhs_hint = false} : vector<1024x128xbf16>, vector<256x128xbf16>, vector<1024x256xf32> -> vector<1024x256xf32>
    %max3A_143 = arith.maximumf %max3A_132, %dot_general3A_142 : vector<1024x256xf32>
    %get3A_144 = arith.constant 0 : index
    %get3A_145 = arith.constant 0 : index
    %get3A_146 = arith.constant 12 : index
    %get3A_147 = arith.constant 0 : index
    %get3A_148 = vector.load %arg1[%get3A_144, %get3A_145, %get3A_146, %get3A_147] : memref<1x1024x20x128xf32, #tpu.memory_space<vmem>>, vector<1x1024x1x128xf32>
    %get3A_149 = vector.shape_cast %get3A_148 : vector<1x1024x1x128xf32> to vector<1024x128xf32>
    %sub3A_150 = arith.subf %get3A_149, %get3A_3 : vector<1024x128xf32>
    %convert_element_type3A_151 = arith.truncf %sub3A_150 : vector<1024x128xf32> to vector<1024x128xbf16>
    %dot_general3A_152 = arith.constant dense<0.000000e+00> : vector<1024x256xf32>
    %dot_general3A_153 = tpu.matmul %convert_element_type3A_151, %convert_element_type3A, %dot_general3A_152 {dimension_numbers = #tpu.dot_dimension_numbers<[1], [1], [0], [0], [0, 0, 1, 0], [], []>, transpose_lhs_hint = false} : vector<1024x128xbf16>, vector<256x128xbf16>, vector<1024x256xf32> -> vector<1024x256xf32>
    %max3A_154 = arith.maximumf %max3A_143, %dot_general3A_153 : vector<1024x256xf32>
    %get3A_155 = arith.constant 0 : index
    %get3A_156 = arith.constant 0 : index
    %get3A_157 = arith.constant 13 : index
    %get3A_158 = arith.constant 0 : index
    %get3A_159 = vector.load %arg1[%get3A_155, %get3A_156, %get3A_157, %get3A_158] : memref<1x1024x20x128xf32, #tpu.memory_space<vmem>>, vector<1x1024x1x128xf32>
    %get3A_160 = vector.shape_cast %get3A_159 : vector<1x1024x1x128xf32> to vector<1024x128xf32>
    %sub3A_161 = arith.subf %get3A_160, %get3A_3 : vector<1024x128xf32>
    %convert_element_type3A_162 = arith.truncf %sub3A_161 : vector<1024x128xf32> to vector<1024x128xbf16>
    %dot_general3A_163 = arith.constant dense<0.000000e+00> : vector<1024x256xf32>
    %dot_general3A_164 = tpu.matmul %convert_element_type3A_162, %convert_element_type3A, %dot_general3A_163 {dimension_numbers = #tpu.dot_dimension_numbers<[1], [1], [0], [0], [0, 0, 1, 0], [], []>, transpose_lhs_hint = false} : vector<1024x128xbf16>, vector<256x128xbf16>, vector<1024x256xf32> -> vector<1024x256xf32>
    %max3A_165 = arith.maximumf %max3A_154, %dot_general3A_164 : vector<1024x256xf32>
    %get3A_166 = arith.constant 0 : index
    %get3A_167 = arith.constant 0 : index
    %get3A_168 = arith.constant 14 : index
    %get3A_169 = arith.constant 0 : index
    %get3A_170 = vector.load %arg1[%get3A_166, %get3A_167, %get3A_168, %get3A_169] : memref<1x1024x20x128xf32, #tpu.memory_space<vmem>>, vector<1x1024x1x128xf32>
    %get3A_171 = vector.shape_cast %get3A_170 : vector<1x1024x1x128xf32> to vector<1024x128xf32>
    %sub3A_172 = arith.subf %get3A_171, %get3A_3 : vector<1024x128xf32>
    %convert_element_type3A_173 = arith.truncf %sub3A_172 : vector<1024x128xf32> to vector<1024x128xbf16>
    %dot_general3A_174 = arith.constant dense<0.000000e+00> : vector<1024x256xf32>
    %dot_general3A_175 = tpu.matmul %convert_element_type3A_173, %convert_element_type3A, %dot_general3A_174 {dimension_numbers = #tpu.dot_dimension_numbers<[1], [1], [0], [0], [0, 0, 1, 0], [], []>, transpose_lhs_hint = false} : vector<1024x128xbf16>, vector<256x128xbf16>, vector<1024x256xf32> -> vector<1024x256xf32>
    %max3A_176 = arith.maximumf %max3A_165, %dot_general3A_175 : vector<1024x256xf32>
    %get3A_177 = arith.constant 0 : index
    %get3A_178 = arith.constant 0 : index
    %get3A_179 = arith.constant 15 : index
    %get3A_180 = arith.constant 0 : index
    %get3A_181 = vector.load %arg1[%get3A_177, %get3A_178, %get3A_179, %get3A_180] : memref<1x1024x20x128xf32, #tpu.memory_space<vmem>>, vector<1x1024x1x128xf32>
    %get3A_182 = vector.shape_cast %get3A_181 : vector<1x1024x1x128xf32> to vector<1024x128xf32>
    %sub3A_183 = arith.subf %get3A_182, %get3A_3 : vector<1024x128xf32>
    %convert_element_type3A_184 = arith.truncf %sub3A_183 : vector<1024x128xf32> to vector<1024x128xbf16>
    %dot_general3A_185 = arith.constant dense<0.000000e+00> : vector<1024x256xf32>
    %dot_general3A_186 = tpu.matmul %convert_element_type3A_184, %convert_element_type3A, %dot_general3A_185 {dimension_numbers = #tpu.dot_dimension_numbers<[1], [1], [0], [0], [0, 0, 1, 0], [], []>, transpose_lhs_hint = false} : vector<1024x128xbf16>, vector<256x128xbf16>, vector<1024x256xf32> -> vector<1024x256xf32>
    %max3A_187 = arith.maximumf %max3A_176, %dot_general3A_186 : vector<1024x256xf32>
    %get3A_188 = arith.constant 0 : index
    %get3A_189 = arith.constant 0 : index
    %get3A_190 = arith.constant 16 : index
    %get3A_191 = arith.constant 0 : index
    %get3A_192 = vector.load %arg1[%get3A_188, %get3A_189, %get3A_190, %get3A_191] : memref<1x1024x20x128xf32, #tpu.memory_space<vmem>>, vector<1x1024x1x128xf32>
    %get3A_193 = vector.shape_cast %get3A_192 : vector<1x1024x1x128xf32> to vector<1024x128xf32>
    %sub3A_194 = arith.subf %get3A_193, %get3A_3 : vector<1024x128xf32>
    %convert_element_type3A_195 = arith.truncf %sub3A_194 : vector<1024x128xf32> to vector<1024x128xbf16>
    %dot_general3A_196 = arith.constant dense<0.000000e+00> : vector<1024x256xf32>
    %dot_general3A_197 = tpu.matmul %convert_element_type3A_195, %convert_element_type3A, %dot_general3A_196 {dimension_numbers = #tpu.dot_dimension_numbers<[1], [1], [0], [0], [0, 0, 1, 0], [], []>, transpose_lhs_hint = false} : vector<1024x128xbf16>, vector<256x128xbf16>, vector<1024x256xf32> -> vector<1024x256xf32>
    %max3A_198 = arith.maximumf %max3A_187, %dot_general3A_197 : vector<1024x256xf32>
    %get3A_199 = arith.constant 0 : index
    %get3A_200 = arith.constant 0 : index
    %get3A_201 = arith.constant 17 : index
    %get3A_202 = arith.constant 0 : index
    %get3A_203 = vector.load %arg1[%get3A_199, %get3A_200, %get3A_201, %get3A_202] : memref<1x1024x20x128xf32, #tpu.memory_space<vmem>>, vector<1x1024x1x128xf32>
    %get3A_204 = vector.shape_cast %get3A_203 : vector<1x1024x1x128xf32> to vector<1024x128xf32>
    %sub3A_205 = arith.subf %get3A_204, %get3A_3 : vector<1024x128xf32>
    %convert_element_type3A_206 = arith.truncf %sub3A_205 : vector<1024x128xf32> to vector<1024x128xbf16>
    %dot_general3A_207 = arith.constant dense<0.000000e+00> : vector<1024x256xf32>
    %dot_general3A_208 = tpu.matmul %convert_element_type3A_206, %convert_element_type3A, %dot_general3A_207 {dimension_numbers = #tpu.dot_dimension_numbers<[1], [1], [0], [0], [0, 0, 1, 0], [], []>, transpose_lhs_hint = false} : vector<1024x128xbf16>, vector<256x128xbf16>, vector<1024x256xf32> -> vector<1024x256xf32>
    %max3A_209 = arith.maximumf %max3A_198, %dot_general3A_208 : vector<1024x256xf32>
    %get3A_210 = arith.constant 0 : index
    %get3A_211 = arith.constant 0 : index
    %get3A_212 = arith.constant 18 : index
    %get3A_213 = arith.constant 0 : index
    %get3A_214 = vector.load %arg1[%get3A_210, %get3A_211, %get3A_212, %get3A_213] : memref<1x1024x20x128xf32, #tpu.memory_space<vmem>>, vector<1x1024x1x128xf32>
    %get3A_215 = vector.shape_cast %get3A_214 : vector<1x1024x1x128xf32> to vector<1024x128xf32>
    %sub3A_216 = arith.subf %get3A_215, %get3A_3 : vector<1024x128xf32>
    %convert_element_type3A_217 = arith.truncf %sub3A_216 : vector<1024x128xf32> to vector<1024x128xbf16>
    %dot_general3A_218 = arith.constant dense<0.000000e+00> : vector<1024x256xf32>
    %dot_general3A_219 = tpu.matmul %convert_element_type3A_217, %convert_element_type3A, %dot_general3A_218 {dimension_numbers = #tpu.dot_dimension_numbers<[1], [1], [0], [0], [0, 0, 1, 0], [], []>, transpose_lhs_hint = false} : vector<1024x128xbf16>, vector<256x128xbf16>, vector<1024x256xf32> -> vector<1024x256xf32>
    %max3A_220 = arith.maximumf %max3A_209, %dot_general3A_219 : vector<1024x256xf32>
    %get3A_221 = arith.constant 0 : index
    %get3A_222 = arith.constant 0 : index
    %get3A_223 = arith.constant 19 : index
    %get3A_224 = arith.constant 0 : index
    %get3A_225 = vector.load %arg1[%get3A_221, %get3A_222, %get3A_223, %get3A_224] : memref<1x1024x20x128xf32, #tpu.memory_space<vmem>>, vector<1x1024x1x128xf32>
    %get3A_226 = vector.shape_cast %get3A_225 : vector<1x1024x1x128xf32> to vector<1024x128xf32>
    %sub3A_227 = arith.subf %get3A_226, %get3A_3 : vector<1024x128xf32>
    %convert_element_type3A_228 = arith.truncf %sub3A_227 : vector<1024x128xf32> to vector<1024x128xbf16>
    %dot_general3A_229 = arith.constant dense<0.000000e+00> : vector<1024x256xf32>
    %dot_general3A_230 = tpu.matmul %convert_element_type3A_228, %convert_element_type3A, %dot_general3A_229 {dimension_numbers = #tpu.dot_dimension_numbers<[1], [1], [0], [0], [0, 0, 1, 0], [], []>, transpose_lhs_hint = false} : vector<1024x128xbf16>, vector<256x128xbf16>, vector<1024x256xf32> -> vector<1024x256xf32>
    %max3A_231 = arith.maximumf %max3A_220, %dot_general3A_230 : vector<1024x256xf32>
    %add3A = arith.addf %max3A_231, %get3A_8 : vector<1024x256xf32>
    %broadcast_in_dim3A = vector.shape_cast %get3A_13 : vector<256xf32> to vector<1x256xf32>
    %mul3A = vector.broadcast %broadcast_in_dim3A : vector<1x256xf32> to vector<1024x256xf32>
    %mul3A_232 = arith.mulf %add3A, %mul3A : vector<1024x256xf32>
    %broadcast_in_dim3A_233 = vector.shape_cast %get3A_15 : vector<256xf32> to vector<1x256xf32>
    %add3A_234 = vector.broadcast %broadcast_in_dim3A_233 : vector<1x256xf32> to vector<1024x256xf32>
    %add3A_235 = arith.addf %mul3A_232, %add3A_234 : vector<1024x256xf32>
    %mul3A_236 = arith.constant 2.000000e-01 : f32
    %mul3A_237 = vector.broadcast %mul3A_236 : f32 to vector<1024x256xf32>
    %mul3A_238 = arith.mulf %mul3A_237, %add3A_235 : vector<1024x256xf32>
    %max3A_239 = arith.maximumf %add3A_235, %mul3A_238 : vector<1024x256xf32>
    %swap3A = arith.constant 0 : index
    %swap3A_240 = arith.constant 0 : index
    %swap3A_241 = arith.constant 0 : index
    %swap3A_242 = vector.load %arg7[%swap3A, %swap3A_240, %swap3A_241] : memref<1x1024x256xf32, #tpu.memory_space<vmem>>, vector<1x1024x256xf32>
    %swap3A_243 = vector.shape_cast %swap3A_242 : vector<1x1024x256xf32> to vector<1024x256xf32>
    %swap3A_244 = vector.shape_cast %max3A_239 : vector<1024x256xf32> to vector<1x1024x256xf32>
    tpu.vector_store %arg7[%swap3A, %swap3A_240, %swap3A_241], %swap3A_244 {strides = array<i32>} : memref<1x1024x256xf32, #tpu.memory_space<vmem>>, vector<1x1024x256xf32>,
    return
  }
  func.func @transform_0(%arg0: i32) -> (i32, i32, i32, i32) {
    %c0_i32 = arith.constant 0 : i32
    %c0_i32_0 = arith.constant 0 : i32
    %c0_i32_1 = arith.constant 0 : i32
    %c0_i32_2 = arith.constant 0 : i32
    return %arg0, %c0_i32, %c0_i32_0, %c0_i32_1 : i32, i32, i32, i32
  }
  func.func @transform_1(%arg0: i32) -> (i32, i32, i32) {
    %c0_i32 = arith.constant 0 : i32
    %c0_i32_0 = arith.constant 0 : i32
    %c0_i32_1 = arith.constant 0 : i32
    return %arg0, %c0_i32, %c0_i32_0 : i32, i32, i32
  }
  func.func @transform_2(%arg0: i32) -> (i32, i32, i32) {
    %c0_i32 = arith.constant 0 : i32
    %c0_i32_0 = arith.constant 0 : i32
    %c0_i32_1 = arith.constant 0 : i32
    return %arg0, %c0_i32, %c0_i32_0 : i32, i32, i32
  }
  func.func @transform_3(%arg0: i32) -> (i32, i32) {
    %c0_i32 = arith.constant 0 : i32
    %c0_i32_0 = arith.constant 0 : i32
    %c0_i32_1 = arith.constant 0 : i32
    return %c0_i32, %c0_i32_0 : i32, i32
  }
  func.func @transform_4(%arg0: i32) -> i32 {
    %c0_i32 = arith.constant 0 : i32
    %c0_i32_0 = arith.constant 0 : i32
    return %c0_i32 : i32
  }
  func.func @transform_5(%arg0: i32) -> i32 {
    %c0_i32 = arith.constant 0 : i32
    %c0_i32_0 = arith.constant 0 : i32
    return %c0_i32 : i32
  }
  func.func @transform_6(%arg0: i32) -> (i32, i32, i32) {
    %c0_i32 = arith.constant 0 : i32
    %c0_i32_0 = arith.constant 0 : i32
    %c0_i32_1 = arith.constant 0 : i32
    return %arg0, %c0_i32, %c0_i32_0 : i32, i32, i32
  }
}

module attributes {stable_mosaic.version = 14 : i64} {
  func.func @_head_body(%arg0: i32, %arg1: memref<1x1024x64xf32, #tpu.memory_space<vmem>>, %arg2: memref<1x1024x64xf32, #tpu.memory_space<vmem>>, %arg3: memref<1x1024x128xf32, #tpu.memory_space<vmem>>, %arg4: memref<1x1024x256xf32, #tpu.memory_space<vmem>>, %arg5: memref<1024x64xf32, #tpu.memory_space<vmem>>, %arg6: memref<1024x64xf32, #tpu.memory_space<vmem>>, %arg7: memref<1024x128xf32, #tpu.memory_space<vmem>>, %arg8: memref<1024x256xf32, #tpu.memory_space<vmem>>, %arg9: memref<1024xf32, #tpu.memory_space<vmem>>, %arg10: memref<1024xf32, #tpu.memory_space<vmem>>, %arg11: memref<512x1024xf32, #tpu.memory_space<vmem>>, %arg12: memref<512x1024xf32, #tpu.memory_space<vmem>>, %arg13: memref<512xf32, #tpu.memory_space<vmem>>, %arg14: memref<512xf32, #tpu.memory_space<vmem>>, %arg15: memref<256x512xf32, #tpu.memory_space<vmem>>, %arg16: memref<256xf32, #tpu.memory_space<vmem>>, %arg17: memref<256xf32, #tpu.memory_space<vmem>>, %arg18: memref<256xf32, #tpu.memory_space<vmem>>, %arg19: memref<40x256xf32, #tpu.memory_space<vmem>>, %arg20: memref<40xf32, #tpu.memory_space<vmem>>, %arg21: memref<1x1x40xf32, #tpu.memory_space<vmem>>) attributes {dimension_semantics = [#tpu.dimension_semantics<arbitrary>], iteration_bounds = array<i64: 4>, scalar_prefetch = 0 : i64, scratch_operands = 0 : i64, tpu.core_type = #tpu.core_type<tc>, window_params = [{transform_indices = @transform_0, window_bounds = array<i64: 1, 1024, 64>}, {transform_indices = @transform_1, window_bounds = array<i64: 1, 1024, 64>}, {transform_indices = @transform_2, window_bounds = array<i64: 1, 1024, 128>}, {transform_indices = @transform_3, window_bounds = array<i64: 1, 1024, 256>}, {pipeline_mode = #tpu.pipeline_mode<synchronous>, transform_indices = @transform_4, window_bounds = array<i64: 1024, 64>}, {pipeline_mode = #tpu.pipeline_mode<synchronous>, transform_indices = @transform_5, window_bounds = array<i64: 1024, 64>}, {pipeline_mode = #tpu.pipeline_mode<synchronous>, transform_indices = @transform_6, window_bounds = array<i64: 1024, 128>}, {pipeline_mode = #tpu.pipeline_mode<synchronous>, transform_indices = @transform_7, window_bounds = array<i64: 1024, 256>}, {pipeline_mode = #tpu.pipeline_mode<synchronous>, transform_indices = @transform_8, window_bounds = array<i64: 1024>}, {pipeline_mode = #tpu.pipeline_mode<synchronous>, transform_indices = @transform_9, window_bounds = array<i64: 1024>}, {pipeline_mode = #tpu.pipeline_mode<synchronous>, transform_indices = @transform_10, window_bounds = array<i64: 512, 1024>}, {pipeline_mode = #tpu.pipeline_mode<synchronous>, transform_indices = @transform_11, window_bounds = array<i64: 512, 1024>}, {pipeline_mode = #tpu.pipeline_mode<synchronous>, transform_indices = @transform_12, window_bounds = array<i64: 512>}, {pipeline_mode = #tpu.pipeline_mode<synchronous>, transform_indices = @transform_13, window_bounds = array<i64: 512>}, {pipeline_mode = #tpu.pipeline_mode<synchronous>, transform_indices = @transform_14, window_bounds = array<i64: 256, 512>}, {pipeline_mode = #tpu.pipeline_mode<synchronous>, transform_indices = @transform_15, window_bounds = array<i64: 256>}, {pipeline_mode = #tpu.pipeline_mode<synchronous>, transform_indices = @transform_16, window_bounds = array<i64: 256>}, {pipeline_mode = #tpu.pipeline_mode<synchronous>, transform_indices = @transform_17, window_bounds = array<i64: 256>}, {pipeline_mode = #tpu.pipeline_mode<synchronous>, transform_indices = @transform_18, window_bounds = array<i64: 40, 256>}, {pipeline_mode = #tpu.pipeline_mode<synchronous>, transform_indices = @transform_19, window_bounds = array<i64: 40>}, {transform_indices = @transform_20, window_bounds = array<i64: 1, 1, 40>}]} {
    %get3A = arith.constant 0 : index
    %get3A_0 = arith.constant 0 : index
    %get3A_1 = arith.constant 0 : index
    %get3A_2 = vector.load %arg1[%get3A, %get3A_0, %get3A_1] : memref<1x1024x64xf32, #tpu.memory_space<vmem>>, vector<1x1024x64xf32>
    %get3A_3 = vector.shape_cast %get3A_2 : vector<1x1024x64xf32> to vector<1024x64xf32>
    %convert_element_type3A = arith.truncf %get3A_3 : vector<1024x64xf32> to vector<1024x64xbf16>
    %get3A_4 = arith.constant 0 : index
    %get3A_5 = arith.constant 0 : index
    %get3A_6 = vector.load %arg5[%get3A_4, %get3A_5] : memref<1024x64xf32, #tpu.memory_space<vmem>>, vector<1024x64xf32>
    %convert_element_type3A_7 = arith.truncf %get3A_6 : vector<1024x64xf32> to vector<1024x64xbf16>
    %dot_general3A = arith.constant dense<0.000000e+00> : vector<1024x1024xf32>
    %dot_general3A_8 = tpu.matmul %convert_element_type3A, %convert_element_type3A_7, %dot_general3A {dimension_numbers = #tpu.dot_dimension_numbers<[1], [1], [0], [0], [0, 0, 1, 0], [], []>, transpose_lhs_hint = false} : vector<1024x64xbf16>, vector<1024x64xbf16>, vector<1024x1024xf32> -> vector<1024x1024xf32>
    %get3A_9 = arith.constant 0 : index
    %get3A_10 = arith.constant 0 : index
    %get3A_11 = arith.constant 0 : index
    %get3A_12 = vector.load %arg2[%get3A_9, %get3A_10, %get3A_11] : memref<1x1024x64xf32, #tpu.memory_space<vmem>>, vector<1x1024x64xf32>
    %get3A_13 = vector.shape_cast %get3A_12 : vector<1x1024x64xf32> to vector<1024x64xf32>
    %convert_element_type3A_14 = arith.truncf %get3A_13 : vector<1024x64xf32> to vector<1024x64xbf16>
    %get3A_15 = arith.constant 0 : index
    %get3A_16 = arith.constant 0 : index
    %get3A_17 = vector.load %arg6[%get3A_15, %get3A_16] : memref<1024x64xf32, #tpu.memory_space<vmem>>, vector<1024x64xf32>
    %convert_element_type3A_18 = arith.truncf %get3A_17 : vector<1024x64xf32> to vector<1024x64xbf16>
    %dot_general3A_19 = arith.constant dense<0.000000e+00> : vector<1024x1024xf32>
    %dot_general3A_20 = tpu.matmul %convert_element_type3A_14, %convert_element_type3A_18, %dot_general3A_19 {dimension_numbers = #tpu.dot_dimension_numbers<[1], [1], [0], [0], [0, 0, 1, 0], [], []>, transpose_lhs_hint = false} : vector<1024x64xbf16>, vector<1024x64xbf16>, vector<1024x1024xf32> -> vector<1024x1024xf32>
    %add3A = arith.addf %dot_general3A_8, %dot_general3A_20 : vector<1024x1024xf32>
    %get3A_21 = arith.constant 0 : index
    %get3A_22 = arith.constant 0 : index
    %get3A_23 = arith.constant 0 : index
    %get3A_24 = vector.load %arg3[%get3A_21, %get3A_22, %get3A_23] : memref<1x1024x128xf32, #tpu.memory_space<vmem>>, vector<1x1024x128xf32>
    %get3A_25 = vector.shape_cast %get3A_24 : vector<1x1024x128xf32> to vector<1024x128xf32>
    %convert_element_type3A_26 = arith.truncf %get3A_25 : vector<1024x128xf32> to vector<1024x128xbf16>
    %get3A_27 = arith.constant 0 : index
    %get3A_28 = arith.constant 0 : index
    %get3A_29 = vector.load %arg7[%get3A_27, %get3A_28] : memref<1024x128xf32, #tpu.memory_space<vmem>>, vector<1024x128xf32>
    %convert_element_type3A_30 = arith.truncf %get3A_29 : vector<1024x128xf32> to vector<1024x128xbf16>
    %dot_general3A_31 = arith.constant dense<0.000000e+00> : vector<1024x1024xf32>
    %dot_general3A_32 = tpu.matmul %convert_element_type3A_26, %convert_element_type3A_30, %dot_general3A_31 {dimension_numbers = #tpu.dot_dimension_numbers<[1], [1], [0], [0], [0, 0, 1, 0], [], []>, transpose_lhs_hint = false} : vector<1024x128xbf16>, vector<1024x128xbf16>, vector<1024x1024xf32> -> vector<1024x1024xf32>
    %add3A_33 = arith.addf %add3A, %dot_general3A_32 : vector<1024x1024xf32>
    %get3A_34 = arith.constant 0 : index
    %get3A_35 = arith.constant 0 : index
    %get3A_36 = arith.constant 0 : index
    %get3A_37 = vector.load %arg4[%get3A_34, %get3A_35, %get3A_36] : memref<1x1024x256xf32, #tpu.memory_space<vmem>>, vector<1x1024x256xf32>
    %get3A_38 = vector.shape_cast %get3A_37 : vector<1x1024x256xf32> to vector<1024x256xf32>
    %convert_element_type3A_39 = arith.truncf %get3A_38 : vector<1024x256xf32> to vector<1024x256xbf16>
    %get3A_40 = arith.constant 0 : index
    %get3A_41 = arith.constant 0 : index
    %get3A_42 = vector.load %arg8[%get3A_40, %get3A_41] : memref<1024x256xf32, #tpu.memory_space<vmem>>, vector<1024x256xf32>
    %convert_element_type3A_43 = arith.truncf %get3A_42 : vector<1024x256xf32> to vector<1024x256xbf16>
    %dot_general3A_44 = arith.constant dense<0.000000e+00> : vector<1024x1024xf32>
    %dot_general3A_45 = tpu.matmul %convert_element_type3A_39, %convert_element_type3A_43, %dot_general3A_44 {dimension_numbers = #tpu.dot_dimension_numbers<[1], [1], [0], [0], [0, 0, 1, 0], [], []>, transpose_lhs_hint = false} : vector<1024x256xbf16>, vector<1024x256xbf16>, vector<1024x1024xf32> -> vector<1024x1024xf32>
    %add3A_46 = arith.addf %add3A_33, %dot_general3A_45 : vector<1024x1024xf32>
    %get3A_47 = arith.constant 0 : index
    %get3A_48 = vector.load %arg9[%get3A_47] : memref<1024xf32, #tpu.memory_space<vmem>>, vector<1024xf32>
    %broadcast_in_dim3A = vector.shape_cast %get3A_48 : vector<1024xf32> to vector<1x1024xf32>
    %mul3A = vector.broadcast %broadcast_in_dim3A : vector<1x1024xf32> to vector<1024x1024xf32>
    %mul3A_49 = arith.mulf %add3A_46, %mul3A : vector<1024x1024xf32>
    %get3A_50 = arith.constant 0 : index
    %get3A_51 = vector.load %arg10[%get3A_50] : memref<1024xf32, #tpu.memory_space<vmem>>, vector<1024xf32>
    %broadcast_in_dim3A_52 = vector.shape_cast %get3A_51 : vector<1024xf32> to vector<1x1024xf32>
    %add3A_53 = vector.broadcast %broadcast_in_dim3A_52 : vector<1x1024xf32> to vector<1024x1024xf32>
    %add3A_54 = arith.addf %mul3A_49, %add3A_53 : vector<1024x1024xf32>
    %mul3A_55 = arith.constant 2.000000e-01 : f32
    %mul3A_56 = vector.broadcast %mul3A_55 : f32 to vector<1024x1024xf32>
    %mul3A_57 = arith.mulf %mul3A_56, %add3A_54 : vector<1024x1024xf32>
    %max3A = arith.maximumf %add3A_54, %mul3A_57 : vector<1024x1024xf32>
    %reduce_max3A = arith.constant dense<0xFF800000> : vector<1024xf32>
    %reduce_max3A_58 = vector.multi_reduction <maximumf>, %max3A, %reduce_max3A [0] : vector<1024x1024xf32> to vector<1024xf32>
    %broadcast_in_dim3A_59 = vector.shape_cast %reduce_max3A_58 : vector<1024xf32> to vector<1x1024xf32>
    %reduce_sum3A = arith.constant dense<0.000000e+00> : vector<1024xf32>
    %reduce_sum3A_60 = vector.multi_reduction <add>, %max3A, %reduce_sum3A [0] : vector<1024x1024xf32> to vector<1024xf32>
    %div3A = arith.constant 1.024000e+03 : f32
    %div3A_61 = vector.broadcast %div3A : f32 to vector<1024xf32>
    %div3A_62 = arith.divf %reduce_sum3A_60, %div3A_61 : vector<1024xf32>
    %broadcast_in_dim3A_63 = vector.shape_cast %div3A_62 : vector<1024xf32> to vector<1x1024xf32>
    %convert_element_type3A_64 = arith.truncf %broadcast_in_dim3A_59 : vector<1x1024xf32> to vector<1x1024xbf16>
    %get3A_65 = arith.constant 0 : index
    %get3A_66 = arith.constant 0 : index
    %get3A_67 = vector.load %arg11[%get3A_65, %get3A_66] : memref<512x1024xf32, #tpu.memory_space<vmem>>, vector<512x1024xf32>
    %convert_element_type3A_68 = arith.truncf %get3A_67 : vector<512x1024xf32> to vector<512x1024xbf16>
    %dot_general3A_69 = arith.constant dense<0.000000e+00> : vector<1x512xf32>
    %dot_general3A_70 = tpu.matmul %convert_element_type3A_64, %convert_element_type3A_68, %dot_general3A_69 {dimension_numbers = #tpu.dot_dimension_numbers<[1], [1], [0], [0], [0, 0, 1, 0], [], []>, transpose_lhs_hint = false} : vector<1x1024xbf16>, vector<512x1024xbf16>, vector<1x512xf32> -> vector<1x512xf32>
    %convert_element_type3A_71 = arith.truncf %broadcast_in_dim3A_63 : vector<1x1024xf32> to vector<1x1024xbf16>
    %get3A_72 = arith.constant 0 : index
    %get3A_73 = arith.constant 0 : index
    %get3A_74 = vector.load %arg12[%get3A_72, %get3A_73] : memref<512x1024xf32, #tpu.memory_space<vmem>>, vector<512x1024xf32>
    %convert_element_type3A_75 = arith.truncf %get3A_74 : vector<512x1024xf32> to vector<512x1024xbf16>
    %dot_general3A_76 = arith.constant dense<0.000000e+00> : vector<1x512xf32>
    %dot_general3A_77 = tpu.matmul %convert_element_type3A_71, %convert_element_type3A_75, %dot_general3A_76 {dimension_numbers = #tpu.dot_dimension_numbers<[1], [1], [0], [0], [0, 0, 1, 0], [], []>, transpose_lhs_hint = false} : vector<1x1024xbf16>, vector<512x1024xbf16>, vector<1x512xf32> -> vector<1x512xf32>
    %add3A_78 = arith.addf %dot_general3A_70, %dot_general3A_77 : vector<1x512xf32>
    %get3A_79 = arith.constant 0 : index
    %get3A_80 = vector.load %arg13[%get3A_79] : memref<512xf32, #tpu.memory_space<vmem>>, vector<512xf32>
    %broadcast_in_dim3A_81 = vector.shape_cast %get3A_80 : vector<512xf32> to vector<1x512xf32>
    %mul3A_82 = arith.mulf %add3A_78, %broadcast_in_dim3A_81 : vector<1x512xf32>
    %get3A_83 = arith.constant 0 : index
    %get3A_84 = vector.load %arg14[%get3A_83] : memref<512xf32, #tpu.memory_space<vmem>>, vector<512xf32>
    %broadcast_in_dim3A_85 = vector.shape_cast %get3A_84 : vector<512xf32> to vector<1x512xf32>
    %add3A_86 = arith.addf %mul3A_82, %broadcast_in_dim3A_85 : vector<1x512xf32>
    %mul3A_87 = arith.constant 2.000000e-01 : f32
    %mul3A_88 = vector.broadcast %mul3A_87 : f32 to vector<1x512xf32>
    %mul3A_89 = arith.mulf %mul3A_88, %add3A_86 : vector<1x512xf32>
    %max3A_90 = arith.maximumf %add3A_86, %mul3A_89 : vector<1x512xf32>
    %convert_element_type3A_91 = arith.truncf %max3A_90 : vector<1x512xf32> to vector<1x512xbf16>
    %get3A_92 = arith.constant 0 : index
    %get3A_93 = arith.constant 0 : index
    %get3A_94 = vector.load %arg15[%get3A_92, %get3A_93] : memref<256x512xf32, #tpu.memory_space<vmem>>, vector<256x512xf32>
    %convert_element_type3A_95 = arith.truncf %get3A_94 : vector<256x512xf32> to vector<256x512xbf16>
    %dot_general3A_96 = arith.constant dense<0.000000e+00> : vector<1x256xf32>
    %dot_general3A_97 = tpu.matmul %convert_element_type3A_91, %convert_element_type3A_95, %dot_general3A_96 {dimension_numbers = #tpu.dot_dimension_numbers<[1], [1], [0], [0], [0, 0, 1, 0], [], []>, transpose_lhs_hint = false} : vector<1x512xbf16>, vector<256x512xbf16>, vector<1x256xf32> -> vector<1x256xf32>
    %get3A_98 = arith.constant 0 : index
    %get3A_99 = vector.load %arg16[%get3A_98] : memref<256xf32, #tpu.memory_space<vmem>>, vector<256xf32>
    %broadcast_in_dim3A_100 = vector.shape_cast %get3A_99 : vector<256xf32> to vector<1x256xf32>
    %add3A_101 = arith.addf %dot_general3A_97, %broadcast_in_dim3A_100 : vector<1x256xf32>
    %get3A_102 = arith.constant 0 : index
    %get3A_103 = vector.load %arg17[%get3A_102] : memref<256xf32, #tpu.memory_space<vmem>>, vector<256xf32>
    %broadcast_in_dim3A_104 = vector.shape_cast %get3A_103 : vector<256xf32> to vector<1x256xf32>
    %mul3A_105 = arith.mulf %add3A_101, %broadcast_in_dim3A_104 : vector<1x256xf32>
    %get3A_106 = arith.constant 0 : index
    %get3A_107 = vector.load %arg18[%get3A_106] : memref<256xf32, #tpu.memory_space<vmem>>, vector<256xf32>
    %broadcast_in_dim3A_108 = vector.shape_cast %get3A_107 : vector<256xf32> to vector<1x256xf32>
    %add3A_109 = arith.addf %mul3A_105, %broadcast_in_dim3A_108 : vector<1x256xf32>
    %mul3A_110 = arith.constant 2.000000e-01 : f32
    %mul3A_111 = vector.broadcast %mul3A_110 : f32 to vector<1x256xf32>
    %mul3A_112 = arith.mulf %mul3A_111, %add3A_109 : vector<1x256xf32>
    %max3A_113 = arith.maximumf %add3A_109, %mul3A_112 : vector<1x256xf32>
    %convert_element_type3A_114 = arith.truncf %max3A_113 : vector<1x256xf32> to vector<1x256xbf16>
    %get3A_115 = arith.constant 0 : index
    %get3A_116 = arith.constant 0 : index
    %get3A_117 = vector.load %arg19[%get3A_115, %get3A_116] : memref<40x256xf32, #tpu.memory_space<vmem>>, vector<40x256xf32>
    %convert_element_type3A_118 = arith.truncf %get3A_117 : vector<40x256xf32> to vector<40x256xbf16>
    %dot_general3A_119 = arith.constant dense<0.000000e+00> : vector<1x40xf32>
    %dot_general3A_120 = tpu.matmul %convert_element_type3A_114, %convert_element_type3A_118, %dot_general3A_119 {dimension_numbers = #tpu.dot_dimension_numbers<[1], [1], [0], [0], [0, 0, 1, 0], [], []>, transpose_lhs_hint = false} : vector<1x256xbf16>, vector<40x256xbf16>, vector<1x40xf32> -> vector<1x40xf32>
    %get3A_121 = arith.constant 0 : index
    %get3A_122 = vector.load %arg20[%get3A_121] : memref<40xf32, #tpu.memory_space<vmem>>, vector<40xf32>
    %broadcast_in_dim3A_123 = vector.shape_cast %get3A_122 : vector<40xf32> to vector<1x40xf32>
    %add3A_124 = arith.addf %dot_general3A_120, %broadcast_in_dim3A_123 : vector<1x40xf32>
    %swap3A = arith.constant 0 : index
    %swap3A_125 = arith.constant 0 : index
    %swap3A_126 = arith.constant 0 : index
    %swap3A_127 = vector.load %arg21[%swap3A, %swap3A_125, %swap3A_126] : memref<1x1x40xf32, #tpu.memory_space<vmem>>, vector<1x1x40xf32>
    %swap3A_128 = vector.shape_cast %swap3A_127 : vector<1x1x40xf32> to vector<1x40xf32>
    %swap3A_129 = vector.shape_cast %add3A_124 : vector<1x40xf32> to vector<1x1x40xf32>
    tpu.vector_store %arg21[%swap3A, %swap3A_125, %swap3A_126], %swap3A_129 {strides = array<i32>} : memref<1x1x40xf32, #tpu.memory_space<vmem>>, vector<1x1x40xf32>,
    return
  }
  func.func @transform_0(%arg0: i32) -> (i32, i32, i32) {
    %c0_i32 = arith.constant 0 : i32
    %c0_i32_0 = arith.constant 0 : i32
    %c0_i32_1 = arith.constant 0 : i32
    return %arg0, %c0_i32, %c0_i32_0 : i32, i32, i32
  }
  func.func @transform_1(%arg0: i32) -> (i32, i32, i32) {
    %c0_i32 = arith.constant 0 : i32
    %c0_i32_0 = arith.constant 0 : i32
    %c0_i32_1 = arith.constant 0 : i32
    return %arg0, %c0_i32, %c0_i32_0 : i32, i32, i32
  }
  func.func @transform_2(%arg0: i32) -> (i32, i32, i32) {
    %c0_i32 = arith.constant 0 : i32
    %c0_i32_0 = arith.constant 0 : i32
    %c0_i32_1 = arith.constant 0 : i32
    return %arg0, %c0_i32, %c0_i32_0 : i32, i32, i32
  }
  func.func @transform_3(%arg0: i32) -> (i32, i32, i32) {
    %c0_i32 = arith.constant 0 : i32
    %c0_i32_0 = arith.constant 0 : i32
    %c0_i32_1 = arith.constant 0 : i32
    return %arg0, %c0_i32, %c0_i32_0 : i32, i32, i32
  }
  func.func @transform_4(%arg0: i32) -> (i32, i32) {
    %c0_i32 = arith.constant 0 : i32
    %c0_i32_0 = arith.constant 0 : i32
    %c0_i32_1 = arith.constant 0 : i32
    return %c0_i32, %c0_i32_0 : i32, i32
  }
  func.func @transform_5(%arg0: i32) -> (i32, i32) {
    %c0_i32 = arith.constant 0 : i32
    %c0_i32_0 = arith.constant 0 : i32
    %c0_i32_1 = arith.constant 0 : i32
    return %c0_i32, %c0_i32_0 : i32, i32
  }
  func.func @transform_6(%arg0: i32) -> (i32, i32) {
    %c0_i32 = arith.constant 0 : i32
    %c0_i32_0 = arith.constant 0 : i32
    %c0_i32_1 = arith.constant 0 : i32
    return %c0_i32, %c0_i32_0 : i32, i32
  }
  func.func @transform_7(%arg0: i32) -> (i32, i32) {
    %c0_i32 = arith.constant 0 : i32
    %c0_i32_0 = arith.constant 0 : i32
    %c0_i32_1 = arith.constant 0 : i32
    return %c0_i32, %c0_i32_0 : i32, i32
  }
  func.func @transform_8(%arg0: i32) -> i32 {
    %c0_i32 = arith.constant 0 : i32
    %c0_i32_0 = arith.constant 0 : i32
    return %c0_i32 : i32
  }
  func.func @transform_9(%arg0: i32) -> i32 {
    %c0_i32 = arith.constant 0 : i32
    %c0_i32_0 = arith.constant 0 : i32
    return %c0_i32 : i32
  }
  func.func @transform_10(%arg0: i32) -> (i32, i32) {
    %c0_i32 = arith.constant 0 : i32
    %c0_i32_0 = arith.constant 0 : i32
    %c0_i32_1 = arith.constant 0 : i32
    return %c0_i32, %c0_i32_0 : i32, i32
  }
  func.func @transform_11(%arg0: i32) -> (i32, i32) {
    %c0_i32 = arith.constant 0 : i32
    %c0_i32_0 = arith.constant 0 : i32
    %c0_i32_1 = arith.constant 0 : i32
    return %c0_i32, %c0_i32_0 : i32, i32
  }
  func.func @transform_12(%arg0: i32) -> i32 {
    %c0_i32 = arith.constant 0 : i32
    %c0_i32_0 = arith.constant 0 : i32
    return %c0_i32 : i32
  }
  func.func @transform_13(%arg0: i32) -> i32 {
    %c0_i32 = arith.constant 0 : i32
    %c0_i32_0 = arith.constant 0 : i32
    return %c0_i32 : i32
  }
  func.func @transform_14(%arg0: i32) -> (i32, i32) {
    %c0_i32 = arith.constant 0 : i32
    %c0_i32_0 = arith.constant 0 : i32
    %c0_i32_1 = arith.constant 0 : i32
    return %c0_i32, %c0_i32_0 : i32, i32
  }
  func.func @transform_15(%arg0: i32) -> i32 {
    %c0_i32 = arith.constant 0 : i32
    %c0_i32_0 = arith.constant 0 : i32
    return %c0_i32 : i32
  }
  func.func @transform_16(%arg0: i32) -> i32 {
    %c0_i32 = arith.constant 0 : i32
    %c0_i32_0 = arith.constant 0 : i32
    return %c0_i32 : i32
  }
  func.func @transform_17(%arg0: i32) -> i32 {
    %c0_i32 = arith.constant 0 : i32
    %c0_i32_0 = arith.constant 0 : i32
    return %c0_i32 : i32
  }
  func.func @transform_18(%arg0: i32) -> (i32, i32) {
    %c0_i32 = arith.constant 0 : i32
    %c0_i32_0 = arith.constant 0 : i32
    %c0_i32_1 = arith.constant 0 : i32
    return %c0_i32, %c0_i32_0 : i32, i32
  }
  func.func @transform_19(%arg0: i32) -> i32 {
    %c0_i32 = arith.constant 0 : i32
    %c0_i32_0 = arith.constant 0 : i32
    return %c0_i32 : i32
  }
  func.func @transform_20(%arg0: i32) -> (i32, i32, i32) {
    %c0_i32 = arith.constant 0 : i32
    %c0_i32_0 = arith.constant 0 : i32
    %c0_i32_1 = arith.constant 0 : i32
    return %arg0, %c0_i32, %c0_i32_0 : i32, i32, i32
  }
}

</mosaic_0001>

<sc_bundles>
// kernel: kernel.28.cloned.1.call-start
scs
__scs_entry_jumppad:
0x0: {  	(pc) =	sbr.rel $0x88, $3  }
0x1: {  	(tag) =	ssettag $0x0;
	lr =	simm.s32 $0x1  }
0x2: {  	[smem:$0x3F88] =	sst lr;
	_ =	strace $0xD0000000  }
0x3: {  	_ = 	snop  }
0x4: {  	_ = 	snop  }
0x5: {  	_ = 	snop  }
0x6: {  	_ = 	snop  }
0x7: {  	_ = 	snop  }
__scs_overlays_trampoline_lowered:
0x8: {  	[smem:$0x3F97] =	sst s0  }
0x9: {  	[smem:$0x3F98] =	sst s1  }
0xa: {  	[smem:$0x3F99] =	sst s2  }
0xb: {  	[smem:$0x3F9A] =	sst s3  }
0xc: {  	[smem:$0x3F9B] =	sst s4  }
0xd: {  	[smem:$0x3F9C] =	sst s5  }
0xe: {  	[smem:$0x3F9D] =	sst s6  }
0xf: {  	[smem:$0x3F9E] =	sst s7  }
0x10: {  	[smem:$0x3F9F] =	sst s8  }
0x11: {  	[smem:$0x3FA0] =	sst s9;
	s0 =	simm.s32 @!p0 $0x0  }
0x12: {  	s1 =	sld [smem:$0x3F86];
	s0 =	simm.s32 @p0 $0x1  }
0x13: {  	[smem:$0x3FA1] =	sst s0;
	s0 =	simm.s32 @!p1 $0x0  }
0x14: {  	s2 =	sld [smem:$0x3F85];
	s0 =	simm.s32 @p1 $0x1  }
0x15: {  	[smem:$0x3FA2] =	sst s0;
	s0 =	simm.s32 @!p2 $0x0  }
0x16: {  	s3 =	sld [smem:$0x3FDB];
	s0 =	simm.s32 @p2 $0x1  }
0x17: {  	s4 =	simm.s32 $0x1BF5;
	[smem:$0x3FA4] =	sst s0  }
0x18: {  	s0 =	sld [smem:$0x3F87];
	_ =	swait.ge [sflag:s4], $0x0  }
0x19: {  	s7 =	sld [smem:$0x3F88]  }
0x1a: {  	s8 =	sadd.s32 $0xFFFFE003, lr  }
0x1b: {  	s9 =	sadd.s32 $0xFFFFFEF7, lr;
	s5 =	simm.s32 $0xFFFFFFFF;
	p2 =	slt.u32 s8, $0xFFFFF086  }
0x1c: {  	p1 =	slt.u32 s9, $0xF7A;
	s5 =	simm.s32 @!p2 $0x0  }
0x1d: {  	s5 =	simm.s32 @p1 $0x1;
	p0 =	seq.s32 s7, s2  }
0x1e: {  	s7 =	smul.u32 @!p0 $0xF7A, s2;
	p2 =	seq.s32 @!p0 s5, $0x0  }
0x1f: {  	s9 =	smul.u32 $0xF7A, s1;
	s8 =	simm.s32 @!p0 $0x1BF5;
	p2 =	por !p2, p0  }
0x20: {  	[sflag:s8] =	ssyncset.s32 @!p0 $0xFFFFF086;
	s6 =	sadd.s32 @!p0 s3, s7;
	s7 =	simm.s32 @!p0 $0x108  }
0x21: {  	s3 =	sadd.s32 s3, s9;
	s6 =	sadd.s32 @!p0 $0x88, s6;
	s7 =	simm.s32 @p2 $0x1082  }
0x22: {  	[simem:s7], [sflag:s8] =	dma.local @!p0 [hbm:s6], $0xF7A  }
0x23: {  	s9 =	sor.u32 $0xD0000000, s2;
	s6 =	simm.s32 $0x108;
	_ =	swait.ge @!p0 [sflag:s8], $0x0  }
0x24: {  	s3 =	sadd.s32 $0x88, s3;
	s6 =	simm.s32 @!p1 $0x1082;
	[sflag:s4] =	ssyncset.s32 $0xFFFFF086  }
0x25: {  	[simem:s6], [sflag:s4] =	dma.local [hbm:s3], $0xF7A  }
0x26: {  	[smem:$0x3F88] =	sst s1;
	(tag) =	ssettag s2;
	_ =	strace s9  }
0x27: {  	s1 =	sld [smem:$0x3F98]  }
0x28: {  	s2 =	sld [smem:$0x3F99]  }
0x29: {  	s4 =	sld [smem:$0x3F9B]  }
0x2a: {  	p0 =	seq.s32 s5, $0x0;
	s5 =	sld [smem:$0x3F9C]  }
0x2b: {  	s6 =	sld [smem:$0x3F9D]  }
0x2c: {  	s7 =	sld [smem:$0x3F9E]  }
0x2d: {  	s3 =	simm.s32 $0x108;
	s8 =	sld [smem:$0x3F9F]  }
0x2e: {  	s3 =	simm.s32 @!p0 $0x1082;
	s9 =	sld [smem:$0x3FA0]  }
0x2f: {  	lr =	sadd.s32 s0, s3;
	s0 =	sld [smem:$0x3F97]  }
0x30: {  	s3 =	sld [smem:$0x3F9A]  }
0x31: {  	[smem:$0x3FA3] =	sst s10  }
0x32: {  	s10 =	sld [smem:$0x3FA1];
	_ =	sdelay $0x3  }
0x33: {  	p0 =	seq.s32 s10, $0x1;
	s10 =	sld [smem:$0x3FA3];
	_ =	sdelay $0x3  }
0x34: {  	[smem:$0x3FA3] =	sst s10  }
0x35: {  	s10 =	sld [smem:$0x3FA2];
	_ =	sdelay $0x3  }
0x36: {  	p1 =	seq.s32 s10, $0x1;
	s10 =	sld [smem:$0x3FA3];
	_ =	sdelay $0x3  }
0x37: {  	[smem:$0x3FA3] =	sst s10  }
0x38: {  	s10 =	sld [smem:$0x3FA4]  }
0x39: {  	_ = 	snop;
	(pc) =	sbr.ind lr, $3  }
0x3a: {  	_ = 	snop  }
0x3b: {  	_ = 	snop  }
0x3c: {  	p2 =	seq.s32 s10, $0x1;
	s10 =	sld [smem:$0x3FA3]  }
0x3d: {  	_ =	shalt  }
0x3e: {  	_ =	shalt  }
0x3f: {  	_ =	shalt  }
0x40: {  	_ =	shalt  }
0x41: {  	_ =	shalt  }
0x42: {  	_ =	shalt  }
0x43: {  	_ =	shalt  }
0x44: {  	_ =	shalt  }
0x45: {  	_ =	shalt  }
0x46: {  	_ =	shalt  }
0x47: {  	_ =	shalt  }
0x48: {  	_ =	shalt  }
0x49: {  	_ =	shalt  }
0x4a: {  	_ =	shalt  }
0x4b: {  	_ =	shalt  }
0x4c: {  	_ =	shalt  }
0x4d: {  	_ =	shalt  }
0x4e: {  	_ =	shalt  }
0x4f: {  	_ =	shalt  }
0x50: {  	_ =	shalt  }
0x51: {  	_ =	shalt  }
0x52: {  	_ =	shalt  }
0x53: {  	_ =	shalt  }
0x54: {  	_ =	shalt  }
0x55: {  	_ =	shalt  }
0x56: {  	_ =	shalt  }
0x57: {  	_ =	shalt  }
0x58: {  	_ =	shalt  }
0x59: {  	_ =	shalt  }
0x5a: {  	_ =	shalt  }
0x5b: {  	_ =	shalt  }
0x5c: {  	_ =	shalt  }
0x5d: {  	_ =	shalt  }
0x5e: {  	_ =	shalt  }
0x5f: {  	_ =	shalt  }
0x60: {  	_ =	shalt  }
0x61: {  	_ =	shalt  }
0x62: {  	_ =	shalt  }
0x63: {  	_ =	shalt  }
0x64: {  	_ =	shalt  }
0x65: {  	_ =	shalt  }
0x66: {  	_ =	shalt  }
0x67: {  	_ =	shalt  }
0x68: {  	_ =	shalt  }
0x69: {  	_ =	shalt  }
0x6a: {  	_ =	shalt  }
0x6b: {  	_ =	shalt  }
0x6c: {  	_ =	shalt  }
0x6d: {  	_ =	shalt  }
0x6e: {  	_ =	shalt  }
0x6f: {  	_ =	shalt  }
0x70: {  	_ =	shalt  }
0x71: {  	_ =	shalt  }
0x72: {  	_ =	shalt  }
0x73: {  	_ =	shalt  }
0x74: {  	_ =	shalt  }
0x75: {  	_ =	shalt  }
0x76: {  	_ =	shalt  }
0x77: {  	_ =	shalt  }
0x78: {  	_ =	shalt  }
0x79: {  	_ =	shalt  }
0x7a: {  	_ =	shalt  }
0x7b: {  	_ =	shalt  }
0x7c: {  	_ =	shalt  }
0x7d: {  	_ =	shalt  }
0x7e: {  	_ =	shalt  }
0x7f: {  	_ =	shalt  }
0x80: {  	_ =	shalt  }
0x81: {  	_ =	shalt  }
0x82: {  	_ =	shalt  }
0x83: {  	_ =	shalt  }
0x84: {  	_ =	shalt  }
0x85: {  	_ =	shalt  }
0x86: {  	_ =	shalt  }
0x87: {  	_ =	shalt  }
.Lfunc_end0:
.L_simem_size_0:
called_computation_lowered:
.L_overlay_start_0:
0x88: {  	s2 =	sld [smem:$0x3FD9]  }
0x89: {  	s3 =	sld [smem:$0x3FFE];
	_ =	sdelay $0x1  }
0x8a: {  	s1 =	srdreg.scid  }
0x8b: {  	s0 =	sand.u32 $0x1, s1  }
0x8c: {  	s16 =	sshll.u32 s0, $0xA;
	s2 =	sadd.s32 s3, s2  }
0x8d: {  	s2 =	sadd.s32 s2, s16  }
0x8e: {  	[smem:$0x3FAF] =	sst s2  }
0x8f: {  	_ = 	snop  }
0x90: {  	(tm) =	ssettm $0x1  }
0x91: {  	s17 =	sld [smem:$0x3FFB];
	_ =	sdelay $0x3  }
0x92: {  	_ =	strace s17  }
0x93: {  	s2 =	sld [smem:$0x3FFC];
	_ =	sdelay $0x3  }
0x94: {  	_ =	strace s2  }
0x95: {  	s2 =	sld [smem:$0x3FFD];
	_ =	sdelay $0x3  }
0x96: {  	_ =	strace s2  }
0x97: {  	_ =	strace $0x8FFFFFFF  }
0x98: {  	s18 =	sld [smem:$0x3FDB];
	_ =	sdelay $0x1  }
0x99: {  	s19 =	simm.s32 $_scs_section_size  }
0x9a: {  	s4 =	simm.s32 $_size__tile_overlayer_lowered;
	s5 =	simm.s32 $_tile_overlayer_lowered  }
0x9b: {  	s22 =	simm.s32 $0x1BFF;
	s21 =	sshll.u32 s5, $0x1;
	s2 =	sadd.s32 s19, s18  }
0x9c: {  	s6 =	simm.s32 $0x0;
	s20 =	sshll.u32 s4, $0x1;
	s4 =	sadd.s32 s21, s2  }
0x9d: {  	[timem:s6], [sflag:s22] =	dma.local [hbm:s4], s20  }
0x9e: {  	_ =	swait.ge [sflag:s22], s20  }
0x9f: {  	s3 =	ssub.s32 $0x0, s20;
	[sflag:s22] =	ssyncset.done $0x0  }
0xa0: {  	[sflag:s22] =	ssyncadd.s32 s3;
	_ =	sdelay $0x1  }
0xa1: {  	s23 =	simm.s32 $0x1B8B  }
0xa2: {  	_ =	swait.ge [sflag:s23], $0x1  }
0xa3: {  	[sflag:s23] =	ssyncset.done $0x0  }
0xa4: {  	s25 =	simm.s32 $0x1B8E;
	s24 =	sld [smem:$0x3FFE];
	[sflag:s23] =	ssyncadd.s32 $0xFFFFFFFF  }
0xa5: {  	s26 =	simm.s32 $execute0_lowered;
	[smem:$0x3FD2] =	sst s25  }
0xa6: {  	s4 =	sshll.u32 s26, $0x1;
	_ =	strace $0x80000046;
	[dreg:$0x1] =	wrdreg $0xFFFFFFFF  }
0xa7: {  	s28 =	simm.s32 $_size_execute0_lowered;
	s2 =	sadd.s32 s2, s4;
	[dreg:$0x0] =	wrdreg $0x0  }
0xa8: {  	s4 =	sshll.u32 s28, $0x1;
	[dreg:$0x2] =	wrdreg s2  }
0xa9: {  	[dreg:$0x3] =	wrdreg s4  }
0xaa: {  	[dreg:$0x4] =	wrdreg $0xC0  }
0xab: {  	_ =	task [dreg:s6], $0x5FFFF  }
0xac: {  	[dreg:$0x1] =	wrdreg $0xFFFFFFFF  }
0xad: {  	[dreg:$0x0] =	wrdreg $0x60  }
0xae: {  	[dreg:$0x2] =	wrdreg s24  }
0xaf: {  	[dreg:$0x3] =	wrdreg $0x9  }
0xb0: {  	_ =	task.clear_ibuf [dreg:s6], $0x4FFFF;
	_ =	strace $0x90000046  }
0xb1: {  	s29 =	simm.s32 $0x9;
	_ =	strace $0x80000048  }
0xb2: {  	_ =	swait.ge [sflag:s29], $0x1  }
0xb3: {  	[sflag:s29] =	ssyncadd.s32 $0xFFFFFFFF  }
0xb4: {  	_ =	strace $0x90000048  }
0xb5: {  	_ =	sfence  }
0xb6: {  	s30 =	sld [smem:$0x0];
	_ =	sdelay $0x2  }
0xb7: {  	s31 =	sshll.u32 s1, $0xD;
	s1 =	sshrl.u32 s1, $0x2  }
0xb8: {  	s3 =	sand.u32 $0x4000, s31;
	s1 =	sadd.s32 s1, s30  }
0xb9: {  	s0 =	sor.u32 s3, s0;
	s1 =	sshll.u32 s1, $0x11  }
0xba: {  	s0 =	sor.u32 s1, s0  }
0xbb: {  	s0 =	sadd.s32 $0x8F2B, s0  }
0xbc: {  	[sflag:s0] =	ssyncadd.remote.s32 $0x1  }
0xbd: {  	_ =	sfence.sel $0xFFFF  }
0xbe: {  	[dreg:$0x0] =	wrdreg $0xFFFFFFFF;
	(pc) =	sbr.abs _section_cstart, $3  }
0xbf: {  	[dreg:$0x1] =	wrdreg $0xFFFFFFFF  }
0xc0: {  	_ =	task.clear_ibuf [dreg:s6], $0x2FFFF;
	_ =	strace $0x9FFFFFFF  }
0xc1: {  	(tm) =	ssettm $0x7FFFFFFF  }
tec
execute0_lowered:
.L_overlay_start_1:
0x0: {  	(tag) =	ssettag $0x1  }
0x1: {  	s4 =	rddreg [dreg:$0x0]  }
0x2: {  	s0 =	rddreg [dreg:$0x1];
	s2 =	simm.s32 $0x0;
	s1 =	stileid.u32  }
0x3: {  	s3 =	srdreg.scid;
	s10 =	simm.s32 $0x0;
	s6 =	smul.u32 $0x1400, s1  }
0x4: {  	[smem:$0x7FF] =	sst s2;
	s5 =	sand.u32 $0x1, s3;
	s8 =	smul.u32 $0x2800, s1  }
0x5: {  	s3 =	sadd.s32 $0xB800, s4;
	s7 =	smul.u32 $0xA00, s5;
	s9 =	ssub.s32 $0x2, s5  }
0x6: {  	_ =	strace $0x80000047;
	s5 =	smul.u32 $0x1400, s5;
	s31 =	sshrl.u32 s9, $0x1  }
0x7: {  	s8 =	sadd.s32 s8, s4;
	s6 =	sadd.s32 s7, s6;
	s7 =	ssub.s32 s9, s31  }
0x8: {  	s5 =	sadd.s32 s5, s8;
	s8 =	simm.s32 $0x80;
	s6 =	sshrl.u32 s6, $0x3  }
0x9: {  	s9 =	simm.s32 $0x1;
	s5 =	sadd.s32 $0xD800, s5;
	s6 =	sadd.s32 s6, s4  }
0xa: {  	s4 =	smax.u32 s7, $0x1;
	s7 =	simm.s32 $0x2;
	s6 =	sadd.s32 $0x9000, s6  }
.LBB2_1:
0xb: {  	s11 =	sadd.s32 $0x0, s6  }
0xc: {  	[tilespmem:s2], [sflag:$0x2] =	stream.linear.gather [hbm4b:s11+s2], $0x80, $0x38;
	[tilespmem:$0x880] =	vst v63  }
0xd: {  	_ =	swait.ge [sflag:s7], $0x80  }
0xe: {  	[sflag:s7] =	ssyncset.done $0x0  }
0xf: {  	[sflag:s7] =	ssyncadd.s32 $0xFFFFFF80  }
0x10: {  	[tilespmem:s8], [sflag:$0x1] =	stream.indirect.gather [hbm4b:s3+s8], $0x10, s2, s8, $0xb8;
	[tilespmem:$0x880] =	vst v63  }
0x11: {  	_ =	swait.ge [sflag:s9], $0x800  }
0x12: {  	[sflag:s9] =	ssyncset.done $0x0  }
0x13: {  	[sflag:s9] =	ssyncadd.s32 $0xFFFFF800  }
0x14: {  	[hbm4b:s5+s2] =	stream.linear.scatter [tilespmem:s8], [sflag:$0x2], $0x800, $0x38;
	[tilespmem:$0x880] =	vst v63  }
0x15: {  	s12 =	simm.s32 $0x10;
	_ =	swait.ge [sflag:s7], $0x800  }
0x16: {  	s13 =	simm.s32 $0x20;
	s11 =	sadd.s32 $0x100, s5;
	[sflag:s7] =	ssyncset.done $0x0  }
.LBB2_2:
0x17: {  	s14 =	sadd.s32 s12, s6  }
0x18: {  	[sflag:s7] =	ssyncadd.s32 $0xFFFFF800;
	s12 =	smov.u32 s13;
	s15 =	sadd.s32 $0x10, s13  }
0x19: {  	[tilespmem:s2], [sflag:$0x2] =	stream.linear.gather [hbm4b:s14+s2], $0x80, $0x38;
	[tilespmem:$0x880] =	vst v63  }
0x1a: {  	p0 =	sne.s32 s13, $0x130;
	_ =	swait.ge [sflag:s7], $0x80  }
0x1b: {  	[sflag:s7] =	ssyncset.done $0x0  }
0x1c: {  	[sflag:s7] =	ssyncadd.s32 $0xFFFFFF80  }
0x1d: {  	[tilespmem:s8], [sflag:$0x1] =	stream.indirect.gather [hbm4b:s3+s8], $0x10, s2, s8, $0xb8;
	[tilespmem:$0x880] =	vst v63  }
0x1e: {  	_ =	swait.ge [sflag:s9], $0x800  }
.Ltmp0:
0x1f: {  	[sflag:s9] =	ssyncset.done $0x0;
	(pc) =	sbr.rel @p0 .LBB2_2-.Ltmp0, $4  }
0x20: {  	[sflag:s9] =	ssyncadd.s32 $0xFFFFF800  }
0x21: {  	[hbm4b:s11+s2] =	stream.linear.scatter [tilespmem:s8], [sflag:$0x2], $0x800, $0x38;
	[tilespmem:$0x880] =	vst v63  }
0x22: {  	_ =	swait.ge [sflag:s7], $0x800  }
0x23: {  	s13 =	smov.u32 s15;
	s11 =	sadd.s32 $0x100, s11;
	[sflag:s7] =	ssyncset.done $0x0  }
0x24: {  	s12 =	sadd.s32 s12, s6;
	[sflag:s7] =	ssyncadd.s32 $0xFFFFF800  }
0x25: {  	[tilespmem:s2], [sflag:$0x2] =	stream.linear.gather [hbm4b:s12+s2], $0x80, $0x38;
	[tilespmem:$0x880] =	vst v63  }
0x26: {  	_ =	swait.ge [sflag:s7], $0x80  }
0x27: {  	[sflag:s7] =	ssyncset.done $0x0  }
0x28: {  	[sflag:s7] =	ssyncadd.s32 $0xFFFFFF80  }
0x29: {  	[tilespmem:s8], [sflag:$0x1] =	stream.indirect.gather [hbm4b:s3+s8], $0x10, s2, s8, $0xb8;
	[tilespmem:$0x880] =	vst v63  }
0x2a: {  	s10 =	sadd.s32 $0x1, s10;
	_ =	swait.ge [sflag:s9], $0x800  }
0x2b: {  	p0 =	sne.s32 s10, s4;
	[sflag:s9] =	ssyncset.done $0x0  }
.Ltmp1:
0x2c: {  	[sflag:s9] =	ssyncadd.s32 $0xFFFFF800;
	(pc) =	sbr.rel @p0 .LBB2_1-.Ltmp1, $4  }
0x2d: {  	[hbm4b:s11+s2] =	stream.linear.scatter [tilespmem:s8], [sflag:$0x2], $0x800, $0x38;
	[tilespmem:$0x880] =	vst v63  }
0x2e: {  	_ =	swait.ge [sflag:s7], $0x800  }
0x2f: {  	[sflag:s7] =	ssyncset.done $0x0  }
0x30: {  	[sflag:s7] =	ssyncadd.s32 $0xFFFFF800  }
0x31: {  	_ =	sfence.sel $0x180000  }
0x32: {  	[bflag:$0x0] =	sbarrier.arrive $0xFFFF  }
0x33: {  	p0 =	sne.s32 s1, $0x0;
	_ =	strace $0x90000047  }
0x34: {  	s0 =	sadd.s32 @!p0 $0x100000, s0;
	[bflag:$0x2] =	sbarrier.arrive $0xFFFF  }
0x35: {  	[sflag:s0] =	ssyncadd.tile.s32 @!p0 $0x1;
	_ =	shalt  }
.Lfunc_end2:
_tile_overlayer_lowered:
.L_overlay_start_2:
0x36: {  	(tag) =	ssettag $0x2  }
0x37: {  	s0 =	rddreg [dreg:$0x0];
	s2 =	stileid.u32  }
0x38: {  	s1 =	rddreg [dreg:$0x1];
	p0 =	sne.s32 s2, $0x0  }
0x39: {  	s3 =	rddreg [dreg:$0x2];
	[bflag:$0x3] =	sbarrier.arrive $0xFFFF;
	s2 =	simm.s32 @!p0 $0x1C02  }
0x3a: {  	[timem:s3], [sflag:s2] =	dma.local @!p0 [hbm:s0], s1  }
0x3b: {  	s0 =	simm.s32 @!p0 $0x2  }
0x3c: {  	_ =	swait.ge @!p0 [sflag:s0], s1  }
0x3d: {  	s1 =	ssub.s32 @!p0 $0x0, s1;
	[sflag:s0] =	ssyncset.done @!p0 $0x0  }
0x3e: {  	[sflag:s0] =	ssyncadd.s32 @!p0 s1  }
0x3f: {  	[bflag:$0x3] =	sbarrier.arrive $0xFFFF  }
0x40: {  	_ =	shalt  }

// kernel: kernel.31.cloned.1.call-start
scs
__scs_entry_jumppad:
0x0: {  	(pc) =	sbr.rel $0x88, $3  }
0x1: {  	(tag) =	ssettag $0x0;
	lr =	simm.s32 $0x1  }
0x2: {  	[smem:$0x3F88] =	sst lr;
	_ =	strace $0xD0000000  }
0x3: {  	_ = 	snop  }
0x4: {  	_ = 	snop  }
0x5: {  	_ = 	snop  }
0x6: {  	_ = 	snop  }
0x7: {  	_ = 	snop  }
__scs_overlays_trampoline_lowered:
0x8: {  	[smem:$0x3F97] =	sst s0  }
0x9: {  	[smem:$0x3F98] =	sst s1  }
0xa: {  	[smem:$0x3F99] =	sst s2  }
0xb: {  	[smem:$0x3F9A] =	sst s3  }
0xc: {  	[smem:$0x3F9B] =	sst s4  }
0xd: {  	[smem:$0x3F9C] =	sst s5  }
0xe: {  	[smem:$0x3F9D] =	sst s6  }
0xf: {  	[smem:$0x3F9E] =	sst s7  }
0x10: {  	[smem:$0x3F9F] =	sst s8  }
0x11: {  	[smem:$0x3FA0] =	sst s9;
	s0 =	simm.s32 @!p0 $0x0  }
0x12: {  	s1 =	sld [smem:$0x3F86];
	s0 =	simm.s32 @p0 $0x1  }
0x13: {  	[smem:$0x3FA1] =	sst s0;
	s0 =	simm.s32 @!p1 $0x0  }
0x14: {  	s2 =	sld [smem:$0x3F85];
	s0 =	simm.s32 @p1 $0x1  }
0x15: {  	[smem:$0x3FA2] =	sst s0;
	s0 =	simm.s32 @!p2 $0x0  }
0x16: {  	s3 =	sld [smem:$0x3FDB];
	s0 =	simm.s32 @p2 $0x1  }
0x17: {  	s4 =	simm.s32 $0x1BF5;
	[smem:$0x3FA4] =	sst s0  }
0x18: {  	s0 =	sld [smem:$0x3F87];
	_ =	swait.ge [sflag:s4], $0x0  }
0x19: {  	s7 =	sld [smem:$0x3F88]  }
0x1a: {  	s8 =	sadd.s32 $0xFFFFE003, lr  }
0x1b: {  	s9 =	sadd.s32 $0xFFFFFEF7, lr;
	s5 =	simm.s32 $0xFFFFFFFF;
	p2 =	slt.u32 s8, $0xFFFFF086  }
0x1c: {  	p1 =	slt.u32 s9, $0xF7A;
	s5 =	simm.s32 @!p2 $0x0  }
0x1d: {  	s5 =	simm.s32 @p1 $0x1;
	p0 =	seq.s32 s7, s2  }
0x1e: {  	s7 =	smul.u32 @!p0 $0xF7A, s2;
	p2 =	seq.s32 @!p0 s5, $0x0  }
0x1f: {  	s9 =	smul.u32 $0xF7A, s1;
	s8 =	simm.s32 @!p0 $0x1BF5;
	p2 =	por !p2, p0  }
0x20: {  	[sflag:s8] =	ssyncset.s32 @!p0 $0xFFFFF086;
	s6 =	sadd.s32 @!p0 s3, s7;
	s7 =	simm.s32 @!p0 $0x108  }
0x21: {  	s3 =	sadd.s32 s3, s9;
	s6 =	sadd.s32 @!p0 $0x88, s6;
	s7 =	simm.s32 @p2 $0x1082  }
0x22: {  	[simem:s7], [sflag:s8] =	dma.local @!p0 [hbm:s6], $0xF7A  }
0x23: {  	s9 =	sor.u32 $0xD0000000, s2;
	s6 =	simm.s32 $0x108;
	_ =	swait.ge @!p0 [sflag:s8], $0x0  }
0x24: {  	s3 =	sadd.s32 $0x88, s3;
	s6 =	simm.s32 @!p1 $0x1082;
	[sflag:s4] =	ssyncset.s32 $0xFFFFF086  }
0x25: {  	[simem:s6], [sflag:s4] =	dma.local [hbm:s3], $0xF7A  }
0x26: {  	[smem:$0x3F88] =	sst s1;
	(tag) =	ssettag s2;
	_ =	strace s9  }
0x27: {  	s1 =	sld [smem:$0x3F98]  }
0x28: {  	s2 =	sld [smem:$0x3F99]  }
0x29: {  	s4 =	sld [smem:$0x3F9B]  }
0x2a: {  	p0 =	seq.s32 s5, $0x0;
	s5 =	sld [smem:$0x3F9C]  }
0x2b: {  	s6 =	sld [smem:$0x3F9D]  }
0x2c: {  	s7 =	sld [smem:$0x3F9E]  }
0x2d: {  	s3 =	simm.s32 $0x108;
	s8 =	sld [smem:$0x3F9F]  }
0x2e: {  	s3 =	simm.s32 @!p0 $0x1082;
	s9 =	sld [smem:$0x3FA0]  }
0x2f: {  	lr =	sadd.s32 s0, s3;
	s0 =	sld [smem:$0x3F97]  }
0x30: {  	s3 =	sld [smem:$0x3F9A]  }
0x31: {  	[smem:$0x3FA3] =	sst s10  }
0x32: {  	s10 =	sld [smem:$0x3FA1];
	_ =	sdelay $0x3  }
0x33: {  	p0 =	seq.s32 s10, $0x1;
	s10 =	sld [smem:$0x3FA3];
	_ =	sdelay $0x3  }
0x34: {  	[smem:$0x3FA3] =	sst s10  }
0x35: {  	s10 =	sld [smem:$0x3FA2];
	_ =	sdelay $0x3  }
0x36: {  	p1 =	seq.s32 s10, $0x1;
	s10 =	sld [smem:$0x3FA3];
	_ =	sdelay $0x3  }
0x37: {  	[smem:$0x3FA3] =	sst s10  }
0x38: {  	s10 =	sld [smem:$0x3FA4]  }
0x39: {  	_ = 	snop;
	(pc) =	sbr.ind lr, $3  }
0x3a: {  	_ = 	snop  }
0x3b: {  	_ = 	snop  }
0x3c: {  	p2 =	seq.s32 s10, $0x1;
	s10 =	sld [smem:$0x3FA3]  }
0x3d: {  	_ =	shalt  }
0x3e: {  	_ =	shalt  }
0x3f: {  	_ =	shalt  }
0x40: {  	_ =	shalt  }
0x41: {  	_ =	shalt  }
0x42: {  	_ =	shalt  }
0x43: {  	_ =	shalt  }
0x44: {  	_ =	shalt  }
0x45: {  	_ =	shalt  }
0x46: {  	_ =	shalt  }
0x47: {  	_ =	shalt  }
0x48: {  	_ =	shalt  }
0x49: {  	_ =	shalt  }
0x4a: {  	_ =	shalt  }
0x4b: {  	_ =	shalt  }
0x4c: {  	_ =	shalt  }
0x4d: {  	_ =	shalt  }
0x4e: {  	_ =	shalt  }
0x4f: {  	_ =	shalt  }
0x50: {  	_ =	shalt  }
0x51: {  	_ =	shalt  }
0x52: {  	_ =	shalt  }
0x53: {  	_ =	shalt  }
0x54: {  	_ =	shalt  }
0x55: {  	_ =	shalt  }
0x56: {  	_ =	shalt  }
0x57: {  	_ =	shalt  }
0x58: {  	_ =	shalt  }
0x59: {  	_ =	shalt  }
0x5a: {  	_ =	shalt  }
0x5b: {  	_ =	shalt  }
0x5c: {  	_ =	shalt  }
0x5d: {  	_ =	shalt  }
0x5e: {  	_ =	shalt  }
0x5f: {  	_ =	shalt  }
0x60: {  	_ =	shalt  }
0x61: {  	_ =	shalt  }
0x62: {  	_ =	shalt  }
0x63: {  	_ =	shalt  }
0x64: {  	_ =	shalt  }
0x65: {  	_ =	shalt  }
0x66: {  	_ =	shalt  }
0x67: {  	_ =	shalt  }
0x68: {  	_ =	shalt  }
0x69: {  	_ =	shalt  }
0x6a: {  	_ =	shalt  }
0x6b: {  	_ =	shalt  }
0x6c: {  	_ =	shalt  }
0x6d: {  	_ =	shalt  }
0x6e: {  	_ =	shalt  }
0x6f: {  	_ =	shalt  }
0x70: {  	_ =	shalt  }
0x71: {  	_ =	shalt  }
0x72: {  	_ =	shalt  }
0x73: {  	_ =	shalt  }
0x74: {  	_ =	shalt  }
0x75: {  	_ =	shalt  }
0x76: {  	_ =	shalt  }
0x77: {  	_ =	shalt  }
0x78: {  	_ =	shalt  }
0x79: {  	_ =	shalt  }
0x7a: {  	_ =	shalt  }
0x7b: {  	_ =	shalt  }
0x7c: {  	_ =	shalt  }
0x7d: {  	_ =	shalt  }
0x7e: {  	_ =	shalt  }
0x7f: {  	_ =	shalt  }
0x80: {  	_ =	shalt  }
0x81: {  	_ =	shalt  }
0x82: {  	_ =	shalt  }
0x83: {  	_ =	shalt  }
0x84: {  	_ =	shalt  }
0x85: {  	_ =	shalt  }
0x86: {  	_ =	shalt  }
0x87: {  	_ =	shalt  }
.Lfunc_end0:
.L_simem_size_0:
called_computation.1_lowered:
.L_overlay_start_0:
0x88: {  	s2 =	sld [smem:$0x3FD9]  }
0x89: {  	s3 =	sld [smem:$0x3FFE];
	_ =	sdelay $0x1  }
0x8a: {  	s1 =	srdreg.scid  }
0x8b: {  	s0 =	sand.u32 $0x1, s1  }
0x8c: {  	s17 =	sshll.u32 s0, $0xA;
	s2 =	sadd.s32 s3, s2  }
0x8d: {  	s2 =	sadd.s32 s2, s17  }
0x8e: {  	[smem:$0x3FAF] =	sst s2  }
0x8f: {  	_ = 	snop  }
0x90: {  	(tm) =	ssettm $0x1  }
0x91: {  	s18 =	sld [smem:$0x3FFB];
	_ =	sdelay $0x3  }
0x92: {  	_ =	strace s18  }
0x93: {  	s2 =	sld [smem:$0x3FFC];
	_ =	sdelay $0x3  }
0x94: {  	_ =	strace s2  }
0x95: {  	s2 =	sld [smem:$0x3FFD];
	_ =	sdelay $0x3  }
0x96: {  	_ =	strace s2  }
0x97: {  	_ =	strace $0x8FFFFFFF  }
0x98: {  	s19 =	sld [smem:$0x3FDB];
	_ =	sdelay $0x1  }
0x99: {  	s20 =	simm.s32 $_scs_section_size  }
0x9a: {  	s4 =	simm.s32 $_size__tile_overlayer_lowered;
	s5 =	simm.s32 $_tile_overlayer_lowered  }
0x9b: {  	s6 =	simm.s32 $0x1BFF;
	s21 =	sshll.u32 s5, $0x1;
	s3 =	sadd.s32 s20, s19  }
0x9c: {  	s22 =	simm.s32 $0x0;
	s4 =	sshll.u32 s4, $0x1;
	s5 =	sadd.s32 s21, s3  }
0x9d: {  	[timem:s22], [sflag:s6] =	dma.local [hbm:s5], s4  }
0x9e: {  	_ =	swait.ge [sflag:s6], s4  }
0x9f: {  	s4 =	ssub.s32 $0x0, s4;
	[sflag:s6] =	ssyncset.done $0x0  }
0xa0: {  	[sflag:s6] =	ssyncadd.s32 s4;
	_ =	sdelay $0x1  }
0xa1: {  	s23 =	simm.s32 $0x1B8B  }
0xa2: {  	_ =	swait.ge [sflag:s23], $0x1  }
0xa3: {  	[sflag:s23] =	ssyncset.done $0x0  }
0xa4: {  	[sflag:s23] =	ssyncadd.s32 $0xFFFFFFFF  }
0xa5: {  	s4 =	sld [smem:$0x0]  }
0xa6: {  	s5 =	sand.u32 $0xFFFFFFFE, s1  }
0xa7: {  	p0 =	sne.s32 s1, s5  }
0xa8: {  	s5 =	sshll.u32 @p0 s5, $0xE  }
0xa9: {  	s5 =	sadd.s32 @p0 $0x11B8D, s5;
	s6 =	sshll.u32 @p0 s4, $0x11  }
0xaa: {  	s5 =	sor.u32 @p0 s6, s5  }
0xab: {  	[sflag:s5] =	ssyncadd.remote.s32 @p0 $0x1;
	_ =	sdelay $0x1  }
0xac: {  	s5 =	simm.s32 @p0 $0x1B8D  }
0xad: {  	_ =	swait.eq @p0 [sflag:s5], $0x1  }
0xae: {  	[sflag:s5] =	ssyncadd.s32 @p0 $0xFFFFFFFF  }
0xaf: {  	s6 =	sshll.u32 @!p0 s1, $0xE  }
0xb0: {  	s6 =	sor.u32 @!p0 $0x4000, s6;
	s5 =	simm.s32 @!p0 $0x1B8D  }
0xb1: {  	s4 =	sshll.u32 @!p0 s4, $0x11;
	s6 =	sadd.s32 @!p0 $0x11B8D, s6;
	_ =	swait.eq @!p0 [sflag:s5], $0x1  }
0xb2: {  	s4 =	sor.u32 @!p0 s4, s6;
	[sflag:s5] =	ssyncadd.s32 @!p0 $0xFFFFFFFF  }
0xb3: {  	s25 =	simm.s32 $0x1B8E;
	s24 =	sld [smem:$0x3FFE];
	[sflag:s4] =	ssyncadd.remote.s32 @!p0 $0x1  }
0xb4: {  	s26 =	simm.s32 $execute0_lowered;
	[smem:$0x3FD2] =	sst s25  }
0xb5: {  	s5 =	sshll.u32 s26, $0x1;
	_ =	strace $0x8000004C;
	[dreg:$0x1] =	wrdreg $0xFFFFFFFF  }
0xb6: {  	s28 =	simm.s32 $_size_execute0_lowered;
	s3 =	sadd.s32 s3, s5;
	[dreg:$0x0] =	wrdreg $0x0  }
0xb7: {  	s5 =	sshll.u32 s28, $0x1;
	[dreg:$0x2] =	wrdreg s3  }
0xb8: {  	[dreg:$0x3] =	wrdreg s5  }
0xb9: {  	[dreg:$0x4] =	wrdreg $0xC0  }
0xba: {  	_ =	task [dreg:s22], $0x5FFFF  }
0xbb: {  	[dreg:$0x1] =	wrdreg $0xFFFFFFFF  }
0xbc: {  	[dreg:$0x0] =	wrdreg $0x60  }
0xbd: {  	[dreg:$0x2] =	wrdreg s24  }
0xbe: {  	[dreg:$0x3] =	wrdreg $0x9  }
0xbf: {  	_ =	task.clear_ibuf [dreg:s22], $0x4FFFF;
	_ =	strace $0x9000004C  }
0xc0: {  	s29 =	simm.s32 $0x9;
	_ =	strace $0x8000004E  }
0xc1: {  	_ =	swait.ge [sflag:s29], $0x1  }
0xc2: {  	[sflag:s29] =	ssyncadd.s32 $0xFFFFFFFF  }
0xc3: {  	_ =	strace $0x9000004E  }
0xc4: {  	_ =	sfence  }
0xc5: {  	s30 =	sld [smem:$0x0];
	_ =	sdelay $0x2  }
0xc6: {  	s31 =	sshll.u32 s1, $0xD;
	s1 =	sshrl.u32 s1, $0x2  }
0xc7: {  	s4 =	sand.u32 $0x4000, s31;
	s1 =	sadd.s32 s1, s30  }
0xc8: {  	s0 =	sor.u32 s4, s0;
	s1 =	sshll.u32 s1, $0x11  }
0xc9: {  	s0 =	sor.u32 s1, s0  }
0xca: {  	s0 =	sadd.s32 $0x8F2B, s0  }
0xcb: {  	[sflag:s0] =	ssyncadd.remote.s32 $0x1  }
0xcc: {  	_ =	sfence.sel $0xFFFF  }
0xcd: {  	[dreg:$0x0] =	wrdreg $0xFFFFFFFF;
	(pc) =	sbr.abs _section_cstart, $3  }
0xce: {  	[dreg:$0x1] =	wrdreg $0xFFFFFFFF  }
0xcf: {  	_ =	task.clear_ibuf [dreg:s22], $0x2FFFF;
	_ =	strace $0x9FFFFFFF  }
0xd0: {  	(tm) =	ssettm $0x7FFFFFFF  }
0xd1: {  	_ =	shalt  }
tec
execute0_lowered:
.L_overlay_start_1:
0x0: {  	(tag) =	ssettag $0x1  }
0x1: {  	s4 =	rddreg [dreg:$0x0]  }
0x2: {  	s0 =	rddreg [dreg:$0x1];
	s2 =	simm.s32 $0x0;
	s1 =	stileid.u32  }
0x3: {  	s3 =	srdreg.scid;
	s10 =	simm.s32 $0x0;
	s6 =	smul.u32 $0x1400, s1  }
0x4: {  	[smem:$0x7FF] =	sst s2;
	s5 =	sand.u32 $0x1, s3;
	s8 =	smul.u32 $0xA000, s1  }
0x5: {  	s3 =	sadd.s32 $0x1B800, s4;
	s7 =	smul.u32 $0xA00, s5;
	s9 =	ssub.s32 $0x2, s5  }
0x6: {  	_ =	strace $0x8000004D;
	s5 =	smul.u32 $0x5000, s5;
	s31 =	sshrl.u32 s9, $0x1  }
0x7: {  	s8 =	sadd.s32 s8, s4;
	s6 =	sadd.s32 s7, s6;
	s7 =	ssub.s32 s9, s31  }
0x8: {  	s5 =	sadd.s32 s5, s8;
	s8 =	simm.s32 $0x80;
	s6 =	sshrl.u32 s6, $0x3  }
0x9: {  	s9 =	simm.s32 $0x1;
	s5 =	sadd.s32 $0x62000, s5;
	s6 =	sadd.s32 s6, s4  }
0xa: {  	s4 =	smax.u32 s7, $0x1;
	s7 =	simm.s32 $0x2;
	s6 =	sadd.s32 $0x19000, s6  }
.LBB2_1:
0xb: {  	s11 =	sadd.s32 $0x0, s6  }
0xc: {  	[tilespmem:s2], [sflag:$0x2] =	stream.linear.gather [hbm4b:s11+s2], $0x80, $0x38;
	[tilespmem:$0x2080] =	vst v63  }
0xd: {  	_ =	swait.ge [sflag:s7], $0x80  }
0xe: {  	[sflag:s7] =	ssyncset.done $0x0  }
0xf: {  	[sflag:s7] =	ssyncadd.s32 $0xFFFFFF80  }
0x10: {  	[tilespmem:s8], [sflag:$0x1] =	stream.indirect.gather [hbm4b:s3+s8], $0x40, s2, s8, $0xb8;
	[tilespmem:$0x2080] =	vst v63  }
0x11: {  	_ =	swait.ge [sflag:s9], $0x2000  }
0x12: {  	[sflag:s9] =	ssyncset.done $0x0  }
0x13: {  	[sflag:s9] =	ssyncadd.s32 $0xFFFFE000  }
0x14: {  	[hbm4b:s5+s2] =	stream.linear.scatter [tilespmem:s8], [sflag:$0x2], $0x2000, $0x38;
	[tilespmem:$0x2080] =	vst v63  }
0x15: {  	s12 =	simm.s32 $0x10;
	_ =	swait.ge [sflag:s7], $0x2000  }
0x16: {  	s13 =	simm.s32 $0x20;
	s11 =	sadd.s32 $0x400, s5;
	[sflag:s7] =	ssyncset.done $0x0  }
.LBB2_2:
0x17: {  	s14 =	sadd.s32 s12, s6  }
0x18: {  	[sflag:s7] =	ssyncadd.s32 $0xFFFFE000;
	s12 =	smov.u32 s13;
	s15 =	sadd.s32 $0x10, s13  }
0x19: {  	[tilespmem:s2], [sflag:$0x2] =	stream.linear.gather [hbm4b:s14+s2], $0x80, $0x38;
	[tilespmem:$0x2080] =	vst v63  }
0x1a: {  	p0 =	sne.s32 s13, $0x130;
	_ =	swait.ge [sflag:s7], $0x80  }
0x1b: {  	[sflag:s7] =	ssyncset.done $0x0  }
0x1c: {  	[sflag:s7] =	ssyncadd.s32 $0xFFFFFF80  }
0x1d: {  	[tilespmem:s8], [sflag:$0x1] =	stream.indirect.gather [hbm4b:s3+s8], $0x40, s2, s8, $0xb8;
	[tilespmem:$0x2080] =	vst v63  }
0x1e: {  	_ =	swait.ge [sflag:s9], $0x2000  }
.Ltmp0:
0x1f: {  	[sflag:s9] =	ssyncset.done $0x0;
	(pc) =	sbr.rel @p0 .LBB2_2-.Ltmp0, $4  }
0x20: {  	[sflag:s9] =	ssyncadd.s32 $0xFFFFE000  }
0x21: {  	[hbm4b:s11+s2] =	stream.linear.scatter [tilespmem:s8], [sflag:$0x2], $0x2000, $0x38;
	[tilespmem:$0x2080] =	vst v63  }
0x22: {  	_ =	swait.ge [sflag:s7], $0x2000  }
0x23: {  	s13 =	smov.u32 s15;
	s11 =	sadd.s32 $0x400, s11;
	[sflag:s7] =	ssyncset.done $0x0  }
0x24: {  	s12 =	sadd.s32 s12, s6;
	[sflag:s7] =	ssyncadd.s32 $0xFFFFE000  }
0x25: {  	[tilespmem:s2], [sflag:$0x2] =	stream.linear.gather [hbm4b:s12+s2], $0x80, $0x38;
	[tilespmem:$0x2080] =	vst v63  }
0x26: {  	_ =	swait.ge [sflag:s7], $0x80  }
0x27: {  	[sflag:s7] =	ssyncset.done $0x0  }
0x28: {  	[sflag:s7] =	ssyncadd.s32 $0xFFFFFF80  }
0x29: {  	[tilespmem:s8], [sflag:$0x1] =	stream.indirect.gather [hbm4b:s3+s8], $0x40, s2, s8, $0xb8;
	[tilespmem:$0x2080] =	vst v63  }
0x2a: {  	s10 =	sadd.s32 $0x1, s10;
	_ =	swait.ge [sflag:s9], $0x2000  }
0x2b: {  	p0 =	sne.s32 s10, s4;
	[sflag:s9] =	ssyncset.done $0x0  }
.Ltmp1:
0x2c: {  	[sflag:s9] =	ssyncadd.s32 $0xFFFFE000;
	(pc) =	sbr.rel @p0 .LBB2_1-.Ltmp1, $4  }
0x2d: {  	[hbm4b:s11+s2] =	stream.linear.scatter [tilespmem:s8], [sflag:$0x2], $0x2000, $0x38;
	[tilespmem:$0x2080] =	vst v63  }
0x2e: {  	_ =	swait.ge [sflag:s7], $0x2000  }
0x2f: {  	[sflag:s7] =	ssyncset.done $0x0  }
0x30: {  	[sflag:s7] =	ssyncadd.s32 $0xFFFFE000  }
0x31: {  	_ =	sfence.sel $0x180000  }
0x32: {  	[bflag:$0x0] =	sbarrier.arrive $0xFFFF  }
0x33: {  	p0 =	sne.s32 s1, $0x0;
	_ =	strace $0x9000004D  }
0x34: {  	s0 =	sadd.s32 @!p0 $0x100000, s0;
	[bflag:$0x2] =	sbarrier.arrive $0xFFFF  }
0x35: {  	[sflag:s0] =	ssyncadd.tile.s32 @!p0 $0x1;
	_ =	shalt  }
.Lfunc_end2:
_tile_overlayer_lowered:
.L_overlay_start_2:
0x36: {  	(tag) =	ssettag $0x2  }
0x37: {  	s0 =	rddreg [dreg:$0x0];
	s2 =	stileid.u32  }
0x38: {  	s1 =	rddreg [dreg:$0x1];
	p0 =	sne.s32 s2, $0x0  }
0x39: {  	s3 =	rddreg [dreg:$0x2];
	[bflag:$0x3] =	sbarrier.arrive $0xFFFF;
	s2 =	simm.s32 @!p0 $0x1C02  }
0x3a: {  	[timem:s3], [sflag:s2] =	dma.local @!p0 [hbm:s0], s1  }
0x3b: {  	s0 =	simm.s32 @!p0 $0x2  }
0x3c: {  	_ =	swait.ge @!p0 [sflag:s0], s1  }
0x3d: {  	s1 =	ssub.s32 @!p0 $0x0, s1;
	[sflag:s0] =	ssyncset.done @!p0 $0x0  }
0x3e: {  	[sflag:s0] =	ssyncadd.s32 @!p0 s1  }
0x3f: {  	[bflag:$0x3] =	sbarrier.arrive $0xFFFF  }
0x40: {  	_ =	shalt  }

// kernel: kernel.34.cloned.1.call-start
scs
__scs_entry_jumppad:
0x0: {  	(pc) =	sbr.rel $0x88, $3  }
0x1: {  	(tag) =	ssettag $0x0;
	lr =	simm.s32 $0x1  }
0x2: {  	[smem:$0x3F88] =	sst lr;
	_ =	strace $0xD0000000  }
0x3: {  	_ = 	snop  }
0x4: {  	_ = 	snop  }
0x5: {  	_ = 	snop  }
0x6: {  	_ = 	snop  }
0x7: {  	_ = 	snop  }
__scs_overlays_trampoline_lowered:
0x8: {  	[smem:$0x3F97] =	sst s0  }
0x9: {  	[smem:$0x3F98] =	sst s1  }
0xa: {  	[smem:$0x3F99] =	sst s2  }
0xb: {  	[smem:$0x3F9A] =	sst s3  }
0xc: {  	[smem:$0x3F9B] =	sst s4  }
0xd: {  	[smem:$0x3F9C] =	sst s5  }
0xe: {  	[smem:$0x3F9D] =	sst s6  }
0xf: {  	[smem:$0x3F9E] =	sst s7  }
0x10: {  	[smem:$0x3F9F] =	sst s8  }
0x11: {  	[smem:$0x3FA0] =	sst s9;
	s0 =	simm.s32 @!p0 $0x0  }
0x12: {  	s1 =	sld [smem:$0x3F86];
	s0 =	simm.s32 @p0 $0x1  }
0x13: {  	[smem:$0x3FA1] =	sst s0;
	s0 =	simm.s32 @!p1 $0x0  }
0x14: {  	s2 =	sld [smem:$0x3F85];
	s0 =	simm.s32 @p1 $0x1  }
0x15: {  	[smem:$0x3FA2] =	sst s0;
	s0 =	simm.s32 @!p2 $0x0  }
0x16: {  	s3 =	sld [smem:$0x3FDB];
	s0 =	simm.s32 @p2 $0x1  }
0x17: {  	s4 =	simm.s32 $0x1BF5;
	[smem:$0x3FA4] =	sst s0  }
0x18: {  	s0 =	sld [smem:$0x3F87];
	_ =	swait.ge [sflag:s4], $0x0  }
0x19: {  	s7 =	sld [smem:$0x3F88]  }
0x1a: {  	s8 =	sadd.s32 $0xFFFFE003, lr  }
0x1b: {  	s9 =	sadd.s32 $0xFFFFFEF7, lr;
	s5 =	simm.s32 $0xFFFFFFFF;
	p2 =	slt.u32 s8, $0xFFFFF086  }
0x1c: {  	p1 =	slt.u32 s9, $0xF7A;
	s5 =	simm.s32 @!p2 $0x0  }
0x1d: {  	s5 =	simm.s32 @p1 $0x1;
	p0 =	seq.s32 s7, s2  }
0x1e: {  	s7 =	smul.u32 @!p0 $0xF7A, s2;
	p2 =	seq.s32 @!p0 s5, $0x0  }
0x1f: {  	s9 =	smul.u32 $0xF7A, s1;
	s8 =	simm.s32 @!p0 $0x1BF5;
	p2 =	por !p2, p0  }
0x20: {  	[sflag:s8] =	ssyncset.s32 @!p0 $0xFFFFF086;
	s6 =	sadd.s32 @!p0 s3, s7;
	s7 =	simm.s32 @!p0 $0x108  }
0x21: {  	s3 =	sadd.s32 s3, s9;
	s6 =	sadd.s32 @!p0 $0x88, s6;
	s7 =	simm.s32 @p2 $0x1082  }
0x22: {  	[simem:s7], [sflag:s8] =	dma.local @!p0 [hbm:s6], $0xF7A  }
0x23: {  	s9 =	sor.u32 $0xD0000000, s2;
	s6 =	simm.s32 $0x108;
	_ =	swait.ge @!p0 [sflag:s8], $0x0  }
0x24: {  	s3 =	sadd.s32 $0x88, s3;
	s6 =	simm.s32 @!p1 $0x1082;
	[sflag:s4] =	ssyncset.s32 $0xFFFFF086  }
0x25: {  	[simem:s6], [sflag:s4] =	dma.local [hbm:s3], $0xF7A  }
0x26: {  	[smem:$0x3F88] =	sst s1;
	(tag) =	ssettag s2;
	_ =	strace s9  }
0x27: {  	s1 =	sld [smem:$0x3F98]  }
0x28: {  	s2 =	sld [smem:$0x3F99]  }
0x29: {  	s4 =	sld [smem:$0x3F9B]  }
0x2a: {  	p0 =	seq.s32 s5, $0x0;
	s5 =	sld [smem:$0x3F9C]  }
0x2b: {  	s6 =	sld [smem:$0x3F9D]  }
0x2c: {  	s7 =	sld [smem:$0x3F9E]  }
0x2d: {  	s3 =	simm.s32 $0x108;
	s8 =	sld [smem:$0x3F9F]  }
0x2e: {  	s3 =	simm.s32 @!p0 $0x1082;
	s9 =	sld [smem:$0x3FA0]  }
0x2f: {  	lr =	sadd.s32 s0, s3;
	s0 =	sld [smem:$0x3F97]  }
0x30: {  	s3 =	sld [smem:$0x3F9A]  }
0x31: {  	[smem:$0x3FA3] =	sst s10  }
0x32: {  	s10 =	sld [smem:$0x3FA1];
	_ =	sdelay $0x3  }
0x33: {  	p0 =	seq.s32 s10, $0x1;
	s10 =	sld [smem:$0x3FA3];
	_ =	sdelay $0x3  }
0x34: {  	[smem:$0x3FA3] =	sst s10  }
0x35: {  	s10 =	sld [smem:$0x3FA2];
	_ =	sdelay $0x3  }
0x36: {  	p1 =	seq.s32 s10, $0x1;
	s10 =	sld [smem:$0x3FA3];
	_ =	sdelay $0x3  }
0x37: {  	[smem:$0x3FA3] =	sst s10  }
0x38: {  	s10 =	sld [smem:$0x3FA4]  }
0x39: {  	_ = 	snop;
	(pc) =	sbr.ind lr, $3  }
0x3a: {  	_ = 	snop  }
0x3b: {  	_ = 	snop  }
0x3c: {  	p2 =	seq.s32 s10, $0x1;
	s10 =	sld [smem:$0x3FA3]  }
0x3d: {  	_ =	shalt  }
0x3e: {  	_ =	shalt  }
0x3f: {  	_ =	shalt  }
0x40: {  	_ =	shalt  }
0x41: {  	_ =	shalt  }
0x42: {  	_ =	shalt  }
0x43: {  	_ =	shalt  }
0x44: {  	_ =	shalt  }
0x45: {  	_ =	shalt  }
0x46: {  	_ =	shalt  }
0x47: {  	_ =	shalt  }
0x48: {  	_ =	shalt  }
0x49: {  	_ =	shalt  }
0x4a: {  	_ =	shalt  }
0x4b: {  	_ =	shalt  }
0x4c: {  	_ =	shalt  }
0x4d: {  	_ =	shalt  }
0x4e: {  	_ =	shalt  }
0x4f: {  	_ =	shalt  }
0x50: {  	_ =	shalt  }
0x51: {  	_ =	shalt  }
0x52: {  	_ =	shalt  }
0x53: {  	_ =	shalt  }
0x54: {  	_ =	shalt  }
0x55: {  	_ =	shalt  }
0x56: {  	_ =	shalt  }
0x57: {  	_ =	shalt  }
0x58: {  	_ =	shalt  }
0x59: {  	_ =	shalt  }
0x5a: {  	_ =	shalt  }
0x5b: {  	_ =	shalt  }
0x5c: {  	_ =	shalt  }
0x5d: {  	_ =	shalt  }
0x5e: {  	_ =	shalt  }
0x5f: {  	_ =	shalt  }
0x60: {  	_ =	shalt  }
0x61: {  	_ =	shalt  }
0x62: {  	_ =	shalt  }
0x63: {  	_ =	shalt  }
0x64: {  	_ =	shalt  }
0x65: {  	_ =	shalt  }
0x66: {  	_ =	shalt  }
0x67: {  	_ =	shalt  }
0x68: {  	_ =	shalt  }
0x69: {  	_ =	shalt  }
0x6a: {  	_ =	shalt  }
0x6b: {  	_ =	shalt  }
0x6c: {  	_ =	shalt  }
0x6d: {  	_ =	shalt  }
0x6e: {  	_ =	shalt  }
0x6f: {  	_ =	shalt  }
0x70: {  	_ =	shalt  }
0x71: {  	_ =	shalt  }
0x72: {  	_ =	shalt  }
0x73: {  	_ =	shalt  }
0x74: {  	_ =	shalt  }
0x75: {  	_ =	shalt  }
0x76: {  	_ =	shalt  }
0x77: {  	_ =	shalt  }
0x78: {  	_ =	shalt  }
0x79: {  	_ =	shalt  }
0x7a: {  	_ =	shalt  }
0x7b: {  	_ =	shalt  }
0x7c: {  	_ =	shalt  }
0x7d: {  	_ =	shalt  }
0x7e: {  	_ =	shalt  }
0x7f: {  	_ =	shalt  }
0x80: {  	_ =	shalt  }
0x81: {  	_ =	shalt  }
0x82: {  	_ =	shalt  }
0x83: {  	_ =	shalt  }
0x84: {  	_ =	shalt  }
0x85: {  	_ =	shalt  }
0x86: {  	_ =	shalt  }
0x87: {  	_ =	shalt  }
.Lfunc_end0:
.L_simem_size_0:
called_computation.2_lowered:
.L_overlay_start_0:
0x88: {  	s2 =	sld [smem:$0x3FD9]  }
0x89: {  	s3 =	sld [smem:$0x3FFE];
	_ =	sdelay $0x1  }
0x8a: {  	s1 =	srdreg.scid  }
0x8b: {  	s0 =	sand.u32 $0x1, s1  }
0x8c: {  	s17 =	sshll.u32 s0, $0xA;
	s2 =	sadd.s32 s3, s2  }
0x8d: {  	s2 =	sadd.s32 s2, s17  }
0x8e: {  	[smem:$0x3FAF] =	sst s2  }
0x8f: {  	_ = 	snop  }
0x90: {  	(tm) =	ssettm $0x1  }
0x91: {  	s18 =	sld [smem:$0x3FFB];
	_ =	sdelay $0x3  }
0x92: {  	_ =	strace s18  }
0x93: {  	s2 =	sld [smem:$0x3FFC];
	_ =	sdelay $0x3  }
0x94: {  	_ =	strace s2  }
0x95: {  	s2 =	sld [smem:$0x3FFD];
	_ =	sdelay $0x3  }
0x96: {  	_ =	strace s2  }
0x97: {  	_ =	strace $0x8FFFFFFF  }
0x98: {  	s19 =	sld [smem:$0x3FDB];
	_ =	sdelay $0x1  }
0x99: {  	s20 =	simm.s32 $_scs_section_size  }
0x9a: {  	s4 =	simm.s32 $_size__tile_overlayer_lowered;
	s5 =	simm.s32 $_tile_overlayer_lowered  }
0x9b: {  	s6 =	simm.s32 $0x1BFF;
	s21 =	sshll.u32 s5, $0x1;
	s3 =	sadd.s32 s20, s19  }
0x9c: {  	s22 =	simm.s32 $0x0;
	s4 =	sshll.u32 s4, $0x1;
	s5 =	sadd.s32 s21, s3  }
0x9d: {  	[timem:s22], [sflag:s6] =	dma.local [hbm:s5], s4  }
0x9e: {  	_ =	swait.ge [sflag:s6], s4  }
0x9f: {  	s4 =	ssub.s32 $0x0, s4;
	[sflag:s6] =	ssyncset.done $0x0  }
0xa0: {  	[sflag:s6] =	ssyncadd.s32 s4;
	_ =	sdelay $0x1  }
0xa1: {  	s23 =	simm.s32 $0x1B8B  }
0xa2: {  	_ =	swait.ge [sflag:s23], $0x1  }
0xa3: {  	[sflag:s23] =	ssyncset.done $0x0  }
0xa4: {  	[sflag:s23] =	ssyncadd.s32 $0xFFFFFFFF  }
0xa5: {  	s4 =	sld [smem:$0x0]  }
0xa6: {  	s5 =	sand.u32 $0xFFFFFFFE, s1  }
0xa7: {  	p0 =	sne.s32 s1, s5  }
0xa8: {  	s5 =	sshll.u32 @p0 s5, $0xE  }
0xa9: {  	s5 =	sadd.s32 @p0 $0x11B8D, s5;
	s6 =	sshll.u32 @p0 s4, $0x11  }
0xaa: {  	s5 =	sor.u32 @p0 s6, s5  }
0xab: {  	[sflag:s5] =	ssyncadd.remote.s32 @p0 $0x1;
	_ =	sdelay $0x1  }
0xac: {  	s5 =	simm.s32 @p0 $0x1B8D  }
0xad: {  	_ =	swait.eq @p0 [sflag:s5], $0x1  }
0xae: {  	[sflag:s5] =	ssyncadd.s32 @p0 $0xFFFFFFFF  }
0xaf: {  	s6 =	sshll.u32 @!p0 s1, $0xE  }
0xb0: {  	s6 =	sor.u32 @!p0 $0x4000, s6;
	s5 =	simm.s32 @!p0 $0x1B8D  }
0xb1: {  	s4 =	sshll.u32 @!p0 s4, $0x11;
	s6 =	sadd.s32 @!p0 $0x11B8D, s6;
	_ =	swait.eq @!p0 [sflag:s5], $0x1  }
0xb2: {  	s4 =	sor.u32 @!p0 s4, s6;
	[sflag:s5] =	ssyncadd.s32 @!p0 $0xFFFFFFFF  }
0xb3: {  	s25 =	simm.s32 $0x1B8E;
	s24 =	sld [smem:$0x3FFE];
	[sflag:s4] =	ssyncadd.remote.s32 @!p0 $0x1  }
0xb4: {  	s26 =	simm.s32 $execute0_lowered;
	[smem:$0x3FD2] =	sst s25  }
0xb5: {  	s5 =	sshll.u32 s26, $0x1;
	_ =	strace $0x80000052;
	[dreg:$0x1] =	wrdreg $0xFFFFFFFF  }
0xb6: {  	s28 =	simm.s32 $_size_execute0_lowered;
	s3 =	sadd.s32 s3, s5;
	[dreg:$0x0] =	wrdreg $0x0  }
0xb7: {  	s5 =	sshll.u32 s28, $0x1;
	[dreg:$0x2] =	wrdreg s3  }
0xb8: {  	[dreg:$0x3] =	wrdreg s5  }
0xb9: {  	[dreg:$0x4] =	wrdreg $0xC0  }
0xba: {  	_ =	task [dreg:s22], $0x5FFFF  }
0xbb: {  	[dreg:$0x1] =	wrdreg $0xFFFFFFFF  }
0xbc: {  	[dreg:$0x0] =	wrdreg $0x60  }
0xbd: {  	[dreg:$0x2] =	wrdreg s24  }
0xbe: {  	[dreg:$0x3] =	wrdreg $0x9  }
0xbf: {  	_ =	task.clear_ibuf [dreg:s22], $0x4FFFF;
	_ =	strace $0x90000052  }
0xc0: {  	s29 =	simm.s32 $0x9;
	_ =	strace $0x80000054  }
0xc1: {  	_ =	swait.ge [sflag:s29], $0x1  }
0xc2: {  	[sflag:s29] =	ssyncadd.s32 $0xFFFFFFFF  }
0xc3: {  	_ =	strace $0x90000054  }
0xc4: {  	_ =	sfence  }
0xc5: {  	s30 =	sld [smem:$0x0];
	_ =	sdelay $0x2  }
0xc6: {  	s31 =	sshll.u32 s1, $0xD;
	s1 =	sshrl.u32 s1, $0x2  }
0xc7: {  	s4 =	sand.u32 $0x4000, s31;
	s1 =	sadd.s32 s1, s30  }
0xc8: {  	s0 =	sor.u32 s4, s0;
	s1 =	sshll.u32 s1, $0x11  }
0xc9: {  	s0 =	sor.u32 s1, s0  }
0xca: {  	s0 =	sadd.s32 $0x8F2B, s0  }
0xcb: {  	[sflag:s0] =	ssyncadd.remote.s32 $0x1  }
0xcc: {  	_ =	sfence.sel $0xFFFF  }
0xcd: {  	[dreg:$0x0] =	wrdreg $0xFFFFFFFF;
	(pc) =	sbr.abs _section_cstart, $3  }
0xce: {  	[dreg:$0x1] =	wrdreg $0xFFFFFFFF  }
0xcf: {  	_ =	task.clear_ibuf [dreg:s22], $0x2FFFF;
	_ =	strace $0x9FFFFFFF  }
0xd0: {  	(tm) =	ssettm $0x7FFFFFFF  }
0xd1: {  	_ =	shalt  }
tec
execute0_lowered:
.L_overlay_start_1:
0x0: {  	(tag) =	ssettag $0x1  }
0x1: {  	s4 =	rddreg [dreg:$0x0]  }
0x2: {  	s0 =	rddreg [dreg:$0x1];
	s2 =	simm.s32 $0x0;
	s1 =	stileid.u32  }
0x3: {  	s3 =	srdreg.scid;
	s10 =	simm.s32 $0x0;
	s6 =	smul.u32 $0x1400, s1  }
0x4: {  	[smem:$0x7FF] =	sst s2;
	s5 =	sand.u32 $0x1, s3;
	s8 =	smul.u32 $0xA000, s1  }
0x5: {  	s3 =	sadd.s32 $0x1B800, s4;
	s7 =	smul.u32 $0xA00, s5;
	s9 =	ssub.s32 $0x2, s5  }
0x6: {  	_ =	strace $0x80000053;
	s5 =	smul.u32 $0x5000, s5;
	s31 =	sshrl.u32 s9, $0x1  }
0x7: {  	s8 =	sadd.s32 s8, s4;
	s6 =	sadd.s32 s7, s6;
	s7 =	ssub.s32 s9, s31  }
0x8: {  	s5 =	sadd.s32 s5, s8;
	s8 =	simm.s32 $0x80;
	s6 =	sshrl.u32 s6, $0x3  }
0x9: {  	s9 =	simm.s32 $0x1;
	s5 =	sadd.s32 $0x4E000, s5;
	s6 =	sadd.s32 s6, s4  }
0xa: {  	s4 =	smax.u32 s7, $0x1;
	s7 =	simm.s32 $0x2;
	s6 =	sadd.s32 $0x19000, s6  }
.LBB2_1:
0xb: {  	s11 =	sadd.s32 $0x0, s6  }
0xc: {  	[tilespmem:s2], [sflag:$0x2] =	stream.linear.gather [hbm4b:s11+s2], $0x80, $0x38;
	[tilespmem:$0x2080] =	vst v63  }
0xd: {  	_ =	swait.ge [sflag:s7], $0x80  }
0xe: {  	[sflag:s7] =	ssyncset.done $0x0  }
0xf: {  	[sflag:s7] =	ssyncadd.s32 $0xFFFFFF80  }
0x10: {  	[tilespmem:s8], [sflag:$0x1] =	stream.indirect.gather [hbm4b:s3+s8], $0x40, s2, s8, $0xb8;
	[tilespmem:$0x2080] =	vst v63  }
0x11: {  	_ =	swait.ge [sflag:s9], $0x2000  }
0x12: {  	[sflag:s9] =	ssyncset.done $0x0  }
0x13: {  	[sflag:s9] =	ssyncadd.s32 $0xFFFFE000  }
0x14: {  	[hbm4b:s5+s2] =	stream.linear.scatter [tilespmem:s8], [sflag:$0x2], $0x2000, $0x38;
	[tilespmem:$0x2080] =	vst v63  }
0x15: {  	s12 =	simm.s32 $0x10;
	_ =	swait.ge [sflag:s7], $0x2000  }
0x16: {  	s13 =	simm.s32 $0x20;
	s11 =	sadd.s32 $0x400, s5;
	[sflag:s7] =	ssyncset.done $0x0  }
.LBB2_2:
0x17: {  	s14 =	sadd.s32 s12, s6  }
0x18: {  	[sflag:s7] =	ssyncadd.s32 $0xFFFFE000;
	s12 =	smov.u32 s13;
	s15 =	sadd.s32 $0x10, s13  }
0x19: {  	[tilespmem:s2], [sflag:$0x2] =	stream.linear.gather [hbm4b:s14+s2], $0x80, $0x38;
	[tilespmem:$0x2080] =	vst v63  }
0x1a: {  	p0 =	sne.s32 s13, $0x130;
	_ =	swait.ge [sflag:s7], $0x80  }
0x1b: {  	[sflag:s7] =	ssyncset.done $0x0  }
0x1c: {  	[sflag:s7] =	ssyncadd.s32 $0xFFFFFF80  }
0x1d: {  	[tilespmem:s8], [sflag:$0x1] =	stream.indirect.gather [hbm4b:s3+s8], $0x40, s2, s8, $0xb8;
	[tilespmem:$0x2080] =	vst v63  }
0x1e: {  	_ =	swait.ge [sflag:s9], $0x2000  }
.Ltmp0:
0x1f: {  	[sflag:s9] =	ssyncset.done $0x0;
	(pc) =	sbr.rel @p0 .LBB2_2-.Ltmp0, $4  }
0x20: {  	[sflag:s9] =	ssyncadd.s32 $0xFFFFE000  }
0x21: {  	[hbm4b:s11+s2] =	stream.linear.scatter [tilespmem:s8], [sflag:$0x2], $0x2000, $0x38;
	[tilespmem:$0x2080] =	vst v63  }
0x22: {  	_ =	swait.ge [sflag:s7], $0x2000  }
0x23: {  	s13 =	smov.u32 s15;
	s11 =	sadd.s32 $0x400, s11;
	[sflag:s7] =	ssyncset.done $0x0  }
0x24: {  	s12 =	sadd.s32 s12, s6;
	[sflag:s7] =	ssyncadd.s32 $0xFFFFE000  }
0x25: {  	[tilespmem:s2], [sflag:$0x2] =	stream.linear.gather [hbm4b:s12+s2], $0x80, $0x38;
	[tilespmem:$0x2080] =	vst v63  }
0x26: {  	_ =	swait.ge [sflag:s7], $0x80  }
0x27: {  	[sflag:s7] =	ssyncset.done $0x0  }
0x28: {  	[sflag:s7] =	ssyncadd.s32 $0xFFFFFF80  }
0x29: {  	[tilespmem:s8], [sflag:$0x1] =	stream.indirect.gather [hbm4b:s3+s8], $0x40, s2, s8, $0xb8;
	[tilespmem:$0x2080] =	vst v63  }
0x2a: {  	s10 =	sadd.s32 $0x1, s10;
	_ =	swait.ge [sflag:s9], $0x2000  }
0x2b: {  	p0 =	sne.s32 s10, s4;
	[sflag:s9] =	ssyncset.done $0x0  }
.Ltmp1:
0x2c: {  	[sflag:s9] =	ssyncadd.s32 $0xFFFFE000;
	(pc) =	sbr.rel @p0 .LBB2_1-.Ltmp1, $4  }
0x2d: {  	[hbm4b:s11+s2] =	stream.linear.scatter [tilespmem:s8], [sflag:$0x2], $0x2000, $0x38;
	[tilespmem:$0x2080] =	vst v63  }
0x2e: {  	_ =	swait.ge [sflag:s7], $0x2000  }
0x2f: {  	[sflag:s7] =	ssyncset.done $0x0  }
0x30: {  	[sflag:s7] =	ssyncadd.s32 $0xFFFFE000  }
0x31: {  	_ =	sfence.sel $0x180000  }
0x32: {  	[bflag:$0x0] =	sbarrier.arrive $0xFFFF  }
0x33: {  	p0 =	sne.s32 s1, $0x0;
	_ =	strace $0x90000053  }
0x34: {  	s0 =	sadd.s32 @!p0 $0x100000, s0;
	[bflag:$0x2] =	sbarrier.arrive $0xFFFF  }
0x35: {  	[sflag:s0] =	ssyncadd.tile.s32 @!p0 $0x1;
	_ =	shalt  }
.Lfunc_end2:
_tile_overlayer_lowered:
.L_overlay_start_2:
0x36: {  	(tag) =	ssettag $0x2  }
0x37: {  	s0 =	rddreg [dreg:$0x0];
	s2 =	stileid.u32  }
0x38: {  	s1 =	rddreg [dreg:$0x1];
	p0 =	sne.s32 s2, $0x0  }
0x39: {  	s3 =	rddreg [dreg:$0x2];
	[bflag:$0x3] =	sbarrier.arrive $0xFFFF;
	s2 =	simm.s32 @!p0 $0x1C02  }
0x3a: {  	[timem:s3], [sflag:s2] =	dma.local @!p0 [hbm:s0], s1  }
0x3b: {  	s0 =	simm.s32 @!p0 $0x2  }
0x3c: {  	_ =	swait.ge @!p0 [sflag:s0], s1  }
0x3d: {  	s1 =	ssub.s32 @!p0 $0x0, s1;
	[sflag:s0] =	ssyncset.done @!p0 $0x0  }
0x3e: {  	[sflag:s0] =	ssyncadd.s32 @!p0 s1  }
0x3f: {  	[bflag:$0x3] =	sbarrier.arrive $0xFFFF  }
0x40: {  	_ =	shalt  }

// kernel: kernel.37.cloned.1.call-start
scs
__scs_entry_jumppad:
0x0: {  	(pc) =	sbr.rel $0x88, $3  }
0x1: {  	(tag) =	ssettag $0x0;
	lr =	simm.s32 $0x1  }
0x2: {  	[smem:$0x3F88] =	sst lr;
	_ =	strace $0xD0000000  }
0x3: {  	_ = 	snop  }
0x4: {  	_ = 	snop  }
0x5: {  	_ = 	snop  }
0x6: {  	_ = 	snop  }
0x7: {  	_ = 	snop  }
__scs_overlays_trampoline_lowered:
0x8: {  	[smem:$0x3F97] =	sst s0  }
0x9: {  	[smem:$0x3F98] =	sst s1  }
0xa: {  	[smem:$0x3F99] =	sst s2  }
0xb: {  	[smem:$0x3F9A] =	sst s3  }
0xc: {  	[smem:$0x3F9B] =	sst s4  }
0xd: {  	[smem:$0x3F9C] =	sst s5  }
0xe: {  	[smem:$0x3F9D] =	sst s6  }
0xf: {  	[smem:$0x3F9E] =	sst s7  }
0x10: {  	[smem:$0x3F9F] =	sst s8  }
0x11: {  	[smem:$0x3FA0] =	sst s9;
	s0 =	simm.s32 @!p0 $0x0  }
0x12: {  	s1 =	sld [smem:$0x3F86];
	s0 =	simm.s32 @p0 $0x1  }
0x13: {  	[smem:$0x3FA1] =	sst s0;
	s0 =	simm.s32 @!p1 $0x0  }
0x14: {  	s2 =	sld [smem:$0x3F85];
	s0 =	simm.s32 @p1 $0x1  }
0x15: {  	[smem:$0x3FA2] =	sst s0;
	s0 =	simm.s32 @!p2 $0x0  }
0x16: {  	s3 =	sld [smem:$0x3FDB];
	s0 =	simm.s32 @p2 $0x1  }
0x17: {  	s4 =	simm.s32 $0x1BF5;
	[smem:$0x3FA4] =	sst s0  }
0x18: {  	s0 =	sld [smem:$0x3F87];
	_ =	swait.ge [sflag:s4], $0x0  }
0x19: {  	s7 =	sld [smem:$0x3F88]  }
0x1a: {  	s8 =	sadd.s32 $0xFFFFE003, lr  }
0x1b: {  	s9 =	sadd.s32 $0xFFFFFEF7, lr;
	s5 =	simm.s32 $0xFFFFFFFF;
	p2 =	slt.u32 s8, $0xFFFFF086  }
0x1c: {  	p1 =	slt.u32 s9, $0xF7A;
	s5 =	simm.s32 @!p2 $0x0  }
0x1d: {  	s5 =	simm.s32 @p1 $0x1;
	p0 =	seq.s32 s7, s2  }
0x1e: {  	s7 =	smul.u32 @!p0 $0xF7A, s2;
	p2 =	seq.s32 @!p0 s5, $0x0  }
0x1f: {  	s9 =	smul.u32 $0xF7A, s1;
	s8 =	simm.s32 @!p0 $0x1BF5;
	p2 =	por !p2, p0  }
0x20: {  	[sflag:s8] =	ssyncset.s32 @!p0 $0xFFFFF086;
	s6 =	sadd.s32 @!p0 s3, s7;
	s7 =	simm.s32 @!p0 $0x108  }
0x21: {  	s3 =	sadd.s32 s3, s9;
	s6 =	sadd.s32 @!p0 $0x88, s6;
	s7 =	simm.s32 @p2 $0x1082  }
0x22: {  	[simem:s7], [sflag:s8] =	dma.local @!p0 [hbm:s6], $0xF7A  }
0x23: {  	s9 =	sor.u32 $0xD0000000, s2;
	s6 =	simm.s32 $0x108;
	_ =	swait.ge @!p0 [sflag:s8], $0x0  }
0x24: {  	s3 =	sadd.s32 $0x88, s3;
	s6 =	simm.s32 @!p1 $0x1082;
	[sflag:s4] =	ssyncset.s32 $0xFFFFF086  }
0x25: {  	[simem:s6], [sflag:s4] =	dma.local [hbm:s3], $0xF7A  }
0x26: {  	[smem:$0x3F88] =	sst s1;
	(tag) =	ssettag s2;
	_ =	strace s9  }
0x27: {  	s1 =	sld [smem:$0x3F98]  }
0x28: {  	s2 =	sld [smem:$0x3F99]  }
0x29: {  	s4 =	sld [smem:$0x3F9B]  }
0x2a: {  	p0 =	seq.s32 s5, $0x0;
	s5 =	sld [smem:$0x3F9C]  }
0x2b: {  	s6 =	sld [smem:$0x3F9D]  }
0x2c: {  	s7 =	sld [smem:$0x3F9E]  }
0x2d: {  	s3 =	simm.s32 $0x108;
	s8 =	sld [smem:$0x3F9F]  }
0x2e: {  	s3 =	simm.s32 @!p0 $0x1082;
	s9 =	sld [smem:$0x3FA0]  }
0x2f: {  	lr =	sadd.s32 s0, s3;
	s0 =	sld [smem:$0x3F97]  }
0x30: {  	s3 =	sld [smem:$0x3F9A]  }
0x31: {  	[smem:$0x3FA3] =	sst s10  }
0x32: {  	s10 =	sld [smem:$0x3FA1];
	_ =	sdelay $0x3  }
0x33: {  	p0 =	seq.s32 s10, $0x1;
	s10 =	sld [smem:$0x3FA3];
	_ =	sdelay $0x3  }
0x34: {  	[smem:$0x3FA3] =	sst s10  }
0x35: {  	s10 =	sld [smem:$0x3FA2];
	_ =	sdelay $0x3  }
0x36: {  	p1 =	seq.s32 s10, $0x1;
	s10 =	sld [smem:$0x3FA3];
	_ =	sdelay $0x3  }
0x37: {  	[smem:$0x3FA3] =	sst s10  }
0x38: {  	s10 =	sld [smem:$0x3FA4]  }
0x39: {  	_ = 	snop;
	(pc) =	sbr.ind lr, $3  }
0x3a: {  	_ = 	snop  }
0x3b: {  	_ = 	snop  }
0x3c: {  	p2 =	seq.s32 s10, $0x1;
	s10 =	sld [smem:$0x3FA3]  }
0x3d: {  	_ =	shalt  }
0x3e: {  	_ =	shalt  }
0x3f: {  	_ =	shalt  }
0x40: {  	_ =	shalt  }
0x41: {  	_ =	shalt  }
0x42: {  	_ =	shalt  }
0x43: {  	_ =	shalt  }
0x44: {  	_ =	shalt  }
0x45: {  	_ =	shalt  }
0x46: {  	_ =	shalt  }
0x47: {  	_ =	shalt  }
0x48: {  	_ =	shalt  }
0x49: {  	_ =	shalt  }
0x4a: {  	_ =	shalt  }
0x4b: {  	_ =	shalt  }
0x4c: {  	_ =	shalt  }
0x4d: {  	_ =	shalt  }
0x4e: {  	_ =	shalt  }
0x4f: {  	_ =	shalt  }
0x50: {  	_ =	shalt  }
0x51: {  	_ =	shalt  }
0x52: {  	_ =	shalt  }
0x53: {  	_ =	shalt  }
0x54: {  	_ =	shalt  }
0x55: {  	_ =	shalt  }
0x56: {  	_ =	shalt  }
0x57: {  	_ =	shalt  }
0x58: {  	_ =	shalt  }
0x59: {  	_ =	shalt  }
0x5a: {  	_ =	shalt  }
0x5b: {  	_ =	shalt  }
0x5c: {  	_ =	shalt  }
0x5d: {  	_ =	shalt  }
0x5e: {  	_ =	shalt  }
0x5f: {  	_ =	shalt  }
0x60: {  	_ =	shalt  }
0x61: {  	_ =	shalt  }
0x62: {  	_ =	shalt  }
0x63: {  	_ =	shalt  }
0x64: {  	_ =	shalt  }
0x65: {  	_ =	shalt  }
0x66: {  	_ =	shalt  }
0x67: {  	_ =	shalt  }
0x68: {  	_ =	shalt  }
0x69: {  	_ =	shalt  }
0x6a: {  	_ =	shalt  }
0x6b: {  	_ =	shalt  }
0x6c: {  	_ =	shalt  }
0x6d: {  	_ =	shalt  }
0x6e: {  	_ =	shalt  }
0x6f: {  	_ =	shalt  }
0x70: {  	_ =	shalt  }
0x71: {  	_ =	shalt  }
0x72: {  	_ =	shalt  }
0x73: {  	_ =	shalt  }
0x74: {  	_ =	shalt  }
0x75: {  	_ =	shalt  }
0x76: {  	_ =	shalt  }
0x77: {  	_ =	shalt  }
0x78: {  	_ =	shalt  }
0x79: {  	_ =	shalt  }
0x7a: {  	_ =	shalt  }
0x7b: {  	_ =	shalt  }
0x7c: {  	_ =	shalt  }
0x7d: {  	_ =	shalt  }
0x7e: {  	_ =	shalt  }
0x7f: {  	_ =	shalt  }
0x80: {  	_ =	shalt  }
0x81: {  	_ =	shalt  }
0x82: {  	_ =	shalt  }
0x83: {  	_ =	shalt  }
0x84: {  	_ =	shalt  }
0x85: {  	_ =	shalt  }
0x86: {  	_ =	shalt  }
0x87: {  	_ =	shalt  }
.Lfunc_end0:
.L_simem_size_0:
called_computation.3_lowered:
.L_overlay_start_0:
0x88: {  	s2 =	sld [smem:$0x3FD9]  }
0x89: {  	s3 =	sld [smem:$0x3FFE];
	_ =	sdelay $0x1  }
0x8a: {  	s1 =	srdreg.scid  }
0x8b: {  	s0 =	sand.u32 $0x1, s1  }
0x8c: {  	s17 =	sshll.u32 s0, $0xA;
	s2 =	sadd.s32 s3, s2  }
0x8d: {  	s2 =	sadd.s32 s2, s17  }
0x8e: {  	[smem:$0x3FAF] =	sst s2  }
0x8f: {  	_ = 	snop  }
0x90: {  	(tm) =	ssettm $0x1  }
0x91: {  	s18 =	sld [smem:$0x3FFB];
	_ =	sdelay $0x3  }
0x92: {  	_ =	strace s18  }
0x93: {  	s2 =	sld [smem:$0x3FFC];
	_ =	sdelay $0x3  }
0x94: {  	_ =	strace s2  }
0x95: {  	s2 =	sld [smem:$0x3FFD];
	_ =	sdelay $0x3  }
0x96: {  	_ =	strace s2  }
0x97: {  	_ =	strace $0x8FFFFFFF  }
0x98: {  	s19 =	sld [smem:$0x3FDB];
	_ =	sdelay $0x1  }
0x99: {  	s20 =	simm.s32 $_scs_section_size  }
0x9a: {  	s4 =	simm.s32 $_size__tile_overlayer_lowered;
	s5 =	simm.s32 $_tile_overlayer_lowered  }
0x9b: {  	s6 =	simm.s32 $0x1BFF;
	s21 =	sshll.u32 s5, $0x1;
	s3 =	sadd.s32 s20, s19  }
0x9c: {  	s22 =	simm.s32 $0x0;
	s4 =	sshll.u32 s4, $0x1;
	s5 =	sadd.s32 s21, s3  }
0x9d: {  	[timem:s22], [sflag:s6] =	dma.local [hbm:s5], s4  }
0x9e: {  	_ =	swait.ge [sflag:s6], s4  }
0x9f: {  	s4 =	ssub.s32 $0x0, s4;
	[sflag:s6] =	ssyncset.done $0x0  }
0xa0: {  	[sflag:s6] =	ssyncadd.s32 s4;
	_ =	sdelay $0x1  }
0xa1: {  	s23 =	simm.s32 $0x1B8B  }
0xa2: {  	_ =	swait.ge [sflag:s23], $0x1  }
0xa3: {  	[sflag:s23] =	ssyncset.done $0x0  }
0xa4: {  	[sflag:s23] =	ssyncadd.s32 $0xFFFFFFFF  }
0xa5: {  	s4 =	sld [smem:$0x0]  }
0xa6: {  	s5 =	sand.u32 $0xFFFFFFFE, s1  }
0xa7: {  	p0 =	sne.s32 s1, s5  }
0xa8: {  	s5 =	sshll.u32 @p0 s5, $0xE  }
0xa9: {  	s5 =	sadd.s32 @p0 $0x11B8D, s5;
	s6 =	sshll.u32 @p0 s4, $0x11  }
0xaa: {  	s5 =	sor.u32 @p0 s6, s5  }
0xab: {  	[sflag:s5] =	ssyncadd.remote.s32 @p0 $0x1;
	_ =	sdelay $0x1  }
0xac: {  	s5 =	simm.s32 @p0 $0x1B8D  }
0xad: {  	_ =	swait.eq @p0 [sflag:s5], $0x1  }
0xae: {  	[sflag:s5] =	ssyncadd.s32 @p0 $0xFFFFFFFF  }
0xaf: {  	s6 =	sshll.u32 @!p0 s1, $0xE  }
0xb0: {  	s6 =	sor.u32 @!p0 $0x4000, s6;
	s5 =	simm.s32 @!p0 $0x1B8D  }
0xb1: {  	s4 =	sshll.u32 @!p0 s4, $0x11;
	s6 =	sadd.s32 @!p0 $0x11B8D, s6;
	_ =	swait.eq @!p0 [sflag:s5], $0x1  }
0xb2: {  	s4 =	sor.u32 @!p0 s4, s6;
	[sflag:s5] =	ssyncadd.s32 @!p0 $0xFFFFFFFF  }
0xb3: {  	s25 =	simm.s32 $0x1B8E;
	s24 =	sld [smem:$0x3FFE];
	[sflag:s4] =	ssyncadd.remote.s32 @!p0 $0x1  }
0xb4: {  	s26 =	simm.s32 $execute0_lowered;
	[smem:$0x3FD2] =	sst s25  }
0xb5: {  	s5 =	sshll.u32 s26, $0x1;
	_ =	strace $0x80000058;
	[dreg:$0x1] =	wrdreg $0xFFFFFFFF  }
0xb6: {  	s28 =	simm.s32 $_size_execute0_lowered;
	s3 =	sadd.s32 s3, s5;
	[dreg:$0x0] =	wrdreg $0x0  }
0xb7: {  	s5 =	sshll.u32 s28, $0x1;
	[dreg:$0x2] =	wrdreg s3  }
0xb8: {  	[dreg:$0x3] =	wrdreg s5  }
0xb9: {  	[dreg:$0x4] =	wrdreg $0xC0  }
0xba: {  	_ =	task [dreg:s22], $0x5FFFF  }
0xbb: {  	[dreg:$0x1] =	wrdreg $0xFFFFFFFF  }
0xbc: {  	[dreg:$0x0] =	wrdreg $0x60  }
0xbd: {  	[dreg:$0x2] =	wrdreg s24  }
0xbe: {  	[dreg:$0x3] =	wrdreg $0x9  }
0xbf: {  	_ =	task.clear_ibuf [dreg:s22], $0x4FFFF;
	_ =	strace $0x90000058  }
0xc0: {  	s29 =	simm.s32 $0x9;
	_ =	strace $0x8000005A  }
0xc1: {  	_ =	swait.ge [sflag:s29], $0x1  }
0xc2: {  	[sflag:s29] =	ssyncadd.s32 $0xFFFFFFFF  }
0xc3: {  	_ =	strace $0x9000005A  }
0xc4: {  	_ =	sfence  }
0xc5: {  	s30 =	sld [smem:$0x0];
	_ =	sdelay $0x2  }
0xc6: {  	s31 =	sshll.u32 s1, $0xD;
	s1 =	sshrl.u32 s1, $0x2  }
0xc7: {  	s4 =	sand.u32 $0x4000, s31;
	s1 =	sadd.s32 s1, s30  }
0xc8: {  	s0 =	sor.u32 s4, s0;
	s1 =	sshll.u32 s1, $0x11  }
0xc9: {  	s0 =	sor.u32 s1, s0  }
0xca: {  	s0 =	sadd.s32 $0x8F2B, s0  }
0xcb: {  	[sflag:s0] =	ssyncadd.remote.s32 $0x1  }
0xcc: {  	_ =	sfence.sel $0xFFFF  }
0xcd: {  	[dreg:$0x0] =	wrdreg $0xFFFFFFFF;
	(pc) =	sbr.abs _section_cstart, $3  }
0xce: {  	[dreg:$0x1] =	wrdreg $0xFFFFFFFF  }
0xcf: {  	_ =	task.clear_ibuf [dreg:s22], $0x2FFFF;
	_ =	strace $0x9FFFFFFF  }
0xd0: {  	(tm) =	ssettm $0x7FFFFFFF  }
0xd1: {  	_ =	shalt  }
tec
execute0_lowered:
.L_overlay_start_1:
0x0: {  	(tag) =	ssettag $0x1  }
0x1: {  	s4 =	rddreg [dreg:$0x0]  }
0x2: {  	s0 =	rddreg [dreg:$0x1];
	s2 =	simm.s32 $0x0;
	s1 =	stileid.u32  }
0x3: {  	s3 =	srdreg.scid;
	s10 =	simm.s32 $0x0;
	s6 =	smul.u32 $0x1400, s1  }
0x4: {  	[smem:$0x7FF] =	sst s2;
	s5 =	sand.u32 $0x1, s3;
	s8 =	smul.u32 $0x14000, s1  }
0x5: {  	s3 =	sadd.s32 $0x4E000, s4;
	s7 =	smul.u32 $0xA00, s5;
	s9 =	ssub.s32 $0x2, s5  }
0x6: {  	_ =	strace $0x80000059;
	s5 =	smul.u32 $0xA000, s5;
	s31 =	sshrl.u32 s9, $0x1  }
0x7: {  	s8 =	sadd.s32 s8, s4;
	s6 =	sadd.s32 s7, s6;
	s7 =	ssub.s32 s9, s31  }
0x8: {  	s5 =	sadd.s32 s5, s8;
	s8 =	simm.s32 $0x80;
	s6 =	sshrl.u32 s6, $0x3  }
0x9: {  	s9 =	simm.s32 $0x1;
	s5 =	sadd.s32 $0x18F000, s5;
	s6 =	sadd.s32 s6, s4  }
0xa: {  	s4 =	smax.u32 s7, $0x1;
	s7 =	simm.s32 $0x2;
	s6 =	sadd.s32 $0x19000, s6  }
.LBB2_1:
0xb: {  	s11 =	sadd.s32 $0x0, s6  }
0xc: {  	[tilespmem:s2], [sflag:$0x2] =	stream.linear.gather [hbm4b:s11+s2], $0x80, $0x38;
	[tilespmem:$0x4080] =	vst v63  }
0xd: {  	_ =	swait.ge [sflag:s7], $0x80  }
0xe: {  	[sflag:s7] =	ssyncset.done $0x0  }
0xf: {  	[sflag:s7] =	ssyncadd.s32 $0xFFFFFF80  }
0x10: {  	[tilespmem:s8], [sflag:$0x1] =	stream.indirect.gather [hbm4b:s3+s8], $0x80, s2, s8, $0xb8;
	[tilespmem:$0x4080] =	vst v63  }
0x11: {  	_ =	swait.ge [sflag:s9], $0x4000  }
0x12: {  	[sflag:s9] =	ssyncset.done $0x0  }
0x13: {  	[sflag:s9] =	ssyncadd.s32 $0xFFFFC000  }
0x14: {  	[hbm4b:s5+s2] =	stream.linear.scatter [tilespmem:s8], [sflag:$0x2], $0x4000, $0x38;
	[tilespmem:$0x4080] =	vst v63  }
0x15: {  	s12 =	simm.s32 $0x10;
	_ =	swait.ge [sflag:s7], $0x4000  }
0x16: {  	s13 =	simm.s32 $0x20;
	s11 =	sadd.s32 $0x800, s5;
	[sflag:s7] =	ssyncset.done $0x0  }
.LBB2_2:
0x17: {  	s14 =	sadd.s32 s12, s6  }
0x18: {  	[sflag:s7] =	ssyncadd.s32 $0xFFFFC000;
	s12 =	smov.u32 s13;
	s15 =	sadd.s32 $0x10, s13  }
0x19: {  	[tilespmem:s2], [sflag:$0x2] =	stream.linear.gather [hbm4b:s14+s2], $0x80, $0x38;
	[tilespmem:$0x4080] =	vst v63  }
0x1a: {  	p0 =	sne.s32 s13, $0x130;
	_ =	swait.ge [sflag:s7], $0x80  }
0x1b: {  	[sflag:s7] =	ssyncset.done $0x0  }
0x1c: {  	[sflag:s7] =	ssyncadd.s32 $0xFFFFFF80  }
0x1d: {  	[tilespmem:s8], [sflag:$0x1] =	stream.indirect.gather [hbm4b:s3+s8], $0x80, s2, s8, $0xb8;
	[tilespmem:$0x4080] =	vst v63  }
0x1e: {  	_ =	swait.ge [sflag:s9], $0x4000  }
.Ltmp0:
0x1f: {  	[sflag:s9] =	ssyncset.done $0x0;
	(pc) =	sbr.rel @p0 .LBB2_2-.Ltmp0, $4  }
0x20: {  	[sflag:s9] =	ssyncadd.s32 $0xFFFFC000  }
0x21: {  	[hbm4b:s11+s2] =	stream.linear.scatter [tilespmem:s8], [sflag:$0x2], $0x4000, $0x38;
	[tilespmem:$0x4080] =	vst v63  }
0x22: {  	_ =	swait.ge [sflag:s7], $0x4000  }
0x23: {  	s13 =	smov.u32 s15;
	s11 =	sadd.s32 $0x800, s11;
	[sflag:s7] =	ssyncset.done $0x0  }
0x24: {  	s12 =	sadd.s32 s12, s6;
	[sflag:s7] =	ssyncadd.s32 $0xFFFFC000  }
0x25: {  	[tilespmem:s2], [sflag:$0x2] =	stream.linear.gather [hbm4b:s12+s2], $0x80, $0x38;
	[tilespmem:$0x4080] =	vst v63  }
0x26: {  	_ =	swait.ge [sflag:s7], $0x80  }
0x27: {  	[sflag:s7] =	ssyncset.done $0x0  }
0x28: {  	[sflag:s7] =	ssyncadd.s32 $0xFFFFFF80  }
0x29: {  	[tilespmem:s8], [sflag:$0x1] =	stream.indirect.gather [hbm4b:s3+s8], $0x80, s2, s8, $0xb8;
	[tilespmem:$0x4080] =	vst v63  }
0x2a: {  	s10 =	sadd.s32 $0x1, s10;
	_ =	swait.ge [sflag:s9], $0x4000  }
0x2b: {  	p0 =	sne.s32 s10, s4;
	[sflag:s9] =	ssyncset.done $0x0  }
.Ltmp1:
0x2c: {  	[sflag:s9] =	ssyncadd.s32 $0xFFFFC000;
	(pc) =	sbr.rel @p0 .LBB2_1-.Ltmp1, $4  }
0x2d: {  	[hbm4b:s11+s2] =	stream.linear.scatter [tilespmem:s8], [sflag:$0x2], $0x4000, $0x38;
	[tilespmem:$0x4080] =	vst v63  }
0x2e: {  	_ =	swait.ge [sflag:s7], $0x4000  }
0x2f: {  	[sflag:s7] =	ssyncset.done $0x0  }
0x30: {  	[sflag:s7] =	ssyncadd.s32 $0xFFFFC000  }
0x31: {  	_ =	sfence.sel $0x180000  }
0x32: {  	[bflag:$0x0] =	sbarrier.arrive $0xFFFF  }
0x33: {  	p0 =	sne.s32 s1, $0x0;
	_ =	strace $0x90000059  }
0x34: {  	s0 =	sadd.s32 @!p0 $0x100000, s0;
	[bflag:$0x2] =	sbarrier.arrive $0xFFFF  }
0x35: {  	[sflag:s0] =	ssyncadd.tile.s32 @!p0 $0x1;
	_ =	shalt  }
.Lfunc_end2:
_tile_overlayer_lowered:
.L_overlay_start_2:
0x36: {  	(tag) =	ssettag $0x2  }
0x37: {  	s0 =	rddreg [dreg:$0x0];
	s2 =	stileid.u32  }
0x38: {  	s1 =	rddreg [dreg:$0x1];
	p0 =	sne.s32 s2, $0x0  }
0x39: {  	s3 =	rddreg [dreg:$0x2];
	[bflag:$0x3] =	sbarrier.arrive $0xFFFF;
	s2 =	simm.s32 @!p0 $0x1C02  }
0x3a: {  	[timem:s3], [sflag:s2] =	dma.local @!p0 [hbm:s0], s1  }
0x3b: {  	s0 =	simm.s32 @!p0 $0x2  }
0x3c: {  	_ =	swait.ge @!p0 [sflag:s0], s1  }
0x3d: {  	s1 =	ssub.s32 @!p0 $0x0, s1;
	[sflag:s0] =	ssyncset.done @!p0 $0x0  }
0x3e: {  	[sflag:s0] =	ssyncadd.s32 @!p0 s1  }
0x3f: {  	[bflag:$0x3] =	sbarrier.arrive $0xFFFF  }
0x40: {  	_ =	shalt  }

// kernel: kernel.40.cloned.1.call-start
scs
__scs_entry_jumppad:
0x0: {  	(pc) =	sbr.rel $0x88, $3  }
0x1: {  	(tag) =	ssettag $0x0;
	lr =	simm.s32 $0x1  }
0x2: {  	[smem:$0x3F88] =	sst lr;
	_ =	strace $0xD0000000  }
0x3: {  	_ = 	snop  }
0x4: {  	_ = 	snop  }
0x5: {  	_ = 	snop  }
0x6: {  	_ = 	snop  }
0x7: {  	_ = 	snop  }
__scs_overlays_trampoline_lowered:
0x8: {  	[smem:$0x3F97] =	sst s0  }
0x9: {  	[smem:$0x3F98] =	sst s1  }
0xa: {  	[smem:$0x3F99] =	sst s2  }
0xb: {  	[smem:$0x3F9A] =	sst s3  }
0xc: {  	[smem:$0x3F9B] =	sst s4  }
0xd: {  	[smem:$0x3F9C] =	sst s5  }
0xe: {  	[smem:$0x3F9D] =	sst s6  }
0xf: {  	[smem:$0x3F9E] =	sst s7  }
0x10: {  	[smem:$0x3F9F] =	sst s8  }
0x11: {  	[smem:$0x3FA0] =	sst s9;
	s0 =	simm.s32 @!p0 $0x0  }
0x12: {  	s1 =	sld [smem:$0x3F86];
	s0 =	simm.s32 @p0 $0x1  }
0x13: {  	[smem:$0x3FA1] =	sst s0;
	s0 =	simm.s32 @!p1 $0x0  }
0x14: {  	s2 =	sld [smem:$0x3F85];
	s0 =	simm.s32 @p1 $0x1  }
0x15: {  	[smem:$0x3FA2] =	sst s0;
	s0 =	simm.s32 @!p2 $0x0  }
0x16: {  	s3 =	sld [smem:$0x3FDB];
	s0 =	simm.s32 @p2 $0x1  }
0x17: {  	s4 =	simm.s32 $0x1BF5;
	[smem:$0x3FA4] =	sst s0  }
0x18: {  	s0 =	sld [smem:$0x3F87];
	_ =	swait.ge [sflag:s4], $0x0  }
0x19: {  	s7 =	sld [smem:$0x3F88]  }
0x1a: {  	s8 =	sadd.s32 $0xFFFFE003, lr  }
0x1b: {  	s9 =	sadd.s32 $0xFFFFFEF7, lr;
	s5 =	simm.s32 $0xFFFFFFFF;
	p2 =	slt.u32 s8, $0xFFFFF086  }
0x1c: {  	p1 =	slt.u32 s9, $0xF7A;
	s5 =	simm.s32 @!p2 $0x0  }
0x1d: {  	s5 =	simm.s32 @p1 $0x1;
	p0 =	seq.s32 s7, s2  }
0x1e: {  	s7 =	smul.u32 @!p0 $0xF7A, s2;
	p2 =	seq.s32 @!p0 s5, $0x0  }
0x1f: {  	s9 =	smul.u32 $0xF7A, s1;
	s8 =	simm.s32 @!p0 $0x1BF5;
	p2 =	por !p2, p0  }
0x20: {  	[sflag:s8] =	ssyncset.s32 @!p0 $0xFFFFF086;
	s6 =	sadd.s32 @!p0 s3, s7;
	s7 =	simm.s32 @!p0 $0x108  }
0x21: {  	s3 =	sadd.s32 s3, s9;
	s6 =	sadd.s32 @!p0 $0x88, s6;
	s7 =	simm.s32 @p2 $0x1082  }
0x22: {  	[simem:s7], [sflag:s8] =	dma.local @!p0 [hbm:s6], $0xF7A  }
0x23: {  	s9 =	sor.u32 $0xD0000000, s2;
	s6 =	simm.s32 $0x108;
	_ =	swait.ge @!p0 [sflag:s8], $0x0  }
0x24: {  	s3 =	sadd.s32 $0x88, s3;
	s6 =	simm.s32 @!p1 $0x1082;
	[sflag:s4] =	ssyncset.s32 $0xFFFFF086  }
0x25: {  	[simem:s6], [sflag:s4] =	dma.local [hbm:s3], $0xF7A  }
0x26: {  	[smem:$0x3F88] =	sst s1;
	(tag) =	ssettag s2;
	_ =	strace s9  }
0x27: {  	s1 =	sld [smem:$0x3F98]  }
0x28: {  	s2 =	sld [smem:$0x3F99]  }
0x29: {  	s4 =	sld [smem:$0x3F9B]  }
0x2a: {  	p0 =	seq.s32 s5, $0x0;
	s5 =	sld [smem:$0x3F9C]  }
0x2b: {  	s6 =	sld [smem:$0x3F9D]  }
0x2c: {  	s7 =	sld [smem:$0x3F9E]  }
0x2d: {  	s3 =	simm.s32 $0x108;
	s8 =	sld [smem:$0x3F9F]  }
0x2e: {  	s3 =	simm.s32 @!p0 $0x1082;
	s9 =	sld [smem:$0x3FA0]  }
0x2f: {  	lr =	sadd.s32 s0, s3;
	s0 =	sld [smem:$0x3F97]  }
0x30: {  	s3 =	sld [smem:$0x3F9A]  }
0x31: {  	[smem:$0x3FA3] =	sst s10  }
0x32: {  	s10 =	sld [smem:$0x3FA1];
	_ =	sdelay $0x3  }
0x33: {  	p0 =	seq.s32 s10, $0x1;
	s10 =	sld [smem:$0x3FA3];
	_ =	sdelay $0x3  }
0x34: {  	[smem:$0x3FA3] =	sst s10  }
0x35: {  	s10 =	sld [smem:$0x3FA2];
	_ =	sdelay $0x3  }
0x36: {  	p1 =	seq.s32 s10, $0x1;
	s10 =	sld [smem:$0x3FA3];
	_ =	sdelay $0x3  }
0x37: {  	[smem:$0x3FA3] =	sst s10  }
0x38: {  	s10 =	sld [smem:$0x3FA4]  }
0x39: {  	_ = 	snop;
	(pc) =	sbr.ind lr, $3  }
0x3a: {  	_ = 	snop  }
0x3b: {  	_ = 	snop  }
0x3c: {  	p2 =	seq.s32 s10, $0x1;
	s10 =	sld [smem:$0x3FA3]  }
0x3d: {  	_ =	shalt  }
0x3e: {  	_ =	shalt  }
0x3f: {  	_ =	shalt  }
0x40: {  	_ =	shalt  }
0x41: {  	_ =	shalt  }
0x42: {  	_ =	shalt  }
0x43: {  	_ =	shalt  }
0x44: {  	_ =	shalt  }
0x45: {  	_ =	shalt  }
0x46: {  	_ =	shalt  }
0x47: {  	_ =	shalt  }
0x48: {  	_ =	shalt  }
0x49: {  	_ =	shalt  }
0x4a: {  	_ =	shalt  }
0x4b: {  	_ =	shalt  }
0x4c: {  	_ =	shalt  }
0x4d: {  	_ =	shalt  }
0x4e: {  	_ =	shalt  }
0x4f: {  	_ =	shalt  }
0x50: {  	_ =	shalt  }
0x51: {  	_ =	shalt  }
0x52: {  	_ =	shalt  }
0x53: {  	_ =	shalt  }
0x54: {  	_ =	shalt  }
0x55: {  	_ =	shalt  }
0x56: {  	_ =	shalt  }
0x57: {  	_ =	shalt  }
0x58: {  	_ =	shalt  }
0x59: {  	_ =	shalt  }
0x5a: {  	_ =	shalt  }
0x5b: {  	_ =	shalt  }
0x5c: {  	_ =	shalt  }
0x5d: {  	_ =	shalt  }
0x5e: {  	_ =	shalt  }
0x5f: {  	_ =	shalt  }
0x60: {  	_ =	shalt  }
0x61: {  	_ =	shalt  }
0x62: {  	_ =	shalt  }
0x63: {  	_ =	shalt  }
0x64: {  	_ =	shalt  }
0x65: {  	_ =	shalt  }
0x66: {  	_ =	shalt  }
0x67: {  	_ =	shalt  }
0x68: {  	_ =	shalt  }
0x69: {  	_ =	shalt  }
0x6a: {  	_ =	shalt  }
0x6b: {  	_ =	shalt  }
0x6c: {  	_ =	shalt  }
0x6d: {  	_ =	shalt  }
0x6e: {  	_ =	shalt  }
0x6f: {  	_ =	shalt  }
0x70: {  	_ =	shalt  }
0x71: {  	_ =	shalt  }
0x72: {  	_ =	shalt  }
0x73: {  	_ =	shalt  }
0x74: {  	_ =	shalt  }
0x75: {  	_ =	shalt  }
0x76: {  	_ =	shalt  }
0x77: {  	_ =	shalt  }
0x78: {  	_ =	shalt  }
0x79: {  	_ =	shalt  }
0x7a: {  	_ =	shalt  }
0x7b: {  	_ =	shalt  }
0x7c: {  	_ =	shalt  }
0x7d: {  	_ =	shalt  }
0x7e: {  	_ =	shalt  }
0x7f: {  	_ =	shalt  }
0x80: {  	_ =	shalt  }
0x81: {  	_ =	shalt  }
0x82: {  	_ =	shalt  }
0x83: {  	_ =	shalt  }
0x84: {  	_ =	shalt  }
0x85: {  	_ =	shalt  }
0x86: {  	_ =	shalt  }
0x87: {  	_ =	shalt  }
.Lfunc_end0:
.L_simem_size_0:
called_computation.4_lowered:
.L_overlay_start_0:
0x88: {  	s2 =	sld [smem:$0x3FD9]  }
0x89: {  	s3 =	sld [smem:$0x3FFE];
	_ =	sdelay $0x1  }
0x8a: {  	s1 =	srdreg.scid  }
0x8b: {  	s0 =	sand.u32 $0x1, s1  }
0x8c: {  	s17 =	sshll.u32 s0, $0xA;
	s2 =	sadd.s32 s3, s2  }
0x8d: {  	s2 =	sadd.s32 s2, s17  }
0x8e: {  	[smem:$0x3FAF] =	sst s2  }
0x8f: {  	_ = 	snop  }
0x90: {  	(tm) =	ssettm $0x1  }
0x91: {  	s18 =	sld [smem:$0x3FFB];
	_ =	sdelay $0x3  }
0x92: {  	_ =	strace s18  }
0x93: {  	s2 =	sld [smem:$0x3FFC];
	_ =	sdelay $0x3  }
0x94: {  	_ =	strace s2  }
0x95: {  	s2 =	sld [smem:$0x3FFD];
	_ =	sdelay $0x3  }
0x96: {  	_ =	strace s2  }
0x97: {  	_ =	strace $0x8FFFFFFF  }
0x98: {  	s19 =	sld [smem:$0x3FDB];
	_ =	sdelay $0x1  }
0x99: {  	s20 =	simm.s32 $_scs_section_size  }
0x9a: {  	s4 =	simm.s32 $_size__tile_overlayer_lowered;
	s5 =	simm.s32 $_tile_overlayer_lowered  }
0x9b: {  	s6 =	simm.s32 $0x1BFF;
	s21 =	sshll.u32 s5, $0x1;
	s3 =	sadd.s32 s20, s19  }
0x9c: {  	s22 =	simm.s32 $0x0;
	s4 =	sshll.u32 s4, $0x1;
	s5 =	sadd.s32 s21, s3  }
0x9d: {  	[timem:s22], [sflag:s6] =	dma.local [hbm:s5], s4  }
0x9e: {  	_ =	swait.ge [sflag:s6], s4  }
0x9f: {  	s4 =	ssub.s32 $0x0, s4;
	[sflag:s6] =	ssyncset.done $0x0  }
0xa0: {  	[sflag:s6] =	ssyncadd.s32 s4;
	_ =	sdelay $0x1  }
0xa1: {  	s23 =	simm.s32 $0x1B8B  }
0xa2: {  	_ =	swait.ge [sflag:s23], $0x1  }
0xa3: {  	[sflag:s23] =	ssyncset.done $0x0  }
0xa4: {  	[sflag:s23] =	ssyncadd.s32 $0xFFFFFFFF  }
0xa5: {  	s4 =	sld [smem:$0x0]  }
0xa6: {  	s5 =	sand.u32 $0xFFFFFFFE, s1  }
0xa7: {  	p0 =	sne.s32 s1, s5  }
0xa8: {  	s5 =	sshll.u32 @p0 s5, $0xE  }
0xa9: {  	s5 =	sadd.s32 @p0 $0x11B8D, s5;
	s6 =	sshll.u32 @p0 s4, $0x11  }
0xaa: {  	s5 =	sor.u32 @p0 s6, s5  }
0xab: {  	[sflag:s5] =	ssyncadd.remote.s32 @p0 $0x1;
	_ =	sdelay $0x1  }
0xac: {  	s5 =	simm.s32 @p0 $0x1B8D  }
0xad: {  	_ =	swait.eq @p0 [sflag:s5], $0x1  }
0xae: {  	[sflag:s5] =	ssyncadd.s32 @p0 $0xFFFFFFFF  }
0xaf: {  	s6 =	sshll.u32 @!p0 s1, $0xE  }
0xb0: {  	s6 =	sor.u32 @!p0 $0x4000, s6;
	s5 =	simm.s32 @!p0 $0x1B8D  }
0xb1: {  	s4 =	sshll.u32 @!p0 s4, $0x11;
	s6 =	sadd.s32 @!p0 $0x11B8D, s6;
	_ =	swait.eq @!p0 [sflag:s5], $0x1  }
0xb2: {  	s4 =	sor.u32 @!p0 s4, s6;
	[sflag:s5] =	ssyncadd.s32 @!p0 $0xFFFFFFFF  }
0xb3: {  	s25 =	simm.s32 $0x1B8E;
	s24 =	sld [smem:$0x3FFE];
	[sflag:s4] =	ssyncadd.remote.s32 @!p0 $0x1  }
0xb4: {  	s26 =	simm.s32 $execute0_lowered;
	[smem:$0x3FD2] =	sst s25  }
0xb5: {  	s5 =	sshll.u32 s26, $0x1;
	_ =	strace $0x80000049;
	[dreg:$0x1] =	wrdreg $0xFFFFFFFF  }
0xb6: {  	s28 =	simm.s32 $_size_execute0_lowered;
	s3 =	sadd.s32 s3, s5;
	[dreg:$0x0] =	wrdreg $0x0  }
0xb7: {  	s5 =	sshll.u32 s28, $0x1;
	[dreg:$0x2] =	wrdreg s3  }
0xb8: {  	[dreg:$0x3] =	wrdreg s5  }
0xb9: {  	[dreg:$0x4] =	wrdreg $0xC0  }
0xba: {  	_ =	task [dreg:s22], $0x5FFFF  }
0xbb: {  	[dreg:$0x1] =	wrdreg $0xFFFFFFFF  }
0xbc: {  	[dreg:$0x0] =	wrdreg $0x60  }
0xbd: {  	[dreg:$0x2] =	wrdreg s24  }
0xbe: {  	[dreg:$0x3] =	wrdreg $0xA  }
0xbf: {  	_ =	task.clear_ibuf [dreg:s22], $0x4FFFF;
	_ =	strace $0x90000049  }
0xc0: {  	s29 =	simm.s32 $0xA;
	_ =	strace $0x8000004B  }
0xc1: {  	_ =	swait.ge [sflag:s29], $0x1  }
0xc2: {  	[sflag:s29] =	ssyncadd.s32 $0xFFFFFFFF  }
0xc3: {  	_ =	strace $0x9000004B  }
0xc4: {  	_ =	sfence  }
0xc5: {  	s30 =	sld [smem:$0x0];
	_ =	sdelay $0x2  }
0xc6: {  	s31 =	sshll.u32 s1, $0xD;
	s1 =	sshrl.u32 s1, $0x2  }
0xc7: {  	s4 =	sand.u32 $0x4000, s31;
	s1 =	sadd.s32 s1, s30  }
0xc8: {  	s0 =	sor.u32 s4, s0;
	s1 =	sshll.u32 s1, $0x11  }
0xc9: {  	s0 =	sor.u32 s1, s0  }
0xca: {  	s0 =	sadd.s32 $0x8F2B, s0  }
0xcb: {  	[sflag:s0] =	ssyncadd.remote.s32 $0x1  }
0xcc: {  	_ =	sfence.sel $0xFFFF  }
0xcd: {  	[dreg:$0x0] =	wrdreg $0xFFFFFFFF;
	(pc) =	sbr.abs _section_cstart, $3  }
0xce: {  	[dreg:$0x1] =	wrdreg $0xFFFFFFFF  }
0xcf: {  	_ =	task.clear_ibuf [dreg:s22], $0x2FFFF;
	_ =	strace $0x9FFFFFFF  }
0xd0: {  	(tm) =	ssettm $0x7FFFFFFF  }
0xd1: {  	_ =	shalt  }
tec
execute0_lowered:
.L_overlay_start_1:
0x0: {  	(tag) =	ssettag $0x1  }
0x1: {  	s4 =	rddreg [dreg:$0x0]  }
0x2: {  	s0 =	rddreg [dreg:$0x1];
	s2 =	simm.s32 $0x0;
	s1 =	stileid.u32  }
0x3: {  	s3 =	srdreg.scid;
	s10 =	simm.s32 $0x0;
	s6 =	smul.u32 $0x1400, s1  }
0x4: {  	[smem:$0x7FF] =	sst s2;
	s5 =	sand.u32 $0x1, s3;
	s8 =	smul.u32 $0x2800, s1  }
0x5: {  	s3 =	sadd.s32 $0x38000, s4;
	s7 =	smul.u32 $0xA00, s5;
	s9 =	ssub.s32 $0x2, s5  }
0x6: {  	_ =	strace $0x8000004A;
	s5 =	smul.u32 $0x1400, s5;
	s31 =	sshrl.u32 s9, $0x1  }
0x7: {  	s8 =	sadd.s32 s8, s4;
	s6 =	sadd.s32 s7, s6;
	s7 =	ssub.s32 s9, s31  }
0x8: {  	s5 =	sadd.s32 s5, s8;
	s8 =	simm.s32 $0x80;
	s6 =	sshrl.u32 s6, $0x3  }
0x9: {  	s9 =	simm.s32 $0x1;
	s5 =	sadd.s32 $0x3A000, s5;
	s6 =	sadd.s32 s6, s4  }
0xa: {  	s4 =	smax.u32 s7, $0x1;
	s7 =	simm.s32 $0x2;
	s6 =	sadd.s32 $0x35800, s6  }
.LBB2_1:
0xb: {  	s11 =	sadd.s32 $0x0, s6  }
0xc: {  	[tilespmem:s2], [sflag:$0x2] =	stream.linear.gather [hbm4b:s11+s2], $0x80, $0x38;
	[tilespmem:$0x880] =	vst v63  }
0xd: {  	_ =	swait.ge [sflag:s7], $0x80  }
0xe: {  	[sflag:s7] =	ssyncset.done $0x0  }
0xf: {  	[sflag:s7] =	ssyncadd.s32 $0xFFFFFF80  }
0x10: {  	[tilespmem:s8], [sflag:$0x1] =	stream.indirect.gather [hbm4b:s3+s8], $0x10, s2, s8, $0xb8;
	[tilespmem:$0x880] =	vst v63  }
0x11: {  	_ =	swait.ge [sflag:s9], $0x800  }
0x12: {  	[sflag:s9] =	ssyncset.done $0x0  }
0x13: {  	[sflag:s9] =	ssyncadd.s32 $0xFFFFF800  }
0x14: {  	[hbm4b:s5+s2] =	stream.linear.scatter [tilespmem:s8], [sflag:$0x2], $0x800, $0x38;
	[tilespmem:$0x880] =	vst v63  }
0x15: {  	s12 =	simm.s32 $0x10;
	_ =	swait.ge [sflag:s7], $0x800  }
0x16: {  	s13 =	simm.s32 $0x20;
	s11 =	sadd.s32 $0x100, s5;
	[sflag:s7] =	ssyncset.done $0x0  }
.LBB2_2:
0x17: {  	s14 =	sadd.s32 s12, s6  }
0x18: {  	[sflag:s7] =	ssyncadd.s32 $0xFFFFF800;
	s12 =	smov.u32 s13;
	s15 =	sadd.s32 $0x10, s13  }
0x19: {  	[tilespmem:s2], [sflag:$0x2] =	stream.linear.gather [hbm4b:s14+s2], $0x80, $0x38;
	[tilespmem:$0x880] =	vst v63  }
0x1a: {  	p0 =	sne.s32 s13, $0x130;
	_ =	swait.ge [sflag:s7], $0x80  }
0x1b: {  	[sflag:s7] =	ssyncset.done $0x0  }
0x1c: {  	[sflag:s7] =	ssyncadd.s32 $0xFFFFFF80  }
0x1d: {  	[tilespmem:s8], [sflag:$0x1] =	stream.indirect.gather [hbm4b:s3+s8], $0x10, s2, s8, $0xb8;
	[tilespmem:$0x880] =	vst v63  }
0x1e: {  	_ =	swait.ge [sflag:s9], $0x800  }
.Ltmp0:
0x1f: {  	[sflag:s9] =	ssyncset.done $0x0;
	(pc) =	sbr.rel @p0 .LBB2_2-.Ltmp0, $4  }
0x20: {  	[sflag:s9] =	ssyncadd.s32 $0xFFFFF800  }
0x21: {  	[hbm4b:s11+s2] =	stream.linear.scatter [tilespmem:s8], [sflag:$0x2], $0x800, $0x38;
	[tilespmem:$0x880] =	vst v63  }
0x22: {  	_ =	swait.ge [sflag:s7], $0x800  }
0x23: {  	s13 =	smov.u32 s15;
	s11 =	sadd.s32 $0x100, s11;
	[sflag:s7] =	ssyncset.done $0x0  }
0x24: {  	s12 =	sadd.s32 s12, s6;
	[sflag:s7] =	ssyncadd.s32 $0xFFFFF800  }
0x25: {  	[tilespmem:s2], [sflag:$0x2] =	stream.linear.gather [hbm4b:s12+s2], $0x80, $0x38;
	[tilespmem:$0x880] =	vst v63  }
0x26: {  	_ =	swait.ge [sflag:s7], $0x80  }
0x27: {  	[sflag:s7] =	ssyncset.done $0x0  }
0x28: {  	[sflag:s7] =	ssyncadd.s32 $0xFFFFFF80  }
0x29: {  	[tilespmem:s8], [sflag:$0x1] =	stream.indirect.gather [hbm4b:s3+s8], $0x10, s2, s8, $0xb8;
	[tilespmem:$0x880] =	vst v63  }
0x2a: {  	s10 =	sadd.s32 $0x1, s10;
	_ =	swait.ge [sflag:s9], $0x800  }
0x2b: {  	p0 =	sne.s32 s10, s4;
	[sflag:s9] =	ssyncset.done $0x0  }
.Ltmp1:
0x2c: {  	[sflag:s9] =	ssyncadd.s32 $0xFFFFF800;
	(pc) =	sbr.rel @p0 .LBB2_1-.Ltmp1, $4  }
0x2d: {  	[hbm4b:s11+s2] =	stream.linear.scatter [tilespmem:s8], [sflag:$0x2], $0x800, $0x38;
	[tilespmem:$0x880] =	vst v63  }
0x2e: {  	_ =	swait.ge [sflag:s7], $0x800  }
0x2f: {  	[sflag:s7] =	ssyncset.done $0x0  }
0x30: {  	[sflag:s7] =	ssyncadd.s32 $0xFFFFF800  }
0x31: {  	_ =	sfence.sel $0x180000  }
0x32: {  	[bflag:$0x0] =	sbarrier.arrive $0xFFFF  }
0x33: {  	p0 =	sne.s32 s1, $0x0;
	_ =	strace $0x9000004A  }
0x34: {  	s0 =	sadd.s32 @!p0 $0x100000, s0;
	[bflag:$0x2] =	sbarrier.arrive $0xFFFF  }
0x35: {  	[sflag:s0] =	ssyncadd.tile.s32 @!p0 $0x1;
	_ =	shalt  }
.Lfunc_end2:
_tile_overlayer_lowered:
.L_overlay_start_2:
0x36: {  	(tag) =	ssettag $0x2  }
0x37: {  	s0 =	rddreg [dreg:$0x0];
	s2 =	stileid.u32  }
0x38: {  	s1 =	rddreg [dreg:$0x1];
	p0 =	sne.s32 s2, $0x0  }
0x39: {  	s3 =	rddreg [dreg:$0x2];
	[bflag:$0x3] =	sbarrier.arrive $0xFFFF;
	s2 =	simm.s32 @!p0 $0x1C02  }
0x3a: {  	[timem:s3], [sflag:s2] =	dma.local @!p0 [hbm:s0], s1  }
0x3b: {  	s0 =	simm.s32 @!p0 $0x2  }
0x3c: {  	_ =	swait.ge @!p0 [sflag:s0], s1  }
0x3d: {  	s1 =	ssub.s32 @!p0 $0x0, s1;
	[sflag:s0] =	ssyncset.done @!p0 $0x0  }
0x3e: {  	[sflag:s0] =	ssyncadd.s32 @!p0 s1  }
0x3f: {  	[bflag:$0x3] =	sbarrier.arrive $0xFFFF  }
0x40: {  	_ =	shalt  }

// kernel: kernel.43.cloned.1.call-start
scs
__scs_entry_jumppad:
0x0: {  	(pc) =	sbr.rel $0x88, $3  }
0x1: {  	(tag) =	ssettag $0x0;
	lr =	simm.s32 $0x1  }
0x2: {  	[smem:$0x3F88] =	sst lr;
	_ =	strace $0xD0000000  }
0x3: {  	_ = 	snop  }
0x4: {  	_ = 	snop  }
0x5: {  	_ = 	snop  }
0x6: {  	_ = 	snop  }
0x7: {  	_ = 	snop  }
__scs_overlays_trampoline_lowered:
0x8: {  	[smem:$0x3F97] =	sst s0  }
0x9: {  	[smem:$0x3F98] =	sst s1  }
0xa: {  	[smem:$0x3F99] =	sst s2  }
0xb: {  	[smem:$0x3F9A] =	sst s3  }
0xc: {  	[smem:$0x3F9B] =	sst s4  }
0xd: {  	[smem:$0x3F9C] =	sst s5  }
0xe: {  	[smem:$0x3F9D] =	sst s6  }
0xf: {  	[smem:$0x3F9E] =	sst s7  }
0x10: {  	[smem:$0x3F9F] =	sst s8  }
0x11: {  	[smem:$0x3FA0] =	sst s9;
	s0 =	simm.s32 @!p0 $0x0  }
0x12: {  	s1 =	sld [smem:$0x3F86];
	s0 =	simm.s32 @p0 $0x1  }
0x13: {  	[smem:$0x3FA1] =	sst s0;
	s0 =	simm.s32 @!p1 $0x0  }
0x14: {  	s2 =	sld [smem:$0x3F85];
	s0 =	simm.s32 @p1 $0x1  }
0x15: {  	[smem:$0x3FA2] =	sst s0;
	s0 =	simm.s32 @!p2 $0x0  }
0x16: {  	s3 =	sld [smem:$0x3FDB];
	s0 =	simm.s32 @p2 $0x1  }
0x17: {  	s4 =	simm.s32 $0x1BF5;
	[smem:$0x3FA4] =	sst s0  }
0x18: {  	s0 =	sld [smem:$0x3F87];
	_ =	swait.ge [sflag:s4], $0x0  }
0x19: {  	s7 =	sld [smem:$0x3F88]  }
0x1a: {  	s8 =	sadd.s32 $0xFFFFE003, lr  }
0x1b: {  	s9 =	sadd.s32 $0xFFFFFEF7, lr;
	s5 =	simm.s32 $0xFFFFFFFF;
	p2 =	slt.u32 s8, $0xFFFFF086  }
0x1c: {  	p1 =	slt.u32 s9, $0xF7A;
	s5 =	simm.s32 @!p2 $0x0  }
0x1d: {  	s5 =	simm.s32 @p1 $0x1;
	p0 =	seq.s32 s7, s2  }
0x1e: {  	s7 =	smul.u32 @!p0 $0xF7A, s2;
	p2 =	seq.s32 @!p0 s5, $0x0  }
0x1f: {  	s9 =	smul.u32 $0xF7A, s1;
	s8 =	simm.s32 @!p0 $0x1BF5;
	p2 =	por !p2, p0  }
0x20: {  	[sflag:s8] =	ssyncset.s32 @!p0 $0xFFFFF086;
	s6 =	sadd.s32 @!p0 s3, s7;
	s7 =	simm.s32 @!p0 $0x108  }
0x21: {  	s3 =	sadd.s32 s3, s9;
	s6 =	sadd.s32 @!p0 $0x88, s6;
	s7 =	simm.s32 @p2 $0x1082  }
0x22: {  	[simem:s7], [sflag:s8] =	dma.local @!p0 [hbm:s6], $0xF7A  }
0x23: {  	s9 =	sor.u32 $0xD0000000, s2;
	s6 =	simm.s32 $0x108;
	_ =	swait.ge @!p0 [sflag:s8], $0x0  }
0x24: {  	s3 =	sadd.s32 $0x88, s3;
	s6 =	simm.s32 @!p1 $0x1082;
	[sflag:s4] =	ssyncset.s32 $0xFFFFF086  }
0x25: {  	[simem:s6], [sflag:s4] =	dma.local [hbm:s3], $0xF7A  }
0x26: {  	[smem:$0x3F88] =	sst s1;
	(tag) =	ssettag s2;
	_ =	strace s9  }
0x27: {  	s1 =	sld [smem:$0x3F98]  }
0x28: {  	s2 =	sld [smem:$0x3F99]  }
0x29: {  	s4 =	sld [smem:$0x3F9B]  }
0x2a: {  	p0 =	seq.s32 s5, $0x0;
	s5 =	sld [smem:$0x3F9C]  }
0x2b: {  	s6 =	sld [smem:$0x3F9D]  }
0x2c: {  	s7 =	sld [smem:$0x3F9E]  }
0x2d: {  	s3 =	simm.s32 $0x108;
	s8 =	sld [smem:$0x3F9F]  }
0x2e: {  	s3 =	simm.s32 @!p0 $0x1082;
	s9 =	sld [smem:$0x3FA0]  }
0x2f: {  	lr =	sadd.s32 s0, s3;
	s0 =	sld [smem:$0x3F97]  }
0x30: {  	s3 =	sld [smem:$0x3F9A]  }
0x31: {  	[smem:$0x3FA3] =	sst s10  }
0x32: {  	s10 =	sld [smem:$0x3FA1];
	_ =	sdelay $0x3  }
0x33: {  	p0 =	seq.s32 s10, $0x1;
	s10 =	sld [smem:$0x3FA3];
	_ =	sdelay $0x3  }
0x34: {  	[smem:$0x3FA3] =	sst s10  }
0x35: {  	s10 =	sld [smem:$0x3FA2];
	_ =	sdelay $0x3  }
0x36: {  	p1 =	seq.s32 s10, $0x1;
	s10 =	sld [smem:$0x3FA3];
	_ =	sdelay $0x3  }
0x37: {  	[smem:$0x3FA3] =	sst s10  }
0x38: {  	s10 =	sld [smem:$0x3FA4]  }
0x39: {  	_ = 	snop;
	(pc) =	sbr.ind lr, $3  }
0x3a: {  	_ = 	snop  }
0x3b: {  	_ = 	snop  }
0x3c: {  	p2 =	seq.s32 s10, $0x1;
	s10 =	sld [smem:$0x3FA3]  }
0x3d: {  	_ =	shalt  }
0x3e: {  	_ =	shalt  }
0x3f: {  	_ =	shalt  }
0x40: {  	_ =	shalt  }
0x41: {  	_ =	shalt  }
0x42: {  	_ =	shalt  }
0x43: {  	_ =	shalt  }
0x44: {  	_ =	shalt  }
0x45: {  	_ =	shalt  }
0x46: {  	_ =	shalt  }
0x47: {  	_ =	shalt  }
0x48: {  	_ =	shalt  }
0x49: {  	_ =	shalt  }
0x4a: {  	_ =	shalt  }
0x4b: {  	_ =	shalt  }
0x4c: {  	_ =	shalt  }
0x4d: {  	_ =	shalt  }
0x4e: {  	_ =	shalt  }
0x4f: {  	_ =	shalt  }
0x50: {  	_ =	shalt  }
0x51: {  	_ =	shalt  }
0x52: {  	_ =	shalt  }
0x53: {  	_ =	shalt  }
0x54: {  	_ =	shalt  }
0x55: {  	_ =	shalt  }
0x56: {  	_ =	shalt  }
0x57: {  	_ =	shalt  }
0x58: {  	_ =	shalt  }
0x59: {  	_ =	shalt  }
0x5a: {  	_ =	shalt  }
0x5b: {  	_ =	shalt  }
0x5c: {  	_ =	shalt  }
0x5d: {  	_ =	shalt  }
0x5e: {  	_ =	shalt  }
0x5f: {  	_ =	shalt  }
0x60: {  	_ =	shalt  }
0x61: {  	_ =	shalt  }
0x62: {  	_ =	shalt  }
0x63: {  	_ =	shalt  }
0x64: {  	_ =	shalt  }
0x65: {  	_ =	shalt  }
0x66: {  	_ =	shalt  }
0x67: {  	_ =	shalt  }
0x68: {  	_ =	shalt  }
0x69: {  	_ =	shalt  }
0x6a: {  	_ =	shalt  }
0x6b: {  	_ =	shalt  }
0x6c: {  	_ =	shalt  }
0x6d: {  	_ =	shalt  }
0x6e: {  	_ =	shalt  }
0x6f: {  	_ =	shalt  }
0x70: {  	_ =	shalt  }
0x71: {  	_ =	shalt  }
0x72: {  	_ =	shalt  }
0x73: {  	_ =	shalt  }
0x74: {  	_ =	shalt  }
0x75: {  	_ =	shalt  }
0x76: {  	_ =	shalt  }
0x77: {  	_ =	shalt  }
0x78: {  	_ =	shalt  }
0x79: {  	_ =	shalt  }
0x7a: {  	_ =	shalt  }
0x7b: {  	_ =	shalt  }
0x7c: {  	_ =	shalt  }
0x7d: {  	_ =	shalt  }
0x7e: {  	_ =	shalt  }
0x7f: {  	_ =	shalt  }
0x80: {  	_ =	shalt  }
0x81: {  	_ =	shalt  }
0x82: {  	_ =	shalt  }
0x83: {  	_ =	shalt  }
0x84: {  	_ =	shalt  }
0x85: {  	_ =	shalt  }
0x86: {  	_ =	shalt  }
0x87: {  	_ =	shalt  }
.Lfunc_end0:
.L_simem_size_0:
called_computation.5_lowered:
.L_overlay_start_0:
0x88: {  	s2 =	sld [smem:$0x3FD9]  }
0x89: {  	s3 =	sld [smem:$0x3FFE];
	_ =	sdelay $0x1  }
0x8a: {  	s1 =	srdreg.scid  }
0x8b: {  	s0 =	sand.u32 $0x1, s1  }
0x8c: {  	s17 =	sshll.u32 s0, $0xA;
	s2 =	sadd.s32 s3, s2  }
0x8d: {  	s2 =	sadd.s32 s2, s17  }
0x8e: {  	[smem:$0x3FAF] =	sst s2  }
0x8f: {  	_ = 	snop  }
0x90: {  	(tm) =	ssettm $0x1  }
0x91: {  	s18 =	sld [smem:$0x3FFB];
	_ =	sdelay $0x3  }
0x92: {  	_ =	strace s18  }
0x93: {  	s2 =	sld [smem:$0x3FFC];
	_ =	sdelay $0x3  }
0x94: {  	_ =	strace s2  }
0x95: {  	s2 =	sld [smem:$0x3FFD];
	_ =	sdelay $0x3  }
0x96: {  	_ =	strace s2  }
0x97: {  	_ =	strace $0x8FFFFFFF  }
0x98: {  	s19 =	sld [smem:$0x3FDB];
	_ =	sdelay $0x1  }
0x99: {  	s20 =	simm.s32 $_scs_section_size  }
0x9a: {  	s4 =	simm.s32 $_size__tile_overlayer_lowered;
	s5 =	simm.s32 $_tile_overlayer_lowered  }
0x9b: {  	s6 =	simm.s32 $0x1BFF;
	s21 =	sshll.u32 s5, $0x1;
	s3 =	sadd.s32 s20, s19  }
0x9c: {  	s22 =	simm.s32 $0x0;
	s4 =	sshll.u32 s4, $0x1;
	s5 =	sadd.s32 s21, s3  }
0x9d: {  	[timem:s22], [sflag:s6] =	dma.local [hbm:s5], s4  }
0x9e: {  	_ =	swait.ge [sflag:s6], s4  }
0x9f: {  	s4 =	ssub.s32 $0x0, s4;
	[sflag:s6] =	ssyncset.done $0x0  }
0xa0: {  	[sflag:s6] =	ssyncadd.s32 s4;
	_ =	sdelay $0x1  }
0xa1: {  	s23 =	simm.s32 $0x1B8B  }
0xa2: {  	_ =	swait.ge [sflag:s23], $0x1  }
0xa3: {  	[sflag:s23] =	ssyncset.done $0x0  }
0xa4: {  	[sflag:s23] =	ssyncadd.s32 $0xFFFFFFFF  }
0xa5: {  	s4 =	sld [smem:$0x0]  }
0xa6: {  	s5 =	sand.u32 $0xFFFFFFFE, s1  }
0xa7: {  	p0 =	sne.s32 s1, s5  }
0xa8: {  	s5 =	sshll.u32 @p0 s5, $0xE  }
0xa9: {  	s5 =	sadd.s32 @p0 $0x11B8D, s5;
	s6 =	sshll.u32 @p0 s4, $0x11  }
0xaa: {  	s5 =	sor.u32 @p0 s6, s5  }
0xab: {  	[sflag:s5] =	ssyncadd.remote.s32 @p0 $0x1;
	_ =	sdelay $0x1  }
0xac: {  	s5 =	simm.s32 @p0 $0x1B8D  }
0xad: {  	_ =	swait.eq @p0 [sflag:s5], $0x1  }
0xae: {  	[sflag:s5] =	ssyncadd.s32 @p0 $0xFFFFFFFF  }
0xaf: {  	s6 =	sshll.u32 @!p0 s1, $0xE  }
0xb0: {  	s6 =	sor.u32 @!p0 $0x4000, s6;
	s5 =	simm.s32 @!p0 $0x1B8D  }
0xb1: {  	s4 =	sshll.u32 @!p0 s4, $0x11;
	s6 =	sadd.s32 @!p0 $0x11B8D, s6;
	_ =	swait.eq @!p0 [sflag:s5], $0x1  }
0xb2: {  	s4 =	sor.u32 @!p0 s4, s6;
	[sflag:s5] =	ssyncadd.s32 @!p0 $0xFFFFFFFF  }
0xb3: {  	s25 =	simm.s32 $0x1B8E;
	s24 =	sld [smem:$0x3FFE];
	[sflag:s4] =	ssyncadd.remote.s32 @!p0 $0x1  }
0xb4: {  	s26 =	simm.s32 $execute0_lowered;
	[smem:$0x3FD2] =	sst s25  }
0xb5: {  	s5 =	sshll.u32 s26, $0x1;
	_ =	strace $0x8000004F;
	[dreg:$0x1] =	wrdreg $0xFFFFFFFF  }
0xb6: {  	s28 =	simm.s32 $_size_execute0_lowered;
	s3 =	sadd.s32 s3, s5;
	[dreg:$0x0] =	wrdreg $0x0  }
0xb7: {  	s5 =	sshll.u32 s28, $0x1;
	[dreg:$0x2] =	wrdreg s3  }
0xb8: {  	[dreg:$0x3] =	wrdreg s5  }
0xb9: {  	[dreg:$0x4] =	wrdreg $0xC0  }
0xba: {  	_ =	task [dreg:s22], $0x5FFFF  }
0xbb: {  	[dreg:$0x1] =	wrdreg $0xFFFFFFFF  }
0xbc: {  	[dreg:$0x0] =	wrdreg $0x60  }
0xbd: {  	[dreg:$0x2] =	wrdreg s24  }
0xbe: {  	[dreg:$0x3] =	wrdreg $0xA  }
0xbf: {  	_ =	task.clear_ibuf [dreg:s22], $0x4FFFF;
	_ =	strace $0x9000004F  }
0xc0: {  	s29 =	simm.s32 $0xA;
	_ =	strace $0x80000051  }
0xc1: {  	_ =	swait.ge [sflag:s29], $0x1  }
0xc2: {  	[sflag:s29] =	ssyncadd.s32 $0xFFFFFFFF  }
0xc3: {  	_ =	strace $0x90000051  }
0xc4: {  	_ =	sfence  }
0xc5: {  	s30 =	sld [smem:$0x0];
	_ =	sdelay $0x2  }
0xc6: {  	s31 =	sshll.u32 s1, $0xD;
	s1 =	sshrl.u32 s1, $0x2  }
0xc7: {  	s4 =	sand.u32 $0x4000, s31;
	s1 =	sadd.s32 s1, s30  }
0xc8: {  	s0 =	sor.u32 s4, s0;
	s1 =	sshll.u32 s1, $0x11  }
0xc9: {  	s0 =	sor.u32 s1, s0  }
0xca: {  	s0 =	sadd.s32 $0x8F2B, s0  }
0xcb: {  	[sflag:s0] =	ssyncadd.remote.s32 $0x1  }
0xcc: {  	_ =	sfence.sel $0xFFFF  }
0xcd: {  	[dreg:$0x0] =	wrdreg $0xFFFFFFFF;
	(pc) =	sbr.abs _section_cstart, $3  }
0xce: {  	[dreg:$0x1] =	wrdreg $0xFFFFFFFF  }
0xcf: {  	_ =	task.clear_ibuf [dreg:s22], $0x2FFFF;
	_ =	strace $0x9FFFFFFF  }
0xd0: {  	(tm) =	ssettm $0x7FFFFFFF  }
0xd1: {  	_ =	shalt  }
tec
execute0_lowered:
.L_overlay_start_1:
0x0: {  	(tag) =	ssettag $0x1  }
0x1: {  	s4 =	rddreg [dreg:$0x0]  }
0x2: {  	s0 =	rddreg [dreg:$0x1];
	s2 =	simm.s32 $0x0;
	s1 =	stileid.u32  }
0x3: {  	s3 =	srdreg.scid;
	s10 =	simm.s32 $0x0;
	s6 =	smul.u32 $0x1400, s1  }
0x4: {  	[smem:$0x7FF] =	sst s2;
	s5 =	sand.u32 $0x1, s3;
	s8 =	smul.u32 $0xA000, s1  }
0x5: {  	s3 =	sadd.s32 $0x36000, s4;
	s7 =	smul.u32 $0xA00, s5;
	s9 =	ssub.s32 $0x2, s5  }
0x6: {  	_ =	strace $0x80000050;
	s5 =	smul.u32 $0x5000, s5;
	s31 =	sshrl.u32 s9, $0x1  }
0x7: {  	s8 =	sadd.s32 s8, s4;
	s6 =	sadd.s32 s7, s6;
	s7 =	ssub.s32 s9, s31  }
0x8: {  	s5 =	sadd.s32 s5, s8;
	s8 =	simm.s32 $0x80;
	s6 =	sshrl.u32 s6, $0x3  }
0x9: {  	s9 =	simm.s32 $0x1;
	s5 =	sadd.s32 $0x102000, s5;
	s6 =	sadd.s32 s6, s4  }
0xa: {  	s4 =	smax.u32 s7, $0x1;
	s7 =	simm.s32 $0x2;
	s6 =	sadd.s32 $0x33800, s6  }
.LBB2_1:
0xb: {  	s11 =	sadd.s32 $0x0, s6  }
0xc: {  	[tilespmem:s2], [sflag:$0x2] =	stream.linear.gather [hbm4b:s11+s2], $0x80, $0x38;
	[tilespmem:$0x2080] =	vst v63  }
0xd: {  	_ =	swait.ge [sflag:s7], $0x80  }
0xe: {  	[sflag:s7] =	ssyncset.done $0x0  }
0xf: {  	[sflag:s7] =	ssyncadd.s32 $0xFFFFFF80  }
0x10: {  	[tilespmem:s8], [sflag:$0x1] =	stream.indirect.gather [hbm4b:s3+s8], $0x40, s2, s8, $0xb8;
	[tilespmem:$0x2080] =	vst v63  }
0x11: {  	_ =	swait.ge [sflag:s9], $0x2000  }
0x12: {  	[sflag:s9] =	ssyncset.done $0x0  }
0x13: {  	[sflag:s9] =	ssyncadd.s32 $0xFFFFE000  }
0x14: {  	[hbm4b:s5+s2] =	stream.linear.scatter [tilespmem:s8], [sflag:$0x2], $0x2000, $0x38;
	[tilespmem:$0x2080] =	vst v63  }
0x15: {  	s12 =	simm.s32 $0x10;
	_ =	swait.ge [sflag:s7], $0x2000  }
0x16: {  	s13 =	simm.s32 $0x20;
	s11 =	sadd.s32 $0x400, s5;
	[sflag:s7] =	ssyncset.done $0x0  }
.LBB2_2:
0x17: {  	s14 =	sadd.s32 s12, s6  }
0x18: {  	[sflag:s7] =	ssyncadd.s32 $0xFFFFE000;
	s12 =	smov.u32 s13;
	s15 =	sadd.s32 $0x10, s13  }
0x19: {  	[tilespmem:s2], [sflag:$0x2] =	stream.linear.gather [hbm4b:s14+s2], $0x80, $0x38;
	[tilespmem:$0x2080] =	vst v63  }
0x1a: {  	p0 =	sne.s32 s13, $0x130;
	_ =	swait.ge [sflag:s7], $0x80  }
0x1b: {  	[sflag:s7] =	ssyncset.done $0x0  }
0x1c: {  	[sflag:s7] =	ssyncadd.s32 $0xFFFFFF80  }
0x1d: {  	[tilespmem:s8], [sflag:$0x1] =	stream.indirect.gather [hbm4b:s3+s8], $0x40, s2, s8, $0xb8;
	[tilespmem:$0x2080] =	vst v63  }
0x1e: {  	_ =	swait.ge [sflag:s9], $0x2000  }
.Ltmp0:
0x1f: {  	[sflag:s9] =	ssyncset.done $0x0;
	(pc) =	sbr.rel @p0 .LBB2_2-.Ltmp0, $4  }
0x20: {  	[sflag:s9] =	ssyncadd.s32 $0xFFFFE000  }
0x21: {  	[hbm4b:s11+s2] =	stream.linear.scatter [tilespmem:s8], [sflag:$0x2], $0x2000, $0x38;
	[tilespmem:$0x2080] =	vst v63  }
0x22: {  	_ =	swait.ge [sflag:s7], $0x2000  }
0x23: {  	s13 =	smov.u32 s15;
	s11 =	sadd.s32 $0x400, s11;
	[sflag:s7] =	ssyncset.done $0x0  }
0x24: {  	s12 =	sadd.s32 s12, s6;
	[sflag:s7] =	ssyncadd.s32 $0xFFFFE000  }
0x25: {  	[tilespmem:s2], [sflag:$0x2] =	stream.linear.gather [hbm4b:s12+s2], $0x80, $0x38;
	[tilespmem:$0x2080] =	vst v63  }
0x26: {  	_ =	swait.ge [sflag:s7], $0x80  }
0x27: {  	[sflag:s7] =	ssyncset.done $0x0  }
0x28: {  	[sflag:s7] =	ssyncadd.s32 $0xFFFFFF80  }
0x29: {  	[tilespmem:s8], [sflag:$0x1] =	stream.indirect.gather [hbm4b:s3+s8], $0x40, s2, s8, $0xb8;
	[tilespmem:$0x2080] =	vst v63  }
0x2a: {  	s10 =	sadd.s32 $0x1, s10;
	_ =	swait.ge [sflag:s9], $0x2000  }
0x2b: {  	p0 =	sne.s32 s10, s4;
	[sflag:s9] =	ssyncset.done $0x0  }
.Ltmp1:
0x2c: {  	[sflag:s9] =	ssyncadd.s32 $0xFFFFE000;
	(pc) =	sbr.rel @p0 .LBB2_1-.Ltmp1, $4  }
0x2d: {  	[hbm4b:s11+s2] =	stream.linear.scatter [tilespmem:s8], [sflag:$0x2], $0x2000, $0x38;
	[tilespmem:$0x2080] =	vst v63  }
0x2e: {  	_ =	swait.ge [sflag:s7], $0x2000  }
0x2f: {  	[sflag:s7] =	ssyncset.done $0x0  }
0x30: {  	[sflag:s7] =	ssyncadd.s32 $0xFFFFE000  }
0x31: {  	_ =	sfence.sel $0x180000  }
0x32: {  	[bflag:$0x0] =	sbarrier.arrive $0xFFFF  }
0x33: {  	p0 =	sne.s32 s1, $0x0;
	_ =	strace $0x90000050  }
0x34: {  	s0 =	sadd.s32 @!p0 $0x100000, s0;
	[bflag:$0x2] =	sbarrier.arrive $0xFFFF  }
0x35: {  	[sflag:s0] =	ssyncadd.tile.s32 @!p0 $0x1;
	_ =	shalt  }
.Lfunc_end2:
_tile_overlayer_lowered:
.L_overlay_start_2:
0x36: {  	(tag) =	ssettag $0x2  }
0x37: {  	s0 =	rddreg [dreg:$0x0];
	s2 =	stileid.u32  }
0x38: {  	s1 =	rddreg [dreg:$0x1];
	p0 =	sne.s32 s2, $0x0  }
0x39: {  	s3 =	rddreg [dreg:$0x2];
	[bflag:$0x3] =	sbarrier.arrive $0xFFFF;
	s2 =	simm.s32 @!p0 $0x1C02  }
0x3a: {  	[timem:s3], [sflag:s2] =	dma.local @!p0 [hbm:s0], s1  }
0x3b: {  	s0 =	simm.s32 @!p0 $0x2  }
0x3c: {  	_ =	swait.ge @!p0 [sflag:s0], s1  }
0x3d: {  	s1 =	ssub.s32 @!p0 $0x0, s1;
	[sflag:s0] =	ssyncset.done @!p0 $0x0  }
0x3e: {  	[sflag:s0] =	ssyncadd.s32 @!p0 s1  }
0x3f: {  	[bflag:$0x3] =	sbarrier.arrive $0xFFFF  }
0x40: {  	_ =	shalt  }

// kernel: kernel.46.cloned.1.call-start
scs
__scs_entry_jumppad:
0x0: {  	(pc) =	sbr.rel $0x88, $3  }
0x1: {  	(tag) =	ssettag $0x0;
	lr =	simm.s32 $0x1  }
0x2: {  	[smem:$0x3F88] =	sst lr;
	_ =	strace $0xD0000000  }
0x3: {  	_ = 	snop  }
0x4: {  	_ = 	snop  }
0x5: {  	_ = 	snop  }
0x6: {  	_ = 	snop  }
0x7: {  	_ = 	snop  }
__scs_overlays_trampoline_lowered:
0x8: {  	[smem:$0x3F97] =	sst s0  }
0x9: {  	[smem:$0x3F98] =	sst s1  }
0xa: {  	[smem:$0x3F99] =	sst s2  }
0xb: {  	[smem:$0x3F9A] =	sst s3  }
0xc: {  	[smem:$0x3F9B] =	sst s4  }
0xd: {  	[smem:$0x3F9C] =	sst s5  }
0xe: {  	[smem:$0x3F9D] =	sst s6  }
0xf: {  	[smem:$0x3F9E] =	sst s7  }
0x10: {  	[smem:$0x3F9F] =	sst s8  }
0x11: {  	[smem:$0x3FA0] =	sst s9;
	s0 =	simm.s32 @!p0 $0x0  }
0x12: {  	s1 =	sld [smem:$0x3F86];
	s0 =	simm.s32 @p0 $0x1  }
0x13: {  	[smem:$0x3FA1] =	sst s0;
	s0 =	simm.s32 @!p1 $0x0  }
0x14: {  	s2 =	sld [smem:$0x3F85];
	s0 =	simm.s32 @p1 $0x1  }
0x15: {  	[smem:$0x3FA2] =	sst s0;
	s0 =	simm.s32 @!p2 $0x0  }
0x16: {  	s3 =	sld [smem:$0x3FDB];
	s0 =	simm.s32 @p2 $0x1  }
0x17: {  	s4 =	simm.s32 $0x1BF5;
	[smem:$0x3FA4] =	sst s0  }
0x18: {  	s0 =	sld [smem:$0x3F87];
	_ =	swait.ge [sflag:s4], $0x0  }
0x19: {  	s7 =	sld [smem:$0x3F88]  }
0x1a: {  	s8 =	sadd.s32 $0xFFFFE003, lr  }
0x1b: {  	s9 =	sadd.s32 $0xFFFFFEF7, lr;
	s5 =	simm.s32 $0xFFFFFFFF;
	p2 =	slt.u32 s8, $0xFFFFF086  }
0x1c: {  	p1 =	slt.u32 s9, $0xF7A;
	s5 =	simm.s32 @!p2 $0x0  }
0x1d: {  	s5 =	simm.s32 @p1 $0x1;
	p0 =	seq.s32 s7, s2  }
0x1e: {  	s7 =	smul.u32 @!p0 $0xF7A, s2;
	p2 =	seq.s32 @!p0 s5, $0x0  }
0x1f: {  	s9 =	smul.u32 $0xF7A, s1;
	s8 =	simm.s32 @!p0 $0x1BF5;
	p2 =	por !p2, p0  }
0x20: {  	[sflag:s8] =	ssyncset.s32 @!p0 $0xFFFFF086;
	s6 =	sadd.s32 @!p0 s3, s7;
	s7 =	simm.s32 @!p0 $0x108  }
0x21: {  	s3 =	sadd.s32 s3, s9;
	s6 =	sadd.s32 @!p0 $0x88, s6;
	s7 =	simm.s32 @p2 $0x1082  }
0x22: {  	[simem:s7], [sflag:s8] =	dma.local @!p0 [hbm:s6], $0xF7A  }
0x23: {  	s9 =	sor.u32 $0xD0000000, s2;
	s6 =	simm.s32 $0x108;
	_ =	swait.ge @!p0 [sflag:s8], $0x0  }
0x24: {  	s3 =	sadd.s32 $0x88, s3;
	s6 =	simm.s32 @!p1 $0x1082;
	[sflag:s4] =	ssyncset.s32 $0xFFFFF086  }
0x25: {  	[simem:s6], [sflag:s4] =	dma.local [hbm:s3], $0xF7A  }
0x26: {  	[smem:$0x3F88] =	sst s1;
	(tag) =	ssettag s2;
	_ =	strace s9  }
0x27: {  	s1 =	sld [smem:$0x3F98]  }
0x28: {  	s2 =	sld [smem:$0x3F99]  }
0x29: {  	s4 =	sld [smem:$0x3F9B]  }
0x2a: {  	p0 =	seq.s32 s5, $0x0;
	s5 =	sld [smem:$0x3F9C]  }
0x2b: {  	s6 =	sld [smem:$0x3F9D]  }
0x2c: {  	s7 =	sld [smem:$0x3F9E]  }
0x2d: {  	s3 =	simm.s32 $0x108;
	s8 =	sld [smem:$0x3F9F]  }
0x2e: {  	s3 =	simm.s32 @!p0 $0x1082;
	s9 =	sld [smem:$0x3FA0]  }
0x2f: {  	lr =	sadd.s32 s0, s3;
	s0 =	sld [smem:$0x3F97]  }
0x30: {  	s3 =	sld [smem:$0x3F9A]  }
0x31: {  	[smem:$0x3FA3] =	sst s10  }
0x32: {  	s10 =	sld [smem:$0x3FA1];
	_ =	sdelay $0x3  }
0x33: {  	p0 =	seq.s32 s10, $0x1;
	s10 =	sld [smem:$0x3FA3];
	_ =	sdelay $0x3  }
0x34: {  	[smem:$0x3FA3] =	sst s10  }
0x35: {  	s10 =	sld [smem:$0x3FA2];
	_ =	sdelay $0x3  }
0x36: {  	p1 =	seq.s32 s10, $0x1;
	s10 =	sld [smem:$0x3FA3];
	_ =	sdelay $0x3  }
0x37: {  	[smem:$0x3FA3] =	sst s10  }
0x38: {  	s10 =	sld [smem:$0x3FA4]  }
0x39: {  	_ = 	snop;
	(pc) =	sbr.ind lr, $3  }
0x3a: {  	_ = 	snop  }
0x3b: {  	_ = 	snop  }
0x3c: {  	p2 =	seq.s32 s10, $0x1;
	s10 =	sld [smem:$0x3FA3]  }
0x3d: {  	_ =	shalt  }
0x3e: {  	_ =	shalt  }
0x3f: {  	_ =	shalt  }
0x40: {  	_ =	shalt  }
0x41: {  	_ =	shalt  }
0x42: {  	_ =	shalt  }
0x43: {  	_ =	shalt  }
0x44: {  	_ =	shalt  }
0x45: {  	_ =	shalt  }
0x46: {  	_ =	shalt  }
0x47: {  	_ =	shalt  }
0x48: {  	_ =	shalt  }
0x49: {  	_ =	shalt  }
0x4a: {  	_ =	shalt  }
0x4b: {  	_ =	shalt  }
0x4c: {  	_ =	shalt  }
0x4d: {  	_ =	shalt  }
0x4e: {  	_ =	shalt  }
0x4f: {  	_ =	shalt  }
0x50: {  	_ =	shalt  }
0x51: {  	_ =	shalt  }
0x52: {  	_ =	shalt  }
0x53: {  	_ =	shalt  }
0x54: {  	_ =	shalt  }
0x55: {  	_ =	shalt  }
0x56: {  	_ =	shalt  }
0x57: {  	_ =	shalt  }
0x58: {  	_ =	shalt  }
0x59: {  	_ =	shalt  }
0x5a: {  	_ =	shalt  }
0x5b: {  	_ =	shalt  }
0x5c: {  	_ =	shalt  }
0x5d: {  	_ =	shalt  }
0x5e: {  	_ =	shalt  }
0x5f: {  	_ =	shalt  }
0x60: {  	_ =	shalt  }
0x61: {  	_ =	shalt  }
0x62: {  	_ =	shalt  }
0x63: {  	_ =	shalt  }
0x64: {  	_ =	shalt  }
0x65: {  	_ =	shalt  }
0x66: {  	_ =	shalt  }
0x67: {  	_ =	shalt  }
0x68: {  	_ =	shalt  }
0x69: {  	_ =	shalt  }
0x6a: {  	_ =	shalt  }
0x6b: {  	_ =	shalt  }
0x6c: {  	_ =	shalt  }
0x6d: {  	_ =	shalt  }
0x6e: {  	_ =	shalt  }
0x6f: {  	_ =	shalt  }
0x70: {  	_ =	shalt  }
0x71: {  	_ =	shalt  }
0x72: {  	_ =	shalt  }
0x73: {  	_ =	shalt  }
0x74: {  	_ =	shalt  }
0x75: {  	_ =	shalt  }
0x76: {  	_ =	shalt  }
0x77: {  	_ =	shalt  }
0x78: {  	_ =	shalt  }
0x79: {  	_ =	shalt  }
0x7a: {  	_ =	shalt  }
0x7b: {  	_ =	shalt  }
0x7c: {  	_ =	shalt  }
0x7d: {  	_ =	shalt  }
0x7e: {  	_ =	shalt  }
0x7f: {  	_ =	shalt  }
0x80: {  	_ =	shalt  }
0x81: {  	_ =	shalt  }
0x82: {  	_ =	shalt  }
0x83: {  	_ =	shalt  }
0x84: {  	_ =	shalt  }
0x85: {  	_ =	shalt  }
0x86: {  	_ =	shalt  }
0x87: {  	_ =	shalt  }
.Lfunc_end0:
.L_simem_size_0:
called_computation.6_lowered:
.L_overlay_start_0:
0x88: {  	s2 =	sld [smem:$0x3FD9]  }
0x89: {  	s3 =	sld [smem:$0x3FFE];
	_ =	sdelay $0x1  }
0x8a: {  	s1 =	srdreg.scid  }
0x8b: {  	s0 =	sand.u32 $0x1, s1  }
0x8c: {  	s17 =	sshll.u32 s0, $0xA;
	s2 =	sadd.s32 s3, s2  }
0x8d: {  	s2 =	sadd.s32 s2, s17  }
0x8e: {  	[smem:$0x3FAF] =	sst s2  }
0x8f: {  	_ = 	snop  }
0x90: {  	(tm) =	ssettm $0x1  }
0x91: {  	s18 =	sld [smem:$0x3FFB];
	_ =	sdelay $0x3  }
0x92: {  	_ =	strace s18  }
0x93: {  	s2 =	sld [smem:$0x3FFC];
	_ =	sdelay $0x3  }
0x94: {  	_ =	strace s2  }
0x95: {  	s2 =	sld [smem:$0x3FFD];
	_ =	sdelay $0x3  }
0x96: {  	_ =	strace s2  }
0x97: {  	_ =	strace $0x8FFFFFFF  }
0x98: {  	s19 =	sld [smem:$0x3FDB];
	_ =	sdelay $0x1  }
0x99: {  	s20 =	simm.s32 $_scs_section_size  }
0x9a: {  	s4 =	simm.s32 $_size__tile_overlayer_lowered;
	s5 =	simm.s32 $_tile_overlayer_lowered  }
0x9b: {  	s6 =	simm.s32 $0x1BFF;
	s21 =	sshll.u32 s5, $0x1;
	s3 =	sadd.s32 s20, s19  }
0x9c: {  	s22 =	simm.s32 $0x0;
	s4 =	sshll.u32 s4, $0x1;
	s5 =	sadd.s32 s21, s3  }
0x9d: {  	[timem:s22], [sflag:s6] =	dma.local [hbm:s5], s4  }
0x9e: {  	_ =	swait.ge [sflag:s6], s4  }
0x9f: {  	s4 =	ssub.s32 $0x0, s4;
	[sflag:s6] =	ssyncset.done $0x0  }
0xa0: {  	[sflag:s6] =	ssyncadd.s32 s4;
	_ =	sdelay $0x1  }
0xa1: {  	s23 =	simm.s32 $0x1B8B  }
0xa2: {  	_ =	swait.ge [sflag:s23], $0x1  }
0xa3: {  	[sflag:s23] =	ssyncset.done $0x0  }
0xa4: {  	[sflag:s23] =	ssyncadd.s32 $0xFFFFFFFF  }
0xa5: {  	s4 =	sld [smem:$0x0]  }
0xa6: {  	s5 =	sand.u32 $0xFFFFFFFE, s1  }
0xa7: {  	p0 =	sne.s32 s1, s5  }
0xa8: {  	s5 =	sshll.u32 @p0 s5, $0xE  }
0xa9: {  	s5 =	sadd.s32 @p0 $0x11B8D, s5;
	s6 =	sshll.u32 @p0 s4, $0x11  }
0xaa: {  	s5 =	sor.u32 @p0 s6, s5  }
0xab: {  	[sflag:s5] =	ssyncadd.remote.s32 @p0 $0x1;
	_ =	sdelay $0x1  }
0xac: {  	s5 =	simm.s32 @p0 $0x1B8D  }
0xad: {  	_ =	swait.eq @p0 [sflag:s5], $0x1  }
0xae: {  	[sflag:s5] =	ssyncadd.s32 @p0 $0xFFFFFFFF  }
0xaf: {  	s6 =	sshll.u32 @!p0 s1, $0xE  }
0xb0: {  	s6 =	sor.u32 @!p0 $0x4000, s6;
	s5 =	simm.s32 @!p0 $0x1B8D  }
0xb1: {  	s4 =	sshll.u32 @!p0 s4, $0x11;
	s6 =	sadd.s32 @!p0 $0x11B8D, s6;
	_ =	swait.eq @!p0 [sflag:s5], $0x1  }
0xb2: {  	s4 =	sor.u32 @!p0 s4, s6;
	[sflag:s5] =	ssyncadd.s32 @!p0 $0xFFFFFFFF  }
0xb3: {  	s25 =	simm.s32 $0x1B8E;
	s24 =	sld [smem:$0x3FFE];
	[sflag:s4] =	ssyncadd.remote.s32 @!p0 $0x1  }
0xb4: {  	s26 =	simm.s32 $execute0_lowered;
	[smem:$0x3FD2] =	sst s25  }
0xb5: {  	s5 =	sshll.u32 s26, $0x1;
	_ =	strace $0x80000055;
	[dreg:$0x1] =	wrdreg $0xFFFFFFFF  }
0xb6: {  	s28 =	simm.s32 $_size_execute0_lowered;
	s3 =	sadd.s32 s3, s5;
	[dreg:$0x0] =	wrdreg $0x0  }
0xb7: {  	s5 =	sshll.u32 s28, $0x1;
	[dreg:$0x2] =	wrdreg s3  }
0xb8: {  	[dreg:$0x3] =	wrdreg s5  }
0xb9: {  	[dreg:$0x4] =	wrdreg $0xC0  }
0xba: {  	_ =	task [dreg:s22], $0x5FFFF  }
0xbb: {  	[dreg:$0x1] =	wrdreg $0xFFFFFFFF  }
0xbc: {  	[dreg:$0x0] =	wrdreg $0x60  }
0xbd: {  	[dreg:$0x2] =	wrdreg s24  }
0xbe: {  	[dreg:$0x3] =	wrdreg $0xA  }
0xbf: {  	_ =	task.clear_ibuf [dreg:s22], $0x4FFFF;
	_ =	strace $0x90000055  }
0xc0: {  	s29 =	simm.s32 $0xA;
	_ =	strace $0x80000057  }
0xc1: {  	_ =	swait.ge [sflag:s29], $0x1  }
0xc2: {  	[sflag:s29] =	ssyncadd.s32 $0xFFFFFFFF  }
0xc3: {  	_ =	strace $0x90000057  }
0xc4: {  	_ =	sfence  }
0xc5: {  	s30 =	sld [smem:$0x0];
	_ =	sdelay $0x2  }
0xc6: {  	s31 =	sshll.u32 s1, $0xD;
	s1 =	sshrl.u32 s1, $0x2  }
0xc7: {  	s4 =	sand.u32 $0x4000, s31;
	s1 =	sadd.s32 s1, s30  }
0xc8: {  	s0 =	sor.u32 s4, s0;
	s1 =	sshll.u32 s1, $0x11  }
0xc9: {  	s0 =	sor.u32 s1, s0  }
0xca: {  	s0 =	sadd.s32 $0x8F2B, s0  }
0xcb: {  	[sflag:s0] =	ssyncadd.remote.s32 $0x1  }
0xcc: {  	_ =	sfence.sel $0xFFFF  }
0xcd: {  	[dreg:$0x0] =	wrdreg $0xFFFFFFFF;
	(pc) =	sbr.abs _section_cstart, $3  }
0xce: {  	[dreg:$0x1] =	wrdreg $0xFFFFFFFF  }
0xcf: {  	_ =	task.clear_ibuf [dreg:s22], $0x2FFFF;
	_ =	strace $0x9FFFFFFF  }
0xd0: {  	(tm) =	ssettm $0x7FFFFFFF  }
0xd1: {  	_ =	shalt  }
tec
execute0_lowered:
.L_overlay_start_1:
0x0: {  	(tag) =	ssettag $0x1  }
0x1: {  	s4 =	rddreg [dreg:$0x0]  }
0x2: {  	s0 =	rddreg [dreg:$0x1];
	s2 =	simm.s32 $0x0;
	s1 =	stileid.u32  }
0x3: {  	s3 =	srdreg.scid;
	s10 =	simm.s32 $0x0;
	s6 =	smul.u32 $0x1400, s1  }
0x4: {  	[smem:$0x7FF] =	sst s2;
	s5 =	sand.u32 $0x1, s3;
	s8 =	smul.u32 $0xA000, s1  }
0x5: {  	s3 =	sadd.s32 $0x36000, s4;
	s7 =	smul.u32 $0xA00, s5;
	s9 =	ssub.s32 $0x2, s5  }
0x6: {  	_ =	strace $0x80000056;
	s5 =	smul.u32 $0x5000, s5;
	s31 =	sshrl.u32 s9, $0x1  }
0x7: {  	s8 =	sadd.s32 s8, s4;
	s6 =	sadd.s32 s7, s6;
	s7 =	ssub.s32 s9, s31  }
0x8: {  	s5 =	sadd.s32 s5, s8;
	s8 =	simm.s32 $0x80;
	s6 =	sshrl.u32 s6, $0x3  }
0x9: {  	s9 =	simm.s32 $0x1;
	s5 =	sadd.s32 $0xEE000, s5;
	s6 =	sadd.s32 s6, s4  }
0xa: {  	s4 =	smax.u32 s7, $0x1;
	s7 =	simm.s32 $0x2;
	s6 =	sadd.s32 $0x33800, s6  }
.LBB2_1:
0xb: {  	s11 =	sadd.s32 $0x0, s6  }
0xc: {  	[tilespmem:s2], [sflag:$0x2] =	stream.linear.gather [hbm4b:s11+s2], $0x80, $0x38;
	[tilespmem:$0x2080] =	vst v63  }
0xd: {  	_ =	swait.ge [sflag:s7], $0x80  }
0xe: {  	[sflag:s7] =	ssyncset.done $0x0  }
0xf: {  	[sflag:s7] =	ssyncadd.s32 $0xFFFFFF80  }
0x10: {  	[tilespmem:s8], [sflag:$0x1] =	stream.indirect.gather [hbm4b:s3+s8], $0x40, s2, s8, $0xb8;
	[tilespmem:$0x2080] =	vst v63  }
0x11: {  	_ =	swait.ge [sflag:s9], $0x2000  }
0x12: {  	[sflag:s9] =	ssyncset.done $0x0  }
0x13: {  	[sflag:s9] =	ssyncadd.s32 $0xFFFFE000  }
0x14: {  	[hbm4b:s5+s2] =	stream.linear.scatter [tilespmem:s8], [sflag:$0x2], $0x2000, $0x38;
	[tilespmem:$0x2080] =	vst v63  }
0x15: {  	s12 =	simm.s32 $0x10;
	_ =	swait.ge [sflag:s7], $0x2000  }
0x16: {  	s13 =	simm.s32 $0x20;
	s11 =	sadd.s32 $0x400, s5;
	[sflag:s7] =	ssyncset.done $0x0  }
.LBB2_2:
0x17: {  	s14 =	sadd.s32 s12, s6  }
0x18: {  	[sflag:s7] =	ssyncadd.s32 $0xFFFFE000;
	s12 =	smov.u32 s13;
	s15 =	sadd.s32 $0x10, s13  }
0x19: {  	[tilespmem:s2], [sflag:$0x2] =	stream.linear.gather [hbm4b:s14+s2], $0x80, $0x38;
	[tilespmem:$0x2080] =	vst v63  }
0x1a: {  	p0 =	sne.s32 s13, $0x130;
	_ =	swait.ge [sflag:s7], $0x80  }
0x1b: {  	[sflag:s7] =	ssyncset.done $0x0  }
0x1c: {  	[sflag:s7] =	ssyncadd.s32 $0xFFFFFF80  }
0x1d: {  	[tilespmem:s8], [sflag:$0x1] =	stream.indirect.gather [hbm4b:s3+s8], $0x40, s2, s8, $0xb8;
	[tilespmem:$0x2080] =	vst v63  }
0x1e: {  	_ =	swait.ge [sflag:s9], $0x2000  }
.Ltmp0:
0x1f: {  	[sflag:s9] =	ssyncset.done $0x0;
	(pc) =	sbr.rel @p0 .LBB2_2-.Ltmp0, $4  }
0x20: {  	[sflag:s9] =	ssyncadd.s32 $0xFFFFE000  }
0x21: {  	[hbm4b:s11+s2] =	stream.linear.scatter [tilespmem:s8], [sflag:$0x2], $0x2000, $0x38;
	[tilespmem:$0x2080] =	vst v63  }
0x22: {  	_ =	swait.ge [sflag:s7], $0x2000  }
0x23: {  	s13 =	smov.u32 s15;
	s11 =	sadd.s32 $0x400, s11;
	[sflag:s7] =	ssyncset.done $0x0  }
0x24: {  	s12 =	sadd.s32 s12, s6;
	[sflag:s7] =	ssyncadd.s32 $0xFFFFE000  }
0x25: {  	[tilespmem:s2], [sflag:$0x2] =	stream.linear.gather [hbm4b:s12+s2], $0x80, $0x38;
	[tilespmem:$0x2080] =	vst v63  }
0x26: {  	_ =	swait.ge [sflag:s7], $0x80  }
0x27: {  	[sflag:s7] =	ssyncset.done $0x0  }
0x28: {  	[sflag:s7] =	ssyncadd.s32 $0xFFFFFF80  }
0x29: {  	[tilespmem:s8], [sflag:$0x1] =	stream.indirect.gather [hbm4b:s3+s8], $0x40, s2, s8, $0xb8;
	[tilespmem:$0x2080] =	vst v63  }
0x2a: {  	s10 =	sadd.s32 $0x1, s10;
	_ =	swait.ge [sflag:s9], $0x2000  }
0x2b: {  	p0 =	sne.s32 s10, s4;
	[sflag:s9] =	ssyncset.done $0x0  }
.Ltmp1:
0x2c: {  	[sflag:s9] =	ssyncadd.s32 $0xFFFFE000;
	(pc) =	sbr.rel @p0 .LBB2_1-.Ltmp1, $4  }
0x2d: {  	[hbm4b:s11+s2] =	stream.linear.scatter [tilespmem:s8], [sflag:$0x2], $0x2000, $0x38;
	[tilespmem:$0x2080] =	vst v63  }
0x2e: {  	_ =	swait.ge [sflag:s7], $0x2000  }
0x2f: {  	[sflag:s7] =	ssyncset.done $0x0  }
0x30: {  	[sflag:s7] =	ssyncadd.s32 $0xFFFFE000  }
0x31: {  	_ =	sfence.sel $0x180000  }
0x32: {  	[bflag:$0x0] =	sbarrier.arrive $0xFFFF  }
0x33: {  	p0 =	sne.s32 s1, $0x0;
	_ =	strace $0x90000056  }
0x34: {  	s0 =	sadd.s32 @!p0 $0x100000, s0;
	[bflag:$0x2] =	sbarrier.arrive $0xFFFF  }
0x35: {  	[sflag:s0] =	ssyncadd.tile.s32 @!p0 $0x1;
	_ =	shalt  }
.Lfunc_end2:
_tile_overlayer_lowered:
.L_overlay_start_2:
0x36: {  	(tag) =	ssettag $0x2  }
0x37: {  	s0 =	rddreg [dreg:$0x0];
	s2 =	stileid.u32  }
0x38: {  	s1 =	rddreg [dreg:$0x1];
	p0 =	sne.s32 s2, $0x0  }
0x39: {  	s3 =	rddreg [dreg:$0x2];
	[bflag:$0x3] =	sbarrier.arrive $0xFFFF;
	s2 =	simm.s32 @!p0 $0x1C02  }
0x3a: {  	[timem:s3], [sflag:s2] =	dma.local @!p0 [hbm:s0], s1  }
0x3b: {  	s0 =	simm.s32 @!p0 $0x2  }
0x3c: {  	_ =	swait.ge @!p0 [sflag:s0], s1  }
0x3d: {  	s1 =	ssub.s32 @!p0 $0x0, s1;
	[sflag:s0] =	ssyncset.done @!p0 $0x0  }
0x3e: {  	[sflag:s0] =	ssyncadd.s32 @!p0 s1  }
0x3f: {  	[bflag:$0x3] =	sbarrier.arrive $0xFFFF  }
0x40: {  	_ =	shalt  }

// kernel: kernel.49.cloned.1.call-start
scs
__scs_entry_jumppad:
0x0: {  	(pc) =	sbr.rel $0x88, $3  }
0x1: {  	(tag) =	ssettag $0x0;
	lr =	simm.s32 $0x1  }
0x2: {  	[smem:$0x3F88] =	sst lr;
	_ =	strace $0xD0000000  }
0x3: {  	_ = 	snop  }
0x4: {  	_ = 	snop  }
0x5: {  	_ = 	snop  }
0x6: {  	_ = 	snop  }
0x7: {  	_ = 	snop  }
__scs_overlays_trampoline_lowered:
0x8: {  	[smem:$0x3F97] =	sst s0  }
0x9: {  	[smem:$0x3F98] =	sst s1  }
0xa: {  	[smem:$0x3F99] =	sst s2  }
0xb: {  	[smem:$0x3F9A] =	sst s3  }
0xc: {  	[smem:$0x3F9B] =	sst s4  }
0xd: {  	[smem:$0x3F9C] =	sst s5  }
0xe: {  	[smem:$0x3F9D] =	sst s6  }
0xf: {  	[smem:$0x3F9E] =	sst s7  }
0x10: {  	[smem:$0x3F9F] =	sst s8  }
0x11: {  	[smem:$0x3FA0] =	sst s9;
	s0 =	simm.s32 @!p0 $0x0  }
0x12: {  	s1 =	sld [smem:$0x3F86];
	s0 =	simm.s32 @p0 $0x1  }
0x13: {  	[smem:$0x3FA1] =	sst s0;
	s0 =	simm.s32 @!p1 $0x0  }
0x14: {  	s2 =	sld [smem:$0x3F85];
	s0 =	simm.s32 @p1 $0x1  }
0x15: {  	[smem:$0x3FA2] =	sst s0;
	s0 =	simm.s32 @!p2 $0x0  }
0x16: {  	s3 =	sld [smem:$0x3FDB];
	s0 =	simm.s32 @p2 $0x1  }
0x17: {  	s4 =	simm.s32 $0x1BF5;
	[smem:$0x3FA4] =	sst s0  }
0x18: {  	s0 =	sld [smem:$0x3F87];
	_ =	swait.ge [sflag:s4], $0x0  }
0x19: {  	s7 =	sld [smem:$0x3F88]  }
0x1a: {  	s8 =	sadd.s32 $0xFFFFE003, lr  }
0x1b: {  	s9 =	sadd.s32 $0xFFFFFEF7, lr;
	s5 =	simm.s32 $0xFFFFFFFF;
	p2 =	slt.u32 s8, $0xFFFFF086  }
0x1c: {  	p1 =	slt.u32 s9, $0xF7A;
	s5 =	simm.s32 @!p2 $0x0  }
0x1d: {  	s5 =	simm.s32 @p1 $0x1;
	p0 =	seq.s32 s7, s2  }
0x1e: {  	s7 =	smul.u32 @!p0 $0xF7A, s2;
	p2 =	seq.s32 @!p0 s5, $0x0  }
0x1f: {  	s9 =	smul.u32 $0xF7A, s1;
	s8 =	simm.s32 @!p0 $0x1BF5;
	p2 =	por !p2, p0  }
0x20: {  	[sflag:s8] =	ssyncset.s32 @!p0 $0xFFFFF086;
	s6 =	sadd.s32 @!p0 s3, s7;
	s7 =	simm.s32 @!p0 $0x108  }
0x21: {  	s3 =	sadd.s32 s3, s9;
	s6 =	sadd.s32 @!p0 $0x88, s6;
	s7 =	simm.s32 @p2 $0x1082  }
0x22: {  	[simem:s7], [sflag:s8] =	dma.local @!p0 [hbm:s6], $0xF7A  }
0x23: {  	s9 =	sor.u32 $0xD0000000, s2;
	s6 =	simm.s32 $0x108;
	_ =	swait.ge @!p0 [sflag:s8], $0x0  }
0x24: {  	s3 =	sadd.s32 $0x88, s3;
	s6 =	simm.s32 @!p1 $0x1082;
	[sflag:s4] =	ssyncset.s32 $0xFFFFF086  }
0x25: {  	[simem:s6], [sflag:s4] =	dma.local [hbm:s3], $0xF7A  }
0x26: {  	[smem:$0x3F88] =	sst s1;
	(tag) =	ssettag s2;
	_ =	strace s9  }
0x27: {  	s1 =	sld [smem:$0x3F98]  }
0x28: {  	s2 =	sld [smem:$0x3F99]  }
0x29: {  	s4 =	sld [smem:$0x3F9B]  }
0x2a: {  	p0 =	seq.s32 s5, $0x0;
	s5 =	sld [smem:$0x3F9C]  }
0x2b: {  	s6 =	sld [smem:$0x3F9D]  }
0x2c: {  	s7 =	sld [smem:$0x3F9E]  }
0x2d: {  	s3 =	simm.s32 $0x108;
	s8 =	sld [smem:$0x3F9F]  }
0x2e: {  	s3 =	simm.s32 @!p0 $0x1082;
	s9 =	sld [smem:$0x3FA0]  }
0x2f: {  	lr =	sadd.s32 s0, s3;
	s0 =	sld [smem:$0x3F97]  }
0x30: {  	s3 =	sld [smem:$0x3F9A]  }
0x31: {  	[smem:$0x3FA3] =	sst s10  }
0x32: {  	s10 =	sld [smem:$0x3FA1];
	_ =	sdelay $0x3  }
0x33: {  	p0 =	seq.s32 s10, $0x1;
	s10 =	sld [smem:$0x3FA3];
	_ =	sdelay $0x3  }
0x34: {  	[smem:$0x3FA3] =	sst s10  }
0x35: {  	s10 =	sld [smem:$0x3FA2];
	_ =	sdelay $0x3  }
0x36: {  	p1 =	seq.s32 s10, $0x1;
	s10 =	sld [smem:$0x3FA3];
	_ =	sdelay $0x3  }
0x37: {  	[smem:$0x3FA3] =	sst s10  }
0x38: {  	s10 =	sld [smem:$0x3FA4]  }
0x39: {  	_ = 	snop;
	(pc) =	sbr.ind lr, $3  }
0x3a: {  	_ = 	snop  }
0x3b: {  	_ = 	snop  }
0x3c: {  	p2 =	seq.s32 s10, $0x1;
	s10 =	sld [smem:$0x3FA3]  }
0x3d: {  	_ =	shalt  }
0x3e: {  	_ =	shalt  }
0x3f: {  	_ =	shalt  }
0x40: {  	_ =	shalt  }
0x41: {  	_ =	shalt  }
0x42: {  	_ =	shalt  }
0x43: {  	_ =	shalt  }
0x44: {  	_ =	shalt  }
0x45: {  	_ =	shalt  }
0x46: {  	_ =	shalt  }
0x47: {  	_ =	shalt  }
0x48: {  	_ =	shalt  }
0x49: {  	_ =	shalt  }
0x4a: {  	_ =	shalt  }
0x4b: {  	_ =	shalt  }
0x4c: {  	_ =	shalt  }
0x4d: {  	_ =	shalt  }
0x4e: {  	_ =	shalt  }
0x4f: {  	_ =	shalt  }
0x50: {  	_ =	shalt  }
0x51: {  	_ =	shalt  }
0x52: {  	_ =	shalt  }
0x53: {  	_ =	shalt  }
0x54: {  	_ =	shalt  }
0x55: {  	_ =	shalt  }
0x56: {  	_ =	shalt  }
0x57: {  	_ =	shalt  }
0x58: {  	_ =	shalt  }
0x59: {  	_ =	shalt  }
0x5a: {  	_ =	shalt  }
0x5b: {  	_ =	shalt  }
0x5c: {  	_ =	shalt  }
0x5d: {  	_ =	shalt  }
0x5e: {  	_ =	shalt  }
0x5f: {  	_ =	shalt  }
0x60: {  	_ =	shalt  }
0x61: {  	_ =	shalt  }
0x62: {  	_ =	shalt  }
0x63: {  	_ =	shalt  }
0x64: {  	_ =	shalt  }
0x65: {  	_ =	shalt  }
0x66: {  	_ =	shalt  }
0x67: {  	_ =	shalt  }
0x68: {  	_ =	shalt  }
0x69: {  	_ =	shalt  }
0x6a: {  	_ =	shalt  }
0x6b: {  	_ =	shalt  }
0x6c: {  	_ =	shalt  }
0x6d: {  	_ =	shalt  }
0x6e: {  	_ =	shalt  }
0x6f: {  	_ =	shalt  }
0x70: {  	_ =	shalt  }
0x71: {  	_ =	shalt  }
0x72: {  	_ =	shalt  }
0x73: {  	_ =	shalt  }
0x74: {  	_ =	shalt  }
0x75: {  	_ =	shalt  }
0x76: {  	_ =	shalt  }
0x77: {  	_ =	shalt  }
0x78: {  	_ =	shalt  }
0x79: {  	_ =	shalt  }
0x7a: {  	_ =	shalt  }
0x7b: {  	_ =	shalt  }
0x7c: {  	_ =	shalt  }
0x7d: {  	_ =	shalt  }
0x7e: {  	_ =	shalt  }
0x7f: {  	_ =	shalt  }
0x80: {  	_ =	shalt  }
0x81: {  	_ =	shalt  }
0x82: {  	_ =	shalt  }
0x83: {  	_ =	shalt  }
0x84: {  	_ =	shalt  }
0x85: {  	_ =	shalt  }
0x86: {  	_ =	shalt  }
0x87: {  	_ =	shalt  }
.Lfunc_end0:
.L_simem_size_0:
called_computation.7_lowered:
.L_overlay_start_0:
0x88: {  	s2 =	sld [smem:$0x3FD9]  }
0x89: {  	s3 =	sld [smem:$0x3FFE];
	_ =	sdelay $0x1  }
0x8a: {  	s1 =	srdreg.scid  }
0x8b: {  	s0 =	sand.u32 $0x1, s1  }
0x8c: {  	s17 =	sshll.u32 s0, $0xA;
	s2 =	sadd.s32 s3, s2  }
0x8d: {  	s2 =	sadd.s32 s2, s17  }
0x8e: {  	[smem:$0x3FAF] =	sst s2  }
0x8f: {  	_ = 	snop  }
0x90: {  	(tm) =	ssettm $0x1  }
0x91: {  	s18 =	sld [smem:$0x3FFB];
	_ =	sdelay $0x3  }
0x92: {  	_ =	strace s18  }
0x93: {  	s2 =	sld [smem:$0x3FFC];
	_ =	sdelay $0x3  }
0x94: {  	_ =	strace s2  }
0x95: {  	s2 =	sld [smem:$0x3FFD];
	_ =	sdelay $0x3  }
0x96: {  	_ =	strace s2  }
0x97: {  	_ =	strace $0x8FFFFFFF  }
0x98: {  	s19 =	sld [smem:$0x3FDB];
	_ =	sdelay $0x1  }
0x99: {  	s20 =	simm.s32 $_scs_section_size  }
0x9a: {  	s4 =	simm.s32 $_size__tile_overlayer_lowered;
	s5 =	simm.s32 $_tile_overlayer_lowered  }
0x9b: {  	s6 =	simm.s32 $0x1BFF;
	s21 =	sshll.u32 s5, $0x1;
	s3 =	sadd.s32 s20, s19  }
0x9c: {  	s22 =	simm.s32 $0x0;
	s4 =	sshll.u32 s4, $0x1;
	s5 =	sadd.s32 s21, s3  }
0x9d: {  	[timem:s22], [sflag:s6] =	dma.local [hbm:s5], s4  }
0x9e: {  	_ =	swait.ge [sflag:s6], s4  }
0x9f: {  	s4 =	ssub.s32 $0x0, s4;
	[sflag:s6] =	ssyncset.done $0x0  }
0xa0: {  	[sflag:s6] =	ssyncadd.s32 s4;
	_ =	sdelay $0x1  }
0xa1: {  	s23 =	simm.s32 $0x1B8B  }
0xa2: {  	_ =	swait.ge [sflag:s23], $0x1  }
0xa3: {  	[sflag:s23] =	ssyncset.done $0x0  }
0xa4: {  	[sflag:s23] =	ssyncadd.s32 $0xFFFFFFFF  }
0xa5: {  	s4 =	sld [smem:$0x0]  }
0xa6: {  	s5 =	sand.u32 $0xFFFFFFFE, s1  }
0xa7: {  	p0 =	sne.s32 s1, s5  }
0xa8: {  	s5 =	sshll.u32 @p0 s5, $0xE  }
0xa9: {  	s5 =	sadd.s32 @p0 $0x11B8D, s5;
	s6 =	sshll.u32 @p0 s4, $0x11  }
0xaa: {  	s5 =	sor.u32 @p0 s6, s5  }
0xab: {  	[sflag:s5] =	ssyncadd.remote.s32 @p0 $0x1;
	_ =	sdelay $0x1  }
0xac: {  	s5 =	simm.s32 @p0 $0x1B8D  }
0xad: {  	_ =	swait.eq @p0 [sflag:s5], $0x1  }
0xae: {  	[sflag:s5] =	ssyncadd.s32 @p0 $0xFFFFFFFF  }
0xaf: {  	s6 =	sshll.u32 @!p0 s1, $0xE  }
0xb0: {  	s6 =	sor.u32 @!p0 $0x4000, s6;
	s5 =	simm.s32 @!p0 $0x1B8D  }
0xb1: {  	s4 =	sshll.u32 @!p0 s4, $0x11;
	s6 =	sadd.s32 @!p0 $0x11B8D, s6;
	_ =	swait.eq @!p0 [sflag:s5], $0x1  }
0xb2: {  	s4 =	sor.u32 @!p0 s4, s6;
	[sflag:s5] =	ssyncadd.s32 @!p0 $0xFFFFFFFF  }
0xb3: {  	s25 =	simm.s32 $0x1B8E;
	s24 =	sld [smem:$0x3FFE];
	[sflag:s4] =	ssyncadd.remote.s32 @!p0 $0x1  }
0xb4: {  	s26 =	simm.s32 $execute0_lowered;
	[smem:$0x3FD2] =	sst s25  }
0xb5: {  	s5 =	sshll.u32 s26, $0x1;
	_ =	strace $0x8000005B;
	[dreg:$0x1] =	wrdreg $0xFFFFFFFF  }
0xb6: {  	s28 =	simm.s32 $_size_execute0_lowered;
	s3 =	sadd.s32 s3, s5;
	[dreg:$0x0] =	wrdreg $0x0  }
0xb7: {  	s5 =	sshll.u32 s28, $0x1;
	[dreg:$0x2] =	wrdreg s3  }
0xb8: {  	[dreg:$0x3] =	wrdreg s5  }
0xb9: {  	[dreg:$0x4] =	wrdreg $0xC0  }
0xba: {  	_ =	task [dreg:s22], $0x5FFFF  }
0xbb: {  	[dreg:$0x1] =	wrdreg $0xFFFFFFFF  }
0xbc: {  	[dreg:$0x0] =	wrdreg $0x60  }
0xbd: {  	[dreg:$0x2] =	wrdreg s24  }
0xbe: {  	[dreg:$0x3] =	wrdreg $0xA  }
0xbf: {  	_ =	task.clear_ibuf [dreg:s22], $0x4FFFF;
	_ =	strace $0x9000005B  }
0xc0: {  	s29 =	simm.s32 $0xA;
	_ =	strace $0x8000005D  }
0xc1: {  	_ =	swait.ge [sflag:s29], $0x1  }
0xc2: {  	[sflag:s29] =	ssyncadd.s32 $0xFFFFFFFF  }
0xc3: {  	_ =	strace $0x9000005D  }
0xc4: {  	_ =	sfence  }
0xc5: {  	s30 =	sld [smem:$0x0];
	_ =	sdelay $0x2  }
0xc6: {  	s31 =	sshll.u32 s1, $0xD;
	s1 =	sshrl.u32 s1, $0x2  }
0xc7: {  	s4 =	sand.u32 $0x4000, s31;
	s1 =	sadd.s32 s1, s30  }
0xc8: {  	s0 =	sor.u32 s4, s0;
	s1 =	sshll.u32 s1, $0x11  }
0xc9: {  	s0 =	sor.u32 s1, s0  }
0xca: {  	s0 =	sadd.s32 $0x8F2B, s0  }
0xcb: {  	[sflag:s0] =	ssyncadd.remote.s32 $0x1  }
0xcc: {  	_ =	sfence.sel $0xFFFF  }
0xcd: {  	[dreg:$0x0] =	wrdreg $0xFFFFFFFF;
	(pc) =	sbr.abs _section_cstart, $3  }
0xce: {  	[dreg:$0x1] =	wrdreg $0xFFFFFFFF  }
0xcf: {  	_ =	task.clear_ibuf [dreg:s22], $0x2FFFF;
	_ =	strace $0x9FFFFFFF  }
0xd0: {  	(tm) =	ssettm $0x7FFFFFFF  }
0xd1: {  	_ =	shalt  }
tec
execute0_lowered:
.L_overlay_start_1:
0x0: {  	(tag) =	ssettag $0x1  }
0x1: {  	s4 =	rddreg [dreg:$0x0]  }
0x2: {  	s0 =	rddreg [dreg:$0x1];
	s2 =	simm.s32 $0x0;
	s1 =	stileid.u32  }
0x3: {  	s3 =	srdreg.scid;
	s10 =	simm.s32 $0x0;
	s6 =	smul.u32 $0x1400, s1  }
0x4: {  	[smem:$0x7FF] =	sst s2;
	s5 =	sand.u32 $0x1, s3;
	s8 =	smul.u32 $0x14000, s1  }
0x5: {  	s3 =	sadd.s32 $0x7E000, s4;
	s7 =	smul.u32 $0xA00, s5;
	s9 =	ssub.s32 $0x2, s5  }
0x6: {  	_ =	strace $0x8000005C;
	s5 =	smul.u32 $0xA000, s5;
	s31 =	sshrl.u32 s9, $0x1  }
0x7: {  	s8 =	sadd.s32 s8, s4;
	s6 =	sadd.s32 s7, s6;
	s7 =	ssub.s32 s9, s31  }
0x8: {  	s5 =	sadd.s32 s5, s8;
	s8 =	simm.s32 $0x80;
	s6 =	sshrl.u32 s6, $0x3  }
0x9: {  	s9 =	simm.s32 $0x1;
	s5 =	sadd.s32 $0x2CF000, s5;
	s6 =	sadd.s32 s6, s4  }
0xa: {  	s4 =	smax.u32 s7, $0x1;
	s7 =	simm.s32 $0x2;
	s6 =	sadd.s32 $0x1B800, s6  }
.LBB2_1:
0xb: {  	s11 =	sadd.s32 $0x0, s6  }
0xc: {  	[tilespmem:s2], [sflag:$0x2] =	stream.linear.gather [hbm4b:s11+s2], $0x80, $0x38;
	[tilespmem:$0x4080] =	vst v63  }
0xd: {  	_ =	swait.ge [sflag:s7], $0x80  }
0xe: {  	[sflag:s7] =	ssyncset.done $0x0  }
0xf: {  	[sflag:s7] =	ssyncadd.s32 $0xFFFFFF80  }
0x10: {  	[tilespmem:s8], [sflag:$0x1] =	stream.indirect.gather [hbm4b:s3+s8], $0x80, s2, s8, $0xb8;
	[tilespmem:$0x4080] =	vst v63  }
0x11: {  	_ =	swait.ge [sflag:s9], $0x4000  }
0x12: {  	[sflag:s9] =	ssyncset.done $0x0  }
0x13: {  	[sflag:s9] =	ssyncadd.s32 $0xFFFFC000  }
0x14: {  	[hbm4b:s5+s2] =	stream.linear.scatter [tilespmem:s8], [sflag:$0x2], $0x4000, $0x38;
	[tilespmem:$0x4080] =	vst v63  }
0x15: {  	s12 =	simm.s32 $0x10;
	_ =	swait.ge [sflag:s7], $0x4000  }
0x16: {  	s13 =	simm.s32 $0x20;
	s11 =	sadd.s32 $0x800, s5;
	[sflag:s7] =	ssyncset.done $0x0  }
.LBB2_2:
0x17: {  	s14 =	sadd.s32 s12, s6  }
0x18: {  	[sflag:s7] =	ssyncadd.s32 $0xFFFFC000;
	s12 =	smov.u32 s13;
	s15 =	sadd.s32 $0x10, s13  }
0x19: {  	[tilespmem:s2], [sflag:$0x2] =	stream.linear.gather [hbm4b:s14+s2], $0x80, $0x38;
	[tilespmem:$0x4080] =	vst v63  }
0x1a: {  	p0 =	sne.s32 s13, $0x130;
	_ =	swait.ge [sflag:s7], $0x80  }
0x1b: {  	[sflag:s7] =	ssyncset.done $0x0  }
0x1c: {  	[sflag:s7] =	ssyncadd.s32 $0xFFFFFF80  }
0x1d: {  	[tilespmem:s8], [sflag:$0x1] =	stream.indirect.gather [hbm4b:s3+s8], $0x80, s2, s8, $0xb8;
	[tilespmem:$0x4080] =	vst v63  }
0x1e: {  	_ =	swait.ge [sflag:s9], $0x4000  }
.Ltmp0:
0x1f: {  	[sflag:s9] =	ssyncset.done $0x0;
	(pc) =	sbr.rel @p0 .LBB2_2-.Ltmp0, $4  }
0x20: {  	[sflag:s9] =	ssyncadd.s32 $0xFFFFC000  }
0x21: {  	[hbm4b:s11+s2] =	stream.linear.scatter [tilespmem:s8], [sflag:$0x2], $0x4000, $0x38;
	[tilespmem:$0x4080] =	vst v63  }
0x22: {  	_ =	swait.ge [sflag:s7], $0x4000  }
0x23: {  	s13 =	smov.u32 s15;
	s11 =	sadd.s32 $0x800, s11;
	[sflag:s7] =	ssyncset.done $0x0  }
0x24: {  	s12 =	sadd.s32 s12, s6;
	[sflag:s7] =	ssyncadd.s32 $0xFFFFC000  }
0x25: {  	[tilespmem:s2], [sflag:$0x2] =	stream.linear.gather [hbm4b:s12+s2], $0x80, $0x38;
	[tilespmem:$0x4080] =	vst v63  }
0x26: {  	_ =	swait.ge [sflag:s7], $0x80  }
0x27: {  	[sflag:s7] =	ssyncset.done $0x0  }
0x28: {  	[sflag:s7] =	ssyncadd.s32 $0xFFFFFF80  }
0x29: {  	[tilespmem:s8], [sflag:$0x1] =	stream.indirect.gather [hbm4b:s3+s8], $0x80, s2, s8, $0xb8;
	[tilespmem:$0x4080] =	vst v63  }
0x2a: {  	s10 =	sadd.s32 $0x1, s10;
	_ =	swait.ge [sflag:s9], $0x4000  }
0x2b: {  	p0 =	sne.s32 s10, s4;
	[sflag:s9] =	ssyncset.done $0x0  }
.Ltmp1:
0x2c: {  	[sflag:s9] =	ssyncadd.s32 $0xFFFFC000;
	(pc) =	sbr.rel @p0 .LBB2_1-.Ltmp1, $4  }
0x2d: {  	[hbm4b:s11+s2] =	stream.linear.scatter [tilespmem:s8], [sflag:$0x2], $0x4000, $0x38;
	[tilespmem:$0x4080] =	vst v63  }
0x2e: {  	_ =	swait.ge [sflag:s7], $0x4000  }
0x2f: {  	[sflag:s7] =	ssyncset.done $0x0  }
0x30: {  	[sflag:s7] =	ssyncadd.s32 $0xFFFFC000  }
0x31: {  	_ =	sfence.sel $0x180000  }
0x32: {  	[bflag:$0x0] =	sbarrier.arrive $0xFFFF  }
0x33: {  	p0 =	sne.s32 s1, $0x0;
	_ =	strace $0x9000005C  }
0x34: {  	s0 =	sadd.s32 @!p0 $0x100000, s0;
	[bflag:$0x2] =	sbarrier.arrive $0xFFFF  }
0x35: {  	[sflag:s0] =	ssyncadd.tile.s32 @!p0 $0x1;
	_ =	shalt  }
.Lfunc_end2:
_tile_overlayer_lowered:
.L_overlay_start_2:
0x36: {  	(tag) =	ssettag $0x2  }
0x37: {  	s0 =	rddreg [dreg:$0x0];
	s2 =	stileid.u32  }
0x38: {  	s1 =	rddreg [dreg:$0x1];
	p0 =	sne.s32 s2, $0x0  }
0x39: {  	s3 =	rddreg [dreg:$0x2];
	[bflag:$0x3] =	sbarrier.arrive $0xFFFF;
	s2 =	simm.s32 @!p0 $0x1C02  }
0x3a: {  	[timem:s3], [sflag:s2] =	dma.local @!p0 [hbm:s0], s1  }
0x3b: {  	s0 =	simm.s32 @!p0 $0x2  }
0x3c: {  	_ =	swait.ge @!p0 [sflag:s0], s1  }
0x3d: {  	s1 =	ssub.s32 @!p0 $0x0, s1;
	[sflag:s0] =	ssyncset.done @!p0 $0x0  }
0x3e: {  	[sflag:s0] =	ssyncadd.s32 @!p0 s1  }
0x3f: {  	[bflag:$0x3] =	sbarrier.arrive $0xFFFF  }
0x40: {  	_ =	shalt  }

</sc_bundles>
